<compile_context>
chip_gen: v7x
topology: tpu7x:2x2x1
jax: 0.10.2.dev20260603
libtpu: 0.0.44.dev20260713+nightly
codegen_flags: <defaults>
</compile_context>

<pallas_src>
import functools

import jax
import jax.numpy as jnp
from jax import lax
from jax.experimental import pallas as pl
from jax.experimental.pallas import tpu as pltpu
from jax.experimental.pallas import tpu_sc as plsc

_TOP_P = 0.05
_MASK_EPSILON = 0.01
_GUMBEL_SCALE = 1.0 / (_MASK_EPSILON + 1e-06)

_LANES = 128
_NW = 32
_SCL = 16
_NB_HI = 32768
_NB_LO = 65536


def _pick_div(total, target, mult):
    t = min(target, total)
    t -= t % mult
    for d in range(t, 0, -mult):
        if total % d == 0:
            return d
    raise ValueError(f"no divisor of {total} <= {target} multiple of {mult}")


def _stats_body(x_ref, o_ref):
    j = pl.program_id(1)
    xb = x_ref[0]
    s1 = jnp.sum(xb, axis=0, keepdims=True)
    s2 = jnp.sum(xb * xb, axis=0, keepdims=True)
    rows = jnp.concatenate(
        [s1, s2, jnp.zeros((6, _LANES), jnp.float32)], axis=0)

    @pl.when(j == 0)
    def _():
        o_ref[0] = rows

    @pl.when(j != 0)
    def _():
        o_ref[0] = o_ref[0] + rows


def _acts_body(n, x_ref, g_ref, st_ref, a_ref):
    st = st_ref[0]
    s1 = jnp.sum(st[0:1, :])
    s2 = jnp.sum(st[1:2, :])
    var = (s2 - s1 * (s1 / n)) / (n - 1)
    beta = jnp.sqrt(var) * _GUMBEL_SCALE
    y = x_ref[0] + beta * g_ref[0]
    a_ref[0] = jnp.where(y > 0, y, 0.0)


def _hist_process(chunk, cr, fn):
    def row_body(r, carry):
        for u in range(8):
            bits = chunk[r, pl.ds(u * _SCL, _SCL)]
            fn(bits)
        return carry

    lax.fori_loop(0, cr, row_body, 0, unroll=4)


def _sc_hist_common(rps, nchunks, cr, nb, acts_ref, b, qq,
                    chunk0, chunk1, hist_v, sem0, sem1, fn):
    row_base = qq * rps

    def zero_body(i, carry):
        hist_v[pl.ds(i * _SCL, _SCL)] = jnp.zeros((_SCL,), jnp.int32)
        return carry

    lax.fori_loop(0, nb // _SCL, zero_body, 0, unroll=8)

    def src(c):
        return acts_ref.at[b, pl.ds(row_base + c * cr, cr)]

    pltpu.async_copy(src(0), chunk0, sem0)

    def outer(cc, carry):
        c0 = cc * 2
        pltpu.make_async_copy(src(c0), chunk0, sem0).wait()
        pltpu.async_copy(src(c0 + 1), chunk1, sem1)
        _hist_process(chunk0, cr, fn)
        pltpu.make_async_copy(src(c0 + 1), chunk1, sem1).wait()
        nxt = lax.rem(c0 + 2, nchunks)
        pltpu.async_copy(src(nxt), chunk0, sem0)
        _hist_process(chunk1, cr, fn)
        return carry

    lax.fori_loop(0, nchunks // 2, outer, 0)
    pltpu.make_async_copy(src(0), chunk0, sem0).wait()


def _sc_hist_hi_body(rps, nchunks, cr, seg_per_b,
                     acts_ref, hist_hbm, chunk0, chunk1, hist_v, hist_w,
                     sem0, sem1):
    w = lax.axis_index("s") * 2 + lax.axis_index("c")
    b = w // seg_per_b
    qq = w % seg_per_b
    ones = jnp.ones((_SCL,), jnp.int32)
    row_base = qq * rps

    def zero_body(i, carry):
        hist_v[pl.ds(i * _SCL, _SCL)] = jnp.zeros((_SCL,), jnp.int32)
        hist_w[pl.ds(i * _SCL, _SCL)] = jnp.zeros((_SCL,), jnp.int32)
        return carry

    lax.fori_loop(0, _NB_HI // _SCL, zero_body, 0, unroll=8)

    def process(chunk):
        def row_body(r, carry):
            for u in range(8):
                bits = chunk[r, pl.ds(u * _SCL, _SCL)]
                hi = bits >> 16
                m = bits > 0
                tgt = hist_v if u % 2 == 0 else hist_w
                plsc.addupdate_scatter(tgt, [hi], ones, mask=m)
            return carry

        lax.fori_loop(0, cr, row_body, 0, unroll=4)

    def src(c):
        return acts_ref.at[b, pl.ds(row_base + c * cr, cr)]

    pltpu.async_copy(src(0), chunk0, sem0)

    def outer(cc, carry):
        c0 = cc * 2
        pltpu.make_async_copy(src(c0), chunk0, sem0).wait()
        pltpu.async_copy(src(c0 + 1), chunk1, sem1)
        process(chunk0)
        pltpu.make_async_copy(src(c0 + 1), chunk1, sem1).wait()
        nxt = lax.rem(c0 + 2, nchunks)
        pltpu.async_copy(src(nxt), chunk0, sem0)
        process(chunk1)
        return carry

    lax.fori_loop(0, nchunks // 2, outer, 0)
    pltpu.make_async_copy(src(0), chunk0, sem0).wait()

    def merge_body(i, carry):
        sl = pl.ds(i * _SCL, _SCL)
        hist_v[sl] = hist_v[sl] + hist_w[sl]
        return carry

    lax.fori_loop(0, _NB_HI // _SCL, merge_body, 0, unroll=8)
    pltpu.sync_copy(hist_v, hist_hbm.at[w])


def _sc_hist_lo_body(rps, nchunks, cr, seg_per_b,
                     acts_ref, p_hbm, hist_hbm,
                     chunk0, chunk1, p_v, hist_v, sem0, sem1):
    w = lax.axis_index("s") * 2 + lax.axis_index("c")
    b = w // seg_per_b
    qq = w % seg_per_b

    pltpu.sync_copy(p_hbm, p_v)
    bvec = jnp.full((_SCL,), b, jnp.int32)
    pvec = plsc.load_gather(p_v, [bvec])
    ones = jnp.ones((_SCL,), jnp.int32)

    def fn(bits):
        hi = bits >> 16
        lo = bits & 0xFFFF
        m = (hi == pvec) & (bits > 0)
        plsc.addupdate_scatter(hist_v, [lo], ones, mask=m)

    _sc_hist_common(rps, nchunks, cr, _NB_LO, acts_ref, b, qq,
                    chunk0, chunk1, hist_v, sem0, sem1, fn)
    pltpu.sync_copy(hist_v, hist_hbm.at[w])


def _scan_body(nb, seg, h_ref, k_ref, tot_ref, p_ref, ca_ref, hbp_ref):
    nbr = nb // _LANES
    h = h_ref[0].astype(jnp.float32)
    hb = jnp.sum(h, axis=0)
    missing = tot_ref[0, 0, 0].astype(jnp.float32) - jnp.sum(hb)
    zmask = ((lax.broadcasted_iota(jnp.int32, (nbr, _LANES), 0)
              + lax.broadcasted_iota(jnp.int32, (nbr, _LANES), 1)) == 0)
    hb = hb + jnp.where(zmask, missing, 0.0)

    ut = (lax.broadcasted_iota(jnp.int32, (_LANES, _LANES), 0)
          >= lax.broadcasted_iota(jnp.int32, (_LANES, _LANES), 1)
          ).astype(jnp.float32)
    s_row = jnp.dot(hb, ut, precision=jax.lax.Precision.HIGHEST,
                    preferred_element_type=jnp.float32)
    t_col = s_row[:, 0:1]
    m2 = (lax.broadcasted_iota(jnp.int32, (nbr, nbr), 0)
          < lax.broadcasted_iota(jnp.int32, (nbr, nbr), 1)
          ).astype(jnp.float32)
    r_col = jnp.dot(m2, t_col, precision=jax.lax.Precision.HIGHEST,
                    preferred_element_type=jnp.float32)
    a = s_row - hb + r_col

    kf = k_ref[0, 0, 0].astype(jnp.float32)
    sel = (a < kf) & (a + hb >= kf)
    fidx = (lax.broadcasted_iota(jnp.int32, (nbr, _LANES), 0) * 128
            + lax.broadcasted_iota(jnp.int32, (nbr, _LANES), 1)
            ).astype(jnp.float32)
    p_ref[0, 0, 0] = jnp.sum(jnp.where(sel, fidx, 0.0)).astype(jnp.int32)
    ca_ref[0, 0, 0] = jnp.sum(jnp.where(sel, a, 0.0)).astype(jnp.int32)
    hbp_ref[0, 0, 0] = jnp.sum(jnp.where(sel, hb, 0.0)).astype(jnp.int32)


def _mask_body(a_ref, t_ref, v_ref, m_ref):
    a = a_ref[0]
    t0 = t_ref[0, 0, 0]
    ge = a >= t0
    v_ref[0] = jnp.where(ge, a, 0.0)
    m_ref[0] = ge.astype(jnp.float32)


def kernel(x):
    B = x.shape[0]
    n = x.size // B
    k = max(1, int(_TOP_P * n))
    nr = n // _LANES

    g = jax.random.gumbel(jax.random.key(42), x.shape, dtype=x.dtype)
    xf = x.reshape(B, nr, _LANES)
    gf = g.reshape(B, nr, _LANES)

    r1 = _pick_div(nr, 4704, 8)
    g1 = nr // r1
    stats = pl.pallas_call(
        _stats_body,
        grid=(B, g1),
        in_specs=[pl.BlockSpec((1, r1, _LANES), lambda b, j: (b, j, 0))],
        out_specs=pl.BlockSpec((1, 8, _LANES), lambda b, j: (b, 0, 0)),
        out_shape=jax.ShapeDtypeStruct((B, 8, _LANES), jnp.float32),
    )(xf)

    r2 = _pick_div(nr, 2352, 8)
    g2 = nr // r2
    acts = pl.pallas_call(
        functools.partial(_acts_body, float(n)),
        grid=(B, g2),
        in_specs=[
            pl.BlockSpec((1, r2, _LANES), lambda b, j: (b, j, 0)),
            pl.BlockSpec((1, r2, _LANES), lambda b, j: (b, j, 0)),
            pl.BlockSpec((1, 8, _LANES), lambda b, j: (b, 0, 0)),
        ],
        out_specs=pl.BlockSpec((1, r2, _LANES), lambda b, j: (b, j, 0)),
        out_shape=jax.ShapeDtypeStruct((B, nr, _LANES), jnp.float32),
    )(xf, gf, stats)

    acts_i32 = lax.bitcast_convert_type(acts, jnp.int32)

    seg_per_b = _NW // B
    rps = nr // seg_per_b
    cr = _pick_div(rps, 168, 8)
    while (rps // cr) % 2:
        cr = _pick_div(rps, cr - 8, 8)
    nchunks = rps // cr
    mesh = plsc.VectorSubcoreMesh(core_axis_name="c", subcore_axis_name="s",
                                  num_cores=2, num_subcores=16)
    hist_hi = pl.kernel(
        functools.partial(_sc_hist_hi_body, rps, nchunks, cr, seg_per_b),
        out_type=jax.ShapeDtypeStruct((_NW, _NB_HI), jnp.int32),
        mesh=mesh,
        scratch_types=[pltpu.VMEM((cr, _LANES), jnp.int32),
                       pltpu.VMEM((cr, _LANES), jnp.int32),
                       pltpu.VMEM((_NB_HI,), jnp.int32),
                       pltpu.VMEM((_NB_HI,), jnp.int32),
                       pltpu.SemaphoreType.DMA,
                       pltpu.SemaphoreType.DMA],
        compiler_params=pltpu.CompilerParams(needs_layout_passes=False, use_tc_tiling_on_sc=True),
    )(acts_i32)

    kvec = jnp.full((B, 1, 1), k, jnp.int32)
    scan = lambda nb: pl.pallas_call(
        functools.partial(_scan_body, nb, seg_per_b),
        grid=(B,),
        in_specs=[
            pl.BlockSpec((1, seg_per_b, nb // _LANES, _LANES),
                         lambda b: (b, 0, 0, 0)),
            pl.BlockSpec((1, 1, 1), lambda b: (b, 0, 0), memory_space=pltpu.SMEM),
            pl.BlockSpec((1, 1, 1), lambda b: (b, 0, 0), memory_space=pltpu.SMEM),
        ],
        out_specs=[
            pl.BlockSpec((1, 1, 1), lambda b: (b, 0, 0), memory_space=pltpu.SMEM),
            pl.BlockSpec((1, 1, 1), lambda b: (b, 0, 0), memory_space=pltpu.SMEM),
            pl.BlockSpec((1, 1, 1), lambda b: (b, 0, 0), memory_space=pltpu.SMEM),
        ],
        out_shape=[jax.ShapeDtypeStruct((B, 1, 1), jnp.int32),
                   jax.ShapeDtypeStruct((B, 1, 1), jnp.int32),
                   jax.ShapeDtypeStruct((B, 1, 1), jnp.int32)],
    )
    hist_hi4 = hist_hi.reshape(B, seg_per_b, _NB_HI // _LANES, _LANES)
    totn = jnp.full((B, 1, 1), n, jnp.int32)
    p_hi, ca_hi, hbp = scan(_NB_HI)(hist_hi4, kvec, totn)

    p_pad = jnp.zeros((_SCL,), jnp.int32).at[:B].set(p_hi[:, 0, 0])
    hist_lo = pl.kernel(
        functools.partial(_sc_hist_lo_body, rps, nchunks, cr, seg_per_b),
        out_type=jax.ShapeDtypeStruct((_NW, _NB_LO), jnp.int32),
        mesh=mesh,
        scratch_types=[pltpu.VMEM((cr, _LANES), jnp.int32),
                       pltpu.VMEM((cr, _LANES), jnp.int32),
                       pltpu.VMEM((_SCL,), jnp.int32),
                       pltpu.VMEM((_NB_LO,), jnp.int32),
                       pltpu.SemaphoreType.DMA,
                       pltpu.SemaphoreType.DMA],
        compiler_params=pltpu.CompilerParams(needs_layout_passes=False, use_tc_tiling_on_sc=True),
    )(acts_i32, p_pad)

    rvec = kvec - ca_hi
    hist_lo4 = hist_lo.reshape(B, seg_per_b, _NB_LO // _LANES, _LANES)
    p_lo, _, _ = scan(_NB_LO)(hist_lo4, rvec, hbp)

    tbits = (p_hi[:, 0, 0] << 16) | p_lo[:, 0, 0]
    thr = lax.bitcast_convert_type(tbits, jnp.float32).reshape(B, 1, 1)

    vals, mask = pl.pallas_call(
        _mask_body,
        grid=(B, g2),
        in_specs=[
            pl.BlockSpec((1, r2, _LANES), lambda b, j: (b, j, 0)),
            pl.BlockSpec((1, 1, 1), lambda b, j: (b, 0, 0), memory_space=pltpu.SMEM),
        ],
        out_specs=[
            pl.BlockSpec((1, r2, _LANES), lambda b, j: (b, j, 0)),
            pl.BlockSpec((1, r2, _LANES), lambda b, j: (b, j, 0)),
        ],
        out_shape=[jax.ShapeDtypeStruct((B, nr, _LANES), jnp.float32),
                   jax.ShapeDtypeStruct((B, nr, _LANES), jnp.float32)],
    )(acts, thr)

    vals = vals.reshape(x.shape)
    mask = mask.reshape(B, n)
    return (vals, mask, vals, mask)

# --- scband reference (transcript-rebuilt; emitter-appended) ---
"""Pipeline reference for scband-randomized-top-kbaseline-30030411334098 (READ-ONLY COPY).

The authoritative reference and input builder live on the scoring server;
editing this copy changes nothing except your own understanding.
"""

import jax, jax.numpy as jnp
import numpy as np

TOP_P = 0.05
MASK_EPSILON = 0.01


def setup_inputs(seed: int = 0) -> dict:
    key = jax.random.key(seed)
    x = jax.random.normal(key, (8, 96, 224, 224), dtype=jnp.float32)
    return {"x": x}


def _apply_unstructured_topk(x, k):
    B = x.shape[0]
    n = x.size // B
    flat_x = x.reshape(B, -1)
    if k <= 0:
        z = jnp.zeros_like(x)
        return z, jnp.zeros_like(flat_x)
    # torch kthvalue(n - k + 1) == (n-k)-th element of ascending sort (0-indexed)
    sorted_vals = jnp.sort(flat_x, axis=1)
    kth_vals = sorted_vals[:, n - k][:, None]
    mask = (flat_x >= kth_vals).astype(jnp.float32)
    vals = (flat_x * mask).reshape(x.shape)
    return vals, mask


def reference(x):
    B = x.shape[0]
    n = x.size // B
    k = max(1, int(TOP_P * n))
    flat = x.reshape(B, -1)
    # torch .std() is unbiased (ddof=1)
    std_dev = jnp.std(flat, axis=1, ddof=1, keepdims=True)
    gumbel_scale = 1.0 / (MASK_EPSILON + 1e-06)
    beta = (std_dev * gumbel_scale).reshape(-1, 1, 1, 1)
    gumbel_noise = jax.random.gumbel(jax.random.key(42), x.shape, dtype=x.dtype)
    acts = jax.nn.relu(x + beta * gumbel_noise)
    vals, mask = _apply_unstructured_topk(acts, k)
    # module returns (sparse_code, sparse_code) where sparse_code = (vals, mask)
    return (vals, mask, vals, mask)

if __name__ == "__main__":
    import jax
    _d = setup_inputs()
    print(jax.jit(kernel)(*tuple(_d.values())))

</pallas_src>

<mosaic_0001>
#map = affine_map<(d0, d1) -> (0, 0, 0)>
#map1 = affine_map<(d0, d1) -> (0, 0)>
module attributes {stable_mosaic.version = 14 : i64} {
  func.func @_sc_hist_hi_body(%arg0: i32, %arg1: i32, %arg2: memref<8x37632x128xi32, #tpu.memory_space<hbm>>, %arg3: memref<32x32768xi32, #tpu.memory_space<hbm>>, %arg4: memref<168x128xi32, #tpu.memory_space<vmem>>, %arg5: memref<168x128xi32, #tpu.memory_space<vmem>>, %arg6: memref<32768xi32, #tpu.memory_space<vmem>>, %arg7: memref<32768xi32, #tpu.memory_space<vmem>>, %arg8: memref<!tpu.dma_semaphore, #tpu.memory_space<semaphore_mem>>, %arg9: memref<!tpu.dma_semaphore, #tpu.memory_space<semaphore_mem>>) attributes {dimension_semantics = [#tpu.dimension_semantics<core_parallel>, #tpu.dimension_semantics<subcore_parallel>], iteration_bounds = array<i64: 2, 16>, scalar_prefetch = 0 : i64, scratch_operands = 6 : i64, tpu.core_type = #tpu.core_type<sc_vector_subcore>, window_params = [{transform_indices = #map}, {transform_indices = #map1}]} {
    %mul3A = arith.constant 2 : i32
    %mul3A_0 = arith.muli %arg1, %mul3A : i32
    %add3A = arith.addi %mul3A_0, %arg0 : i32
    %jit3A = arith.constant 4 : i32
    %div3A = arith.divsi %add3A, %jit3A : i32
    %sign3A = arith.constant 0 : i32
    %sign3A_1 = arith.cmpi sgt, %add3A, %sign3A : i32
    %sign3A_2 = arith.extui %sign3A_1 : i1 to i32
    %sign3A_3 = arith.constant 0 : i32
    %sign3A_4 = arith.cmpi slt, %add3A, %sign3A_3 : i32
    %sign3A_5 = arith.extui %sign3A_4 : i1 to i32
    %sign3A_6 = arith.subi %sign3A_2, %sign3A_5 : i32
    %sign3A_7 = arith.constant 0 : i32
    %sign3A_8 = arith.cmpi sgt, %jit3A, %sign3A_7 : i32
    %sign3A_9 = arith.extui %sign3A_8 : i1 to i32
    %sign3A_10 = arith.constant 0 : i32
    %sign3A_11 = arith.cmpi slt, %jit3A, %sign3A_10 : i32
    %sign3A_12 = arith.extui %sign3A_11 : i1 to i32
    %sign3A_13 = arith.subi %sign3A_9, %sign3A_12 : i32
    %ne3A = arith.cmpi ne, %sign3A_6, %sign3A_13 : i32
    %rem3A = arith.remsi %add3A, %jit3A : i32
    %ne3A_14 = arith.constant 0 : i32
    %ne3A_15 = arith.cmpi ne, %rem3A, %ne3A_14 : i32
    %and3A = arith.andi %ne3A, %ne3A_15 : i1
    %sub3A = arith.constant 1 : i32
    %sub3A_16 = arith.subi %div3A, %sub3A : i32
    %select_n3A = arith.select %and3A, %sub3A_16, %div3A : i32
    %jit3A_17 = arith.constant 4 : i32
    %eq3A = arith.constant 0 : i32
    %eq3A_18 = arith.cmpi eq, %jit3A_17, %eq3A : i32
    %jit3A_19 = arith.constant 1 : i32
    %select_n3A_20 = arith.select %eq3A_18, %jit3A_19, %jit3A_17 : i32
    %rem3A_21 = arith.remsi %add3A, %select_n3A_20 : i32
    %ne3A_22 = arith.constant 0 : i32
    %ne3A_23 = arith.cmpi ne, %rem3A_21, %ne3A_22 : i32
    %lt3A = arith.constant 0 : i32
    %lt3A_24 = arith.cmpi slt, %rem3A_21, %lt3A : i32
    %lt3A_25 = arith.constant 0 : i32
    %lt3A_26 = arith.cmpi slt, %select_n3A_20, %lt3A_25 : i32
    %ne3A_27 = arith.xori %lt3A_24, %lt3A_26 : i1
    %and3A_28 = arith.andi %ne3A_27, %ne3A_23 : i1
    %add3A_29 = arith.addi %rem3A_21, %select_n3A_20 : i32
    %select_n3A_30 = arith.select %and3A_28, %add3A_29, %rem3A_21 : i32
    %broadcast_in_dim3A = arith.constant 1 : i32
    %broadcast_in_dim3A_31 = vector.broadcast %broadcast_in_dim3A : i32 to vector<16xi32>
    %mul3A_32 = arith.constant 9408 : i32
    %mul3A_33 = arith.muli %select_n3A_30, %mul3A_32 : i32
    %scan3A = arith.constant 0 : i32
    %scan3A_34 = arith.constant 0 : i32
    %scan3A_35 = arith.constant 2048 : i32
    %scan3A_36 = arith.addi %scan3A_34, %scan3A_35 : i32
    %scan3A_37 = arith.constant 8 : i32
    scf.for %scan3A_65 = %scan3A_34 to %scan3A_36 step %scan3A_37  : i32 {
      %broadcast_in_dim3A_66 = arith.constant 0 : i32
      %broadcast_in_dim3A_67 = vector.broadcast %broadcast_in_dim3A_66 : i32 to vector<16xi32>
      %mul3A_68 = arith.constant 16 : i32
      %mul3A_69 = arith.muli %scan3A_65, %mul3A_68 : i32
      %swap3A = arith.index_cast %mul3A_69 : i32 to index
      %swap3A_70 = tpu.vector_load %arg6[%swap3A] {strides = array<i32>} : memref<32768xi32, #tpu.memory_space<vmem>>, vector<16xi32>,
      tpu.vector_store %arg6[%swap3A], %broadcast_in_dim3A_67 {strides = array<i32>} : memref<32768xi32, #tpu.memory_space<vmem>>, vector<16xi32>,
      %broadcast_in_dim3A_71 = arith.constant 0 : i32
      %broadcast_in_dim3A_72 = vector.broadcast %broadcast_in_dim3A_71 : i32 to vector<16xi32>
      %mul3A_73 = arith.constant 16 : i32
      %mul3A_74 = arith.muli %scan3A_65, %mul3A_73 : i32
      %swap3A_75 = arith.index_cast %mul3A_74 : i32 to index
      %swap3A_76 = tpu.vector_load %arg7[%swap3A_75] {strides = array<i32>} : memref<32768xi32, #tpu.memory_space<vmem>>, vector<16xi32>,
      tpu.vector_store %arg7[%swap3A_75], %broadcast_in_dim3A_72 {strides = array<i32>} : memref<32768xi32, #tpu.memory_space<vmem>>, vector<16xi32>,
      %scan3A_77 = arith.constant 1 : i32
      %scan3A_78 = arith.addi %scan3A_65, %scan3A_77 : i32
      %broadcast_in_dim3A_79 = arith.constant 0 : i32
      %broadcast_in_dim3A_80 = vector.broadcast %broadcast_in_dim3A_79 : i32 to vector<16xi32>
      %mul3A_81 = arith.constant 16 : i32
      %mul3A_82 = arith.muli %scan3A_78, %mul3A_81 : i32
      %swap3A_83 = arith.index_cast %mul3A_82 : i32 to index
      %swap3A_84 = tpu.vector_load %arg6[%swap3A_83] {strides = array<i32>} : memref<32768xi32, #tpu.memory_space<vmem>>, vector<16xi32>,
      tpu.vector_store %arg6[%swap3A_83], %broadcast_in_dim3A_80 {strides = array<i32>} : memref<32768xi32, #tpu.memory_space<vmem>>, vector<16xi32>,
      %broadcast_in_dim3A_85 = arith.constant 0 : i32
      %broadcast_in_dim3A_86 = vector.broadcast %broadcast_in_dim3A_85 : i32 to vector<16xi32>
      %mul3A_87 = arith.constant 16 : i32
      %mul3A_88 = arith.muli %scan3A_78, %mul3A_87 : i32
      %swap3A_89 = arith.index_cast %mul3A_88 : i32 to index
      %swap3A_90 = tpu.vector_load %arg7[%swap3A_89] {strides = array<i32>} : memref<32768xi32, #tpu.memory_space<vmem>>, vector<16xi32>,
      tpu.vector_store %arg7[%swap3A_89], %broadcast_in_dim3A_86 {strides = array<i32>} : memref<32768xi32, #tpu.memory_space<vmem>>, vector<16xi32>,
      %scan3A_91 = arith.constant 2 : i32
      %scan3A_92 = arith.addi %scan3A_65, %scan3A_91 : i32
      %broadcast_in_dim3A_93 = arith.constant 0 : i32
      %broadcast_in_dim3A_94 = vector.broadcast %broadcast_in_dim3A_93 : i32 to vector<16xi32>
      %mul3A_95 = arith.constant 16 : i32
      %mul3A_96 = arith.muli %scan3A_92, %mul3A_95 : i32
      %swap3A_97 = arith.index_cast %mul3A_96 : i32 to index
      %swap3A_98 = tpu.vector_load %arg6[%swap3A_97] {strides = array<i32>} : memref<32768xi32, #tpu.memory_space<vmem>>, vector<16xi32>,
      tpu.vector_store %arg6[%swap3A_97], %broadcast_in_dim3A_94 {strides = array<i32>} : memref<32768xi32, #tpu.memory_space<vmem>>, vector<16xi32>,
      %broadcast_in_dim3A_99 = arith.constant 0 : i32
      %broadcast_in_dim3A_100 = vector.broadcast %broadcast_in_dim3A_99 : i32 to vector<16xi32>
      %mul3A_101 = arith.constant 16 : i32
      %mul3A_102 = arith.muli %scan3A_92, %mul3A_101 : i32
      %swap3A_103 = arith.index_cast %mul3A_102 : i32 to index
      %swap3A_104 = tpu.vector_load %arg7[%swap3A_103] {strides = array<i32>} : memref<32768xi32, #tpu.memory_space<vmem>>, vector<16xi32>,
      tpu.vector_store %arg7[%swap3A_103], %broadcast_in_dim3A_100 {strides = array<i32>} : memref<32768xi32, #tpu.memory_space<vmem>>, vector<16xi32>,
      %scan3A_105 = arith.constant 3 : i32
      %scan3A_106 = arith.addi %scan3A_65, %scan3A_105 : i32
      %broadcast_in_dim3A_107 = arith.constant 0 : i32
      %broadcast_in_dim3A_108 = vector.broadcast %broadcast_in_dim3A_107 : i32 to vector<16xi32>
      %mul3A_109 = arith.constant 16 : i32
      %mul3A_110 = arith.muli %scan3A_106, %mul3A_109 : i32
      %swap3A_111 = arith.index_cast %mul3A_110 : i32 to index
      %swap3A_112 = tpu.vector_load %arg6[%swap3A_111] {strides = array<i32>} : memref<32768xi32, #tpu.memory_space<vmem>>, vector<16xi32>,
      tpu.vector_store %arg6[%swap3A_111], %broadcast_in_dim3A_108 {strides = array<i32>} : memref<32768xi32, #tpu.memory_space<vmem>>, vector<16xi32>,
      %broadcast_in_dim3A_113 = arith.constant 0 : i32
      %broadcast_in_dim3A_114 = vector.broadcast %broadcast_in_dim3A_113 : i32 to vector<16xi32>
      %mul3A_115 = arith.constant 16 : i32
      %mul3A_116 = arith.muli %scan3A_106, %mul3A_115 : i32
      %swap3A_117 = arith.index_cast %mul3A_116 : i32 to index
      %swap3A_118 = tpu.vector_load %arg7[%swap3A_117] {strides = array<i32>} : memref<32768xi32, #tpu.memory_space<vmem>>, vector<16xi32>,
      tpu.vector_store %arg7[%swap3A_117], %broadcast_in_dim3A_114 {strides = array<i32>} : memref<32768xi32, #tpu.memory_space<vmem>>, vector<16xi32>,
      %scan3A_119 = arith.constant 4 : i32
      %scan3A_120 = arith.addi %scan3A_65, %scan3A_119 : i32
      %broadcast_in_dim3A_121 = arith.constant 0 : i32
      %broadcast_in_dim3A_122 = vector.broadcast %broadcast_in_dim3A_121 : i32 to vector<16xi32>
      %mul3A_123 = arith.constant 16 : i32
      %mul3A_124 = arith.muli %scan3A_120, %mul3A_123 : i32
      %swap3A_125 = arith.index_cast %mul3A_124 : i32 to index
      %swap3A_126 = tpu.vector_load %arg6[%swap3A_125] {strides = array<i32>} : memref<32768xi32, #tpu.memory_space<vmem>>, vector<16xi32>,
      tpu.vector_store %arg6[%swap3A_125], %broadcast_in_dim3A_122 {strides = array<i32>} : memref<32768xi32, #tpu.memory_space<vmem>>, vector<16xi32>,
      %broadcast_in_dim3A_127 = arith.constant 0 : i32
      %broadcast_in_dim3A_128 = vector.broadcast %broadcast_in_dim3A_127 : i32 to vector<16xi32>
      %mul3A_129 = arith.constant 16 : i32
      %mul3A_130 = arith.muli %scan3A_120, %mul3A_129 : i32
      %swap3A_131 = arith.index_cast %mul3A_130 : i32 to index
      %swap3A_132 = tpu.vector_load %arg7[%swap3A_131] {strides = array<i32>} : memref<32768xi32, #tpu.memory_space<vmem>>, vector<16xi32>,
      tpu.vector_store %arg7[%swap3A_131], %broadcast_in_dim3A_128 {strides = array<i32>} : memref<32768xi32, #tpu.memory_space<vmem>>, vector<16xi32>,
      %scan3A_133 = arith.constant 5 : i32
      %scan3A_134 = arith.addi %scan3A_65, %scan3A_133 : i32
      %broadcast_in_dim3A_135 = arith.constant 0 : i32
      %broadcast_in_dim3A_136 = vector.broadcast %broadcast_in_dim3A_135 : i32 to vector<16xi32>
      %mul3A_137 = arith.constant 16 : i32
      %mul3A_138 = arith.muli %scan3A_134, %mul3A_137 : i32
      %swap3A_139 = arith.index_cast %mul3A_138 : i32 to index
      %swap3A_140 = tpu.vector_load %arg6[%swap3A_139] {strides = array<i32>} : memref<32768xi32, #tpu.memory_space<vmem>>, vector<16xi32>,
      tpu.vector_store %arg6[%swap3A_139], %broadcast_in_dim3A_136 {strides = array<i32>} : memref<32768xi32, #tpu.memory_space<vmem>>, vector<16xi32>,
      %broadcast_in_dim3A_141 = arith.constant 0 : i32
      %broadcast_in_dim3A_142 = vector.broadcast %broadcast_in_dim3A_141 : i32 to vector<16xi32>
      %mul3A_143 = arith.constant 16 : i32
      %mul3A_144 = arith.muli %scan3A_134, %mul3A_143 : i32
      %swap3A_145 = arith.index_cast %mul3A_144 : i32 to index
      %swap3A_146 = tpu.vector_load %arg7[%swap3A_145] {strides = array<i32>} : memref<32768xi32, #tpu.memory_space<vmem>>, vector<16xi32>,
      tpu.vector_store %arg7[%swap3A_145], %broadcast_in_dim3A_142 {strides = array<i32>} : memref<32768xi32, #tpu.memory_space<vmem>>, vector<16xi32>,
      %scan3A_147 = arith.constant 6 : i32
      %scan3A_148 = arith.addi %scan3A_65, %scan3A_147 : i32
      %broadcast_in_dim3A_149 = arith.constant 0 : i32
      %broadcast_in_dim3A_150 = vector.broadcast %broadcast_in_dim3A_149 : i32 to vector<16xi32>
      %mul3A_151 = arith.constant 16 : i32
      %mul3A_152 = arith.muli %scan3A_148, %mul3A_151 : i32
      %swap3A_153 = arith.index_cast %mul3A_152 : i32 to index
      %swap3A_154 = tpu.vector_load %arg6[%swap3A_153] {strides = array<i32>} : memref<32768xi32, #tpu.memory_space<vmem>>, vector<16xi32>,
      tpu.vector_store %arg6[%swap3A_153], %broadcast_in_dim3A_150 {strides = array<i32>} : memref<32768xi32, #tpu.memory_space<vmem>>, vector<16xi32>,
      %broadcast_in_dim3A_155 = arith.constant 0 : i32
      %broadcast_in_dim3A_156 = vector.broadcast %broadcast_in_dim3A_155 : i32 to vector<16xi32>
      %mul3A_157 = arith.constant 16 : i32
      %mul3A_158 = arith.muli %scan3A_148, %mul3A_157 : i32
      %swap3A_159 = arith.index_cast %mul3A_158 : i32 to index
      %swap3A_160 = tpu.vector_load %arg7[%swap3A_159] {strides = array<i32>} : memref<32768xi32, #tpu.memory_space<vmem>>, vector<16xi32>,
      tpu.vector_store %arg7[%swap3A_159], %broadcast_in_dim3A_156 {strides = array<i32>} : memref<32768xi32, #tpu.memory_space<vmem>>, vector<16xi32>,
      %scan3A_161 = arith.constant 7 : i32
      %scan3A_162 = arith.addi %scan3A_65, %scan3A_161 : i32
      %broadcast_in_dim3A_163 = arith.constant 0 : i32
      %broadcast_in_dim3A_164 = vector.broadcast %broadcast_in_dim3A_163 : i32 to vector<16xi32>
      %mul3A_165 = arith.constant 16 : i32
      %mul3A_166 = arith.muli %scan3A_162, %mul3A_165 : i32
      %swap3A_167 = arith.index_cast %mul3A_166 : i32 to index
      %swap3A_168 = tpu.vector_load %arg6[%swap3A_167] {strides = array<i32>} : memref<32768xi32, #tpu.memory_space<vmem>>, vector<16xi32>,
      tpu.vector_store %arg6[%swap3A_167], %broadcast_in_dim3A_164 {strides = array<i32>} : memref<32768xi32, #tpu.memory_space<vmem>>, vector<16xi32>,
      %broadcast_in_dim3A_169 = arith.constant 0 : i32
      %broadcast_in_dim3A_170 = vector.broadcast %broadcast_in_dim3A_169 : i32 to vector<16xi32>
      %mul3A_171 = arith.constant 16 : i32
      %mul3A_172 = arith.muli %scan3A_162, %mul3A_171 : i32
      %swap3A_173 = arith.index_cast %mul3A_172 : i32 to index
      %swap3A_174 = tpu.vector_load %arg7[%swap3A_173] {strides = array<i32>} : memref<32768xi32, #tpu.memory_space<vmem>>, vector<16xi32>,
      tpu.vector_store %arg7[%swap3A_173], %broadcast_in_dim3A_170 {strides = array<i32>} : memref<32768xi32, #tpu.memory_space<vmem>>, vector<16xi32>,
    }
    %scan3A_38 = arith.constant 2048 : i32
    %add3A_39 = arith.constant 0 : i32
    %add3A_40 = arith.addi %mul3A_33, %add3A_39 : i32
    %dma_start3A = arith.constant 0 : i32
    %dma_start3A_41 = tpu.memref_slice %arg2[%select_n3A, %add3A_40, %dma_start3A] : memref<8x37632x128xi32, #tpu.memory_space<hbm>> -> memref<1x168x128xi32, #tpu.memory_space<hbm>>
    %dma_start3A_42 = tpu.memref_squeeze %dma_start3A_41 : memref<1x168x128xi32, #tpu.memory_space<hbm>> -> memref<168x128xi32, #tpu.memory_space<hbm>>
    %dma_start3A_43 = arith.constant 0 : i32
    %dma_start3A_44 = tpu.memref_slice %arg2[%select_n3A, %add3A_40, %dma_start3A_43] : memref<8x37632x128xi32, #tpu.memory_space<hbm>> -> memref<1x168x128xi32, #tpu.memory_space<hbm>>
    %dma_start3A_45 = tpu.memref_squeeze %dma_start3A_44 : memref<1x168x128xi32, #tpu.memory_space<hbm>> -> memref<168x128xi32, #tpu.memory_space<hbm>>
    tpu.enqueue_dma source(%dma_start3A_45 : memref<168x128xi32, #tpu.memory_space<hbm>>) target(%arg4 : memref<168x128xi32, #tpu.memory_space<vmem>>) target_semaphore(%arg8 : memref<!tpu.dma_semaphore, #tpu.memory_space<semaphore_mem>>)
    %scan3A_46 = arith.constant 0 : i32
    %scan3A_47 = arith.constant 0 : i32
    %scan3A_48 = arith.constant 28 : i32
    %scan3A_49 = arith.addi %scan3A_47, %scan3A_48 : i32
    %scan3A_50 = arith.constant 1 : i32
    scf.for %scan3A_65 = %scan3A_47 to %scan3A_49 step %scan3A_50  : i32 {
      %mul3A_66 = arith.constant 2 : i32
      %mul3A_67 = arith.muli %scan3A_65, %mul3A_66 : i32
      %mul3A_68 = arith.constant 168 : i32
      %mul3A_69 = arith.muli %mul3A_67, %mul3A_68 : i32
      %add3A_70 = arith.addi %mul3A_33, %mul3A_69 : i32
      %dma_wait3A_71 = arith.constant 0 : i32
      %dma_wait3A_72 = tpu.memref_slice %arg2[%select_n3A, %add3A_70, %dma_wait3A_71] : memref<8x37632x128xi32, #tpu.memory_space<hbm>> -> memref<1x168x128xi32, #tpu.memory_space<hbm>>
      %dma_wait3A_73 = tpu.memref_squeeze %dma_wait3A_72 : memref<1x168x128xi32, #tpu.memory_space<hbm>> -> memref<168x128xi32, #tpu.memory_space<hbm>>
      %dma_wait3A_74 = arith.constant 0 : i32
      %dma_wait3A_75 = tpu.memref_slice %arg2[%select_n3A, %add3A_70, %dma_wait3A_74] : memref<8x37632x128xi32, #tpu.memory_space<hbm>> -> memref<1x168x128xi32, #tpu.memory_space<hbm>>
      %dma_wait3A_76 = tpu.memref_squeeze %dma_wait3A_75 : memref<1x168x128xi32, #tpu.memory_space<hbm>> -> memref<168x128xi32, #tpu.memory_space<hbm>>
      tpu.wait_dma2 semaphore(%arg8 : memref<!tpu.dma_semaphore, #tpu.memory_space<semaphore_mem>>) src(%dma_wait3A_76 : memref<168x128xi32, #tpu.memory_space<hbm>>) dst(%arg4 : memref<168x128xi32, #tpu.memory_space<vmem>>)
      %add3A_77 = arith.constant 1 : i32
      %add3A_78 = arith.addi %mul3A_67, %add3A_77 : i32
      %mul3A_79 = arith.constant 168 : i32
      %mul3A_80 = arith.muli %add3A_78, %mul3A_79 : i32
      %add3A_81 = arith.addi %mul3A_33, %mul3A_80 : i32
      %dma_start3A_82 = arith.constant 0 : i32
      %dma_start3A_83 = tpu.memref_slice %arg2[%select_n3A, %add3A_81, %dma_start3A_82] : memref<8x37632x128xi32, #tpu.memory_space<hbm>> -> memref<1x168x128xi32, #tpu.memory_space<hbm>>
      %dma_start3A_84 = tpu.memref_squeeze %dma_start3A_83 : memref<1x168x128xi32, #tpu.memory_space<hbm>> -> memref<168x128xi32, #tpu.memory_space<hbm>>
      %dma_start3A_85 = arith.constant 0 : i32
      %dma_start3A_86 = tpu.memref_slice %arg2[%select_n3A, %add3A_81, %dma_start3A_85] : memref<8x37632x128xi32, #tpu.memory_space<hbm>> -> memref<1x168x128xi32, #tpu.memory_space<hbm>>
      %dma_start3A_87 = tpu.memref_squeeze %dma_start3A_86 : memref<1x168x128xi32, #tpu.memory_space<hbm>> -> memref<168x128xi32, #tpu.memory_space<hbm>>
      tpu.enqueue_dma source(%dma_start3A_87 : memref<168x128xi32, #tpu.memory_space<hbm>>) target(%arg5 : memref<168x128xi32, #tpu.memory_space<vmem>>) target_semaphore(%arg9 : memref<!tpu.dma_semaphore, #tpu.memory_space<semaphore_mem>>)
      %scan3A_88 = arith.constant 0 : i32
      %scan3A_89 = arith.constant 0 : i32
      %scan3A_90 = arith.constant 168 : i32
      %scan3A_91 = arith.addi %scan3A_89, %scan3A_90 : i32
      %scan3A_92 = arith.constant 4 : i32
      scf.for %scan3A_124 = %scan3A_89 to %scan3A_91 step %scan3A_92  : i32 {
        %get3A = arith.index_cast %scan3A_124 : i32 to index
        %get3A_125 = arith.constant 0 : index
        %get3A_126 = tpu.vector_load %arg4[%get3A, %get3A_125] {strides = array<i32>} : memref<168x128xi32, #tpu.memory_space<vmem>>, vector<16xi32>,
        %shift_right_arithmetic3A = arith.constant 16 : i32
        %shift_right_arithmetic3A_127 = vector.broadcast %shift_right_arithmetic3A : i32 to vector<16xi32>
        %shift_right_arithmetic3A_128 = arith.shrsi %get3A_126, %shift_right_arithmetic3A_127 : vector<16xi32>
        %gt3A = arith.constant 0 : i32
        %gt3A_129 = vector.broadcast %gt3A : i32 to vector<16xi32>
        %gt3A_130 = arith.cmpi sgt, %get3A_126, %gt3A_129 : vector<16xi32>
        tpu.vector_store_idx %arg6[%shift_right_arithmetic3A_128], %broadcast_in_dim3A_31 masked %gt3A_130 {add = true} : memref<32768xi32, #tpu.memory_space<vmem>>[vector<16xi32>], vector<16xi32>, vector<16xi1>
        %get3A_131 = arith.index_cast %scan3A_124 : i32 to index
        %get3A_132 = arith.constant 16 : index
        %get3A_133 = tpu.vector_load %arg4[%get3A_131, %get3A_132] {strides = array<i32>} : memref<168x128xi32, #tpu.memory_space<vmem>>, vector<16xi32>,
        %shift_right_arithmetic3A_134 = arith.constant 16 : i32
        %shift_right_arithmetic3A_135 = vector.broadcast %shift_right_arithmetic3A_134 : i32 to vector<16xi32>
        %shift_right_arithmetic3A_136 = arith.shrsi %get3A_133, %shift_right_arithmetic3A_135 : vector<16xi32>
        %gt3A_137 = arith.constant 0 : i32
        %gt3A_138 = vector.broadcast %gt3A_137 : i32 to vector<16xi32>
        %gt3A_139 = arith.cmpi sgt, %get3A_133, %gt3A_138 : vector<16xi32>
        tpu.vector_store_idx %arg7[%shift_right_arithmetic3A_136], %broadcast_in_dim3A_31 masked %gt3A_139 {add = true} : memref<32768xi32, #tpu.memory_space<vmem>>[vector<16xi32>], vector<16xi32>, vector<16xi1>
        %get3A_140 = arith.index_cast %scan3A_124 : i32 to index
        %get3A_141 = arith.constant 32 : index
        %get3A_142 = tpu.vector_load %arg4[%get3A_140, %get3A_141] {strides = array<i32>} : memref<168x128xi32, #tpu.memory_space<vmem>>, vector<16xi32>,
        %shift_right_arithmetic3A_143 = arith.constant 16 : i32
        %shift_right_arithmetic3A_144 = vector.broadcast %shift_right_arithmetic3A_143 : i32 to vector<16xi32>
        %shift_right_arithmetic3A_145 = arith.shrsi %get3A_142, %shift_right_arithmetic3A_144 : vector<16xi32>
        %gt3A_146 = arith.constant 0 : i32
        %gt3A_147 = vector.broadcast %gt3A_146 : i32 to vector<16xi32>
        %gt3A_148 = arith.cmpi sgt, %get3A_142, %gt3A_147 : vector<16xi32>
        tpu.vector_store_idx %arg6[%shift_right_arithmetic3A_145], %broadcast_in_dim3A_31 masked %gt3A_148 {add = true} : memref<32768xi32, #tpu.memory_space<vmem>>[vector<16xi32>], vector<16xi32>, vector<16xi1>
        %get3A_149 = arith.index_cast %scan3A_124 : i32 to index
        %get3A_150 = arith.constant 48 : index
        %get3A_151 = tpu.vector_load %arg4[%get3A_149, %get3A_150] {strides = array<i32>} : memref<168x128xi32, #tpu.memory_space<vmem>>, vector<16xi32>,
        %shift_right_arithmetic3A_152 = arith.constant 16 : i32
        %shift_right_arithmetic3A_153 = vector.broadcast %shift_right_arithmetic3A_152 : i32 to vector<16xi32>
        %shift_right_arithmetic3A_154 = arith.shrsi %get3A_151, %shift_right_arithmetic3A_153 : vector<16xi32>
        %gt3A_155 = arith.constant 0 : i32
        %gt3A_156 = vector.broadcast %gt3A_155 : i32 to vector<16xi32>
        %gt3A_157 = arith.cmpi sgt, %get3A_151, %gt3A_156 : vector<16xi32>
        tpu.vector_store_idx %arg7[%shift_right_arithmetic3A_154], %broadcast_in_dim3A_31 masked %gt3A_157 {add = true} : memref<32768xi32, #tpu.memory_space<vmem>>[vector<16xi32>], vector<16xi32>, vector<16xi1>
        %get3A_158 = arith.index_cast %scan3A_124 : i32 to index
        %get3A_159 = arith.constant 64 : index
        %get3A_160 = tpu.vector_load %arg4[%get3A_158, %get3A_159] {strides = array<i32>} : memref<168x128xi32, #tpu.memory_space<vmem>>, vector<16xi32>,
        %shift_right_arithmetic3A_161 = arith.constant 16 : i32
        %shift_right_arithmetic3A_162 = vector.broadcast %shift_right_arithmetic3A_161 : i32 to vector<16xi32>
        %shift_right_arithmetic3A_163 = arith.shrsi %get3A_160, %shift_right_arithmetic3A_162 : vector<16xi32>
        %gt3A_164 = arith.constant 0 : i32
        %gt3A_165 = vector.broadcast %gt3A_164 : i32 to vector<16xi32>
        %gt3A_166 = arith.cmpi sgt, %get3A_160, %gt3A_165 : vector<16xi32>
        tpu.vector_store_idx %arg6[%shift_right_arithmetic3A_163], %broadcast_in_dim3A_31 masked %gt3A_166 {add = true} : memref<32768xi32, #tpu.memory_space<vmem>>[vector<16xi32>], vector<16xi32>, vector<16xi1>
        %get3A_167 = arith.index_cast %scan3A_124 : i32 to index
        %get3A_168 = arith.constant 80 : index
        %get3A_169 = tpu.vector_load %arg4[%get3A_167, %get3A_168] {strides = array<i32>} : memref<168x128xi32, #tpu.memory_space<vmem>>, vector<16xi32>,
        %shift_right_arithmetic3A_170 = arith.constant 16 : i32
        %shift_right_arithmetic3A_171 = vector.broadcast %shift_right_arithmetic3A_170 : i32 to vector<16xi32>
        %shift_right_arithmetic3A_172 = arith.shrsi %get3A_169, %shift_right_arithmetic3A_171 : vector<16xi32>
        %gt3A_173 = arith.constant 0 : i32
        %gt3A_174 = vector.broadcast %gt3A_173 : i32 to vector<16xi32>
        %gt3A_175 = arith.cmpi sgt, %get3A_169, %gt3A_174 : vector<16xi32>
        tpu.vector_store_idx %arg7[%shift_right_arithmetic3A_172], %broadcast_in_dim3A_31 masked %gt3A_175 {add = true} : memref<32768xi32, #tpu.memory_space<vmem>>[vector<16xi32>], vector<16xi32>, vector<16xi1>
        %get3A_176 = arith.index_cast %scan3A_124 : i32 to index
        %get3A_177 = arith.constant 96 : index
        %get3A_178 = tpu.vector_load %arg4[%get3A_176, %get3A_177] {strides = array<i32>} : memref<168x128xi32, #tpu.memory_space<vmem>>, vector<16xi32>,
        %shift_right_arithmetic3A_179 = arith.constant 16 : i32
        %shift_right_arithmetic3A_180 = vector.broadcast %shift_right_arithmetic3A_179 : i32 to vector<16xi32>
        %shift_right_arithmetic3A_181 = arith.shrsi %get3A_178, %shift_right_arithmetic3A_180 : vector<16xi32>
        %gt3A_182 = arith.constant 0 : i32
        %gt3A_183 = vector.broadcast %gt3A_182 : i32 to vector<16xi32>
        %gt3A_184 = arith.cmpi sgt, %get3A_178, %gt3A_183 : vector<16xi32>
        tpu.vector_store_idx %arg6[%shift_right_arithmetic3A_181], %broadcast_in_dim3A_31 masked %gt3A_184 {add = true} : memref<32768xi32, #tpu.memory_space<vmem>>[vector<16xi32>], vector<16xi32>, vector<16xi1>
        %get3A_185 = arith.index_cast %scan3A_124 : i32 to index
        %get3A_186 = arith.constant 112 : index
        %get3A_187 = tpu.vector_load %arg4[%get3A_185, %get3A_186] {strides = array<i32>} : memref<168x128xi32, #tpu.memory_space<vmem>>, vector<16xi32>,
        %shift_right_arithmetic3A_188 = arith.constant 16 : i32
        %shift_right_arithmetic3A_189 = vector.broadcast %shift_right_arithmetic3A_188 : i32 to vector<16xi32>
        %shift_right_arithmetic3A_190 = arith.shrsi %get3A_187, %shift_right_arithmetic3A_189 : vector<16xi32>
        %gt3A_191 = arith.constant 0 : i32
        %gt3A_192 = vector.broadcast %gt3A_191 : i32 to vector<16xi32>
        %gt3A_193 = arith.cmpi sgt, %get3A_187, %gt3A_192 : vector<16xi32>
        tpu.vector_store_idx %arg7[%shift_right_arithmetic3A_190], %broadcast_in_dim3A_31 masked %gt3A_193 {add = true} : memref<32768xi32, #tpu.memory_space<vmem>>[vector<16xi32>], vector<16xi32>, vector<16xi1>
        %scan3A_194 = arith.constant 1 : i32
        %scan3A_195 = arith.addi %scan3A_124, %scan3A_194 : i32
        %get3A_196 = arith.index_cast %scan3A_195 : i32 to index
        %get3A_197 = arith.constant 0 : index
        %get3A_198 = tpu.vector_load %arg4[%get3A_196, %get3A_197] {strides = array<i32>} : memref<168x128xi32, #tpu.memory_space<vmem>>, vector<16xi32>,
        %shift_right_arithmetic3A_199 = arith.constant 16 : i32
        %shift_right_arithmetic3A_200 = vector.broadcast %shift_right_arithmetic3A_199 : i32 to vector<16xi32>
        %shift_right_arithmetic3A_201 = arith.shrsi %get3A_198, %shift_right_arithmetic3A_200 : vector<16xi32>
        %gt3A_202 = arith.constant 0 : i32
        %gt3A_203 = vector.broadcast %gt3A_202 : i32 to vector<16xi32>
        %gt3A_204 = arith.cmpi sgt, %get3A_198, %gt3A_203 : vector<16xi32>
        tpu.vector_store_idx %arg6[%shift_right_arithmetic3A_201], %broadcast_in_dim3A_31 masked %gt3A_204 {add = true} : memref<32768xi32, #tpu.memory_space<vmem>>[vector<16xi32>], vector<16xi32>, vector<16xi1>
        %get3A_205 = arith.index_cast %scan3A_195 : i32 to index
        %get3A_206 = arith.constant 16 : index
        %get3A_207 = tpu.vector_load %arg4[%get3A_205, %get3A_206] {strides = array<i32>} : memref<168x128xi32, #tpu.memory_space<vmem>>, vector<16xi32>,
        %shift_right_arithmetic3A_208 = arith.constant 16 : i32
        %shift_right_arithmetic3A_209 = vector.broadcast %shift_right_arithmetic3A_208 : i32 to vector<16xi32>
        %shift_right_arithmetic3A_210 = arith.shrsi %get3A_207, %shift_right_arithmetic3A_209 : vector<16xi32>
        %gt3A_211 = arith.constant 0 : i32
        %gt3A_212 = vector.broadcast %gt3A_211 : i32 to vector<16xi32>
        %gt3A_213 = arith.cmpi sgt, %get3A_207, %gt3A_212 : vector<16xi32>
        tpu.vector_store_idx %arg7[%shift_right_arithmetic3A_210], %broadcast_in_dim3A_31 masked %gt3A_213 {add = true} : memref<32768xi32, #tpu.memory_space<vmem>>[vector<16xi32>], vector<16xi32>, vector<16xi1>
        %get3A_214 = arith.index_cast %scan3A_195 : i32 to index
        %get3A_215 = arith.constant 32 : index
        %get3A_216 = tpu.vector_load %arg4[%get3A_214, %get3A_215] {strides = array<i32>} : memref<168x128xi32, #tpu.memory_space<vmem>>, vector<16xi32>,
        %shift_right_arithmetic3A_217 = arith.constant 16 : i32
        %shift_right_arithmetic3A_218 = vector.broadcast %shift_right_arithmetic3A_217 : i32 to vector<16xi32>
        %shift_right_arithmetic3A_219 = arith.shrsi %get3A_216, %shift_right_arithmetic3A_218 : vector<16xi32>
        %gt3A_220 = arith.constant 0 : i32
        %gt3A_221 = vector.broadcast %gt3A_220 : i32 to vector<16xi32>
        %gt3A_222 = arith.cmpi sgt, %get3A_216, %gt3A_221 : vector<16xi32>
        tpu.vector_store_idx %arg6[%shift_right_arithmetic3A_219], %broadcast_in_dim3A_31 masked %gt3A_222 {add = true} : memref<32768xi32, #tpu.memory_space<vmem>>[vector<16xi32>], vector<16xi32>, vector<16xi1>
        %get3A_223 = arith.index_cast %scan3A_195 : i32 to index
        %get3A_224 = arith.constant 48 : index
        %get3A_225 = tpu.vector_load %arg4[%get3A_223, %get3A_224] {strides = array<i32>} : memref<168x128xi32, #tpu.memory_space<vmem>>, vector<16xi32>,
        %shift_right_arithmetic3A_226 = arith.constant 16 : i32
        %shift_right_arithmetic3A_227 = vector.broadcast %shift_right_arithmetic3A_226 : i32 to vector<16xi32>
        %shift_right_arithmetic3A_228 = arith.shrsi %get3A_225, %shift_right_arithmetic3A_227 : vector<16xi32>
        %gt3A_229 = arith.constant 0 : i32
        %gt3A_230 = vector.broadcast %gt3A_229 : i32 to vector<16xi32>
        %gt3A_231 = arith.cmpi sgt, %get3A_225, %gt3A_230 : vector<16xi32>
        tpu.vector_store_idx %arg7[%shift_right_arithmetic3A_228], %broadcast_in_dim3A_31 masked %gt3A_231 {add = true} : memref<32768xi32, #tpu.memory_space<vmem>>[vector<16xi32>], vector<16xi32>, vector<16xi1>
        %get3A_232 = arith.index_cast %scan3A_195 : i32 to index
        %get3A_233 = arith.constant 64 : index
        %get3A_234 = tpu.vector_load %arg4[%get3A_232, %get3A_233] {strides = array<i32>} : memref<168x128xi32, #tpu.memory_space<vmem>>, vector<16xi32>,
        %shift_right_arithmetic3A_235 = arith.constant 16 : i32
        %shift_right_arithmetic3A_236 = vector.broadcast %shift_right_arithmetic3A_235 : i32 to vector<16xi32>
        %shift_right_arithmetic3A_237 = arith.shrsi %get3A_234, %shift_right_arithmetic3A_236 : vector<16xi32>
        %gt3A_238 = arith.constant 0 : i32
        %gt3A_239 = vector.broadcast %gt3A_238 : i32 to vector<16xi32>
        %gt3A_240 = arith.cmpi sgt, %get3A_234, %gt3A_239 : vector<16xi32>
        tpu.vector_store_idx %arg6[%shift_right_arithmetic3A_237], %broadcast_in_dim3A_31 masked %gt3A_240 {add = true} : memref<32768xi32, #tpu.memory_space<vmem>>[vector<16xi32>], vector<16xi32>, vector<16xi1>
        %get3A_241 = arith.index_cast %scan3A_195 : i32 to index
        %get3A_242 = arith.constant 80 : index
        %get3A_243 = tpu.vector_load %arg4[%get3A_241, %get3A_242] {strides = array<i32>} : memref<168x128xi32, #tpu.memory_space<vmem>>, vector<16xi32>,
        %shift_right_arithmetic3A_244 = arith.constant 16 : i32
        %shift_right_arithmetic3A_245 = vector.broadcast %shift_right_arithmetic3A_244 : i32 to vector<16xi32>
        %shift_right_arithmetic3A_246 = arith.shrsi %get3A_243, %shift_right_arithmetic3A_245 : vector<16xi32>
        %gt3A_247 = arith.constant 0 : i32
        %gt3A_248 = vector.broadcast %gt3A_247 : i32 to vector<16xi32>
        %gt3A_249 = arith.cmpi sgt, %get3A_243, %gt3A_248 : vector<16xi32>
        tpu.vector_store_idx %arg7[%shift_right_arithmetic3A_246], %broadcast_in_dim3A_31 masked %gt3A_249 {add = true} : memref<32768xi32, #tpu.memory_space<vmem>>[vector<16xi32>], vector<16xi32>, vector<16xi1>
        %get3A_250 = arith.index_cast %scan3A_195 : i32 to index
        %get3A_251 = arith.constant 96 : index
        %get3A_252 = tpu.vector_load %arg4[%get3A_250, %get3A_251] {strides = array<i32>} : memref<168x128xi32, #tpu.memory_space<vmem>>, vector<16xi32>,
        %shift_right_arithmetic3A_253 = arith.constant 16 : i32
        %shift_right_arithmetic3A_254 = vector.broadcast %shift_right_arithmetic3A_253 : i32 to vector<16xi32>
        %shift_right_arithmetic3A_255 = arith.shrsi %get3A_252, %shift_right_arithmetic3A_254 : vector<16xi32>
        %gt3A_256 = arith.constant 0 : i32
        %gt3A_257 = vector.broadcast %gt3A_256 : i32 to vector<16xi32>
        %gt3A_258 = arith.cmpi sgt, %get3A_252, %gt3A_257 : vector<16xi32>
        tpu.vector_store_idx %arg6[%shift_right_arithmetic3A_255], %broadcast_in_dim3A_31 masked %gt3A_258 {add = true} : memref<32768xi32, #tpu.memory_space<vmem>>[vector<16xi32>], vector<16xi32>, vector<16xi1>
        %get3A_259 = arith.index_cast %scan3A_195 : i32 to index
        %get3A_260 = arith.constant 112 : index
        %get3A_261 = tpu.vector_load %arg4[%get3A_259, %get3A_260] {strides = array<i32>} : memref<168x128xi32, #tpu.memory_space<vmem>>, vector<16xi32>,
        %shift_right_arithmetic3A_262 = arith.constant 16 : i32
        %shift_right_arithmetic3A_263 = vector.broadcast %shift_right_arithmetic3A_262 : i32 to vector<16xi32>
        %shift_right_arithmetic3A_264 = arith.shrsi %get3A_261, %shift_right_arithmetic3A_263 : vector<16xi32>
        %gt3A_265 = arith.constant 0 : i32
        %gt3A_266 = vector.broadcast %gt3A_265 : i32 to vector<16xi32>
        %gt3A_267 = arith.cmpi sgt, %get3A_261, %gt3A_266 : vector<16xi32>
        tpu.vector_store_idx %arg7[%shift_right_arithmetic3A_264], %broadcast_in_dim3A_31 masked %gt3A_267 {add = true} : memref<32768xi32, #tpu.memory_space<vmem>>[vector<16xi32>], vector<16xi32>, vector<16xi1>
        %scan3A_268 = arith.constant 2 : i32
        %scan3A_269 = arith.addi %scan3A_124, %scan3A_268 : i32
        %get3A_270 = arith.index_cast %scan3A_269 : i32 to index
        %get3A_271 = arith.constant 0 : index
        %get3A_272 = tpu.vector_load %arg4[%get3A_270, %get3A_271] {strides = array<i32>} : memref<168x128xi32, #tpu.memory_space<vmem>>, vector<16xi32>,
        %shift_right_arithmetic3A_273 = arith.constant 16 : i32
        %shift_right_arithmetic3A_274 = vector.broadcast %shift_right_arithmetic3A_273 : i32 to vector<16xi32>
        %shift_right_arithmetic3A_275 = arith.shrsi %get3A_272, %shift_right_arithmetic3A_274 : vector<16xi32>
        %gt3A_276 = arith.constant 0 : i32
        %gt3A_277 = vector.broadcast %gt3A_276 : i32 to vector<16xi32>
        %gt3A_278 = arith.cmpi sgt, %get3A_272, %gt3A_277 : vector<16xi32>
        tpu.vector_store_idx %arg6[%shift_right_arithmetic3A_275], %broadcast_in_dim3A_31 masked %gt3A_278 {add = true} : memref<32768xi32, #tpu.memory_space<vmem>>[vector<16xi32>], vector<16xi32>, vector<16xi1>
        %get3A_279 = arith.index_cast %scan3A_269 : i32 to index
        %get3A_280 = arith.constant 16 : index
        %get3A_281 = tpu.vector_load %arg4[%get3A_279, %get3A_280] {strides = array<i32>} : memref<168x128xi32, #tpu.memory_space<vmem>>, vector<16xi32>,
        %shift_right_arithmetic3A_282 = arith.constant 16 : i32
        %shift_right_arithmetic3A_283 = vector.broadcast %shift_right_arithmetic3A_282 : i32 to vector<16xi32>
        %shift_right_arithmetic3A_284 = arith.shrsi %get3A_281, %shift_right_arithmetic3A_283 : vector<16xi32>
        %gt3A_285 = arith.constant 0 : i32
        %gt3A_286 = vector.broadcast %gt3A_285 : i32 to vector<16xi32>
        %gt3A_287 = arith.cmpi sgt, %get3A_281, %gt3A_286 : vector<16xi32>
        tpu.vector_store_idx %arg7[%shift_right_arithmetic3A_284], %broadcast_in_dim3A_31 masked %gt3A_287 {add = true} : memref<32768xi32, #tpu.memory_space<vmem>>[vector<16xi32>], vector<16xi32>, vector<16xi1>
        %get3A_288 = arith.index_cast %scan3A_269 : i32 to index
        %get3A_289 = arith.constant 32 : index
        %get3A_290 = tpu.vector_load %arg4[%get3A_288, %get3A_289] {strides = array<i32>} : memref<168x128xi32, #tpu.memory_space<vmem>>, vector<16xi32>,
        %shift_right_arithmetic3A_291 = arith.constant 16 : i32
        %shift_right_arithmetic3A_292 = vector.broadcast %shift_right_arithmetic3A_291 : i32 to vector<16xi32>
        %shift_right_arithmetic3A_293 = arith.shrsi %get3A_290, %shift_right_arithmetic3A_292 : vector<16xi32>
        %gt3A_294 = arith.constant 0 : i32
        %gt3A_295 = vector.broadcast %gt3A_294 : i32 to vector<16xi32>
        %gt3A_296 = arith.cmpi sgt, %get3A_290, %gt3A_295 : vector<16xi32>
        tpu.vector_store_idx %arg6[%shift_right_arithmetic3A_293], %broadcast_in_dim3A_31 masked %gt3A_296 {add = true} : memref<32768xi32, #tpu.memory_space<vmem>>[vector<16xi32>], vector<16xi32>, vector<16xi1>
        %get3A_297 = arith.index_cast %scan3A_269 : i32 to index
        %get3A_298 = arith.constant 48 : index
        %get3A_299 = tpu.vector_load %arg4[%get3A_297, %get3A_298] {strides = array<i32>} : memref<168x128xi32, #tpu.memory_space<vmem>>, vector<16xi32>,
        %shift_right_arithmetic3A_300 = arith.constant 16 : i32
        %shift_right_arithmetic3A_301 = vector.broadcast %shift_right_arithmetic3A_300 : i32 to vector<16xi32>
        %shift_right_arithmetic3A_302 = arith.shrsi %get3A_299, %shift_right_arithmetic3A_301 : vector<16xi32>
        %gt3A_303 = arith.constant 0 : i32
        %gt3A_304 = vector.broadcast %gt3A_303 : i32 to vector<16xi32>
        %gt3A_305 = arith.cmpi sgt, %get3A_299, %gt3A_304 : vector<16xi32>
        tpu.vector_store_idx %arg7[%shift_right_arithmetic3A_302], %broadcast_in_dim3A_31 masked %gt3A_305 {add = true} : memref<32768xi32, #tpu.memory_space<vmem>>[vector<16xi32>], vector<16xi32>, vector<16xi1>
        %get3A_306 = arith.index_cast %scan3A_269 : i32 to index
        %get3A_307 = arith.constant 64 : index
        %get3A_308 = tpu.vector_load %arg4[%get3A_306, %get3A_307] {strides = array<i32>} : memref<168x128xi32, #tpu.memory_space<vmem>>, vector<16xi32>,
        %shift_right_arithmetic3A_309 = arith.constant 16 : i32
        %shift_right_arithmetic3A_310 = vector.broadcast %shift_right_arithmetic3A_309 : i32 to vector<16xi32>
        %shift_right_arithmetic3A_311 = arith.shrsi %get3A_308, %shift_right_arithmetic3A_310 : vector<16xi32>
        %gt3A_312 = arith.constant 0 : i32
        %gt3A_313 = vector.broadcast %gt3A_312 : i32 to vector<16xi32>
        %gt3A_314 = arith.cmpi sgt, %get3A_308, %gt3A_313 : vector<16xi32>
        tpu.vector_store_idx %arg6[%shift_right_arithmetic3A_311], %broadcast_in_dim3A_31 masked %gt3A_314 {add = true} : memref<32768xi32, #tpu.memory_space<vmem>>[vector<16xi32>], vector<16xi32>, vector<16xi1>
        %get3A_315 = arith.index_cast %scan3A_269 : i32 to index
        %get3A_316 = arith.constant 80 : index
        %get3A_317 = tpu.vector_load %arg4[%get3A_315, %get3A_316] {strides = array<i32>} : memref<168x128xi32, #tpu.memory_space<vmem>>, vector<16xi32>,
        %shift_right_arithmetic3A_318 = arith.constant 16 : i32
        %shift_right_arithmetic3A_319 = vector.broadcast %shift_right_arithmetic3A_318 : i32 to vector<16xi32>
        %shift_right_arithmetic3A_320 = arith.shrsi %get3A_317, %shift_right_arithmetic3A_319 : vector<16xi32>
        %gt3A_321 = arith.constant 0 : i32
        %gt3A_322 = vector.broadcast %gt3A_321 : i32 to vector<16xi32>
        %gt3A_323 = arith.cmpi sgt, %get3A_317, %gt3A_322 : vector<16xi32>
        tpu.vector_store_idx %arg7[%shift_right_arithmetic3A_320], %broadcast_in_dim3A_31 masked %gt3A_323 {add = true} : memref<32768xi32, #tpu.memory_space<vmem>>[vector<16xi32>], vector<16xi32>, vector<16xi1>
        %get3A_324 = arith.index_cast %scan3A_269 : i32 to index
        %get3A_325 = arith.constant 96 : index
        %get3A_326 = tpu.vector_load %arg4[%get3A_324, %get3A_325] {strides = array<i32>} : memref<168x128xi32, #tpu.memory_space<vmem>>, vector<16xi32>,
        %shift_right_arithmetic3A_327 = arith.constant 16 : i32
        %shift_right_arithmetic3A_328 = vector.broadcast %shift_right_arithmetic3A_327 : i32 to vector<16xi32>
        %shift_right_arithmetic3A_329 = arith.shrsi %get3A_326, %shift_right_arithmetic3A_328 : vector<16xi32>
        %gt3A_330 = arith.constant 0 : i32
        %gt3A_331 = vector.broadcast %gt3A_330 : i32 to vector<16xi32>
        %gt3A_332 = arith.cmpi sgt, %get3A_326, %gt3A_331 : vector<16xi32>
        tpu.vector_store_idx %arg6[%shift_right_arithmetic3A_329], %broadcast_in_dim3A_31 masked %gt3A_332 {add = true} : memref<32768xi32, #tpu.memory_space<vmem>>[vector<16xi32>], vector<16xi32>, vector<16xi1>
        %get3A_333 = arith.index_cast %scan3A_269 : i32 to index
        %get3A_334 = arith.constant 112 : index
        %get3A_335 = tpu.vector_load %arg4[%get3A_333, %get3A_334] {strides = array<i32>} : memref<168x128xi32, #tpu.memory_space<vmem>>, vector<16xi32>,
        %shift_right_arithmetic3A_336 = arith.constant 16 : i32
        %shift_right_arithmetic3A_337 = vector.broadcast %shift_right_arithmetic3A_336 : i32 to vector<16xi32>
        %shift_right_arithmetic3A_338 = arith.shrsi %get3A_335, %shift_right_arithmetic3A_337 : vector<16xi32>
        %gt3A_339 = arith.constant 0 : i32
        %gt3A_340 = vector.broadcast %gt3A_339 : i32 to vector<16xi32>
        %gt3A_341 = arith.cmpi sgt, %get3A_335, %gt3A_340 : vector<16xi32>
        tpu.vector_store_idx %arg7[%shift_right_arithmetic3A_338], %broadcast_in_dim3A_31 masked %gt3A_341 {add = true} : memref<32768xi32, #tpu.memory_space<vmem>>[vector<16xi32>], vector<16xi32>, vector<16xi1>
        %scan3A_342 = arith.constant 3 : i32
        %scan3A_343 = arith.addi %scan3A_124, %scan3A_342 : i32
        %get3A_344 = arith.index_cast %scan3A_343 : i32 to index
        %get3A_345 = arith.constant 0 : index
        %get3A_346 = tpu.vector_load %arg4[%get3A_344, %get3A_345] {strides = array<i32>} : memref<168x128xi32, #tpu.memory_space<vmem>>, vector<16xi32>,
        %shift_right_arithmetic3A_347 = arith.constant 16 : i32
        %shift_right_arithmetic3A_348 = vector.broadcast %shift_right_arithmetic3A_347 : i32 to vector<16xi32>
        %shift_right_arithmetic3A_349 = arith.shrsi %get3A_346, %shift_right_arithmetic3A_348 : vector<16xi32>
        %gt3A_350 = arith.constant 0 : i32
        %gt3A_351 = vector.broadcast %gt3A_350 : i32 to vector<16xi32>
        %gt3A_352 = arith.cmpi sgt, %get3A_346, %gt3A_351 : vector<16xi32>
        tpu.vector_store_idx %arg6[%shift_right_arithmetic3A_349], %broadcast_in_dim3A_31 masked %gt3A_352 {add = true} : memref<32768xi32, #tpu.memory_space<vmem>>[vector<16xi32>], vector<16xi32>, vector<16xi1>
        %get3A_353 = arith.index_cast %scan3A_343 : i32 to index
        %get3A_354 = arith.constant 16 : index
        %get3A_355 = tpu.vector_load %arg4[%get3A_353, %get3A_354] {strides = array<i32>} : memref<168x128xi32, #tpu.memory_space<vmem>>, vector<16xi32>,
        %shift_right_arithmetic3A_356 = arith.constant 16 : i32
        %shift_right_arithmetic3A_357 = vector.broadcast %shift_right_arithmetic3A_356 : i32 to vector<16xi32>
        %shift_right_arithmetic3A_358 = arith.shrsi %get3A_355, %shift_right_arithmetic3A_357 : vector<16xi32>
        %gt3A_359 = arith.constant 0 : i32
        %gt3A_360 = vector.broadcast %gt3A_359 : i32 to vector<16xi32>
        %gt3A_361 = arith.cmpi sgt, %get3A_355, %gt3A_360 : vector<16xi32>
        tpu.vector_store_idx %arg7[%shift_right_arithmetic3A_358], %broadcast_in_dim3A_31 masked %gt3A_361 {add = true} : memref<32768xi32, #tpu.memory_space<vmem>>[vector<16xi32>], vector<16xi32>, vector<16xi1>
        %get3A_362 = arith.index_cast %scan3A_343 : i32 to index
        %get3A_363 = arith.constant 32 : index
        %get3A_364 = tpu.vector_load %arg4[%get3A_362, %get3A_363] {strides = array<i32>} : memref<168x128xi32, #tpu.memory_space<vmem>>, vector<16xi32>,
        %shift_right_arithmetic3A_365 = arith.constant 16 : i32
        %shift_right_arithmetic3A_366 = vector.broadcast %shift_right_arithmetic3A_365 : i32 to vector<16xi32>
        %shift_right_arithmetic3A_367 = arith.shrsi %get3A_364, %shift_right_arithmetic3A_366 : vector<16xi32>
        %gt3A_368 = arith.constant 0 : i32
        %gt3A_369 = vector.broadcast %gt3A_368 : i32 to vector<16xi32>
        %gt3A_370 = arith.cmpi sgt, %get3A_364, %gt3A_369 : vector<16xi32>
        tpu.vector_store_idx %arg6[%shift_right_arithmetic3A_367], %broadcast_in_dim3A_31 masked %gt3A_370 {add = true} : memref<32768xi32, #tpu.memory_space<vmem>>[vector<16xi32>], vector<16xi32>, vector<16xi1>
        %get3A_371 = arith.index_cast %scan3A_343 : i32 to index
        %get3A_372 = arith.constant 48 : index
        %get3A_373 = tpu.vector_load %arg4[%get3A_371, %get3A_372] {strides = array<i32>} : memref<168x128xi32, #tpu.memory_space<vmem>>, vector<16xi32>,
        %shift_right_arithmetic3A_374 = arith.constant 16 : i32
        %shift_right_arithmetic3A_375 = vector.broadcast %shift_right_arithmetic3A_374 : i32 to vector<16xi32>
        %shift_right_arithmetic3A_376 = arith.shrsi %get3A_373, %shift_right_arithmetic3A_375 : vector<16xi32>
        %gt3A_377 = arith.constant 0 : i32
        %gt3A_378 = vector.broadcast %gt3A_377 : i32 to vector<16xi32>
        %gt3A_379 = arith.cmpi sgt, %get3A_373, %gt3A_378 : vector<16xi32>
        tpu.vector_store_idx %arg7[%shift_right_arithmetic3A_376], %broadcast_in_dim3A_31 masked %gt3A_379 {add = true} : memref<32768xi32, #tpu.memory_space<vmem>>[vector<16xi32>], vector<16xi32>, vector<16xi1>
        %get3A_380 = arith.index_cast %scan3A_343 : i32 to index
        %get3A_381 = arith.constant 64 : index
        %get3A_382 = tpu.vector_load %arg4[%get3A_380, %get3A_381] {strides = array<i32>} : memref<168x128xi32, #tpu.memory_space<vmem>>, vector<16xi32>,
        %shift_right_arithmetic3A_383 = arith.constant 16 : i32
        %shift_right_arithmetic3A_384 = vector.broadcast %shift_right_arithmetic3A_383 : i32 to vector<16xi32>
        %shift_right_arithmetic3A_385 = arith.shrsi %get3A_382, %shift_right_arithmetic3A_384 : vector<16xi32>
        %gt3A_386 = arith.constant 0 : i32
        %gt3A_387 = vector.broadcast %gt3A_386 : i32 to vector<16xi32>
        %gt3A_388 = arith.cmpi sgt, %get3A_382, %gt3A_387 : vector<16xi32>
        tpu.vector_store_idx %arg6[%shift_right_arithmetic3A_385], %broadcast_in_dim3A_31 masked %gt3A_388 {add = true} : memref<32768xi32, #tpu.memory_space<vmem>>[vector<16xi32>], vector<16xi32>, vector<16xi1>
        %get3A_389 = arith.index_cast %scan3A_343 : i32 to index
        %get3A_390 = arith.constant 80 : index
        %get3A_391 = tpu.vector_load %arg4[%get3A_389, %get3A_390] {strides = array<i32>} : memref<168x128xi32, #tpu.memory_space<vmem>>, vector<16xi32>,
        %shift_right_arithmetic3A_392 = arith.constant 16 : i32
        %shift_right_arithmetic3A_393 = vector.broadcast %shift_right_arithmetic3A_392 : i32 to vector<16xi32>
        %shift_right_arithmetic3A_394 = arith.shrsi %get3A_391, %shift_right_arithmetic3A_393 : vector<16xi32>
        %gt3A_395 = arith.constant 0 : i32
        %gt3A_396 = vector.broadcast %gt3A_395 : i32 to vector<16xi32>
        %gt3A_397 = arith.cmpi sgt, %get3A_391, %gt3A_396 : vector<16xi32>
        tpu.vector_store_idx %arg7[%shift_right_arithmetic3A_394], %broadcast_in_dim3A_31 masked %gt3A_397 {add = true} : memref<32768xi32, #tpu.memory_space<vmem>>[vector<16xi32>], vector<16xi32>, vector<16xi1>
        %get3A_398 = arith.index_cast %scan3A_343 : i32 to index
        %get3A_399 = arith.constant 96 : index
        %get3A_400 = tpu.vector_load %arg4[%get3A_398, %get3A_399] {strides = array<i32>} : memref<168x128xi32, #tpu.memory_space<vmem>>, vector<16xi32>,
        %shift_right_arithmetic3A_401 = arith.constant 16 : i32
        %shift_right_arithmetic3A_402 = vector.broadcast %shift_right_arithmetic3A_401 : i32 to vector<16xi32>
        %shift_right_arithmetic3A_403 = arith.shrsi %get3A_400, %shift_right_arithmetic3A_402 : vector<16xi32>
        %gt3A_404 = arith.constant 0 : i32
        %gt3A_405 = vector.broadcast %gt3A_404 : i32 to vector<16xi32>
        %gt3A_406 = arith.cmpi sgt, %get3A_400, %gt3A_405 : vector<16xi32>
        tpu.vector_store_idx %arg6[%shift_right_arithmetic3A_403], %broadcast_in_dim3A_31 masked %gt3A_406 {add = true} : memref<32768xi32, #tpu.memory_space<vmem>>[vector<16xi32>], vector<16xi32>, vector<16xi1>
        %get3A_407 = arith.index_cast %scan3A_343 : i32 to index
        %get3A_408 = arith.constant 112 : index
        %get3A_409 = tpu.vector_load %arg4[%get3A_407, %get3A_408] {strides = array<i32>} : memref<168x128xi32, #tpu.memory_space<vmem>>, vector<16xi32>,
        %shift_right_arithmetic3A_410 = arith.constant 16 : i32
        %shift_right_arithmetic3A_411 = vector.broadcast %shift_right_arithmetic3A_410 : i32 to vector<16xi32>
        %shift_right_arithmetic3A_412 = arith.shrsi %get3A_409, %shift_right_arithmetic3A_411 : vector<16xi32>
        %gt3A_413 = arith.constant 0 : i32
        %gt3A_414 = vector.broadcast %gt3A_413 : i32 to vector<16xi32>
        %gt3A_415 = arith.cmpi sgt, %get3A_409, %gt3A_414 : vector<16xi32>
        tpu.vector_store_idx %arg7[%shift_right_arithmetic3A_412], %broadcast_in_dim3A_31 masked %gt3A_415 {add = true} : memref<32768xi32, #tpu.memory_space<vmem>>[vector<16xi32>], vector<16xi32>, vector<16xi1>
      }
      %scan3A_93 = arith.constant 168 : i32
      %add3A_94 = arith.constant 1 : i32
      %add3A_95 = arith.addi %mul3A_67, %add3A_94 : i32
      %mul3A_96 = arith.constant 168 : i32
      %mul3A_97 = arith.muli %add3A_95, %mul3A_96 : i32
      %add3A_98 = arith.addi %mul3A_33, %mul3A_97 : i32
      %dma_wait3A_99 = arith.constant 0 : i32
      %dma_wait3A_100 = tpu.memref_slice %arg2[%select_n3A, %add3A_98, %dma_wait3A_99] : memref<8x37632x128xi32, #tpu.memory_space<hbm>> -> memref<1x168x128xi32, #tpu.memory_space<hbm>>
      %dma_wait3A_101 = tpu.memref_squeeze %dma_wait3A_100 : memref<1x168x128xi32, #tpu.memory_space<hbm>> -> memref<168x128xi32, #tpu.memory_space<hbm>>
      %dma_wait3A_102 = arith.constant 0 : i32
      %dma_wait3A_103 = tpu.memref_slice %arg2[%select_n3A, %add3A_98, %dma_wait3A_102] : memref<8x37632x128xi32, #tpu.memory_space<hbm>> -> memref<1x168x128xi32, #tpu.memory_space<hbm>>
      %dma_wait3A_104 = tpu.memref_squeeze %dma_wait3A_103 : memref<1x168x128xi32, #tpu.memory_space<hbm>> -> memref<168x128xi32, #tpu.memory_space<hbm>>
      tpu.wait_dma2 semaphore(%arg9 : memref<!tpu.dma_semaphore, #tpu.memory_space<semaphore_mem>>) src(%dma_wait3A_104 : memref<168x128xi32, #tpu.memory_space<hbm>>) dst(%arg5 : memref<168x128xi32, #tpu.memory_space<vmem>>)
      %add3A_105 = arith.constant 2 : i32
      %add3A_106 = arith.addi %mul3A_67, %add3A_105 : i32
      %rem3A_107 = arith.constant 56 : i32
      %rem3A_108 = arith.remsi %add3A_106, %rem3A_107 : i32
      %mul3A_109 = arith.constant 168 : i32
      %mul3A_110 = arith.muli %rem3A_108, %mul3A_109 : i32
      %add3A_111 = arith.addi %mul3A_33, %mul3A_110 : i32
      %dma_start3A_112 = arith.constant 0 : i32
      %dma_start3A_113 = tpu.memref_slice %arg2[%select_n3A, %add3A_111, %dma_start3A_112] : memref<8x37632x128xi32, #tpu.memory_space<hbm>> -> memref<1x168x128xi32, #tpu.memory_space<hbm>>
      %dma_start3A_114 = tpu.memref_squeeze %dma_start3A_113 : memref<1x168x128xi32, #tpu.memory_space<hbm>> -> memref<168x128xi32, #tpu.memory_space<hbm>>
      %dma_start3A_115 = arith.constant 0 : i32
      %dma_start3A_116 = tpu.memref_slice %arg2[%select_n3A, %add3A_111, %dma_start3A_115] : memref<8x37632x128xi32, #tpu.memory_space<hbm>> -> memref<1x168x128xi32, #tpu.memory_space<hbm>>
      %dma_start3A_117 = tpu.memref_squeeze %dma_start3A_116 : memref<1x168x128xi32, #tpu.memory_space<hbm>> -> memref<168x128xi32, #tpu.memory_space<hbm>>
      tpu.enqueue_dma source(%dma_start3A_117 : memref<168x128xi32, #tpu.memory_space<hbm>>) target(%arg4 : memref<168x128xi32, #tpu.memory_space<vmem>>) target_semaphore(%arg8 : memref<!tpu.dma_semaphore, #tpu.memory_space<semaphore_mem>>)
      %scan3A_118 = arith.constant 0 : i32
      %scan3A_119 = arith.constant 0 : i32
      %scan3A_120 = arith.constant 168 : i32
      %scan3A_121 = arith.addi %scan3A_119, %scan3A_120 : i32
      %scan3A_122 = arith.constant 4 : i32
      scf.for %scan3A_124 = %scan3A_119 to %scan3A_121 step %scan3A_122  : i32 {
        %get3A = arith.index_cast %scan3A_124 : i32 to index
        %get3A_125 = arith.constant 0 : index
        %get3A_126 = tpu.vector_load %arg5[%get3A, %get3A_125] {strides = array<i32>} : memref<168x128xi32, #tpu.memory_space<vmem>>, vector<16xi32>,
        %shift_right_arithmetic3A = arith.constant 16 : i32
        %shift_right_arithmetic3A_127 = vector.broadcast %shift_right_arithmetic3A : i32 to vector<16xi32>
        %shift_right_arithmetic3A_128 = arith.shrsi %get3A_126, %shift_right_arithmetic3A_127 : vector<16xi32>
        %gt3A = arith.constant 0 : i32
        %gt3A_129 = vector.broadcast %gt3A : i32 to vector<16xi32>
        %gt3A_130 = arith.cmpi sgt, %get3A_126, %gt3A_129 : vector<16xi32>
        tpu.vector_store_idx %arg6[%shift_right_arithmetic3A_128], %broadcast_in_dim3A_31 masked %gt3A_130 {add = true} : memref<32768xi32, #tpu.memory_space<vmem>>[vector<16xi32>], vector<16xi32>, vector<16xi1>
        %get3A_131 = arith.index_cast %scan3A_124 : i32 to index
        %get3A_132 = arith.constant 16 : index
        %get3A_133 = tpu.vector_load %arg5[%get3A_131, %get3A_132] {strides = array<i32>} : memref<168x128xi32, #tpu.memory_space<vmem>>, vector<16xi32>,
        %shift_right_arithmetic3A_134 = arith.constant 16 : i32
        %shift_right_arithmetic3A_135 = vector.broadcast %shift_right_arithmetic3A_134 : i32 to vector<16xi32>
        %shift_right_arithmetic3A_136 = arith.shrsi %get3A_133, %shift_right_arithmetic3A_135 : vector<16xi32>
        %gt3A_137 = arith.constant 0 : i32
        %gt3A_138 = vector.broadcast %gt3A_137 : i32 to vector<16xi32>
        %gt3A_139 = arith.cmpi sgt, %get3A_133, %gt3A_138 : vector<16xi32>
        tpu.vector_store_idx %arg7[%shift_right_arithmetic3A_136], %broadcast_in_dim3A_31 masked %gt3A_139 {add = true} : memref<32768xi32, #tpu.memory_space<vmem>>[vector<16xi32>], vector<16xi32>, vector<16xi1>
        %get3A_140 = arith.index_cast %scan3A_124 : i32 to index
        %get3A_141 = arith.constant 32 : index
        %get3A_142 = tpu.vector_load %arg5[%get3A_140, %get3A_141] {strides = array<i32>} : memref<168x128xi32, #tpu.memory_space<vmem>>, vector<16xi32>,
        %shift_right_arithmetic3A_143 = arith.constant 16 : i32
        %shift_right_arithmetic3A_144 = vector.broadcast %shift_right_arithmetic3A_143 : i32 to vector<16xi32>
        %shift_right_arithmetic3A_145 = arith.shrsi %get3A_142, %shift_right_arithmetic3A_144 : vector<16xi32>
        %gt3A_146 = arith.constant 0 : i32
        %gt3A_147 = vector.broadcast %gt3A_146 : i32 to vector<16xi32>
        %gt3A_148 = arith.cmpi sgt, %get3A_142, %gt3A_147 : vector<16xi32>
        tpu.vector_store_idx %arg6[%shift_right_arithmetic3A_145], %broadcast_in_dim3A_31 masked %gt3A_148 {add = true} : memref<32768xi32, #tpu.memory_space<vmem>>[vector<16xi32>], vector<16xi32>, vector<16xi1>
        %get3A_149 = arith.index_cast %scan3A_124 : i32 to index
        %get3A_150 = arith.constant 48 : index
        %get3A_151 = tpu.vector_load %arg5[%get3A_149, %get3A_150] {strides = array<i32>} : memref<168x128xi32, #tpu.memory_space<vmem>>, vector<16xi32>,
        %shift_right_arithmetic3A_152 = arith.constant 16 : i32
        %shift_right_arithmetic3A_153 = vector.broadcast %shift_right_arithmetic3A_152 : i32 to vector<16xi32>
        %shift_right_arithmetic3A_154 = arith.shrsi %get3A_151, %shift_right_arithmetic3A_153 : vector<16xi32>
        %gt3A_155 = arith.constant 0 : i32
        %gt3A_156 = vector.broadcast %gt3A_155 : i32 to vector<16xi32>
        %gt3A_157 = arith.cmpi sgt, %get3A_151, %gt3A_156 : vector<16xi32>
        tpu.vector_store_idx %arg7[%shift_right_arithmetic3A_154], %broadcast_in_dim3A_31 masked %gt3A_157 {add = true} : memref<32768xi32, #tpu.memory_space<vmem>>[vector<16xi32>], vector<16xi32>, vector<16xi1>
        %get3A_158 = arith.index_cast %scan3A_124 : i32 to index
        %get3A_159 = arith.constant 64 : index
        %get3A_160 = tpu.vector_load %arg5[%get3A_158, %get3A_159] {strides = array<i32>} : memref<168x128xi32, #tpu.memory_space<vmem>>, vector<16xi32>,
        %shift_right_arithmetic3A_161 = arith.constant 16 : i32
        %shift_right_arithmetic3A_162 = vector.broadcast %shift_right_arithmetic3A_161 : i32 to vector<16xi32>
        %shift_right_arithmetic3A_163 = arith.shrsi %get3A_160, %shift_right_arithmetic3A_162 : vector<16xi32>
        %gt3A_164 = arith.constant 0 : i32
        %gt3A_165 = vector.broadcast %gt3A_164 : i32 to vector<16xi32>
        %gt3A_166 = arith.cmpi sgt, %get3A_160, %gt3A_165 : vector<16xi32>
        tpu.vector_store_idx %arg6[%shift_right_arithmetic3A_163], %broadcast_in_dim3A_31 masked %gt3A_166 {add = true} : memref<32768xi32, #tpu.memory_space<vmem>>[vector<16xi32>], vector<16xi32>, vector<16xi1>
        %get3A_167 = arith.index_cast %scan3A_124 : i32 to index
        %get3A_168 = arith.constant 80 : index
        %get3A_169 = tpu.vector_load %arg5[%get3A_167, %get3A_168] {strides = array<i32>} : memref<168x128xi32, #tpu.memory_space<vmem>>, vector<16xi32>,
        %shift_right_arithmetic3A_170 = arith.constant 16 : i32
        %shift_right_arithmetic3A_171 = vector.broadcast %shift_right_arithmetic3A_170 : i32 to vector<16xi32>
        %shift_right_arithmetic3A_172 = arith.shrsi %get3A_169, %shift_right_arithmetic3A_171 : vector<16xi32>
        %gt3A_173 = arith.constant 0 : i32
        %gt3A_174 = vector.broadcast %gt3A_173 : i32 to vector<16xi32>
        %gt3A_175 = arith.cmpi sgt, %get3A_169, %gt3A_174 : vector<16xi32>
        tpu.vector_store_idx %arg7[%shift_right_arithmetic3A_172], %broadcast_in_dim3A_31 masked %gt3A_175 {add = true} : memref<32768xi32, #tpu.memory_space<vmem>>[vector<16xi32>], vector<16xi32>, vector<16xi1>
        %get3A_176 = arith.index_cast %scan3A_124 : i32 to index
        %get3A_177 = arith.constant 96 : index
        %get3A_178 = tpu.vector_load %arg5[%get3A_176, %get3A_177] {strides = array<i32>} : memref<168x128xi32, #tpu.memory_space<vmem>>, vector<16xi32>,
        %shift_right_arithmetic3A_179 = arith.constant 16 : i32
        %shift_right_arithmetic3A_180 = vector.broadcast %shift_right_arithmetic3A_179 : i32 to vector<16xi32>
        %shift_right_arithmetic3A_181 = arith.shrsi %get3A_178, %shift_right_arithmetic3A_180 : vector<16xi32>
        %gt3A_182 = arith.constant 0 : i32
        %gt3A_183 = vector.broadcast %gt3A_182 : i32 to vector<16xi32>
        %gt3A_184 = arith.cmpi sgt, %get3A_178, %gt3A_183 : vector<16xi32>
        tpu.vector_store_idx %arg6[%shift_right_arithmetic3A_181], %broadcast_in_dim3A_31 masked %gt3A_184 {add = true} : memref<32768xi32, #tpu.memory_space<vmem>>[vector<16xi32>], vector<16xi32>, vector<16xi1>
        %get3A_185 = arith.index_cast %scan3A_124 : i32 to index
        %get3A_186 = arith.constant 112 : index
        %get3A_187 = tpu.vector_load %arg5[%get3A_185, %get3A_186] {strides = array<i32>} : memref<168x128xi32, #tpu.memory_space<vmem>>, vector<16xi32>,
        %shift_right_arithmetic3A_188 = arith.constant 16 : i32
        %shift_right_arithmetic3A_189 = vector.broadcast %shift_right_arithmetic3A_188 : i32 to vector<16xi32>
        %shift_right_arithmetic3A_190 = arith.shrsi %get3A_187, %shift_right_arithmetic3A_189 : vector<16xi32>
        %gt3A_191 = arith.constant 0 : i32
        %gt3A_192 = vector.broadcast %gt3A_191 : i32 to vector<16xi32>
        %gt3A_193 = arith.cmpi sgt, %get3A_187, %gt3A_192 : vector<16xi32>
        tpu.vector_store_idx %arg7[%shift_right_arithmetic3A_190], %broadcast_in_dim3A_31 masked %gt3A_193 {add = true} : memref<32768xi32, #tpu.memory_space<vmem>>[vector<16xi32>], vector<16xi32>, vector<16xi1>
        %scan3A_194 = arith.constant 1 : i32
        %scan3A_195 = arith.addi %scan3A_124, %scan3A_194 : i32
        %get3A_196 = arith.index_cast %scan3A_195 : i32 to index
        %get3A_197 = arith.constant 0 : index
        %get3A_198 = tpu.vector_load %arg5[%get3A_196, %get3A_197] {strides = array<i32>} : memref<168x128xi32, #tpu.memory_space<vmem>>, vector<16xi32>,
        %shift_right_arithmetic3A_199 = arith.constant 16 : i32
        %shift_right_arithmetic3A_200 = vector.broadcast %shift_right_arithmetic3A_199 : i32 to vector<16xi32>
        %shift_right_arithmetic3A_201 = arith.shrsi %get3A_198, %shift_right_arithmetic3A_200 : vector<16xi32>
        %gt3A_202 = arith.constant 0 : i32
        %gt3A_203 = vector.broadcast %gt3A_202 : i32 to vector<16xi32>
        %gt3A_204 = arith.cmpi sgt, %get3A_198, %gt3A_203 : vector<16xi32>
        tpu.vector_store_idx %arg6[%shift_right_arithmetic3A_201], %broadcast_in_dim3A_31 masked %gt3A_204 {add = true} : memref<32768xi32, #tpu.memory_space<vmem>>[vector<16xi32>], vector<16xi32>, vector<16xi1>
        %get3A_205 = arith.index_cast %scan3A_195 : i32 to index
        %get3A_206 = arith.constant 16 : index
        %get3A_207 = tpu.vector_load %arg5[%get3A_205, %get3A_206] {strides = array<i32>} : memref<168x128xi32, #tpu.memory_space<vmem>>, vector<16xi32>,
        %shift_right_arithmetic3A_208 = arith.constant 16 : i32
        %shift_right_arithmetic3A_209 = vector.broadcast %shift_right_arithmetic3A_208 : i32 to vector<16xi32>
        %shift_right_arithmetic3A_210 = arith.shrsi %get3A_207, %shift_right_arithmetic3A_209 : vector<16xi32>
        %gt3A_211 = arith.constant 0 : i32
        %gt3A_212 = vector.broadcast %gt3A_211 : i32 to vector<16xi32>
        %gt3A_213 = arith.cmpi sgt, %get3A_207, %gt3A_212 : vector<16xi32>
        tpu.vector_store_idx %arg7[%shift_right_arithmetic3A_210], %broadcast_in_dim3A_31 masked %gt3A_213 {add = true} : memref<32768xi32, #tpu.memory_space<vmem>>[vector<16xi32>], vector<16xi32>, vector<16xi1>
        %get3A_214 = arith.index_cast %scan3A_195 : i32 to index
        %get3A_215 = arith.constant 32 : index
        %get3A_216 = tpu.vector_load %arg5[%get3A_214, %get3A_215] {strides = array<i32>} : memref<168x128xi32, #tpu.memory_space<vmem>>, vector<16xi32>,
        %shift_right_arithmetic3A_217 = arith.constant 16 : i32
        %shift_right_arithmetic3A_218 = vector.broadcast %shift_right_arithmetic3A_217 : i32 to vector<16xi32>
        %shift_right_arithmetic3A_219 = arith.shrsi %get3A_216, %shift_right_arithmetic3A_218 : vector<16xi32>
        %gt3A_220 = arith.constant 0 : i32
        %gt3A_221 = vector.broadcast %gt3A_220 : i32 to vector<16xi32>
        %gt3A_222 = arith.cmpi sgt, %get3A_216, %gt3A_221 : vector<16xi32>
        tpu.vector_store_idx %arg6[%shift_right_arithmetic3A_219], %broadcast_in_dim3A_31 masked %gt3A_222 {add = true} : memref<32768xi32, #tpu.memory_space<vmem>>[vector<16xi32>], vector<16xi32>, vector<16xi1>
        %get3A_223 = arith.index_cast %scan3A_195 : i32 to index
        %get3A_224 = arith.constant 48 : index
        %get3A_225 = tpu.vector_load %arg5[%get3A_223, %get3A_224] {strides = array<i32>} : memref<168x128xi32, #tpu.memory_space<vmem>>, vector<16xi32>,
        %shift_right_arithmetic3A_226 = arith.constant 16 : i32
        %shift_right_arithmetic3A_227 = vector.broadcast %shift_right_arithmetic3A_226 : i32 to vector<16xi32>
        %shift_right_arithmetic3A_228 = arith.shrsi %get3A_225, %shift_right_arithmetic3A_227 : vector<16xi32>
        %gt3A_229 = arith.constant 0 : i32
        %gt3A_230 = vector.broadcast %gt3A_229 : i32 to vector<16xi32>
        %gt3A_231 = arith.cmpi sgt, %get3A_225, %gt3A_230 : vector<16xi32>
        tpu.vector_store_idx %arg7[%shift_right_arithmetic3A_228], %broadcast_in_dim3A_31 masked %gt3A_231 {add = true} : memref<32768xi32, #tpu.memory_space<vmem>>[vector<16xi32>], vector<16xi32>, vector<16xi1>
        %get3A_232 = arith.index_cast %scan3A_195 : i32 to index
        %get3A_233 = arith.constant 64 : index
        %get3A_234 = tpu.vector_load %arg5[%get3A_232, %get3A_233] {strides = array<i32>} : memref<168x128xi32, #tpu.memory_space<vmem>>, vector<16xi32>,
        %shift_right_arithmetic3A_235 = arith.constant 16 : i32
        %shift_right_arithmetic3A_236 = vector.broadcast %shift_right_arithmetic3A_235 : i32 to vector<16xi32>
        %shift_right_arithmetic3A_237 = arith.shrsi %get3A_234, %shift_right_arithmetic3A_236 : vector<16xi32>
        %gt3A_238 = arith.constant 0 : i32
        %gt3A_239 = vector.broadcast %gt3A_238 : i32 to vector<16xi32>
        %gt3A_240 = arith.cmpi sgt, %get3A_234, %gt3A_239 : vector<16xi32>
        tpu.vector_store_idx %arg6[%shift_right_arithmetic3A_237], %broadcast_in_dim3A_31 masked %gt3A_240 {add = true} : memref<32768xi32, #tpu.memory_space<vmem>>[vector<16xi32>], vector<16xi32>, vector<16xi1>
        %get3A_241 = arith.index_cast %scan3A_195 : i32 to index
        %get3A_242 = arith.constant 80 : index
        %get3A_243 = tpu.vector_load %arg5[%get3A_241, %get3A_242] {strides = array<i32>} : memref<168x128xi32, #tpu.memory_space<vmem>>, vector<16xi32>,
        %shift_right_arithmetic3A_244 = arith.constant 16 : i32
        %shift_right_arithmetic3A_245 = vector.broadcast %shift_right_arithmetic3A_244 : i32 to vector<16xi32>
        %shift_right_arithmetic3A_246 = arith.shrsi %get3A_243, %shift_right_arithmetic3A_245 : vector<16xi32>
        %gt3A_247 = arith.constant 0 : i32
        %gt3A_248 = vector.broadcast %gt3A_247 : i32 to vector<16xi32>
        %gt3A_249 = arith.cmpi sgt, %get3A_243, %gt3A_248 : vector<16xi32>
        tpu.vector_store_idx %arg7[%shift_right_arithmetic3A_246], %broadcast_in_dim3A_31 masked %gt3A_249 {add = true} : memref<32768xi32, #tpu.memory_space<vmem>>[vector<16xi32>], vector<16xi32>, vector<16xi1>
        %get3A_250 = arith.index_cast %scan3A_195 : i32 to index
        %get3A_251 = arith.constant 96 : index
        %get3A_252 = tpu.vector_load %arg5[%get3A_250, %get3A_251] {strides = array<i32>} : memref<168x128xi32, #tpu.memory_space<vmem>>, vector<16xi32>,
        %shift_right_arithmetic3A_253 = arith.constant 16 : i32
        %shift_right_arithmetic3A_254 = vector.broadcast %shift_right_arithmetic3A_253 : i32 to vector<16xi32>
        %shift_right_arithmetic3A_255 = arith.shrsi %get3A_252, %shift_right_arithmetic3A_254 : vector<16xi32>
        %gt3A_256 = arith.constant 0 : i32
        %gt3A_257 = vector.broadcast %gt3A_256 : i32 to vector<16xi32>
        %gt3A_258 = arith.cmpi sgt, %get3A_252, %gt3A_257 : vector<16xi32>
        tpu.vector_store_idx %arg6[%shift_right_arithmetic3A_255], %broadcast_in_dim3A_31 masked %gt3A_258 {add = true} : memref<32768xi32, #tpu.memory_space<vmem>>[vector<16xi32>], vector<16xi32>, vector<16xi1>
        %get3A_259 = arith.index_cast %scan3A_195 : i32 to index
        %get3A_260 = arith.constant 112 : index
        %get3A_261 = tpu.vector_load %arg5[%get3A_259, %get3A_260] {strides = array<i32>} : memref<168x128xi32, #tpu.memory_space<vmem>>, vector<16xi32>,
        %shift_right_arithmetic3A_262 = arith.constant 16 : i32
        %shift_right_arithmetic3A_263 = vector.broadcast %shift_right_arithmetic3A_262 : i32 to vector<16xi32>
        %shift_right_arithmetic3A_264 = arith.shrsi %get3A_261, %shift_right_arithmetic3A_263 : vector<16xi32>
        %gt3A_265 = arith.constant 0 : i32
        %gt3A_266 = vector.broadcast %gt3A_265 : i32 to vector<16xi32>
        %gt3A_267 = arith.cmpi sgt, %get3A_261, %gt3A_266 : vector<16xi32>
        tpu.vector_store_idx %arg7[%shift_right_arithmetic3A_264], %broadcast_in_dim3A_31 masked %gt3A_267 {add = true} : memref<32768xi32, #tpu.memory_space<vmem>>[vector<16xi32>], vector<16xi32>, vector<16xi1>
        %scan3A_268 = arith.constant 2 : i32
        %scan3A_269 = arith.addi %scan3A_124, %scan3A_268 : i32
        %get3A_270 = arith.index_cast %scan3A_269 : i32 to index
        %get3A_271 = arith.constant 0 : index
        %get3A_272 = tpu.vector_load %arg5[%get3A_270, %get3A_271] {strides = array<i32>} : memref<168x128xi32, #tpu.memory_space<vmem>>, vector<16xi32>,
        %shift_right_arithmetic3A_273 = arith.constant 16 : i32
        %shift_right_arithmetic3A_274 = vector.broadcast %shift_right_arithmetic3A_273 : i32 to vector<16xi32>
        %shift_right_arithmetic3A_275 = arith.shrsi %get3A_272, %shift_right_arithmetic3A_274 : vector<16xi32>
        %gt3A_276 = arith.constant 0 : i32
        %gt3A_277 = vector.broadcast %gt3A_276 : i32 to vector<16xi32>
        %gt3A_278 = arith.cmpi sgt, %get3A_272, %gt3A_277 : vector<16xi32>
        tpu.vector_store_idx %arg6[%shift_right_arithmetic3A_275], %broadcast_in_dim3A_31 masked %gt3A_278 {add = true} : memref<32768xi32, #tpu.memory_space<vmem>>[vector<16xi32>], vector<16xi32>, vector<16xi1>
        %get3A_279 = arith.index_cast %scan3A_269 : i32 to index
        %get3A_280 = arith.constant 16 : index
        %get3A_281 = tpu.vector_load %arg5[%get3A_279, %get3A_280] {strides = array<i32>} : memref<168x128xi32, #tpu.memory_space<vmem>>, vector<16xi32>,
        %shift_right_arithmetic3A_282 = arith.constant 16 : i32
        %shift_right_arithmetic3A_283 = vector.broadcast %shift_right_arithmetic3A_282 : i32 to vector<16xi32>
        %shift_right_arithmetic3A_284 = arith.shrsi %get3A_281, %shift_right_arithmetic3A_283 : vector<16xi32>
        %gt3A_285 = arith.constant 0 : i32
        %gt3A_286 = vector.broadcast %gt3A_285 : i32 to vector<16xi32>
        %gt3A_287 = arith.cmpi sgt, %get3A_281, %gt3A_286 : vector<16xi32>
        tpu.vector_store_idx %arg7[%shift_right_arithmetic3A_284], %broadcast_in_dim3A_31 masked %gt3A_287 {add = true} : memref<32768xi32, #tpu.memory_space<vmem>>[vector<16xi32>], vector<16xi32>, vector<16xi1>
        %get3A_288 = arith.index_cast %scan3A_269 : i32 to index
        %get3A_289 = arith.constant 32 : index
        %get3A_290 = tpu.vector_load %arg5[%get3A_288, %get3A_289] {strides = array<i32>} : memref<168x128xi32, #tpu.memory_space<vmem>>, vector<16xi32>,
        %shift_right_arithmetic3A_291 = arith.constant 16 : i32
        %shift_right_arithmetic3A_292 = vector.broadcast %shift_right_arithmetic3A_291 : i32 to vector<16xi32>
        %shift_right_arithmetic3A_293 = arith.shrsi %get3A_290, %shift_right_arithmetic3A_292 : vector<16xi32>
        %gt3A_294 = arith.constant 0 : i32
        %gt3A_295 = vector.broadcast %gt3A_294 : i32 to vector<16xi32>
        %gt3A_296 = arith.cmpi sgt, %get3A_290, %gt3A_295 : vector<16xi32>
        tpu.vector_store_idx %arg6[%shift_right_arithmetic3A_293], %broadcast_in_dim3A_31 masked %gt3A_296 {add = true} : memref<32768xi32, #tpu.memory_space<vmem>>[vector<16xi32>], vector<16xi32>, vector<16xi1>
        %get3A_297 = arith.index_cast %scan3A_269 : i32 to index
        %get3A_298 = arith.constant 48 : index
        %get3A_299 = tpu.vector_load %arg5[%get3A_297, %get3A_298] {strides = array<i32>} : memref<168x128xi32, #tpu.memory_space<vmem>>, vector<16xi32>,
        %shift_right_arithmetic3A_300 = arith.constant 16 : i32
        %shift_right_arithmetic3A_301 = vector.broadcast %shift_right_arithmetic3A_300 : i32 to vector<16xi32>
        %shift_right_arithmetic3A_302 = arith.shrsi %get3A_299, %shift_right_arithmetic3A_301 : vector<16xi32>
        %gt3A_303 = arith.constant 0 : i32
        %gt3A_304 = vector.broadcast %gt3A_303 : i32 to vector<16xi32>
        %gt3A_305 = arith.cmpi sgt, %get3A_299, %gt3A_304 : vector<16xi32>
        tpu.vector_store_idx %arg7[%shift_right_arithmetic3A_302], %broadcast_in_dim3A_31 masked %gt3A_305 {add = true} : memref<32768xi32, #tpu.memory_space<vmem>>[vector<16xi32>], vector<16xi32>, vector<16xi1>
        %get3A_306 = arith.index_cast %scan3A_269 : i32 to index
        %get3A_307 = arith.constant 64 : index
        %get3A_308 = tpu.vector_load %arg5[%get3A_306, %get3A_307] {strides = array<i32>} : memref<168x128xi32, #tpu.memory_space<vmem>>, vector<16xi32>,
        %shift_right_arithmetic3A_309 = arith.constant 16 : i32
        %shift_right_arithmetic3A_310 = vector.broadcast %shift_right_arithmetic3A_309 : i32 to vector<16xi32>
        %shift_right_arithmetic3A_311 = arith.shrsi %get3A_308, %shift_right_arithmetic3A_310 : vector<16xi32>
        %gt3A_312 = arith.constant 0 : i32
        %gt3A_313 = vector.broadcast %gt3A_312 : i32 to vector<16xi32>
        %gt3A_314 = arith.cmpi sgt, %get3A_308, %gt3A_313 : vector<16xi32>
        tpu.vector_store_idx %arg6[%shift_right_arithmetic3A_311], %broadcast_in_dim3A_31 masked %gt3A_314 {add = true} : memref<32768xi32, #tpu.memory_space<vmem>>[vector<16xi32>], vector<16xi32>, vector<16xi1>
        %get3A_315 = arith.index_cast %scan3A_269 : i32 to index
        %get3A_316 = arith.constant 80 : index
        %get3A_317 = tpu.vector_load %arg5[%get3A_315, %get3A_316] {strides = array<i32>} : memref<168x128xi32, #tpu.memory_space<vmem>>, vector<16xi32>,
        %shift_right_arithmetic3A_318 = arith.constant 16 : i32
        %shift_right_arithmetic3A_319 = vector.broadcast %shift_right_arithmetic3A_318 : i32 to vector<16xi32>
        %shift_right_arithmetic3A_320 = arith.shrsi %get3A_317, %shift_right_arithmetic3A_319 : vector<16xi32>
        %gt3A_321 = arith.constant 0 : i32
        %gt3A_322 = vector.broadcast %gt3A_321 : i32 to vector<16xi32>
        %gt3A_323 = arith.cmpi sgt, %get3A_317, %gt3A_322 : vector<16xi32>
        tpu.vector_store_idx %arg7[%shift_right_arithmetic3A_320], %broadcast_in_dim3A_31 masked %gt3A_323 {add = true} : memref<32768xi32, #tpu.memory_space<vmem>>[vector<16xi32>], vector<16xi32>, vector<16xi1>
        %get3A_324 = arith.index_cast %scan3A_269 : i32 to index
        %get3A_325 = arith.constant 96 : index
        %get3A_326 = tpu.vector_load %arg5[%get3A_324, %get3A_325] {strides = array<i32>} : memref<168x128xi32, #tpu.memory_space<vmem>>, vector<16xi32>,
        %shift_right_arithmetic3A_327 = arith.constant 16 : i32
        %shift_right_arithmetic3A_328 = vector.broadcast %shift_right_arithmetic3A_327 : i32 to vector<16xi32>
        %shift_right_arithmetic3A_329 = arith.shrsi %get3A_326, %shift_right_arithmetic3A_328 : vector<16xi32>
        %gt3A_330 = arith.constant 0 : i32
        %gt3A_331 = vector.broadcast %gt3A_330 : i32 to vector<16xi32>
        %gt3A_332 = arith.cmpi sgt, %get3A_326, %gt3A_331 : vector<16xi32>
        tpu.vector_store_idx %arg6[%shift_right_arithmetic3A_329], %broadcast_in_dim3A_31 masked %gt3A_332 {add = true} : memref<32768xi32, #tpu.memory_space<vmem>>[vector<16xi32>], vector<16xi32>, vector<16xi1>
        %get3A_333 = arith.index_cast %scan3A_269 : i32 to index
        %get3A_334 = arith.constant 112 : index
        %get3A_335 = tpu.vector_load %arg5[%get3A_333, %get3A_334] {strides = array<i32>} : memref<168x128xi32, #tpu.memory_space<vmem>>, vector<16xi32>,
        %shift_right_arithmetic3A_336 = arith.constant 16 : i32
        %shift_right_arithmetic3A_337 = vector.broadcast %shift_right_arithmetic3A_336 : i32 to vector<16xi32>
        %shift_right_arithmetic3A_338 = arith.shrsi %get3A_335, %shift_right_arithmetic3A_337 : vector<16xi32>
        %gt3A_339 = arith.constant 0 : i32
        %gt3A_340 = vector.broadcast %gt3A_339 : i32 to vector<16xi32>
        %gt3A_341 = arith.cmpi sgt, %get3A_335, %gt3A_340 : vector<16xi32>
        tpu.vector_store_idx %arg7[%shift_right_arithmetic3A_338], %broadcast_in_dim3A_31 masked %gt3A_341 {add = true} : memref<32768xi32, #tpu.memory_space<vmem>>[vector<16xi32>], vector<16xi32>, vector<16xi1>
        %scan3A_342 = arith.constant 3 : i32
        %scan3A_343 = arith.addi %scan3A_124, %scan3A_342 : i32
        %get3A_344 = arith.index_cast %scan3A_343 : i32 to index
        %get3A_345 = arith.constant 0 : index
        %get3A_346 = tpu.vector_load %arg5[%get3A_344, %get3A_345] {strides = array<i32>} : memref<168x128xi32, #tpu.memory_space<vmem>>, vector<16xi32>,
        %shift_right_arithmetic3A_347 = arith.constant 16 : i32
        %shift_right_arithmetic3A_348 = vector.broadcast %shift_right_arithmetic3A_347 : i32 to vector<16xi32>
        %shift_right_arithmetic3A_349 = arith.shrsi %get3A_346, %shift_right_arithmetic3A_348 : vector<16xi32>
        %gt3A_350 = arith.constant 0 : i32
        %gt3A_351 = vector.broadcast %gt3A_350 : i32 to vector<16xi32>
        %gt3A_352 = arith.cmpi sgt, %get3A_346, %gt3A_351 : vector<16xi32>
        tpu.vector_store_idx %arg6[%shift_right_arithmetic3A_349], %broadcast_in_dim3A_31 masked %gt3A_352 {add = true} : memref<32768xi32, #tpu.memory_space<vmem>>[vector<16xi32>], vector<16xi32>, vector<16xi1>
        %get3A_353 = arith.index_cast %scan3A_343 : i32 to index
        %get3A_354 = arith.constant 16 : index
        %get3A_355 = tpu.vector_load %arg5[%get3A_353, %get3A_354] {strides = array<i32>} : memref<168x128xi32, #tpu.memory_space<vmem>>, vector<16xi32>,
        %shift_right_arithmetic3A_356 = arith.constant 16 : i32
        %shift_right_arithmetic3A_357 = vector.broadcast %shift_right_arithmetic3A_356 : i32 to vector<16xi32>
        %shift_right_arithmetic3A_358 = arith.shrsi %get3A_355, %shift_right_arithmetic3A_357 : vector<16xi32>
        %gt3A_359 = arith.constant 0 : i32
        %gt3A_360 = vector.broadcast %gt3A_359 : i32 to vector<16xi32>
        %gt3A_361 = arith.cmpi sgt, %get3A_355, %gt3A_360 : vector<16xi32>
        tpu.vector_store_idx %arg7[%shift_right_arithmetic3A_358], %broadcast_in_dim3A_31 masked %gt3A_361 {add = true} : memref<32768xi32, #tpu.memory_space<vmem>>[vector<16xi32>], vector<16xi32>, vector<16xi1>
        %get3A_362 = arith.index_cast %scan3A_343 : i32 to index
        %get3A_363 = arith.constant 32 : index
        %get3A_364 = tpu.vector_load %arg5[%get3A_362, %get3A_363] {strides = array<i32>} : memref<168x128xi32, #tpu.memory_space<vmem>>, vector<16xi32>,
        %shift_right_arithmetic3A_365 = arith.constant 16 : i32
        %shift_right_arithmetic3A_366 = vector.broadcast %shift_right_arithmetic3A_365 : i32 to vector<16xi32>
        %shift_right_arithmetic3A_367 = arith.shrsi %get3A_364, %shift_right_arithmetic3A_366 : vector<16xi32>
        %gt3A_368 = arith.constant 0 : i32
        %gt3A_369 = vector.broadcast %gt3A_368 : i32 to vector<16xi32>
        %gt3A_370 = arith.cmpi sgt, %get3A_364, %gt3A_369 : vector<16xi32>
        tpu.vector_store_idx %arg6[%shift_right_arithmetic3A_367], %broadcast_in_dim3A_31 masked %gt3A_370 {add = true} : memref<32768xi32, #tpu.memory_space<vmem>>[vector<16xi32>], vector<16xi32>, vector<16xi1>
        %get3A_371 = arith.index_cast %scan3A_343 : i32 to index
        %get3A_372 = arith.constant 48 : index
        %get3A_373 = tpu.vector_load %arg5[%get3A_371, %get3A_372] {strides = array<i32>} : memref<168x128xi32, #tpu.memory_space<vmem>>, vector<16xi32>,
        %shift_right_arithmetic3A_374 = arith.constant 16 : i32
        %shift_right_arithmetic3A_375 = vector.broadcast %shift_right_arithmetic3A_374 : i32 to vector<16xi32>
        %shift_right_arithmetic3A_376 = arith.shrsi %get3A_373, %shift_right_arithmetic3A_375 : vector<16xi32>
        %gt3A_377 = arith.constant 0 : i32
        %gt3A_378 = vector.broadcast %gt3A_377 : i32 to vector<16xi32>
        %gt3A_379 = arith.cmpi sgt, %get3A_373, %gt3A_378 : vector<16xi32>
        tpu.vector_store_idx %arg7[%shift_right_arithmetic3A_376], %broadcast_in_dim3A_31 masked %gt3A_379 {add = true} : memref<32768xi32, #tpu.memory_space<vmem>>[vector<16xi32>], vector<16xi32>, vector<16xi1>
        %get3A_380 = arith.index_cast %scan3A_343 : i32 to index
        %get3A_381 = arith.constant 64 : index
        %get3A_382 = tpu.vector_load %arg5[%get3A_380, %get3A_381] {strides = array<i32>} : memref<168x128xi32, #tpu.memory_space<vmem>>, vector<16xi32>,
        %shift_right_arithmetic3A_383 = arith.constant 16 : i32
        %shift_right_arithmetic3A_384 = vector.broadcast %shift_right_arithmetic3A_383 : i32 to vector<16xi32>
        %shift_right_arithmetic3A_385 = arith.shrsi %get3A_382, %shift_right_arithmetic3A_384 : vector<16xi32>
        %gt3A_386 = arith.constant 0 : i32
        %gt3A_387 = vector.broadcast %gt3A_386 : i32 to vector<16xi32>
        %gt3A_388 = arith.cmpi sgt, %get3A_382, %gt3A_387 : vector<16xi32>
        tpu.vector_store_idx %arg6[%shift_right_arithmetic3A_385], %broadcast_in_dim3A_31 masked %gt3A_388 {add = true} : memref<32768xi32, #tpu.memory_space<vmem>>[vector<16xi32>], vector<16xi32>, vector<16xi1>
        %get3A_389 = arith.index_cast %scan3A_343 : i32 to index
        %get3A_390 = arith.constant 80 : index
        %get3A_391 = tpu.vector_load %arg5[%get3A_389, %get3A_390] {strides = array<i32>} : memref<168x128xi32, #tpu.memory_space<vmem>>, vector<16xi32>,
        %shift_right_arithmetic3A_392 = arith.constant 16 : i32
        %shift_right_arithmetic3A_393 = vector.broadcast %shift_right_arithmetic3A_392 : i32 to vector<16xi32>
        %shift_right_arithmetic3A_394 = arith.shrsi %get3A_391, %shift_right_arithmetic3A_393 : vector<16xi32>
        %gt3A_395 = arith.constant 0 : i32
        %gt3A_396 = vector.broadcast %gt3A_395 : i32 to vector<16xi32>
        %gt3A_397 = arith.cmpi sgt, %get3A_391, %gt3A_396 : vector<16xi32>
        tpu.vector_store_idx %arg7[%shift_right_arithmetic3A_394], %broadcast_in_dim3A_31 masked %gt3A_397 {add = true} : memref<32768xi32, #tpu.memory_space<vmem>>[vector<16xi32>], vector<16xi32>, vector<16xi1>
        %get3A_398 = arith.index_cast %scan3A_343 : i32 to index
        %get3A_399 = arith.constant 96 : index
        %get3A_400 = tpu.vector_load %arg5[%get3A_398, %get3A_399] {strides = array<i32>} : memref<168x128xi32, #tpu.memory_space<vmem>>, vector<16xi32>,
        %shift_right_arithmetic3A_401 = arith.constant 16 : i32
        %shift_right_arithmetic3A_402 = vector.broadcast %shift_right_arithmetic3A_401 : i32 to vector<16xi32>
        %shift_right_arithmetic3A_403 = arith.shrsi %get3A_400, %shift_right_arithmetic3A_402 : vector<16xi32>
        %gt3A_404 = arith.constant 0 : i32
        %gt3A_405 = vector.broadcast %gt3A_404 : i32 to vector<16xi32>
        %gt3A_406 = arith.cmpi sgt, %get3A_400, %gt3A_405 : vector<16xi32>
        tpu.vector_store_idx %arg6[%shift_right_arithmetic3A_403], %broadcast_in_dim3A_31 masked %gt3A_406 {add = true} : memref<32768xi32, #tpu.memory_space<vmem>>[vector<16xi32>], vector<16xi32>, vector<16xi1>
        %get3A_407 = arith.index_cast %scan3A_343 : i32 to index
        %get3A_408 = arith.constant 112 : index
        %get3A_409 = tpu.vector_load %arg5[%get3A_407, %get3A_408] {strides = array<i32>} : memref<168x128xi32, #tpu.memory_space<vmem>>, vector<16xi32>,
        %shift_right_arithmetic3A_410 = arith.constant 16 : i32
        %shift_right_arithmetic3A_411 = vector.broadcast %shift_right_arithmetic3A_410 : i32 to vector<16xi32>
        %shift_right_arithmetic3A_412 = arith.shrsi %get3A_409, %shift_right_arithmetic3A_411 : vector<16xi32>
        %gt3A_413 = arith.constant 0 : i32
        %gt3A_414 = vector.broadcast %gt3A_413 : i32 to vector<16xi32>
        %gt3A_415 = arith.cmpi sgt, %get3A_409, %gt3A_414 : vector<16xi32>
        tpu.vector_store_idx %arg7[%shift_right_arithmetic3A_412], %broadcast_in_dim3A_31 masked %gt3A_415 {add = true} : memref<32768xi32, #tpu.memory_space<vmem>>[vector<16xi32>], vector<16xi32>, vector<16xi1>
      }
      %scan3A_123 = arith.constant 168 : i32
    }
    %scan3A_51 = arith.constant 28 : i32
    %add3A_52 = arith.constant 0 : i32
    %add3A_53 = arith.addi %mul3A_33, %add3A_52 : i32
    %dma_wait3A = arith.constant 0 : i32
    %dma_wait3A_54 = tpu.memref_slice %arg2[%select_n3A, %add3A_53, %dma_wait3A] : memref<8x37632x128xi32, #tpu.memory_space<hbm>> -> memref<1x168x128xi32, #tpu.memory_space<hbm>>
    %dma_wait3A_55 = tpu.memref_squeeze %dma_wait3A_54 : memref<1x168x128xi32, #tpu.memory_space<hbm>> -> memref<168x128xi32, #tpu.memory_space<hbm>>
    %dma_wait3A_56 = arith.constant 0 : i32
    %dma_wait3A_57 = tpu.memref_slice %arg2[%select_n3A, %add3A_53, %dma_wait3A_56] : memref<8x37632x128xi32, #tpu.memory_space<hbm>> -> memref<1x168x128xi32, #tpu.memory_space<hbm>>
    %dma_wait3A_58 = tpu.memref_squeeze %dma_wait3A_57 : memref<1x168x128xi32, #tpu.memory_space<hbm>> -> memref<168x128xi32, #tpu.memory_space<hbm>>
    tpu.wait_dma2 semaphore(%arg8 : memref<!tpu.dma_semaphore, #tpu.memory_space<semaphore_mem>>) src(%dma_wait3A_58 : memref<168x128xi32, #tpu.memory_space<hbm>>) dst(%arg4 : memref<168x128xi32, #tpu.memory_space<vmem>>)
    %scan3A_59 = arith.constant 0 : i32
    %scan3A_60 = arith.constant 0 : i32
    %scan3A_61 = arith.constant 2048 : i32
    %scan3A_62 = arith.addi %scan3A_60, %scan3A_61 : i32
    %scan3A_63 = arith.constant 8 : i32
    scf.for %scan3A_65 = %scan3A_60 to %scan3A_62 step %scan3A_63  : i32 {
      %mul3A_66 = arith.constant 16 : i32
      %mul3A_67 = arith.muli %scan3A_65, %mul3A_66 : i32
      %get3A = arith.index_cast %mul3A_67 : i32 to index
      %get3A_68 = tpu.vector_load %arg6[%get3A] {strides = array<i32>} : memref<32768xi32, #tpu.memory_space<vmem>>, vector<16xi32>,
      %get3A_69 = arith.index_cast %mul3A_67 : i32 to index
      %get3A_70 = tpu.vector_load %arg7[%get3A_69] {strides = array<i32>} : memref<32768xi32, #tpu.memory_space<vmem>>, vector<16xi32>,
      %add3A_71 = arith.addi %get3A_68, %get3A_70 : vector<16xi32>
      %swap3A = arith.index_cast %mul3A_67 : i32 to index
      %swap3A_72 = tpu.vector_load %arg6[%swap3A] {strides = array<i32>} : memref<32768xi32, #tpu.memory_space<vmem>>, vector<16xi32>,
      tpu.vector_store %arg6[%swap3A], %add3A_71 {strides = array<i32>} : memref<32768xi32, #tpu.memory_space<vmem>>, vector<16xi32>,
      %scan3A_73 = arith.constant 1 : i32
      %scan3A_74 = arith.addi %scan3A_65, %scan3A_73 : i32
      %mul3A_75 = arith.constant 16 : i32
      %mul3A_76 = arith.muli %scan3A_74, %mul3A_75 : i32
      %get3A_77 = arith.index_cast %mul3A_76 : i32 to index
      %get3A_78 = tpu.vector_load %arg6[%get3A_77] {strides = array<i32>} : memref<32768xi32, #tpu.memory_space<vmem>>, vector<16xi32>,
      %get3A_79 = arith.index_cast %mul3A_76 : i32 to index
      %get3A_80 = tpu.vector_load %arg7[%get3A_79] {strides = array<i32>} : memref<32768xi32, #tpu.memory_space<vmem>>, vector<16xi32>,
      %add3A_81 = arith.addi %get3A_78, %get3A_80 : vector<16xi32>
      %swap3A_82 = arith.index_cast %mul3A_76 : i32 to index
      %swap3A_83 = tpu.vector_load %arg6[%swap3A_82] {strides = array<i32>} : memref<32768xi32, #tpu.memory_space<vmem>>, vector<16xi32>,
      tpu.vector_store %arg6[%swap3A_82], %add3A_81 {strides = array<i32>} : memref<32768xi32, #tpu.memory_space<vmem>>, vector<16xi32>,
      %scan3A_84 = arith.constant 2 : i32
      %scan3A_85 = arith.addi %scan3A_65, %scan3A_84 : i32
      %mul3A_86 = arith.constant 16 : i32
      %mul3A_87 = arith.muli %scan3A_85, %mul3A_86 : i32
      %get3A_88 = arith.index_cast %mul3A_87 : i32 to index
      %get3A_89 = tpu.vector_load %arg6[%get3A_88] {strides = array<i32>} : memref<32768xi32, #tpu.memory_space<vmem>>, vector<16xi32>,
      %get3A_90 = arith.index_cast %mul3A_87 : i32 to index
      %get3A_91 = tpu.vector_load %arg7[%get3A_90] {strides = array<i32>} : memref<32768xi32, #tpu.memory_space<vmem>>, vector<16xi32>,
      %add3A_92 = arith.addi %get3A_89, %get3A_91 : vector<16xi32>
      %swap3A_93 = arith.index_cast %mul3A_87 : i32 to index
      %swap3A_94 = tpu.vector_load %arg6[%swap3A_93] {strides = array<i32>} : memref<32768xi32, #tpu.memory_space<vmem>>, vector<16xi32>,
      tpu.vector_store %arg6[%swap3A_93], %add3A_92 {strides = array<i32>} : memref<32768xi32, #tpu.memory_space<vmem>>, vector<16xi32>,
      %scan3A_95 = arith.constant 3 : i32
      %scan3A_96 = arith.addi %scan3A_65, %scan3A_95 : i32
      %mul3A_97 = arith.constant 16 : i32
      %mul3A_98 = arith.muli %scan3A_96, %mul3A_97 : i32
      %get3A_99 = arith.index_cast %mul3A_98 : i32 to index
      %get3A_100 = tpu.vector_load %arg6[%get3A_99] {strides = array<i32>} : memref<32768xi32, #tpu.memory_space<vmem>>, vector<16xi32>,
      %get3A_101 = arith.index_cast %mul3A_98 : i32 to index
      %get3A_102 = tpu.vector_load %arg7[%get3A_101] {strides = array<i32>} : memref<32768xi32, #tpu.memory_space<vmem>>, vector<16xi32>,
      %add3A_103 = arith.addi %get3A_100, %get3A_102 : vector<16xi32>
      %swap3A_104 = arith.index_cast %mul3A_98 : i32 to index
      %swap3A_105 = tpu.vector_load %arg6[%swap3A_104] {strides = array<i32>} : memref<32768xi32, #tpu.memory_space<vmem>>, vector<16xi32>,
      tpu.vector_store %arg6[%swap3A_104], %add3A_103 {strides = array<i32>} : memref<32768xi32, #tpu.memory_space<vmem>>, vector<16xi32>,
      %scan3A_106 = arith.constant 4 : i32
      %scan3A_107 = arith.addi %scan3A_65, %scan3A_106 : i32
      %mul3A_108 = arith.constant 16 : i32
      %mul3A_109 = arith.muli %scan3A_107, %mul3A_108 : i32
      %get3A_110 = arith.index_cast %mul3A_109 : i32 to index
      %get3A_111 = tpu.vector_load %arg6[%get3A_110] {strides = array<i32>} : memref<32768xi32, #tpu.memory_space<vmem>>, vector<16xi32>,
      %get3A_112 = arith.index_cast %mul3A_109 : i32 to index
      %get3A_113 = tpu.vector_load %arg7[%get3A_112] {strides = array<i32>} : memref<32768xi32, #tpu.memory_space<vmem>>, vector<16xi32>,
      %add3A_114 = arith.addi %get3A_111, %get3A_113 : vector<16xi32>
      %swap3A_115 = arith.index_cast %mul3A_109 : i32 to index
      %swap3A_116 = tpu.vector_load %arg6[%swap3A_115] {strides = array<i32>} : memref<32768xi32, #tpu.memory_space<vmem>>, vector<16xi32>,
      tpu.vector_store %arg6[%swap3A_115], %add3A_114 {strides = array<i32>} : memref<32768xi32, #tpu.memory_space<vmem>>, vector<16xi32>,
      %scan3A_117 = arith.constant 5 : i32
      %scan3A_118 = arith.addi %scan3A_65, %scan3A_117 : i32
      %mul3A_119 = arith.constant 16 : i32
      %mul3A_120 = arith.muli %scan3A_118, %mul3A_119 : i32
      %get3A_121 = arith.index_cast %mul3A_120 : i32 to index
      %get3A_122 = tpu.vector_load %arg6[%get3A_121] {strides = array<i32>} : memref<32768xi32, #tpu.memory_space<vmem>>, vector<16xi32>,
      %get3A_123 = arith.index_cast %mul3A_120 : i32 to index
      %get3A_124 = tpu.vector_load %arg7[%get3A_123] {strides = array<i32>} : memref<32768xi32, #tpu.memory_space<vmem>>, vector<16xi32>,
      %add3A_125 = arith.addi %get3A_122, %get3A_124 : vector<16xi32>
      %swap3A_126 = arith.index_cast %mul3A_120 : i32 to index
      %swap3A_127 = tpu.vector_load %arg6[%swap3A_126] {strides = array<i32>} : memref<32768xi32, #tpu.memory_space<vmem>>, vector<16xi32>,
      tpu.vector_store %arg6[%swap3A_126], %add3A_125 {strides = array<i32>} : memref<32768xi32, #tpu.memory_space<vmem>>, vector<16xi32>,
      %scan3A_128 = arith.constant 6 : i32
      %scan3A_129 = arith.addi %scan3A_65, %scan3A_128 : i32
      %mul3A_130 = arith.constant 16 : i32
      %mul3A_131 = arith.muli %scan3A_129, %mul3A_130 : i32
      %get3A_132 = arith.index_cast %mul3A_131 : i32 to index
      %get3A_133 = tpu.vector_load %arg6[%get3A_132] {strides = array<i32>} : memref<32768xi32, #tpu.memory_space<vmem>>, vector<16xi32>,
      %get3A_134 = arith.index_cast %mul3A_131 : i32 to index
      %get3A_135 = tpu.vector_load %arg7[%get3A_134] {strides = array<i32>} : memref<32768xi32, #tpu.memory_space<vmem>>, vector<16xi32>,
      %add3A_136 = arith.addi %get3A_133, %get3A_135 : vector<16xi32>
      %swap3A_137 = arith.index_cast %mul3A_131 : i32 to index
      %swap3A_138 = tpu.vector_load %arg6[%swap3A_137] {strides = array<i32>} : memref<32768xi32, #tpu.memory_space<vmem>>, vector<16xi32>,
      tpu.vector_store %arg6[%swap3A_137], %add3A_136 {strides = array<i32>} : memref<32768xi32, #tpu.memory_space<vmem>>, vector<16xi32>,
      %scan3A_139 = arith.constant 7 : i32
      %scan3A_140 = arith.addi %scan3A_65, %scan3A_139 : i32
      %mul3A_141 = arith.constant 16 : i32
      %mul3A_142 = arith.muli %scan3A_140, %mul3A_141 : i32
      %get3A_143 = arith.index_cast %mul3A_142 : i32 to index
      %get3A_144 = tpu.vector_load %arg6[%get3A_143] {strides = array<i32>} : memref<32768xi32, #tpu.memory_space<vmem>>, vector<16xi32>,
      %get3A_145 = arith.index_cast %mul3A_142 : i32 to index
      %get3A_146 = tpu.vector_load %arg7[%get3A_145] {strides = array<i32>} : memref<32768xi32, #tpu.memory_space<vmem>>, vector<16xi32>,
      %add3A_147 = arith.addi %get3A_144, %get3A_146 : vector<16xi32>
      %swap3A_148 = arith.index_cast %mul3A_142 : i32 to index
      %swap3A_149 = tpu.vector_load %arg6[%swap3A_148] {strides = array<i32>} : memref<32768xi32, #tpu.memory_space<vmem>>, vector<16xi32>,
      tpu.vector_store %arg6[%swap3A_148], %add3A_147 {strides = array<i32>} : memref<32768xi32, #tpu.memory_space<vmem>>, vector<16xi32>,
    }
    %scan3A_64 = arith.constant 2048 : i32
    "tpu.region"() ({
      %run_scoped3A = tpu.sem_alloc : memref<!tpu.dma_semaphore, #tpu.memory_space<semaphore_mem>>
      %dma_start3A_65 = arith.constant 0 : i32
      %dma_start3A_66 = tpu.memref_slice %arg3[%add3A, %dma_start3A_65] : memref<32x32768xi32, #tpu.memory_space<hbm>> -> memref<1x32768xi32, #tpu.memory_space<hbm>>
      %dma_start3A_67 = tpu.memref_squeeze %dma_start3A_66 : memref<1x32768xi32, #tpu.memory_space<hbm>> -> memref<32768xi32, #tpu.memory_space<hbm>>
      %dma_start3A_68 = arith.constant 0 : i32
      %dma_start3A_69 = tpu.memref_slice %arg3[%add3A, %dma_start3A_68] : memref<32x32768xi32, #tpu.memory_space<hbm>> -> memref<1x32768xi32, #tpu.memory_space<hbm>>
      %dma_start3A_70 = tpu.memref_squeeze %dma_start3A_69 : memref<1x32768xi32, #tpu.memory_space<hbm>> -> memref<32768xi32, #tpu.memory_space<hbm>>
      tpu.enqueue_dma source(%arg6 : memref<32768xi32, #tpu.memory_space<vmem>>) target(%dma_start3A_70 : memref<32768xi32, #tpu.memory_space<hbm>>) target_semaphore(%run_scoped3A : memref<!tpu.dma_semaphore, #tpu.memory_space<semaphore_mem>>)
      %dma_wait3A_71 = arith.constant 0 : i32
      %dma_wait3A_72 = tpu.memref_slice %arg3[%add3A, %dma_wait3A_71] : memref<32x32768xi32, #tpu.memory_space<hbm>> -> memref<1x32768xi32, #tpu.memory_space<hbm>>
      %dma_wait3A_73 = tpu.memref_squeeze %dma_wait3A_72 : memref<1x32768xi32, #tpu.memory_space<hbm>> -> memref<32768xi32, #tpu.memory_space<hbm>>
      %dma_wait3A_74 = arith.constant 0 : i32
      %dma_wait3A_75 = tpu.memref_slice %arg3[%add3A, %dma_wait3A_74] : memref<32x32768xi32, #tpu.memory_space<hbm>> -> memref<1x32768xi32, #tpu.memory_space<hbm>>
      %dma_wait3A_76 = tpu.memref_squeeze %dma_wait3A_75 : memref<1x32768xi32, #tpu.memory_space<hbm>> -> memref<32768xi32, #tpu.memory_space<hbm>>
      tpu.wait_dma2 semaphore(%run_scoped3A : memref<!tpu.dma_semaphore, #tpu.memory_space<semaphore_mem>>) src(%arg6 : memref<32768xi32, #tpu.memory_space<vmem>>) dst(%dma_wait3A_76 : memref<32768xi32, #tpu.memory_space<hbm>>)
      tpu.yield
    }) : () -> ()
    return
  }
}

#map = affine_map<(d0, d1) -> (0, 0, 0)>
#map1 = affine_map<(d0, d1) -> (0)>
#map2 = affine_map<(d0, d1) -> (0, 0)>
module attributes {stable_mosaic.version = 14 : i64} {
  func.func @_sc_hist_lo_body(%arg0: i32, %arg1: i32, %arg2: memref<8x37632x128xi32, #tpu.memory_space<hbm>>, %arg3: memref<16xi32, #tpu.memory_space<hbm>>, %arg4: memref<32x65536xi32, #tpu.memory_space<hbm>>, %arg5: memref<168x128xi32, #tpu.memory_space<vmem>>, %arg6: memref<168x128xi32, #tpu.memory_space<vmem>>, %arg7: memref<16xi32, #tpu.memory_space<vmem>>, %arg8: memref<65536xi32, #tpu.memory_space<vmem>>, %arg9: memref<!tpu.dma_semaphore, #tpu.memory_space<semaphore_mem>>, %arg10: memref<!tpu.dma_semaphore, #tpu.memory_space<semaphore_mem>>) attributes {dimension_semantics = [#tpu.dimension_semantics<core_parallel>, #tpu.dimension_semantics<subcore_parallel>], iteration_bounds = array<i64: 2, 16>, scalar_prefetch = 0 : i64, scratch_operands = 6 : i64, tpu.core_type = #tpu.core_type<sc_vector_subcore>, window_params = [{transform_indices = #map}, {transform_indices = #map1}, {transform_indices = #map2}]} {
    %mul3A = arith.constant 2 : i32
    %mul3A_0 = arith.muli %arg1, %mul3A : i32
    %add3A = arith.addi %mul3A_0, %arg0 : i32
    %jit3A = arith.constant 4 : i32
    %div3A = arith.divsi %add3A, %jit3A : i32
    %sign3A = arith.constant 0 : i32
    %sign3A_1 = arith.cmpi sgt, %add3A, %sign3A : i32
    %sign3A_2 = arith.extui %sign3A_1 : i1 to i32
    %sign3A_3 = arith.constant 0 : i32
    %sign3A_4 = arith.cmpi slt, %add3A, %sign3A_3 : i32
    %sign3A_5 = arith.extui %sign3A_4 : i1 to i32
    %sign3A_6 = arith.subi %sign3A_2, %sign3A_5 : i32
    %sign3A_7 = arith.constant 0 : i32
    %sign3A_8 = arith.cmpi sgt, %jit3A, %sign3A_7 : i32
    %sign3A_9 = arith.extui %sign3A_8 : i1 to i32
    %sign3A_10 = arith.constant 0 : i32
    %sign3A_11 = arith.cmpi slt, %jit3A, %sign3A_10 : i32
    %sign3A_12 = arith.extui %sign3A_11 : i1 to i32
    %sign3A_13 = arith.subi %sign3A_9, %sign3A_12 : i32
    %ne3A = arith.cmpi ne, %sign3A_6, %sign3A_13 : i32
    %rem3A = arith.remsi %add3A, %jit3A : i32
    %ne3A_14 = arith.constant 0 : i32
    %ne3A_15 = arith.cmpi ne, %rem3A, %ne3A_14 : i32
    %and3A = arith.andi %ne3A, %ne3A_15 : i1
    %sub3A = arith.constant 1 : i32
    %sub3A_16 = arith.subi %div3A, %sub3A : i32
    %select_n3A = arith.select %and3A, %sub3A_16, %div3A : i32
    %jit3A_17 = arith.constant 4 : i32
    %eq3A = arith.constant 0 : i32
    %eq3A_18 = arith.cmpi eq, %jit3A_17, %eq3A : i32
    %jit3A_19 = arith.constant 1 : i32
    %select_n3A_20 = arith.select %eq3A_18, %jit3A_19, %jit3A_17 : i32
    %rem3A_21 = arith.remsi %add3A, %select_n3A_20 : i32
    %ne3A_22 = arith.constant 0 : i32
    %ne3A_23 = arith.cmpi ne, %rem3A_21, %ne3A_22 : i32
    %lt3A = arith.constant 0 : i32
    %lt3A_24 = arith.cmpi slt, %rem3A_21, %lt3A : i32
    %lt3A_25 = arith.constant 0 : i32
    %lt3A_26 = arith.cmpi slt, %select_n3A_20, %lt3A_25 : i32
    %ne3A_27 = arith.xori %lt3A_24, %lt3A_26 : i1
    %and3A_28 = arith.andi %ne3A_27, %ne3A_23 : i1
    %add3A_29 = arith.addi %rem3A_21, %select_n3A_20 : i32
    %select_n3A_30 = arith.select %and3A_28, %add3A_29, %rem3A_21 : i32
    "tpu.region"() ({
      %run_scoped3A = tpu.sem_alloc : memref<!tpu.dma_semaphore, #tpu.memory_space<semaphore_mem>>
      tpu.enqueue_dma source(%arg3 : memref<16xi32, #tpu.memory_space<hbm>>) target(%arg7 : memref<16xi32, #tpu.memory_space<vmem>>) target_semaphore(%run_scoped3A : memref<!tpu.dma_semaphore, #tpu.memory_space<semaphore_mem>>)
      tpu.wait_dma2 semaphore(%run_scoped3A : memref<!tpu.dma_semaphore, #tpu.memory_space<semaphore_mem>>) src(%arg3 : memref<16xi32, #tpu.memory_space<hbm>>) dst(%arg7 : memref<16xi32, #tpu.memory_space<vmem>>)
      tpu.yield
    }) : () -> ()
    %broadcast_in_dim3A = vector.broadcast %select_n3A : i32 to vector<16xi32>
    %gather3A = tpu.vector_load_idx %arg7[%broadcast_in_dim3A] : memref<16xi32, #tpu.memory_space<vmem>>[vector<16xi32>], vector<16xi32>,
    %broadcast_in_dim3A_31 = arith.constant 1 : i32
    %broadcast_in_dim3A_32 = vector.broadcast %broadcast_in_dim3A_31 : i32 to vector<16xi32>
    %mul3A_33 = arith.constant 9408 : i32
    %mul3A_34 = arith.muli %select_n3A_30, %mul3A_33 : i32
    %scan3A = arith.constant 0 : i32
    %scan3A_35 = arith.constant 0 : i32
    %scan3A_36 = arith.constant 4096 : i32
    %scan3A_37 = arith.addi %scan3A_35, %scan3A_36 : i32
    %scan3A_38 = arith.constant 8 : i32
    scf.for %scan3A_60 = %scan3A_35 to %scan3A_37 step %scan3A_38  : i32 {
      %broadcast_in_dim3A_61 = arith.constant 0 : i32
      %broadcast_in_dim3A_62 = vector.broadcast %broadcast_in_dim3A_61 : i32 to vector<16xi32>
      %mul3A_63 = arith.constant 16 : i32
      %mul3A_64 = arith.muli %scan3A_60, %mul3A_63 : i32
      %swap3A = arith.index_cast %mul3A_64 : i32 to index
      %swap3A_65 = tpu.vector_load %arg8[%swap3A] {strides = array<i32>} : memref<65536xi32, #tpu.memory_space<vmem>>, vector<16xi32>,
      tpu.vector_store %arg8[%swap3A], %broadcast_in_dim3A_62 {strides = array<i32>} : memref<65536xi32, #tpu.memory_space<vmem>>, vector<16xi32>,
      %scan3A_66 = arith.constant 1 : i32
      %scan3A_67 = arith.addi %scan3A_60, %scan3A_66 : i32
      %broadcast_in_dim3A_68 = arith.constant 0 : i32
      %broadcast_in_dim3A_69 = vector.broadcast %broadcast_in_dim3A_68 : i32 to vector<16xi32>
      %mul3A_70 = arith.constant 16 : i32
      %mul3A_71 = arith.muli %scan3A_67, %mul3A_70 : i32
      %swap3A_72 = arith.index_cast %mul3A_71 : i32 to index
      %swap3A_73 = tpu.vector_load %arg8[%swap3A_72] {strides = array<i32>} : memref<65536xi32, #tpu.memory_space<vmem>>, vector<16xi32>,
      tpu.vector_store %arg8[%swap3A_72], %broadcast_in_dim3A_69 {strides = array<i32>} : memref<65536xi32, #tpu.memory_space<vmem>>, vector<16xi32>,
      %scan3A_74 = arith.constant 2 : i32
      %scan3A_75 = arith.addi %scan3A_60, %scan3A_74 : i32
      %broadcast_in_dim3A_76 = arith.constant 0 : i32
      %broadcast_in_dim3A_77 = vector.broadcast %broadcast_in_dim3A_76 : i32 to vector<16xi32>
      %mul3A_78 = arith.constant 16 : i32
      %mul3A_79 = arith.muli %scan3A_75, %mul3A_78 : i32
      %swap3A_80 = arith.index_cast %mul3A_79 : i32 to index
      %swap3A_81 = tpu.vector_load %arg8[%swap3A_80] {strides = array<i32>} : memref<65536xi32, #tpu.memory_space<vmem>>, vector<16xi32>,
      tpu.vector_store %arg8[%swap3A_80], %broadcast_in_dim3A_77 {strides = array<i32>} : memref<65536xi32, #tpu.memory_space<vmem>>, vector<16xi32>,
      %scan3A_82 = arith.constant 3 : i32
      %scan3A_83 = arith.addi %scan3A_60, %scan3A_82 : i32
      %broadcast_in_dim3A_84 = arith.constant 0 : i32
      %broadcast_in_dim3A_85 = vector.broadcast %broadcast_in_dim3A_84 : i32 to vector<16xi32>
      %mul3A_86 = arith.constant 16 : i32
      %mul3A_87 = arith.muli %scan3A_83, %mul3A_86 : i32
      %swap3A_88 = arith.index_cast %mul3A_87 : i32 to index
      %swap3A_89 = tpu.vector_load %arg8[%swap3A_88] {strides = array<i32>} : memref<65536xi32, #tpu.memory_space<vmem>>, vector<16xi32>,
      tpu.vector_store %arg8[%swap3A_88], %broadcast_in_dim3A_85 {strides = array<i32>} : memref<65536xi32, #tpu.memory_space<vmem>>, vector<16xi32>,
      %scan3A_90 = arith.constant 4 : i32
      %scan3A_91 = arith.addi %scan3A_60, %scan3A_90 : i32
      %broadcast_in_dim3A_92 = arith.constant 0 : i32
      %broadcast_in_dim3A_93 = vector.broadcast %broadcast_in_dim3A_92 : i32 to vector<16xi32>
      %mul3A_94 = arith.constant 16 : i32
      %mul3A_95 = arith.muli %scan3A_91, %mul3A_94 : i32
      %swap3A_96 = arith.index_cast %mul3A_95 : i32 to index
      %swap3A_97 = tpu.vector_load %arg8[%swap3A_96] {strides = array<i32>} : memref<65536xi32, #tpu.memory_space<vmem>>, vector<16xi32>,
      tpu.vector_store %arg8[%swap3A_96], %broadcast_in_dim3A_93 {strides = array<i32>} : memref<65536xi32, #tpu.memory_space<vmem>>, vector<16xi32>,
      %scan3A_98 = arith.constant 5 : i32
      %scan3A_99 = arith.addi %scan3A_60, %scan3A_98 : i32
      %broadcast_in_dim3A_100 = arith.constant 0 : i32
      %broadcast_in_dim3A_101 = vector.broadcast %broadcast_in_dim3A_100 : i32 to vector<16xi32>
      %mul3A_102 = arith.constant 16 : i32
      %mul3A_103 = arith.muli %scan3A_99, %mul3A_102 : i32
      %swap3A_104 = arith.index_cast %mul3A_103 : i32 to index
      %swap3A_105 = tpu.vector_load %arg8[%swap3A_104] {strides = array<i32>} : memref<65536xi32, #tpu.memory_space<vmem>>, vector<16xi32>,
      tpu.vector_store %arg8[%swap3A_104], %broadcast_in_dim3A_101 {strides = array<i32>} : memref<65536xi32, #tpu.memory_space<vmem>>, vector<16xi32>,
      %scan3A_106 = arith.constant 6 : i32
      %scan3A_107 = arith.addi %scan3A_60, %scan3A_106 : i32
      %broadcast_in_dim3A_108 = arith.constant 0 : i32
      %broadcast_in_dim3A_109 = vector.broadcast %broadcast_in_dim3A_108 : i32 to vector<16xi32>
      %mul3A_110 = arith.constant 16 : i32
      %mul3A_111 = arith.muli %scan3A_107, %mul3A_110 : i32
      %swap3A_112 = arith.index_cast %mul3A_111 : i32 to index
      %swap3A_113 = tpu.vector_load %arg8[%swap3A_112] {strides = array<i32>} : memref<65536xi32, #tpu.memory_space<vmem>>, vector<16xi32>,
      tpu.vector_store %arg8[%swap3A_112], %broadcast_in_dim3A_109 {strides = array<i32>} : memref<65536xi32, #tpu.memory_space<vmem>>, vector<16xi32>,
      %scan3A_114 = arith.constant 7 : i32
      %scan3A_115 = arith.addi %scan3A_60, %scan3A_114 : i32
      %broadcast_in_dim3A_116 = arith.constant 0 : i32
      %broadcast_in_dim3A_117 = vector.broadcast %broadcast_in_dim3A_116 : i32 to vector<16xi32>
      %mul3A_118 = arith.constant 16 : i32
      %mul3A_119 = arith.muli %scan3A_115, %mul3A_118 : i32
      %swap3A_120 = arith.index_cast %mul3A_119 : i32 to index
      %swap3A_121 = tpu.vector_load %arg8[%swap3A_120] {strides = array<i32>} : memref<65536xi32, #tpu.memory_space<vmem>>, vector<16xi32>,
      tpu.vector_store %arg8[%swap3A_120], %broadcast_in_dim3A_117 {strides = array<i32>} : memref<65536xi32, #tpu.memory_space<vmem>>, vector<16xi32>,
    }
    %scan3A_39 = arith.constant 4096 : i32
    %add3A_40 = arith.constant 0 : i32
    %add3A_41 = arith.addi %mul3A_34, %add3A_40 : i32
    %dma_start3A = arith.constant 0 : i32
    %dma_start3A_42 = tpu.memref_slice %arg2[%select_n3A, %add3A_41, %dma_start3A] : memref<8x37632x128xi32, #tpu.memory_space<hbm>> -> memref<1x168x128xi32, #tpu.memory_space<hbm>>
    %dma_start3A_43 = tpu.memref_squeeze %dma_start3A_42 : memref<1x168x128xi32, #tpu.memory_space<hbm>> -> memref<168x128xi32, #tpu.memory_space<hbm>>
    %dma_start3A_44 = arith.constant 0 : i32
    %dma_start3A_45 = tpu.memref_slice %arg2[%select_n3A, %add3A_41, %dma_start3A_44] : memref<8x37632x128xi32, #tpu.memory_space<hbm>> -> memref<1x168x128xi32, #tpu.memory_space<hbm>>
    %dma_start3A_46 = tpu.memref_squeeze %dma_start3A_45 : memref<1x168x128xi32, #tpu.memory_space<hbm>> -> memref<168x128xi32, #tpu.memory_space<hbm>>
    tpu.enqueue_dma source(%dma_start3A_46 : memref<168x128xi32, #tpu.memory_space<hbm>>) target(%arg5 : memref<168x128xi32, #tpu.memory_space<vmem>>) target_semaphore(%arg9 : memref<!tpu.dma_semaphore, #tpu.memory_space<semaphore_mem>>)
    %scan3A_47 = arith.constant 0 : i32
    %scan3A_48 = arith.constant 0 : i32
    %scan3A_49 = arith.constant 28 : i32
    %scan3A_50 = arith.addi %scan3A_48, %scan3A_49 : i32
    %scan3A_51 = arith.constant 1 : i32
    scf.for %scan3A_60 = %scan3A_48 to %scan3A_50 step %scan3A_51  : i32 {
      %mul3A_61 = arith.constant 2 : i32
      %mul3A_62 = arith.muli %scan3A_60, %mul3A_61 : i32
      %mul3A_63 = arith.constant 168 : i32
      %mul3A_64 = arith.muli %mul3A_62, %mul3A_63 : i32
      %add3A_65 = arith.addi %mul3A_34, %mul3A_64 : i32
      %dma_wait3A_66 = arith.constant 0 : i32
      %dma_wait3A_67 = tpu.memref_slice %arg2[%select_n3A, %add3A_65, %dma_wait3A_66] : memref<8x37632x128xi32, #tpu.memory_space<hbm>> -> memref<1x168x128xi32, #tpu.memory_space<hbm>>
      %dma_wait3A_68 = tpu.memref_squeeze %dma_wait3A_67 : memref<1x168x128xi32, #tpu.memory_space<hbm>> -> memref<168x128xi32, #tpu.memory_space<hbm>>
      %dma_wait3A_69 = arith.constant 0 : i32
      %dma_wait3A_70 = tpu.memref_slice %arg2[%select_n3A, %add3A_65, %dma_wait3A_69] : memref<8x37632x128xi32, #tpu.memory_space<hbm>> -> memref<1x168x128xi32, #tpu.memory_space<hbm>>
      %dma_wait3A_71 = tpu.memref_squeeze %dma_wait3A_70 : memref<1x168x128xi32, #tpu.memory_space<hbm>> -> memref<168x128xi32, #tpu.memory_space<hbm>>
      tpu.wait_dma2 semaphore(%arg9 : memref<!tpu.dma_semaphore, #tpu.memory_space<semaphore_mem>>) src(%dma_wait3A_71 : memref<168x128xi32, #tpu.memory_space<hbm>>) dst(%arg5 : memref<168x128xi32, #tpu.memory_space<vmem>>)
      %add3A_72 = arith.constant 1 : i32
      %add3A_73 = arith.addi %mul3A_62, %add3A_72 : i32
      %mul3A_74 = arith.constant 168 : i32
      %mul3A_75 = arith.muli %add3A_73, %mul3A_74 : i32
      %add3A_76 = arith.addi %mul3A_34, %mul3A_75 : i32
      %dma_start3A_77 = arith.constant 0 : i32
      %dma_start3A_78 = tpu.memref_slice %arg2[%select_n3A, %add3A_76, %dma_start3A_77] : memref<8x37632x128xi32, #tpu.memory_space<hbm>> -> memref<1x168x128xi32, #tpu.memory_space<hbm>>
      %dma_start3A_79 = tpu.memref_squeeze %dma_start3A_78 : memref<1x168x128xi32, #tpu.memory_space<hbm>> -> memref<168x128xi32, #tpu.memory_space<hbm>>
      %dma_start3A_80 = arith.constant 0 : i32
      %dma_start3A_81 = tpu.memref_slice %arg2[%select_n3A, %add3A_76, %dma_start3A_80] : memref<8x37632x128xi32, #tpu.memory_space<hbm>> -> memref<1x168x128xi32, #tpu.memory_space<hbm>>
      %dma_start3A_82 = tpu.memref_squeeze %dma_start3A_81 : memref<1x168x128xi32, #tpu.memory_space<hbm>> -> memref<168x128xi32, #tpu.memory_space<hbm>>
      tpu.enqueue_dma source(%dma_start3A_82 : memref<168x128xi32, #tpu.memory_space<hbm>>) target(%arg6 : memref<168x128xi32, #tpu.memory_space<vmem>>) target_semaphore(%arg10 : memref<!tpu.dma_semaphore, #tpu.memory_space<semaphore_mem>>)
      %scan3A_83 = arith.constant 0 : i32
      %scan3A_84 = arith.constant 0 : i32
      %scan3A_85 = arith.constant 168 : i32
      %scan3A_86 = arith.addi %scan3A_84, %scan3A_85 : i32
      %scan3A_87 = arith.constant 4 : i32
      scf.for %scan3A_119 = %scan3A_84 to %scan3A_86 step %scan3A_87  : i32 {
        %get3A = arith.index_cast %scan3A_119 : i32 to index
        %get3A_120 = arith.constant 0 : index
        %get3A_121 = tpu.vector_load %arg5[%get3A, %get3A_120] {strides = array<i32>} : memref<168x128xi32, #tpu.memory_space<vmem>>, vector<16xi32>,
        %shift_right_arithmetic3A = arith.constant 16 : i32
        %shift_right_arithmetic3A_122 = vector.broadcast %shift_right_arithmetic3A : i32 to vector<16xi32>
        %shift_right_arithmetic3A_123 = arith.shrsi %get3A_121, %shift_right_arithmetic3A_122 : vector<16xi32>
        %and3A_124 = arith.constant 65535 : i32
        %and3A_125 = vector.broadcast %and3A_124 : i32 to vector<16xi32>
        %and3A_126 = arith.andi %get3A_121, %and3A_125 : vector<16xi32>
        %eq3A_127 = arith.cmpi eq, %shift_right_arithmetic3A_123, %gather3A : vector<16xi32>
        %gt3A = arith.constant 0 : i32
        %gt3A_128 = vector.broadcast %gt3A : i32 to vector<16xi32>
        %gt3A_129 = arith.cmpi sgt, %get3A_121, %gt3A_128 : vector<16xi32>
        %and3A_130 = arith.andi %eq3A_127, %gt3A_129 : vector<16xi1>
        tpu.vector_store_idx %arg8[%and3A_126], %broadcast_in_dim3A_32 masked %and3A_130 {add = true} : memref<65536xi32, #tpu.memory_space<vmem>>[vector<16xi32>], vector<16xi32>, vector<16xi1>
        %get3A_131 = arith.index_cast %scan3A_119 : i32 to index
        %get3A_132 = arith.constant 16 : index
        %get3A_133 = tpu.vector_load %arg5[%get3A_131, %get3A_132] {strides = array<i32>} : memref<168x128xi32, #tpu.memory_space<vmem>>, vector<16xi32>,
        %shift_right_arithmetic3A_134 = arith.constant 16 : i32
        %shift_right_arithmetic3A_135 = vector.broadcast %shift_right_arithmetic3A_134 : i32 to vector<16xi32>
        %shift_right_arithmetic3A_136 = arith.shrsi %get3A_133, %shift_right_arithmetic3A_135 : vector<16xi32>
        %and3A_137 = arith.constant 65535 : i32
        %and3A_138 = vector.broadcast %and3A_137 : i32 to vector<16xi32>
        %and3A_139 = arith.andi %get3A_133, %and3A_138 : vector<16xi32>
        %eq3A_140 = arith.cmpi eq, %shift_right_arithmetic3A_136, %gather3A : vector<16xi32>
        %gt3A_141 = arith.constant 0 : i32
        %gt3A_142 = vector.broadcast %gt3A_141 : i32 to vector<16xi32>
        %gt3A_143 = arith.cmpi sgt, %get3A_133, %gt3A_142 : vector<16xi32>
        %and3A_144 = arith.andi %eq3A_140, %gt3A_143 : vector<16xi1>
        tpu.vector_store_idx %arg8[%and3A_139], %broadcast_in_dim3A_32 masked %and3A_144 {add = true} : memref<65536xi32, #tpu.memory_space<vmem>>[vector<16xi32>], vector<16xi32>, vector<16xi1>
        %get3A_145 = arith.index_cast %scan3A_119 : i32 to index
        %get3A_146 = arith.constant 32 : index
        %get3A_147 = tpu.vector_load %arg5[%get3A_145, %get3A_146] {strides = array<i32>} : memref<168x128xi32, #tpu.memory_space<vmem>>, vector<16xi32>,
        %shift_right_arithmetic3A_148 = arith.constant 16 : i32
        %shift_right_arithmetic3A_149 = vector.broadcast %shift_right_arithmetic3A_148 : i32 to vector<16xi32>
        %shift_right_arithmetic3A_150 = arith.shrsi %get3A_147, %shift_right_arithmetic3A_149 : vector<16xi32>
        %and3A_151 = arith.constant 65535 : i32
        %and3A_152 = vector.broadcast %and3A_151 : i32 to vector<16xi32>
        %and3A_153 = arith.andi %get3A_147, %and3A_152 : vector<16xi32>
        %eq3A_154 = arith.cmpi eq, %shift_right_arithmetic3A_150, %gather3A : vector<16xi32>
        %gt3A_155 = arith.constant 0 : i32
        %gt3A_156 = vector.broadcast %gt3A_155 : i32 to vector<16xi32>
        %gt3A_157 = arith.cmpi sgt, %get3A_147, %gt3A_156 : vector<16xi32>
        %and3A_158 = arith.andi %eq3A_154, %gt3A_157 : vector<16xi1>
        tpu.vector_store_idx %arg8[%and3A_153], %broadcast_in_dim3A_32 masked %and3A_158 {add = true} : memref<65536xi32, #tpu.memory_space<vmem>>[vector<16xi32>], vector<16xi32>, vector<16xi1>
        %get3A_159 = arith.index_cast %scan3A_119 : i32 to index
        %get3A_160 = arith.constant 48 : index
        %get3A_161 = tpu.vector_load %arg5[%get3A_159, %get3A_160] {strides = array<i32>} : memref<168x128xi32, #tpu.memory_space<vmem>>, vector<16xi32>,
        %shift_right_arithmetic3A_162 = arith.constant 16 : i32
        %shift_right_arithmetic3A_163 = vector.broadcast %shift_right_arithmetic3A_162 : i32 to vector<16xi32>
        %shift_right_arithmetic3A_164 = arith.shrsi %get3A_161, %shift_right_arithmetic3A_163 : vector<16xi32>
        %and3A_165 = arith.constant 65535 : i32
        %and3A_166 = vector.broadcast %and3A_165 : i32 to vector<16xi32>
        %and3A_167 = arith.andi %get3A_161, %and3A_166 : vector<16xi32>
        %eq3A_168 = arith.cmpi eq, %shift_right_arithmetic3A_164, %gather3A : vector<16xi32>
        %gt3A_169 = arith.constant 0 : i32
        %gt3A_170 = vector.broadcast %gt3A_169 : i32 to vector<16xi32>
        %gt3A_171 = arith.cmpi sgt, %get3A_161, %gt3A_170 : vector<16xi32>
        %and3A_172 = arith.andi %eq3A_168, %gt3A_171 : vector<16xi1>
        tpu.vector_store_idx %arg8[%and3A_167], %broadcast_in_dim3A_32 masked %and3A_172 {add = true} : memref<65536xi32, #tpu.memory_space<vmem>>[vector<16xi32>], vector<16xi32>, vector<16xi1>
        %get3A_173 = arith.index_cast %scan3A_119 : i32 to index
        %get3A_174 = arith.constant 64 : index
        %get3A_175 = tpu.vector_load %arg5[%get3A_173, %get3A_174] {strides = array<i32>} : memref<168x128xi32, #tpu.memory_space<vmem>>, vector<16xi32>,
        %shift_right_arithmetic3A_176 = arith.constant 16 : i32
        %shift_right_arithmetic3A_177 = vector.broadcast %shift_right_arithmetic3A_176 : i32 to vector<16xi32>
        %shift_right_arithmetic3A_178 = arith.shrsi %get3A_175, %shift_right_arithmetic3A_177 : vector<16xi32>
        %and3A_179 = arith.constant 65535 : i32
        %and3A_180 = vector.broadcast %and3A_179 : i32 to vector<16xi32>
        %and3A_181 = arith.andi %get3A_175, %and3A_180 : vector<16xi32>
        %eq3A_182 = arith.cmpi eq, %shift_right_arithmetic3A_178, %gather3A : vector<16xi32>
        %gt3A_183 = arith.constant 0 : i32
        %gt3A_184 = vector.broadcast %gt3A_183 : i32 to vector<16xi32>
        %gt3A_185 = arith.cmpi sgt, %get3A_175, %gt3A_184 : vector<16xi32>
        %and3A_186 = arith.andi %eq3A_182, %gt3A_185 : vector<16xi1>
        tpu.vector_store_idx %arg8[%and3A_181], %broadcast_in_dim3A_32 masked %and3A_186 {add = true} : memref<65536xi32, #tpu.memory_space<vmem>>[vector<16xi32>], vector<16xi32>, vector<16xi1>
        %get3A_187 = arith.index_cast %scan3A_119 : i32 to index
        %get3A_188 = arith.constant 80 : index
        %get3A_189 = tpu.vector_load %arg5[%get3A_187, %get3A_188] {strides = array<i32>} : memref<168x128xi32, #tpu.memory_space<vmem>>, vector<16xi32>,
        %shift_right_arithmetic3A_190 = arith.constant 16 : i32
        %shift_right_arithmetic3A_191 = vector.broadcast %shift_right_arithmetic3A_190 : i32 to vector<16xi32>
        %shift_right_arithmetic3A_192 = arith.shrsi %get3A_189, %shift_right_arithmetic3A_191 : vector<16xi32>
        %and3A_193 = arith.constant 65535 : i32
        %and3A_194 = vector.broadcast %and3A_193 : i32 to vector<16xi32>
        %and3A_195 = arith.andi %get3A_189, %and3A_194 : vector<16xi32>
        %eq3A_196 = arith.cmpi eq, %shift_right_arithmetic3A_192, %gather3A : vector<16xi32>
        %gt3A_197 = arith.constant 0 : i32
        %gt3A_198 = vector.broadcast %gt3A_197 : i32 to vector<16xi32>
        %gt3A_199 = arith.cmpi sgt, %get3A_189, %gt3A_198 : vector<16xi32>
        %and3A_200 = arith.andi %eq3A_196, %gt3A_199 : vector<16xi1>
        tpu.vector_store_idx %arg8[%and3A_195], %broadcast_in_dim3A_32 masked %and3A_200 {add = true} : memref<65536xi32, #tpu.memory_space<vmem>>[vector<16xi32>], vector<16xi32>, vector<16xi1>
        %get3A_201 = arith.index_cast %scan3A_119 : i32 to index
        %get3A_202 = arith.constant 96 : index
        %get3A_203 = tpu.vector_load %arg5[%get3A_201, %get3A_202] {strides = array<i32>} : memref<168x128xi32, #tpu.memory_space<vmem>>, vector<16xi32>,
        %shift_right_arithmetic3A_204 = arith.constant 16 : i32
        %shift_right_arithmetic3A_205 = vector.broadcast %shift_right_arithmetic3A_204 : i32 to vector<16xi32>
        %shift_right_arithmetic3A_206 = arith.shrsi %get3A_203, %shift_right_arithmetic3A_205 : vector<16xi32>
        %and3A_207 = arith.constant 65535 : i32
        %and3A_208 = vector.broadcast %and3A_207 : i32 to vector<16xi32>
        %and3A_209 = arith.andi %get3A_203, %and3A_208 : vector<16xi32>
        %eq3A_210 = arith.cmpi eq, %shift_right_arithmetic3A_206, %gather3A : vector<16xi32>
        %gt3A_211 = arith.constant 0 : i32
        %gt3A_212 = vector.broadcast %gt3A_211 : i32 to vector<16xi32>
        %gt3A_213 = arith.cmpi sgt, %get3A_203, %gt3A_212 : vector<16xi32>
        %and3A_214 = arith.andi %eq3A_210, %gt3A_213 : vector<16xi1>
        tpu.vector_store_idx %arg8[%and3A_209], %broadcast_in_dim3A_32 masked %and3A_214 {add = true} : memref<65536xi32, #tpu.memory_space<vmem>>[vector<16xi32>], vector<16xi32>, vector<16xi1>
        %get3A_215 = arith.index_cast %scan3A_119 : i32 to index
        %get3A_216 = arith.constant 112 : index
        %get3A_217 = tpu.vector_load %arg5[%get3A_215, %get3A_216] {strides = array<i32>} : memref<168x128xi32, #tpu.memory_space<vmem>>, vector<16xi32>,
        %shift_right_arithmetic3A_218 = arith.constant 16 : i32
        %shift_right_arithmetic3A_219 = vector.broadcast %shift_right_arithmetic3A_218 : i32 to vector<16xi32>
        %shift_right_arithmetic3A_220 = arith.shrsi %get3A_217, %shift_right_arithmetic3A_219 : vector<16xi32>
        %and3A_221 = arith.constant 65535 : i32
        %and3A_222 = vector.broadcast %and3A_221 : i32 to vector<16xi32>
        %and3A_223 = arith.andi %get3A_217, %and3A_222 : vector<16xi32>
        %eq3A_224 = arith.cmpi eq, %shift_right_arithmetic3A_220, %gather3A : vector<16xi32>
        %gt3A_225 = arith.constant 0 : i32
        %gt3A_226 = vector.broadcast %gt3A_225 : i32 to vector<16xi32>
        %gt3A_227 = arith.cmpi sgt, %get3A_217, %gt3A_226 : vector<16xi32>
        %and3A_228 = arith.andi %eq3A_224, %gt3A_227 : vector<16xi1>
        tpu.vector_store_idx %arg8[%and3A_223], %broadcast_in_dim3A_32 masked %and3A_228 {add = true} : memref<65536xi32, #tpu.memory_space<vmem>>[vector<16xi32>], vector<16xi32>, vector<16xi1>
        %scan3A_229 = arith.constant 1 : i32
        %scan3A_230 = arith.addi %scan3A_119, %scan3A_229 : i32
        %get3A_231 = arith.index_cast %scan3A_230 : i32 to index
        %get3A_232 = arith.constant 0 : index
        %get3A_233 = tpu.vector_load %arg5[%get3A_231, %get3A_232] {strides = array<i32>} : memref<168x128xi32, #tpu.memory_space<vmem>>, vector<16xi32>,
        %shift_right_arithmetic3A_234 = arith.constant 16 : i32
        %shift_right_arithmetic3A_235 = vector.broadcast %shift_right_arithmetic3A_234 : i32 to vector<16xi32>
        %shift_right_arithmetic3A_236 = arith.shrsi %get3A_233, %shift_right_arithmetic3A_235 : vector<16xi32>
        %and3A_237 = arith.constant 65535 : i32
        %and3A_238 = vector.broadcast %and3A_237 : i32 to vector<16xi32>
        %and3A_239 = arith.andi %get3A_233, %and3A_238 : vector<16xi32>
        %eq3A_240 = arith.cmpi eq, %shift_right_arithmetic3A_236, %gather3A : vector<16xi32>
        %gt3A_241 = arith.constant 0 : i32
        %gt3A_242 = vector.broadcast %gt3A_241 : i32 to vector<16xi32>
        %gt3A_243 = arith.cmpi sgt, %get3A_233, %gt3A_242 : vector<16xi32>
        %and3A_244 = arith.andi %eq3A_240, %gt3A_243 : vector<16xi1>
        tpu.vector_store_idx %arg8[%and3A_239], %broadcast_in_dim3A_32 masked %and3A_244 {add = true} : memref<65536xi32, #tpu.memory_space<vmem>>[vector<16xi32>], vector<16xi32>, vector<16xi1>
        %get3A_245 = arith.index_cast %scan3A_230 : i32 to index
        %get3A_246 = arith.constant 16 : index
        %get3A_247 = tpu.vector_load %arg5[%get3A_245, %get3A_246] {strides = array<i32>} : memref<168x128xi32, #tpu.memory_space<vmem>>, vector<16xi32>,
        %shift_right_arithmetic3A_248 = arith.constant 16 : i32
        %shift_right_arithmetic3A_249 = vector.broadcast %shift_right_arithmetic3A_248 : i32 to vector<16xi32>
        %shift_right_arithmetic3A_250 = arith.shrsi %get3A_247, %shift_right_arithmetic3A_249 : vector<16xi32>
        %and3A_251 = arith.constant 65535 : i32
        %and3A_252 = vector.broadcast %and3A_251 : i32 to vector<16xi32>
        %and3A_253 = arith.andi %get3A_247, %and3A_252 : vector<16xi32>
        %eq3A_254 = arith.cmpi eq, %shift_right_arithmetic3A_250, %gather3A : vector<16xi32>
        %gt3A_255 = arith.constant 0 : i32
        %gt3A_256 = vector.broadcast %gt3A_255 : i32 to vector<16xi32>
        %gt3A_257 = arith.cmpi sgt, %get3A_247, %gt3A_256 : vector<16xi32>
        %and3A_258 = arith.andi %eq3A_254, %gt3A_257 : vector<16xi1>
        tpu.vector_store_idx %arg8[%and3A_253], %broadcast_in_dim3A_32 masked %and3A_258 {add = true} : memref<65536xi32, #tpu.memory_space<vmem>>[vector<16xi32>], vector<16xi32>, vector<16xi1>
        %get3A_259 = arith.index_cast %scan3A_230 : i32 to index
        %get3A_260 = arith.constant 32 : index
        %get3A_261 = tpu.vector_load %arg5[%get3A_259, %get3A_260] {strides = array<i32>} : memref<168x128xi32, #tpu.memory_space<vmem>>, vector<16xi32>,
        %shift_right_arithmetic3A_262 = arith.constant 16 : i32
        %shift_right_arithmetic3A_263 = vector.broadcast %shift_right_arithmetic3A_262 : i32 to vector<16xi32>
        %shift_right_arithmetic3A_264 = arith.shrsi %get3A_261, %shift_right_arithmetic3A_263 : vector<16xi32>
        %and3A_265 = arith.constant 65535 : i32
        %and3A_266 = vector.broadcast %and3A_265 : i32 to vector<16xi32>
        %and3A_267 = arith.andi %get3A_261, %and3A_266 : vector<16xi32>
        %eq3A_268 = arith.cmpi eq, %shift_right_arithmetic3A_264, %gather3A : vector<16xi32>
        %gt3A_269 = arith.constant 0 : i32
        %gt3A_270 = vector.broadcast %gt3A_269 : i32 to vector<16xi32>
        %gt3A_271 = arith.cmpi sgt, %get3A_261, %gt3A_270 : vector<16xi32>
        %and3A_272 = arith.andi %eq3A_268, %gt3A_271 : vector<16xi1>
        tpu.vector_store_idx %arg8[%and3A_267], %broadcast_in_dim3A_32 masked %and3A_272 {add = true} : memref<65536xi32, #tpu.memory_space<vmem>>[vector<16xi32>], vector<16xi32>, vector<16xi1>
        %get3A_273 = arith.index_cast %scan3A_230 : i32 to index
        %get3A_274 = arith.constant 48 : index
        %get3A_275 = tpu.vector_load %arg5[%get3A_273, %get3A_274] {strides = array<i32>} : memref<168x128xi32, #tpu.memory_space<vmem>>, vector<16xi32>,
        %shift_right_arithmetic3A_276 = arith.constant 16 : i32
        %shift_right_arithmetic3A_277 = vector.broadcast %shift_right_arithmetic3A_276 : i32 to vector<16xi32>
        %shift_right_arithmetic3A_278 = arith.shrsi %get3A_275, %shift_right_arithmetic3A_277 : vector<16xi32>
        %and3A_279 = arith.constant 65535 : i32
        %and3A_280 = vector.broadcast %and3A_279 : i32 to vector<16xi32>
        %and3A_281 = arith.andi %get3A_275, %and3A_280 : vector<16xi32>
        %eq3A_282 = arith.cmpi eq, %shift_right_arithmetic3A_278, %gather3A : vector<16xi32>
        %gt3A_283 = arith.constant 0 : i32
        %gt3A_284 = vector.broadcast %gt3A_283 : i32 to vector<16xi32>
        %gt3A_285 = arith.cmpi sgt, %get3A_275, %gt3A_284 : vector<16xi32>
        %and3A_286 = arith.andi %eq3A_282, %gt3A_285 : vector<16xi1>
        tpu.vector_store_idx %arg8[%and3A_281], %broadcast_in_dim3A_32 masked %and3A_286 {add = true} : memref<65536xi32, #tpu.memory_space<vmem>>[vector<16xi32>], vector<16xi32>, vector<16xi1>
        %get3A_287 = arith.index_cast %scan3A_230 : i32 to index
        %get3A_288 = arith.constant 64 : index
        %get3A_289 = tpu.vector_load %arg5[%get3A_287, %get3A_288] {strides = array<i32>} : memref<168x128xi32, #tpu.memory_space<vmem>>, vector<16xi32>,
        %shift_right_arithmetic3A_290 = arith.constant 16 : i32
        %shift_right_arithmetic3A_291 = vector.broadcast %shift_right_arithmetic3A_290 : i32 to vector<16xi32>
        %shift_right_arithmetic3A_292 = arith.shrsi %get3A_289, %shift_right_arithmetic3A_291 : vector<16xi32>
        %and3A_293 = arith.constant 65535 : i32
        %and3A_294 = vector.broadcast %and3A_293 : i32 to vector<16xi32>
        %and3A_295 = arith.andi %get3A_289, %and3A_294 : vector<16xi32>
        %eq3A_296 = arith.cmpi eq, %shift_right_arithmetic3A_292, %gather3A : vector<16xi32>
        %gt3A_297 = arith.constant 0 : i32
        %gt3A_298 = vector.broadcast %gt3A_297 : i32 to vector<16xi32>
        %gt3A_299 = arith.cmpi sgt, %get3A_289, %gt3A_298 : vector<16xi32>
        %and3A_300 = arith.andi %eq3A_296, %gt3A_299 : vector<16xi1>
        tpu.vector_store_idx %arg8[%and3A_295], %broadcast_in_dim3A_32 masked %and3A_300 {add = true} : memref<65536xi32, #tpu.memory_space<vmem>>[vector<16xi32>], vector<16xi32>, vector<16xi1>
        %get3A_301 = arith.index_cast %scan3A_230 : i32 to index
        %get3A_302 = arith.constant 80 : index
        %get3A_303 = tpu.vector_load %arg5[%get3A_301, %get3A_302] {strides = array<i32>} : memref<168x128xi32, #tpu.memory_space<vmem>>, vector<16xi32>,
        %shift_right_arithmetic3A_304 = arith.constant 16 : i32
        %shift_right_arithmetic3A_305 = vector.broadcast %shift_right_arithmetic3A_304 : i32 to vector<16xi32>
        %shift_right_arithmetic3A_306 = arith.shrsi %get3A_303, %shift_right_arithmetic3A_305 : vector<16xi32>
        %and3A_307 = arith.constant 65535 : i32
        %and3A_308 = vector.broadcast %and3A_307 : i32 to vector<16xi32>
        %and3A_309 = arith.andi %get3A_303, %and3A_308 : vector<16xi32>
        %eq3A_310 = arith.cmpi eq, %shift_right_arithmetic3A_306, %gather3A : vector<16xi32>
        %gt3A_311 = arith.constant 0 : i32
        %gt3A_312 = vector.broadcast %gt3A_311 : i32 to vector<16xi32>
        %gt3A_313 = arith.cmpi sgt, %get3A_303, %gt3A_312 : vector<16xi32>
        %and3A_314 = arith.andi %eq3A_310, %gt3A_313 : vector<16xi1>
        tpu.vector_store_idx %arg8[%and3A_309], %broadcast_in_dim3A_32 masked %and3A_314 {add = true} : memref<65536xi32, #tpu.memory_space<vmem>>[vector<16xi32>], vector<16xi32>, vector<16xi1>
        %get3A_315 = arith.index_cast %scan3A_230 : i32 to index
        %get3A_316 = arith.constant 96 : index
        %get3A_317 = tpu.vector_load %arg5[%get3A_315, %get3A_316] {strides = array<i32>} : memref<168x128xi32, #tpu.memory_space<vmem>>, vector<16xi32>,
        %shift_right_arithmetic3A_318 = arith.constant 16 : i32
        %shift_right_arithmetic3A_319 = vector.broadcast %shift_right_arithmetic3A_318 : i32 to vector<16xi32>
        %shift_right_arithmetic3A_320 = arith.shrsi %get3A_317, %shift_right_arithmetic3A_319 : vector<16xi32>
        %and3A_321 = arith.constant 65535 : i32
        %and3A_322 = vector.broadcast %and3A_321 : i32 to vector<16xi32>
        %and3A_323 = arith.andi %get3A_317, %and3A_322 : vector<16xi32>
        %eq3A_324 = arith.cmpi eq, %shift_right_arithmetic3A_320, %gather3A : vector<16xi32>
        %gt3A_325 = arith.constant 0 : i32
        %gt3A_326 = vector.broadcast %gt3A_325 : i32 to vector<16xi32>
        %gt3A_327 = arith.cmpi sgt, %get3A_317, %gt3A_326 : vector<16xi32>
        %and3A_328 = arith.andi %eq3A_324, %gt3A_327 : vector<16xi1>
        tpu.vector_store_idx %arg8[%and3A_323], %broadcast_in_dim3A_32 masked %and3A_328 {add = true} : memref<65536xi32, #tpu.memory_space<vmem>>[vector<16xi32>], vector<16xi32>, vector<16xi1>
        %get3A_329 = arith.index_cast %scan3A_230 : i32 to index
        %get3A_330 = arith.constant 112 : index
        %get3A_331 = tpu.vector_load %arg5[%get3A_329, %get3A_330] {strides = array<i32>} : memref<168x128xi32, #tpu.memory_space<vmem>>, vector<16xi32>,
        %shift_right_arithmetic3A_332 = arith.constant 16 : i32
        %shift_right_arithmetic3A_333 = vector.broadcast %shift_right_arithmetic3A_332 : i32 to vector<16xi32>
        %shift_right_arithmetic3A_334 = arith.shrsi %get3A_331, %shift_right_arithmetic3A_333 : vector<16xi32>
        %and3A_335 = arith.constant 65535 : i32
        %and3A_336 = vector.broadcast %and3A_335 : i32 to vector<16xi32>
        %and3A_337 = arith.andi %get3A_331, %and3A_336 : vector<16xi32>
        %eq3A_338 = arith.cmpi eq, %shift_right_arithmetic3A_334, %gather3A : vector<16xi32>
        %gt3A_339 = arith.constant 0 : i32
        %gt3A_340 = vector.broadcast %gt3A_339 : i32 to vector<16xi32>
        %gt3A_341 = arith.cmpi sgt, %get3A_331, %gt3A_340 : vector<16xi32>
        %and3A_342 = arith.andi %eq3A_338, %gt3A_341 : vector<16xi1>
        tpu.vector_store_idx %arg8[%and3A_337], %broadcast_in_dim3A_32 masked %and3A_342 {add = true} : memref<65536xi32, #tpu.memory_space<vmem>>[vector<16xi32>], vector<16xi32>, vector<16xi1>
        %scan3A_343 = arith.constant 2 : i32
        %scan3A_344 = arith.addi %scan3A_119, %scan3A_343 : i32
        %get3A_345 = arith.index_cast %scan3A_344 : i32 to index
        %get3A_346 = arith.constant 0 : index
        %get3A_347 = tpu.vector_load %arg5[%get3A_345, %get3A_346] {strides = array<i32>} : memref<168x128xi32, #tpu.memory_space<vmem>>, vector<16xi32>,
        %shift_right_arithmetic3A_348 = arith.constant 16 : i32
        %shift_right_arithmetic3A_349 = vector.broadcast %shift_right_arithmetic3A_348 : i32 to vector<16xi32>
        %shift_right_arithmetic3A_350 = arith.shrsi %get3A_347, %shift_right_arithmetic3A_349 : vector<16xi32>
        %and3A_351 = arith.constant 65535 : i32
        %and3A_352 = vector.broadcast %and3A_351 : i32 to vector<16xi32>
        %and3A_353 = arith.andi %get3A_347, %and3A_352 : vector<16xi32>
        %eq3A_354 = arith.cmpi eq, %shift_right_arithmetic3A_350, %gather3A : vector<16xi32>
        %gt3A_355 = arith.constant 0 : i32
        %gt3A_356 = vector.broadcast %gt3A_355 : i32 to vector<16xi32>
        %gt3A_357 = arith.cmpi sgt, %get3A_347, %gt3A_356 : vector<16xi32>
        %and3A_358 = arith.andi %eq3A_354, %gt3A_357 : vector<16xi1>
        tpu.vector_store_idx %arg8[%and3A_353], %broadcast_in_dim3A_32 masked %and3A_358 {add = true} : memref<65536xi32, #tpu.memory_space<vmem>>[vector<16xi32>], vector<16xi32>, vector<16xi1>
        %get3A_359 = arith.index_cast %scan3A_344 : i32 to index
        %get3A_360 = arith.constant 16 : index
        %get3A_361 = tpu.vector_load %arg5[%get3A_359, %get3A_360] {strides = array<i32>} : memref<168x128xi32, #tpu.memory_space<vmem>>, vector<16xi32>,
        %shift_right_arithmetic3A_362 = arith.constant 16 : i32
        %shift_right_arithmetic3A_363 = vector.broadcast %shift_right_arithmetic3A_362 : i32 to vector<16xi32>
        %shift_right_arithmetic3A_364 = arith.shrsi %get3A_361, %shift_right_arithmetic3A_363 : vector<16xi32>
        %and3A_365 = arith.constant 65535 : i32
        %and3A_366 = vector.broadcast %and3A_365 : i32 to vector<16xi32>
        %and3A_367 = arith.andi %get3A_361, %and3A_366 : vector<16xi32>
        %eq3A_368 = arith.cmpi eq, %shift_right_arithmetic3A_364, %gather3A : vector<16xi32>
        %gt3A_369 = arith.constant 0 : i32
        %gt3A_370 = vector.broadcast %gt3A_369 : i32 to vector<16xi32>
        %gt3A_371 = arith.cmpi sgt, %get3A_361, %gt3A_370 : vector<16xi32>
        %and3A_372 = arith.andi %eq3A_368, %gt3A_371 : vector<16xi1>
        tpu.vector_store_idx %arg8[%and3A_367], %broadcast_in_dim3A_32 masked %and3A_372 {add = true} : memref<65536xi32, #tpu.memory_space<vmem>>[vector<16xi32>], vector<16xi32>, vector<16xi1>
        %get3A_373 = arith.index_cast %scan3A_344 : i32 to index
        %get3A_374 = arith.constant 32 : index
        %get3A_375 = tpu.vector_load %arg5[%get3A_373, %get3A_374] {strides = array<i32>} : memref<168x128xi32, #tpu.memory_space<vmem>>, vector<16xi32>,
        %shift_right_arithmetic3A_376 = arith.constant 16 : i32
        %shift_right_arithmetic3A_377 = vector.broadcast %shift_right_arithmetic3A_376 : i32 to vector<16xi32>
        %shift_right_arithmetic3A_378 = arith.shrsi %get3A_375, %shift_right_arithmetic3A_377 : vector<16xi32>
        %and3A_379 = arith.constant 65535 : i32
        %and3A_380 = vector.broadcast %and3A_379 : i32 to vector<16xi32>
        %and3A_381 = arith.andi %get3A_375, %and3A_380 : vector<16xi32>
        %eq3A_382 = arith.cmpi eq, %shift_right_arithmetic3A_378, %gather3A : vector<16xi32>
        %gt3A_383 = arith.constant 0 : i32
        %gt3A_384 = vector.broadcast %gt3A_383 : i32 to vector<16xi32>
        %gt3A_385 = arith.cmpi sgt, %get3A_375, %gt3A_384 : vector<16xi32>
        %and3A_386 = arith.andi %eq3A_382, %gt3A_385 : vector<16xi1>
        tpu.vector_store_idx %arg8[%and3A_381], %broadcast_in_dim3A_32 masked %and3A_386 {add = true} : memref<65536xi32, #tpu.memory_space<vmem>>[vector<16xi32>], vector<16xi32>, vector<16xi1>
        %get3A_387 = arith.index_cast %scan3A_344 : i32 to index
        %get3A_388 = arith.constant 48 : index
        %get3A_389 = tpu.vector_load %arg5[%get3A_387, %get3A_388] {strides = array<i32>} : memref<168x128xi32, #tpu.memory_space<vmem>>, vector<16xi32>,
        %shift_right_arithmetic3A_390 = arith.constant 16 : i32
        %shift_right_arithmetic3A_391 = vector.broadcast %shift_right_arithmetic3A_390 : i32 to vector<16xi32>
        %shift_right_arithmetic3A_392 = arith.shrsi %get3A_389, %shift_right_arithmetic3A_391 : vector<16xi32>
        %and3A_393 = arith.constant 65535 : i32
        %and3A_394 = vector.broadcast %and3A_393 : i32 to vector<16xi32>
        %and3A_395 = arith.andi %get3A_389, %and3A_394 : vector<16xi32>
        %eq3A_396 = arith.cmpi eq, %shift_right_arithmetic3A_392, %gather3A : vector<16xi32>
        %gt3A_397 = arith.constant 0 : i32
        %gt3A_398 = vector.broadcast %gt3A_397 : i32 to vector<16xi32>
        %gt3A_399 = arith.cmpi sgt, %get3A_389, %gt3A_398 : vector<16xi32>
        %and3A_400 = arith.andi %eq3A_396, %gt3A_399 : vector<16xi1>
        tpu.vector_store_idx %arg8[%and3A_395], %broadcast_in_dim3A_32 masked %and3A_400 {add = true} : memref<65536xi32, #tpu.memory_space<vmem>>[vector<16xi32>], vector<16xi32>, vector<16xi1>
        %get3A_401 = arith.index_cast %scan3A_344 : i32 to index
        %get3A_402 = arith.constant 64 : index
        %get3A_403 = tpu.vector_load %arg5[%get3A_401, %get3A_402] {strides = array<i32>} : memref<168x128xi32, #tpu.memory_space<vmem>>, vector<16xi32>,
        %shift_right_arithmetic3A_404 = arith.constant 16 : i32
        %shift_right_arithmetic3A_405 = vector.broadcast %shift_right_arithmetic3A_404 : i32 to vector<16xi32>
        %shift_right_arithmetic3A_406 = arith.shrsi %get3A_403, %shift_right_arithmetic3A_405 : vector<16xi32>
        %and3A_407 = arith.constant 65535 : i32
        %and3A_408 = vector.broadcast %and3A_407 : i32 to vector<16xi32>
        %and3A_409 = arith.andi %get3A_403, %and3A_408 : vector<16xi32>
        %eq3A_410 = arith.cmpi eq, %shift_right_arithmetic3A_406, %gather3A : vector<16xi32>
        %gt3A_411 = arith.constant 0 : i32
        %gt3A_412 = vector.broadcast %gt3A_411 : i32 to vector<16xi32>
        %gt3A_413 = arith.cmpi sgt, %get3A_403, %gt3A_412 : vector<16xi32>
        %and3A_414 = arith.andi %eq3A_410, %gt3A_413 : vector<16xi1>
        tpu.vector_store_idx %arg8[%and3A_409], %broadcast_in_dim3A_32 masked %and3A_414 {add = true} : memref<65536xi32, #tpu.memory_space<vmem>>[vector<16xi32>], vector<16xi32>, vector<16xi1>
        %get3A_415 = arith.index_cast %scan3A_344 : i32 to index
        %get3A_416 = arith.constant 80 : index
        %get3A_417 = tpu.vector_load %arg5[%get3A_415, %get3A_416] {strides = array<i32>} : memref<168x128xi32, #tpu.memory_space<vmem>>, vector<16xi32>,
        %shift_right_arithmetic3A_418 = arith.constant 16 : i32
        %shift_right_arithmetic3A_419 = vector.broadcast %shift_right_arithmetic3A_418 : i32 to vector<16xi32>
        %shift_right_arithmetic3A_420 = arith.shrsi %get3A_417, %shift_right_arithmetic3A_419 : vector<16xi32>
        %and3A_421 = arith.constant 65535 : i32
        %and3A_422 = vector.broadcast %and3A_421 : i32 to vector<16xi32>
        %and3A_423 = arith.andi %get3A_417, %and3A_422 : vector<16xi32>
        %eq3A_424 = arith.cmpi eq, %shift_right_arithmetic3A_420, %gather3A : vector<16xi32>
        %gt3A_425 = arith.constant 0 : i32
        %gt3A_426 = vector.broadcast %gt3A_425 : i32 to vector<16xi32>
        %gt3A_427 = arith.cmpi sgt, %get3A_417, %gt3A_426 : vector<16xi32>
        %and3A_428 = arith.andi %eq3A_424, %gt3A_427 : vector<16xi1>
        tpu.vector_store_idx %arg8[%and3A_423], %broadcast_in_dim3A_32 masked %and3A_428 {add = true} : memref<65536xi32, #tpu.memory_space<vmem>>[vector<16xi32>], vector<16xi32>, vector<16xi1>
        %get3A_429 = arith.index_cast %scan3A_344 : i32 to index
        %get3A_430 = arith.constant 96 : index
        %get3A_431 = tpu.vector_load %arg5[%get3A_429, %get3A_430] {strides = array<i32>} : memref<168x128xi32, #tpu.memory_space<vmem>>, vector<16xi32>,
        %shift_right_arithmetic3A_432 = arith.constant 16 : i32
        %shift_right_arithmetic3A_433 = vector.broadcast %shift_right_arithmetic3A_432 : i32 to vector<16xi32>
        %shift_right_arithmetic3A_434 = arith.shrsi %get3A_431, %shift_right_arithmetic3A_433 : vector<16xi32>
        %and3A_435 = arith.constant 65535 : i32
        %and3A_436 = vector.broadcast %and3A_435 : i32 to vector<16xi32>
        %and3A_437 = arith.andi %get3A_431, %and3A_436 : vector<16xi32>
        %eq3A_438 = arith.cmpi eq, %shift_right_arithmetic3A_434, %gather3A : vector<16xi32>
        %gt3A_439 = arith.constant 0 : i32
        %gt3A_440 = vector.broadcast %gt3A_439 : i32 to vector<16xi32>
        %gt3A_441 = arith.cmpi sgt, %get3A_431, %gt3A_440 : vector<16xi32>
        %and3A_442 = arith.andi %eq3A_438, %gt3A_441 : vector<16xi1>
        tpu.vector_store_idx %arg8[%and3A_437], %broadcast_in_dim3A_32 masked %and3A_442 {add = true} : memref<65536xi32, #tpu.memory_space<vmem>>[vector<16xi32>], vector<16xi32>, vector<16xi1>
        %get3A_443 = arith.index_cast %scan3A_344 : i32 to index
        %get3A_444 = arith.constant 112 : index
        %get3A_445 = tpu.vector_load %arg5[%get3A_443, %get3A_444] {strides = array<i32>} : memref<168x128xi32, #tpu.memory_space<vmem>>, vector<16xi32>,
        %shift_right_arithmetic3A_446 = arith.constant 16 : i32
        %shift_right_arithmetic3A_447 = vector.broadcast %shift_right_arithmetic3A_446 : i32 to vector<16xi32>
        %shift_right_arithmetic3A_448 = arith.shrsi %get3A_445, %shift_right_arithmetic3A_447 : vector<16xi32>
        %and3A_449 = arith.constant 65535 : i32
        %and3A_450 = vector.broadcast %and3A_449 : i32 to vector<16xi32>
        %and3A_451 = arith.andi %get3A_445, %and3A_450 : vector<16xi32>
        %eq3A_452 = arith.cmpi eq, %shift_right_arithmetic3A_448, %gather3A : vector<16xi32>
        %gt3A_453 = arith.constant 0 : i32
        %gt3A_454 = vector.broadcast %gt3A_453 : i32 to vector<16xi32>
        %gt3A_455 = arith.cmpi sgt, %get3A_445, %gt3A_454 : vector<16xi32>
        %and3A_456 = arith.andi %eq3A_452, %gt3A_455 : vector<16xi1>
        tpu.vector_store_idx %arg8[%and3A_451], %broadcast_in_dim3A_32 masked %and3A_456 {add = true} : memref<65536xi32, #tpu.memory_space<vmem>>[vector<16xi32>], vector<16xi32>, vector<16xi1>
        %scan3A_457 = arith.constant 3 : i32
        %scan3A_458 = arith.addi %scan3A_119, %scan3A_457 : i32
        %get3A_459 = arith.index_cast %scan3A_458 : i32 to index
        %get3A_460 = arith.constant 0 : index
        %get3A_461 = tpu.vector_load %arg5[%get3A_459, %get3A_460] {strides = array<i32>} : memref<168x128xi32, #tpu.memory_space<vmem>>, vector<16xi32>,
        %shift_right_arithmetic3A_462 = arith.constant 16 : i32
        %shift_right_arithmetic3A_463 = vector.broadcast %shift_right_arithmetic3A_462 : i32 to vector<16xi32>
        %shift_right_arithmetic3A_464 = arith.shrsi %get3A_461, %shift_right_arithmetic3A_463 : vector<16xi32>
        %and3A_465 = arith.constant 65535 : i32
        %and3A_466 = vector.broadcast %and3A_465 : i32 to vector<16xi32>
        %and3A_467 = arith.andi %get3A_461, %and3A_466 : vector<16xi32>
        %eq3A_468 = arith.cmpi eq, %shift_right_arithmetic3A_464, %gather3A : vector<16xi32>
        %gt3A_469 = arith.constant 0 : i32
        %gt3A_470 = vector.broadcast %gt3A_469 : i32 to vector<16xi32>
        %gt3A_471 = arith.cmpi sgt, %get3A_461, %gt3A_470 : vector<16xi32>
        %and3A_472 = arith.andi %eq3A_468, %gt3A_471 : vector<16xi1>
        tpu.vector_store_idx %arg8[%and3A_467], %broadcast_in_dim3A_32 masked %and3A_472 {add = true} : memref<65536xi32, #tpu.memory_space<vmem>>[vector<16xi32>], vector<16xi32>, vector<16xi1>
        %get3A_473 = arith.index_cast %scan3A_458 : i32 to index
        %get3A_474 = arith.constant 16 : index
        %get3A_475 = tpu.vector_load %arg5[%get3A_473, %get3A_474] {strides = array<i32>} : memref<168x128xi32, #tpu.memory_space<vmem>>, vector<16xi32>,
        %shift_right_arithmetic3A_476 = arith.constant 16 : i32
        %shift_right_arithmetic3A_477 = vector.broadcast %shift_right_arithmetic3A_476 : i32 to vector<16xi32>
        %shift_right_arithmetic3A_478 = arith.shrsi %get3A_475, %shift_right_arithmetic3A_477 : vector<16xi32>
        %and3A_479 = arith.constant 65535 : i32
        %and3A_480 = vector.broadcast %and3A_479 : i32 to vector<16xi32>
        %and3A_481 = arith.andi %get3A_475, %and3A_480 : vector<16xi32>
        %eq3A_482 = arith.cmpi eq, %shift_right_arithmetic3A_478, %gather3A : vector<16xi32>
        %gt3A_483 = arith.constant 0 : i32
        %gt3A_484 = vector.broadcast %gt3A_483 : i32 to vector<16xi32>
        %gt3A_485 = arith.cmpi sgt, %get3A_475, %gt3A_484 : vector<16xi32>
        %and3A_486 = arith.andi %eq3A_482, %gt3A_485 : vector<16xi1>
        tpu.vector_store_idx %arg8[%and3A_481], %broadcast_in_dim3A_32 masked %and3A_486 {add = true} : memref<65536xi32, #tpu.memory_space<vmem>>[vector<16xi32>], vector<16xi32>, vector<16xi1>
        %get3A_487 = arith.index_cast %scan3A_458 : i32 to index
        %get3A_488 = arith.constant 32 : index
        %get3A_489 = tpu.vector_load %arg5[%get3A_487, %get3A_488] {strides = array<i32>} : memref<168x128xi32, #tpu.memory_space<vmem>>, vector<16xi32>,
        %shift_right_arithmetic3A_490 = arith.constant 16 : i32
        %shift_right_arithmetic3A_491 = vector.broadcast %shift_right_arithmetic3A_490 : i32 to vector<16xi32>
        %shift_right_arithmetic3A_492 = arith.shrsi %get3A_489, %shift_right_arithmetic3A_491 : vector<16xi32>
        %and3A_493 = arith.constant 65535 : i32
        %and3A_494 = vector.broadcast %and3A_493 : i32 to vector<16xi32>
        %and3A_495 = arith.andi %get3A_489, %and3A_494 : vector<16xi32>
        %eq3A_496 = arith.cmpi eq, %shift_right_arithmetic3A_492, %gather3A : vector<16xi32>
        %gt3A_497 = arith.constant 0 : i32
        %gt3A_498 = vector.broadcast %gt3A_497 : i32 to vector<16xi32>
        %gt3A_499 = arith.cmpi sgt, %get3A_489, %gt3A_498 : vector<16xi32>
        %and3A_500 = arith.andi %eq3A_496, %gt3A_499 : vector<16xi1>
        tpu.vector_store_idx %arg8[%and3A_495], %broadcast_in_dim3A_32 masked %and3A_500 {add = true} : memref<65536xi32, #tpu.memory_space<vmem>>[vector<16xi32>], vector<16xi32>, vector<16xi1>
        %get3A_501 = arith.index_cast %scan3A_458 : i32 to index
        %get3A_502 = arith.constant 48 : index
        %get3A_503 = tpu.vector_load %arg5[%get3A_501, %get3A_502] {strides = array<i32>} : memref<168x128xi32, #tpu.memory_space<vmem>>, vector<16xi32>,
        %shift_right_arithmetic3A_504 = arith.constant 16 : i32
        %shift_right_arithmetic3A_505 = vector.broadcast %shift_right_arithmetic3A_504 : i32 to vector<16xi32>
        %shift_right_arithmetic3A_506 = arith.shrsi %get3A_503, %shift_right_arithmetic3A_505 : vector<16xi32>
        %and3A_507 = arith.constant 65535 : i32
        %and3A_508 = vector.broadcast %and3A_507 : i32 to vector<16xi32>
        %and3A_509 = arith.andi %get3A_503, %and3A_508 : vector<16xi32>
        %eq3A_510 = arith.cmpi eq, %shift_right_arithmetic3A_506, %gather3A : vector<16xi32>
        %gt3A_511 = arith.constant 0 : i32
        %gt3A_512 = vector.broadcast %gt3A_511 : i32 to vector<16xi32>
        %gt3A_513 = arith.cmpi sgt, %get3A_503, %gt3A_512 : vector<16xi32>
        %and3A_514 = arith.andi %eq3A_510, %gt3A_513 : vector<16xi1>
        tpu.vector_store_idx %arg8[%and3A_509], %broadcast_in_dim3A_32 masked %and3A_514 {add = true} : memref<65536xi32, #tpu.memory_space<vmem>>[vector<16xi32>], vector<16xi32>, vector<16xi1>
        %get3A_515 = arith.index_cast %scan3A_458 : i32 to index
        %get3A_516 = arith.constant 64 : index
        %get3A_517 = tpu.vector_load %arg5[%get3A_515, %get3A_516] {strides = array<i32>} : memref<168x128xi32, #tpu.memory_space<vmem>>, vector<16xi32>,
        %shift_right_arithmetic3A_518 = arith.constant 16 : i32
        %shift_right_arithmetic3A_519 = vector.broadcast %shift_right_arithmetic3A_518 : i32 to vector<16xi32>
        %shift_right_arithmetic3A_520 = arith.shrsi %get3A_517, %shift_right_arithmetic3A_519 : vector<16xi32>
        %and3A_521 = arith.constant 65535 : i32
        %and3A_522 = vector.broadcast %and3A_521 : i32 to vector<16xi32>
        %and3A_523 = arith.andi %get3A_517, %and3A_522 : vector<16xi32>
        %eq3A_524 = arith.cmpi eq, %shift_right_arithmetic3A_520, %gather3A : vector<16xi32>
        %gt3A_525 = arith.constant 0 : i32
        %gt3A_526 = vector.broadcast %gt3A_525 : i32 to vector<16xi32>
        %gt3A_527 = arith.cmpi sgt, %get3A_517, %gt3A_526 : vector<16xi32>
        %and3A_528 = arith.andi %eq3A_524, %gt3A_527 : vector<16xi1>
        tpu.vector_store_idx %arg8[%and3A_523], %broadcast_in_dim3A_32 masked %and3A_528 {add = true} : memref<65536xi32, #tpu.memory_space<vmem>>[vector<16xi32>], vector<16xi32>, vector<16xi1>
        %get3A_529 = arith.index_cast %scan3A_458 : i32 to index
        %get3A_530 = arith.constant 80 : index
        %get3A_531 = tpu.vector_load %arg5[%get3A_529, %get3A_530] {strides = array<i32>} : memref<168x128xi32, #tpu.memory_space<vmem>>, vector<16xi32>,
        %shift_right_arithmetic3A_532 = arith.constant 16 : i32
        %shift_right_arithmetic3A_533 = vector.broadcast %shift_right_arithmetic3A_532 : i32 to vector<16xi32>
        %shift_right_arithmetic3A_534 = arith.shrsi %get3A_531, %shift_right_arithmetic3A_533 : vector<16xi32>
        %and3A_535 = arith.constant 65535 : i32
        %and3A_536 = vector.broadcast %and3A_535 : i32 to vector<16xi32>
        %and3A_537 = arith.andi %get3A_531, %and3A_536 : vector<16xi32>
        %eq3A_538 = arith.cmpi eq, %shift_right_arithmetic3A_534, %gather3A : vector<16xi32>
        %gt3A_539 = arith.constant 0 : i32
        %gt3A_540 = vector.broadcast %gt3A_539 : i32 to vector<16xi32>
        %gt3A_541 = arith.cmpi sgt, %get3A_531, %gt3A_540 : vector<16xi32>
        %and3A_542 = arith.andi %eq3A_538, %gt3A_541 : vector<16xi1>
        tpu.vector_store_idx %arg8[%and3A_537], %broadcast_in_dim3A_32 masked %and3A_542 {add = true} : memref<65536xi32, #tpu.memory_space<vmem>>[vector<16xi32>], vector<16xi32>, vector<16xi1>
        %get3A_543 = arith.index_cast %scan3A_458 : i32 to index
        %get3A_544 = arith.constant 96 : index
        %get3A_545 = tpu.vector_load %arg5[%get3A_543, %get3A_544] {strides = array<i32>} : memref<168x128xi32, #tpu.memory_space<vmem>>, vector<16xi32>,
        %shift_right_arithmetic3A_546 = arith.constant 16 : i32
        %shift_right_arithmetic3A_547 = vector.broadcast %shift_right_arithmetic3A_546 : i32 to vector<16xi32>
        %shift_right_arithmetic3A_548 = arith.shrsi %get3A_545, %shift_right_arithmetic3A_547 : vector<16xi32>
        %and3A_549 = arith.constant 65535 : i32
        %and3A_550 = vector.broadcast %and3A_549 : i32 to vector<16xi32>
        %and3A_551 = arith.andi %get3A_545, %and3A_550 : vector<16xi32>
        %eq3A_552 = arith.cmpi eq, %shift_right_arithmetic3A_548, %gather3A : vector<16xi32>
        %gt3A_553 = arith.constant 0 : i32
        %gt3A_554 = vector.broadcast %gt3A_553 : i32 to vector<16xi32>
        %gt3A_555 = arith.cmpi sgt, %get3A_545, %gt3A_554 : vector<16xi32>
        %and3A_556 = arith.andi %eq3A_552, %gt3A_555 : vector<16xi1>
        tpu.vector_store_idx %arg8[%and3A_551], %broadcast_in_dim3A_32 masked %and3A_556 {add = true} : memref<65536xi32, #tpu.memory_space<vmem>>[vector<16xi32>], vector<16xi32>, vector<16xi1>
        %get3A_557 = arith.index_cast %scan3A_458 : i32 to index
        %get3A_558 = arith.constant 112 : index
        %get3A_559 = tpu.vector_load %arg5[%get3A_557, %get3A_558] {strides = array<i32>} : memref<168x128xi32, #tpu.memory_space<vmem>>, vector<16xi32>,
        %shift_right_arithmetic3A_560 = arith.constant 16 : i32
        %shift_right_arithmetic3A_561 = vector.broadcast %shift_right_arithmetic3A_560 : i32 to vector<16xi32>
        %shift_right_arithmetic3A_562 = arith.shrsi %get3A_559, %shift_right_arithmetic3A_561 : vector<16xi32>
        %and3A_563 = arith.constant 65535 : i32
        %and3A_564 = vector.broadcast %and3A_563 : i32 to vector<16xi32>
        %and3A_565 = arith.andi %get3A_559, %and3A_564 : vector<16xi32>
        %eq3A_566 = arith.cmpi eq, %shift_right_arithmetic3A_562, %gather3A : vector<16xi32>
        %gt3A_567 = arith.constant 0 : i32
        %gt3A_568 = vector.broadcast %gt3A_567 : i32 to vector<16xi32>
        %gt3A_569 = arith.cmpi sgt, %get3A_559, %gt3A_568 : vector<16xi32>
        %and3A_570 = arith.andi %eq3A_566, %gt3A_569 : vector<16xi1>
        tpu.vector_store_idx %arg8[%and3A_565], %broadcast_in_dim3A_32 masked %and3A_570 {add = true} : memref<65536xi32, #tpu.memory_space<vmem>>[vector<16xi32>], vector<16xi32>, vector<16xi1>
      }
      %scan3A_88 = arith.constant 168 : i32
      %add3A_89 = arith.constant 1 : i32
      %add3A_90 = arith.addi %mul3A_62, %add3A_89 : i32
      %mul3A_91 = arith.constant 168 : i32
      %mul3A_92 = arith.muli %add3A_90, %mul3A_91 : i32
      %add3A_93 = arith.addi %mul3A_34, %mul3A_92 : i32
      %dma_wait3A_94 = arith.constant 0 : i32
      %dma_wait3A_95 = tpu.memref_slice %arg2[%select_n3A, %add3A_93, %dma_wait3A_94] : memref<8x37632x128xi32, #tpu.memory_space<hbm>> -> memref<1x168x128xi32, #tpu.memory_space<hbm>>
      %dma_wait3A_96 = tpu.memref_squeeze %dma_wait3A_95 : memref<1x168x128xi32, #tpu.memory_space<hbm>> -> memref<168x128xi32, #tpu.memory_space<hbm>>
      %dma_wait3A_97 = arith.constant 0 : i32
      %dma_wait3A_98 = tpu.memref_slice %arg2[%select_n3A, %add3A_93, %dma_wait3A_97] : memref<8x37632x128xi32, #tpu.memory_space<hbm>> -> memref<1x168x128xi32, #tpu.memory_space<hbm>>
      %dma_wait3A_99 = tpu.memref_squeeze %dma_wait3A_98 : memref<1x168x128xi32, #tpu.memory_space<hbm>> -> memref<168x128xi32, #tpu.memory_space<hbm>>
      tpu.wait_dma2 semaphore(%arg10 : memref<!tpu.dma_semaphore, #tpu.memory_space<semaphore_mem>>) src(%dma_wait3A_99 : memref<168x128xi32, #tpu.memory_space<hbm>>) dst(%arg6 : memref<168x128xi32, #tpu.memory_space<vmem>>)
      %add3A_100 = arith.constant 2 : i32
      %add3A_101 = arith.addi %mul3A_62, %add3A_100 : i32
      %rem3A_102 = arith.constant 56 : i32
      %rem3A_103 = arith.remsi %add3A_101, %rem3A_102 : i32
      %mul3A_104 = arith.constant 168 : i32
      %mul3A_105 = arith.muli %rem3A_103, %mul3A_104 : i32
      %add3A_106 = arith.addi %mul3A_34, %mul3A_105 : i32
      %dma_start3A_107 = arith.constant 0 : i32
      %dma_start3A_108 = tpu.memref_slice %arg2[%select_n3A, %add3A_106, %dma_start3A_107] : memref<8x37632x128xi32, #tpu.memory_space<hbm>> -> memref<1x168x128xi32, #tpu.memory_space<hbm>>
      %dma_start3A_109 = tpu.memref_squeeze %dma_start3A_108 : memref<1x168x128xi32, #tpu.memory_space<hbm>> -> memref<168x128xi32, #tpu.memory_space<hbm>>
      %dma_start3A_110 = arith.constant 0 : i32
      %dma_start3A_111 = tpu.memref_slice %arg2[%select_n3A, %add3A_106, %dma_start3A_110] : memref<8x37632x128xi32, #tpu.memory_space<hbm>> -> memref<1x168x128xi32, #tpu.memory_space<hbm>>
      %dma_start3A_112 = tpu.memref_squeeze %dma_start3A_111 : memref<1x168x128xi32, #tpu.memory_space<hbm>> -> memref<168x128xi32, #tpu.memory_space<hbm>>
      tpu.enqueue_dma source(%dma_start3A_112 : memref<168x128xi32, #tpu.memory_space<hbm>>) target(%arg5 : memref<168x128xi32, #tpu.memory_space<vmem>>) target_semaphore(%arg9 : memref<!tpu.dma_semaphore, #tpu.memory_space<semaphore_mem>>)
      %scan3A_113 = arith.constant 0 : i32
      %scan3A_114 = arith.constant 0 : i32
      %scan3A_115 = arith.constant 168 : i32
      %scan3A_116 = arith.addi %scan3A_114, %scan3A_115 : i32
      %scan3A_117 = arith.constant 4 : i32
      scf.for %scan3A_119 = %scan3A_114 to %scan3A_116 step %scan3A_117  : i32 {
        %get3A = arith.index_cast %scan3A_119 : i32 to index
        %get3A_120 = arith.constant 0 : index
        %get3A_121 = tpu.vector_load %arg6[%get3A, %get3A_120] {strides = array<i32>} : memref<168x128xi32, #tpu.memory_space<vmem>>, vector<16xi32>,
        %shift_right_arithmetic3A = arith.constant 16 : i32
        %shift_right_arithmetic3A_122 = vector.broadcast %shift_right_arithmetic3A : i32 to vector<16xi32>
        %shift_right_arithmetic3A_123 = arith.shrsi %get3A_121, %shift_right_arithmetic3A_122 : vector<16xi32>
        %and3A_124 = arith.constant 65535 : i32
        %and3A_125 = vector.broadcast %and3A_124 : i32 to vector<16xi32>
        %and3A_126 = arith.andi %get3A_121, %and3A_125 : vector<16xi32>
        %eq3A_127 = arith.cmpi eq, %shift_right_arithmetic3A_123, %gather3A : vector<16xi32>
        %gt3A = arith.constant 0 : i32
        %gt3A_128 = vector.broadcast %gt3A : i32 to vector<16xi32>
        %gt3A_129 = arith.cmpi sgt, %get3A_121, %gt3A_128 : vector<16xi32>
        %and3A_130 = arith.andi %eq3A_127, %gt3A_129 : vector<16xi1>
        tpu.vector_store_idx %arg8[%and3A_126], %broadcast_in_dim3A_32 masked %and3A_130 {add = true} : memref<65536xi32, #tpu.memory_space<vmem>>[vector<16xi32>], vector<16xi32>, vector<16xi1>
        %get3A_131 = arith.index_cast %scan3A_119 : i32 to index
        %get3A_132 = arith.constant 16 : index
        %get3A_133 = tpu.vector_load %arg6[%get3A_131, %get3A_132] {strides = array<i32>} : memref<168x128xi32, #tpu.memory_space<vmem>>, vector<16xi32>,
        %shift_right_arithmetic3A_134 = arith.constant 16 : i32
        %shift_right_arithmetic3A_135 = vector.broadcast %shift_right_arithmetic3A_134 : i32 to vector<16xi32>
        %shift_right_arithmetic3A_136 = arith.shrsi %get3A_133, %shift_right_arithmetic3A_135 : vector<16xi32>
        %and3A_137 = arith.constant 65535 : i32
        %and3A_138 = vector.broadcast %and3A_137 : i32 to vector<16xi32>
        %and3A_139 = arith.andi %get3A_133, %and3A_138 : vector<16xi32>
        %eq3A_140 = arith.cmpi eq, %shift_right_arithmetic3A_136, %gather3A : vector<16xi32>
        %gt3A_141 = arith.constant 0 : i32
        %gt3A_142 = vector.broadcast %gt3A_141 : i32 to vector<16xi32>
        %gt3A_143 = arith.cmpi sgt, %get3A_133, %gt3A_142 : vector<16xi32>
        %and3A_144 = arith.andi %eq3A_140, %gt3A_143 : vector<16xi1>
        tpu.vector_store_idx %arg8[%and3A_139], %broadcast_in_dim3A_32 masked %and3A_144 {add = true} : memref<65536xi32, #tpu.memory_space<vmem>>[vector<16xi32>], vector<16xi32>, vector<16xi1>
        %get3A_145 = arith.index_cast %scan3A_119 : i32 to index
        %get3A_146 = arith.constant 32 : index
        %get3A_147 = tpu.vector_load %arg6[%get3A_145, %get3A_146] {strides = array<i32>} : memref<168x128xi32, #tpu.memory_space<vmem>>, vector<16xi32>,
        %shift_right_arithmetic3A_148 = arith.constant 16 : i32
        %shift_right_arithmetic3A_149 = vector.broadcast %shift_right_arithmetic3A_148 : i32 to vector<16xi32>
        %shift_right_arithmetic3A_150 = arith.shrsi %get3A_147, %shift_right_arithmetic3A_149 : vector<16xi32>
        %and3A_151 = arith.constant 65535 : i32
        %and3A_152 = vector.broadcast %and3A_151 : i32 to vector<16xi32>
        %and3A_153 = arith.andi %get3A_147, %and3A_152 : vector<16xi32>
        %eq3A_154 = arith.cmpi eq, %shift_right_arithmetic3A_150, %gather3A : vector<16xi32>
        %gt3A_155 = arith.constant 0 : i32
        %gt3A_156 = vector.broadcast %gt3A_155 : i32 to vector<16xi32>
        %gt3A_157 = arith.cmpi sgt, %get3A_147, %gt3A_156 : vector<16xi32>
        %and3A_158 = arith.andi %eq3A_154, %gt3A_157 : vector<16xi1>
        tpu.vector_store_idx %arg8[%and3A_153], %broadcast_in_dim3A_32 masked %and3A_158 {add = true} : memref<65536xi32, #tpu.memory_space<vmem>>[vector<16xi32>], vector<16xi32>, vector<16xi1>
        %get3A_159 = arith.index_cast %scan3A_119 : i32 to index
        %get3A_160 = arith.constant 48 : index
        %get3A_161 = tpu.vector_load %arg6[%get3A_159, %get3A_160] {strides = array<i32>} : memref<168x128xi32, #tpu.memory_space<vmem>>, vector<16xi32>,
        %shift_right_arithmetic3A_162 = arith.constant 16 : i32
        %shift_right_arithmetic3A_163 = vector.broadcast %shift_right_arithmetic3A_162 : i32 to vector<16xi32>
        %shift_right_arithmetic3A_164 = arith.shrsi %get3A_161, %shift_right_arithmetic3A_163 : vector<16xi32>
        %and3A_165 = arith.constant 65535 : i32
        %and3A_166 = vector.broadcast %and3A_165 : i32 to vector<16xi32>
        %and3A_167 = arith.andi %get3A_161, %and3A_166 : vector<16xi32>
        %eq3A_168 = arith.cmpi eq, %shift_right_arithmetic3A_164, %gather3A : vector<16xi32>
        %gt3A_169 = arith.constant 0 : i32
        %gt3A_170 = vector.broadcast %gt3A_169 : i32 to vector<16xi32>
        %gt3A_171 = arith.cmpi sgt, %get3A_161, %gt3A_170 : vector<16xi32>
        %and3A_172 = arith.andi %eq3A_168, %gt3A_171 : vector<16xi1>
        tpu.vector_store_idx %arg8[%and3A_167], %broadcast_in_dim3A_32 masked %and3A_172 {add = true} : memref<65536xi32, #tpu.memory_space<vmem>>[vector<16xi32>], vector<16xi32>, vector<16xi1>
        %get3A_173 = arith.index_cast %scan3A_119 : i32 to index
        %get3A_174 = arith.constant 64 : index
        %get3A_175 = tpu.vector_load %arg6[%get3A_173, %get3A_174] {strides = array<i32>} : memref<168x128xi32, #tpu.memory_space<vmem>>, vector<16xi32>,
        %shift_right_arithmetic3A_176 = arith.constant 16 : i32
        %shift_right_arithmetic3A_177 = vector.broadcast %shift_right_arithmetic3A_176 : i32 to vector<16xi32>
        %shift_right_arithmetic3A_178 = arith.shrsi %get3A_175, %shift_right_arithmetic3A_177 : vector<16xi32>
        %and3A_179 = arith.constant 65535 : i32
        %and3A_180 = vector.broadcast %and3A_179 : i32 to vector<16xi32>
        %and3A_181 = arith.andi %get3A_175, %and3A_180 : vector<16xi32>
        %eq3A_182 = arith.cmpi eq, %shift_right_arithmetic3A_178, %gather3A : vector<16xi32>
        %gt3A_183 = arith.constant 0 : i32
        %gt3A_184 = vector.broadcast %gt3A_183 : i32 to vector<16xi32>
        %gt3A_185 = arith.cmpi sgt, %get3A_175, %gt3A_184 : vector<16xi32>
        %and3A_186 = arith.andi %eq3A_182, %gt3A_185 : vector<16xi1>
        tpu.vector_store_idx %arg8[%and3A_181], %broadcast_in_dim3A_32 masked %and3A_186 {add = true} : memref<65536xi32, #tpu.memory_space<vmem>>[vector<16xi32>], vector<16xi32>, vector<16xi1>
        %get3A_187 = arith.index_cast %scan3A_119 : i32 to index
        %get3A_188 = arith.constant 80 : index
        %get3A_189 = tpu.vector_load %arg6[%get3A_187, %get3A_188] {strides = array<i32>} : memref<168x128xi32, #tpu.memory_space<vmem>>, vector<16xi32>,
        %shift_right_arithmetic3A_190 = arith.constant 16 : i32
        %shift_right_arithmetic3A_191 = vector.broadcast %shift_right_arithmetic3A_190 : i32 to vector<16xi32>
        %shift_right_arithmetic3A_192 = arith.shrsi %get3A_189, %shift_right_arithmetic3A_191 : vector<16xi32>
        %and3A_193 = arith.constant 65535 : i32
        %and3A_194 = vector.broadcast %and3A_193 : i32 to vector<16xi32>
        %and3A_195 = arith.andi %get3A_189, %and3A_194 : vector<16xi32>
        %eq3A_196 = arith.cmpi eq, %shift_right_arithmetic3A_192, %gather3A : vector<16xi32>
        %gt3A_197 = arith.constant 0 : i32
        %gt3A_198 = vector.broadcast %gt3A_197 : i32 to vector<16xi32>
        %gt3A_199 = arith.cmpi sgt, %get3A_189, %gt3A_198 : vector<16xi32>
        %and3A_200 = arith.andi %eq3A_196, %gt3A_199 : vector<16xi1>
        tpu.vector_store_idx %arg8[%and3A_195], %broadcast_in_dim3A_32 masked %and3A_200 {add = true} : memref<65536xi32, #tpu.memory_space<vmem>>[vector<16xi32>], vector<16xi32>, vector<16xi1>
        %get3A_201 = arith.index_cast %scan3A_119 : i32 to index
        %get3A_202 = arith.constant 96 : index
        %get3A_203 = tpu.vector_load %arg6[%get3A_201, %get3A_202] {strides = array<i32>} : memref<168x128xi32, #tpu.memory_space<vmem>>, vector<16xi32>,
        %shift_right_arithmetic3A_204 = arith.constant 16 : i32
        %shift_right_arithmetic3A_205 = vector.broadcast %shift_right_arithmetic3A_204 : i32 to vector<16xi32>
        %shift_right_arithmetic3A_206 = arith.shrsi %get3A_203, %shift_right_arithmetic3A_205 : vector<16xi32>
        %and3A_207 = arith.constant 65535 : i32
        %and3A_208 = vector.broadcast %and3A_207 : i32 to vector<16xi32>
        %and3A_209 = arith.andi %get3A_203, %and3A_208 : vector<16xi32>
        %eq3A_210 = arith.cmpi eq, %shift_right_arithmetic3A_206, %gather3A : vector<16xi32>
        %gt3A_211 = arith.constant 0 : i32
        %gt3A_212 = vector.broadcast %gt3A_211 : i32 to vector<16xi32>
        %gt3A_213 = arith.cmpi sgt, %get3A_203, %gt3A_212 : vector<16xi32>
        %and3A_214 = arith.andi %eq3A_210, %gt3A_213 : vector<16xi1>
        tpu.vector_store_idx %arg8[%and3A_209], %broadcast_in_dim3A_32 masked %and3A_214 {add = true} : memref<65536xi32, #tpu.memory_space<vmem>>[vector<16xi32>], vector<16xi32>, vector<16xi1>
        %get3A_215 = arith.index_cast %scan3A_119 : i32 to index
        %get3A_216 = arith.constant 112 : index
        %get3A_217 = tpu.vector_load %arg6[%get3A_215, %get3A_216] {strides = array<i32>} : memref<168x128xi32, #tpu.memory_space<vmem>>, vector<16xi32>,
        %shift_right_arithmetic3A_218 = arith.constant 16 : i32
        %shift_right_arithmetic3A_219 = vector.broadcast %shift_right_arithmetic3A_218 : i32 to vector<16xi32>
        %shift_right_arithmetic3A_220 = arith.shrsi %get3A_217, %shift_right_arithmetic3A_219 : vector<16xi32>
        %and3A_221 = arith.constant 65535 : i32
        %and3A_222 = vector.broadcast %and3A_221 : i32 to vector<16xi32>
        %and3A_223 = arith.andi %get3A_217, %and3A_222 : vector<16xi32>
        %eq3A_224 = arith.cmpi eq, %shift_right_arithmetic3A_220, %gather3A : vector<16xi32>
        %gt3A_225 = arith.constant 0 : i32
        %gt3A_226 = vector.broadcast %gt3A_225 : i32 to vector<16xi32>
        %gt3A_227 = arith.cmpi sgt, %get3A_217, %gt3A_226 : vector<16xi32>
        %and3A_228 = arith.andi %eq3A_224, %gt3A_227 : vector<16xi1>
        tpu.vector_store_idx %arg8[%and3A_223], %broadcast_in_dim3A_32 masked %and3A_228 {add = true} : memref<65536xi32, #tpu.memory_space<vmem>>[vector<16xi32>], vector<16xi32>, vector<16xi1>
        %scan3A_229 = arith.constant 1 : i32
        %scan3A_230 = arith.addi %scan3A_119, %scan3A_229 : i32
        %get3A_231 = arith.index_cast %scan3A_230 : i32 to index
        %get3A_232 = arith.constant 0 : index
        %get3A_233 = tpu.vector_load %arg6[%get3A_231, %get3A_232] {strides = array<i32>} : memref<168x128xi32, #tpu.memory_space<vmem>>, vector<16xi32>,
        %shift_right_arithmetic3A_234 = arith.constant 16 : i32
        %shift_right_arithmetic3A_235 = vector.broadcast %shift_right_arithmetic3A_234 : i32 to vector<16xi32>
        %shift_right_arithmetic3A_236 = arith.shrsi %get3A_233, %shift_right_arithmetic3A_235 : vector<16xi32>
        %and3A_237 = arith.constant 65535 : i32
        %and3A_238 = vector.broadcast %and3A_237 : i32 to vector<16xi32>
        %and3A_239 = arith.andi %get3A_233, %and3A_238 : vector<16xi32>
        %eq3A_240 = arith.cmpi eq, %shift_right_arithmetic3A_236, %gather3A : vector<16xi32>
        %gt3A_241 = arith.constant 0 : i32
        %gt3A_242 = vector.broadcast %gt3A_241 : i32 to vector<16xi32>
        %gt3A_243 = arith.cmpi sgt, %get3A_233, %gt3A_242 : vector<16xi32>
        %and3A_244 = arith.andi %eq3A_240, %gt3A_243 : vector<16xi1>
        tpu.vector_store_idx %arg8[%and3A_239], %broadcast_in_dim3A_32 masked %and3A_244 {add = true} : memref<65536xi32, #tpu.memory_space<vmem>>[vector<16xi32>], vector<16xi32>, vector<16xi1>
        %get3A_245 = arith.index_cast %scan3A_230 : i32 to index
        %get3A_246 = arith.constant 16 : index
        %get3A_247 = tpu.vector_load %arg6[%get3A_245, %get3A_246] {strides = array<i32>} : memref<168x128xi32, #tpu.memory_space<vmem>>, vector<16xi32>,
        %shift_right_arithmetic3A_248 = arith.constant 16 : i32
        %shift_right_arithmetic3A_249 = vector.broadcast %shift_right_arithmetic3A_248 : i32 to vector<16xi32>
        %shift_right_arithmetic3A_250 = arith.shrsi %get3A_247, %shift_right_arithmetic3A_249 : vector<16xi32>
        %and3A_251 = arith.constant 65535 : i32
        %and3A_252 = vector.broadcast %and3A_251 : i32 to vector<16xi32>
        %and3A_253 = arith.andi %get3A_247, %and3A_252 : vector<16xi32>
        %eq3A_254 = arith.cmpi eq, %shift_right_arithmetic3A_250, %gather3A : vector<16xi32>
        %gt3A_255 = arith.constant 0 : i32
        %gt3A_256 = vector.broadcast %gt3A_255 : i32 to vector<16xi32>
        %gt3A_257 = arith.cmpi sgt, %get3A_247, %gt3A_256 : vector<16xi32>
        %and3A_258 = arith.andi %eq3A_254, %gt3A_257 : vector<16xi1>
        tpu.vector_store_idx %arg8[%and3A_253], %broadcast_in_dim3A_32 masked %and3A_258 {add = true} : memref<65536xi32, #tpu.memory_space<vmem>>[vector<16xi32>], vector<16xi32>, vector<16xi1>
        %get3A_259 = arith.index_cast %scan3A_230 : i32 to index
        %get3A_260 = arith.constant 32 : index
        %get3A_261 = tpu.vector_load %arg6[%get3A_259, %get3A_260] {strides = array<i32>} : memref<168x128xi32, #tpu.memory_space<vmem>>, vector<16xi32>,
        %shift_right_arithmetic3A_262 = arith.constant 16 : i32
        %shift_right_arithmetic3A_263 = vector.broadcast %shift_right_arithmetic3A_262 : i32 to vector<16xi32>
        %shift_right_arithmetic3A_264 = arith.shrsi %get3A_261, %shift_right_arithmetic3A_263 : vector<16xi32>
        %and3A_265 = arith.constant 65535 : i32
        %and3A_266 = vector.broadcast %and3A_265 : i32 to vector<16xi32>
        %and3A_267 = arith.andi %get3A_261, %and3A_266 : vector<16xi32>
        %eq3A_268 = arith.cmpi eq, %shift_right_arithmetic3A_264, %gather3A : vector<16xi32>
        %gt3A_269 = arith.constant 0 : i32
        %gt3A_270 = vector.broadcast %gt3A_269 : i32 to vector<16xi32>
        %gt3A_271 = arith.cmpi sgt, %get3A_261, %gt3A_270 : vector<16xi32>
        %and3A_272 = arith.andi %eq3A_268, %gt3A_271 : vector<16xi1>
        tpu.vector_store_idx %arg8[%and3A_267], %broadcast_in_dim3A_32 masked %and3A_272 {add = true} : memref<65536xi32, #tpu.memory_space<vmem>>[vector<16xi32>], vector<16xi32>, vector<16xi1>
        %get3A_273 = arith.index_cast %scan3A_230 : i32 to index
        %get3A_274 = arith.constant 48 : index
        %get3A_275 = tpu.vector_load %arg6[%get3A_273, %get3A_274] {strides = array<i32>} : memref<168x128xi32, #tpu.memory_space<vmem>>, vector<16xi32>,
        %shift_right_arithmetic3A_276 = arith.constant 16 : i32
        %shift_right_arithmetic3A_277 = vector.broadcast %shift_right_arithmetic3A_276 : i32 to vector<16xi32>
        %shift_right_arithmetic3A_278 = arith.shrsi %get3A_275, %shift_right_arithmetic3A_277 : vector<16xi32>
        %and3A_279 = arith.constant 65535 : i32
        %and3A_280 = vector.broadcast %and3A_279 : i32 to vector<16xi32>
        %and3A_281 = arith.andi %get3A_275, %and3A_280 : vector<16xi32>
        %eq3A_282 = arith.cmpi eq, %shift_right_arithmetic3A_278, %gather3A : vector<16xi32>
        %gt3A_283 = arith.constant 0 : i32
        %gt3A_284 = vector.broadcast %gt3A_283 : i32 to vector<16xi32>
        %gt3A_285 = arith.cmpi sgt, %get3A_275, %gt3A_284 : vector<16xi32>
        %and3A_286 = arith.andi %eq3A_282, %gt3A_285 : vector<16xi1>
        tpu.vector_store_idx %arg8[%and3A_281], %broadcast_in_dim3A_32 masked %and3A_286 {add = true} : memref<65536xi32, #tpu.memory_space<vmem>>[vector<16xi32>], vector<16xi32>, vector<16xi1>
        %get3A_287 = arith.index_cast %scan3A_230 : i32 to index
        %get3A_288 = arith.constant 64 : index
        %get3A_289 = tpu.vector_load %arg6[%get3A_287, %get3A_288] {strides = array<i32>} : memref<168x128xi32, #tpu.memory_space<vmem>>, vector<16xi32>,
        %shift_right_arithmetic3A_290 = arith.constant 16 : i32
        %shift_right_arithmetic3A_291 = vector.broadcast %shift_right_arithmetic3A_290 : i32 to vector<16xi32>
        %shift_right_arithmetic3A_292 = arith.shrsi %get3A_289, %shift_right_arithmetic3A_291 : vector<16xi32>
        %and3A_293 = arith.constant 65535 : i32
        %and3A_294 = vector.broadcast %and3A_293 : i32 to vector<16xi32>
        %and3A_295 = arith.andi %get3A_289, %and3A_294 : vector<16xi32>
        %eq3A_296 = arith.cmpi eq, %shift_right_arithmetic3A_292, %gather3A : vector<16xi32>
        %gt3A_297 = arith.constant 0 : i32
        %gt3A_298 = vector.broadcast %gt3A_297 : i32 to vector<16xi32>
        %gt3A_299 = arith.cmpi sgt, %get3A_289, %gt3A_298 : vector<16xi32>
        %and3A_300 = arith.andi %eq3A_296, %gt3A_299 : vector<16xi1>
        tpu.vector_store_idx %arg8[%and3A_295], %broadcast_in_dim3A_32 masked %and3A_300 {add = true} : memref<65536xi32, #tpu.memory_space<vmem>>[vector<16xi32>], vector<16xi32>, vector<16xi1>
        %get3A_301 = arith.index_cast %scan3A_230 : i32 to index
        %get3A_302 = arith.constant 80 : index
        %get3A_303 = tpu.vector_load %arg6[%get3A_301, %get3A_302] {strides = array<i32>} : memref<168x128xi32, #tpu.memory_space<vmem>>, vector<16xi32>,
        %shift_right_arithmetic3A_304 = arith.constant 16 : i32
        %shift_right_arithmetic3A_305 = vector.broadcast %shift_right_arithmetic3A_304 : i32 to vector<16xi32>
        %shift_right_arithmetic3A_306 = arith.shrsi %get3A_303, %shift_right_arithmetic3A_305 : vector<16xi32>
        %and3A_307 = arith.constant 65535 : i32
        %and3A_308 = vector.broadcast %and3A_307 : i32 to vector<16xi32>
        %and3A_309 = arith.andi %get3A_303, %and3A_308 : vector<16xi32>
        %eq3A_310 = arith.cmpi eq, %shift_right_arithmetic3A_306, %gather3A : vector<16xi32>
        %gt3A_311 = arith.constant 0 : i32
        %gt3A_312 = vector.broadcast %gt3A_311 : i32 to vector<16xi32>
        %gt3A_313 = arith.cmpi sgt, %get3A_303, %gt3A_312 : vector<16xi32>
        %and3A_314 = arith.andi %eq3A_310, %gt3A_313 : vector<16xi1>
        tpu.vector_store_idx %arg8[%and3A_309], %broadcast_in_dim3A_32 masked %and3A_314 {add = true} : memref<65536xi32, #tpu.memory_space<vmem>>[vector<16xi32>], vector<16xi32>, vector<16xi1>
        %get3A_315 = arith.index_cast %scan3A_230 : i32 to index
        %get3A_316 = arith.constant 96 : index
        %get3A_317 = tpu.vector_load %arg6[%get3A_315, %get3A_316] {strides = array<i32>} : memref<168x128xi32, #tpu.memory_space<vmem>>, vector<16xi32>,
        %shift_right_arithmetic3A_318 = arith.constant 16 : i32
        %shift_right_arithmetic3A_319 = vector.broadcast %shift_right_arithmetic3A_318 : i32 to vector<16xi32>
        %shift_right_arithmetic3A_320 = arith.shrsi %get3A_317, %shift_right_arithmetic3A_319 : vector<16xi32>
        %and3A_321 = arith.constant 65535 : i32
        %and3A_322 = vector.broadcast %and3A_321 : i32 to vector<16xi32>
        %and3A_323 = arith.andi %get3A_317, %and3A_322 : vector<16xi32>
        %eq3A_324 = arith.cmpi eq, %shift_right_arithmetic3A_320, %gather3A : vector<16xi32>
        %gt3A_325 = arith.constant 0 : i32
        %gt3A_326 = vector.broadcast %gt3A_325 : i32 to vector<16xi32>
        %gt3A_327 = arith.cmpi sgt, %get3A_317, %gt3A_326 : vector<16xi32>
        %and3A_328 = arith.andi %eq3A_324, %gt3A_327 : vector<16xi1>
        tpu.vector_store_idx %arg8[%and3A_323], %broadcast_in_dim3A_32 masked %and3A_328 {add = true} : memref<65536xi32, #tpu.memory_space<vmem>>[vector<16xi32>], vector<16xi32>, vector<16xi1>
        %get3A_329 = arith.index_cast %scan3A_230 : i32 to index
        %get3A_330 = arith.constant 112 : index
        %get3A_331 = tpu.vector_load %arg6[%get3A_329, %get3A_330] {strides = array<i32>} : memref<168x128xi32, #tpu.memory_space<vmem>>, vector<16xi32>,
        %shift_right_arithmetic3A_332 = arith.constant 16 : i32
        %shift_right_arithmetic3A_333 = vector.broadcast %shift_right_arithmetic3A_332 : i32 to vector<16xi32>
        %shift_right_arithmetic3A_334 = arith.shrsi %get3A_331, %shift_right_arithmetic3A_333 : vector<16xi32>
        %and3A_335 = arith.constant 65535 : i32
        %and3A_336 = vector.broadcast %and3A_335 : i32 to vector<16xi32>
        %and3A_337 = arith.andi %get3A_331, %and3A_336 : vector<16xi32>
        %eq3A_338 = arith.cmpi eq, %shift_right_arithmetic3A_334, %gather3A : vector<16xi32>
        %gt3A_339 = arith.constant 0 : i32
        %gt3A_340 = vector.broadcast %gt3A_339 : i32 to vector<16xi32>
        %gt3A_341 = arith.cmpi sgt, %get3A_331, %gt3A_340 : vector<16xi32>
        %and3A_342 = arith.andi %eq3A_338, %gt3A_341 : vector<16xi1>
        tpu.vector_store_idx %arg8[%and3A_337], %broadcast_in_dim3A_32 masked %and3A_342 {add = true} : memref<65536xi32, #tpu.memory_space<vmem>>[vector<16xi32>], vector<16xi32>, vector<16xi1>
        %scan3A_343 = arith.constant 2 : i32
        %scan3A_344 = arith.addi %scan3A_119, %scan3A_343 : i32
        %get3A_345 = arith.index_cast %scan3A_344 : i32 to index
        %get3A_346 = arith.constant 0 : index
        %get3A_347 = tpu.vector_load %arg6[%get3A_345, %get3A_346] {strides = array<i32>} : memref<168x128xi32, #tpu.memory_space<vmem>>, vector<16xi32>,
        %shift_right_arithmetic3A_348 = arith.constant 16 : i32
        %shift_right_arithmetic3A_349 = vector.broadcast %shift_right_arithmetic3A_348 : i32 to vector<16xi32>
        %shift_right_arithmetic3A_350 = arith.shrsi %get3A_347, %shift_right_arithmetic3A_349 : vector<16xi32>
        %and3A_351 = arith.constant 65535 : i32
        %and3A_352 = vector.broadcast %and3A_351 : i32 to vector<16xi32>
        %and3A_353 = arith.andi %get3A_347, %and3A_352 : vector<16xi32>
        %eq3A_354 = arith.cmpi eq, %shift_right_arithmetic3A_350, %gather3A : vector<16xi32>
        %gt3A_355 = arith.constant 0 : i32
        %gt3A_356 = vector.broadcast %gt3A_355 : i32 to vector<16xi32>
        %gt3A_357 = arith.cmpi sgt, %get3A_347, %gt3A_356 : vector<16xi32>
        %and3A_358 = arith.andi %eq3A_354, %gt3A_357 : vector<16xi1>
        tpu.vector_store_idx %arg8[%and3A_353], %broadcast_in_dim3A_32 masked %and3A_358 {add = true} : memref<65536xi32, #tpu.memory_space<vmem>>[vector<16xi32>], vector<16xi32>, vector<16xi1>
        %get3A_359 = arith.index_cast %scan3A_344 : i32 to index
        %get3A_360 = arith.constant 16 : index
        %get3A_361 = tpu.vector_load %arg6[%get3A_359, %get3A_360] {strides = array<i32>} : memref<168x128xi32, #tpu.memory_space<vmem>>, vector<16xi32>,
        %shift_right_arithmetic3A_362 = arith.constant 16 : i32
        %shift_right_arithmetic3A_363 = vector.broadcast %shift_right_arithmetic3A_362 : i32 to vector<16xi32>
        %shift_right_arithmetic3A_364 = arith.shrsi %get3A_361, %shift_right_arithmetic3A_363 : vector<16xi32>
        %and3A_365 = arith.constant 65535 : i32
        %and3A_366 = vector.broadcast %and3A_365 : i32 to vector<16xi32>
        %and3A_367 = arith.andi %get3A_361, %and3A_366 : vector<16xi32>
        %eq3A_368 = arith.cmpi eq, %shift_right_arithmetic3A_364, %gather3A : vector<16xi32>
        %gt3A_369 = arith.constant 0 : i32
        %gt3A_370 = vector.broadcast %gt3A_369 : i32 to vector<16xi32>
        %gt3A_371 = arith.cmpi sgt, %get3A_361, %gt3A_370 : vector<16xi32>
        %and3A_372 = arith.andi %eq3A_368, %gt3A_371 : vector<16xi1>
        tpu.vector_store_idx %arg8[%and3A_367], %broadcast_in_dim3A_32 masked %and3A_372 {add = true} : memref<65536xi32, #tpu.memory_space<vmem>>[vector<16xi32>], vector<16xi32>, vector<16xi1>
        %get3A_373 = arith.index_cast %scan3A_344 : i32 to index
        %get3A_374 = arith.constant 32 : index
        %get3A_375 = tpu.vector_load %arg6[%get3A_373, %get3A_374] {strides = array<i32>} : memref<168x128xi32, #tpu.memory_space<vmem>>, vector<16xi32>,
        %shift_right_arithmetic3A_376 = arith.constant 16 : i32
        %shift_right_arithmetic3A_377 = vector.broadcast %shift_right_arithmetic3A_376 : i32 to vector<16xi32>
        %shift_right_arithmetic3A_378 = arith.shrsi %get3A_375, %shift_right_arithmetic3A_377 : vector<16xi32>
        %and3A_379 = arith.constant 65535 : i32
        %and3A_380 = vector.broadcast %and3A_379 : i32 to vector<16xi32>
        %and3A_381 = arith.andi %get3A_375, %and3A_380 : vector<16xi32>
        %eq3A_382 = arith.cmpi eq, %shift_right_arithmetic3A_378, %gather3A : vector<16xi32>
        %gt3A_383 = arith.constant 0 : i32
        %gt3A_384 = vector.broadcast %gt3A_383 : i32 to vector<16xi32>
        %gt3A_385 = arith.cmpi sgt, %get3A_375, %gt3A_384 : vector<16xi32>
        %and3A_386 = arith.andi %eq3A_382, %gt3A_385 : vector<16xi1>
        tpu.vector_store_idx %arg8[%and3A_381], %broadcast_in_dim3A_32 masked %and3A_386 {add = true} : memref<65536xi32, #tpu.memory_space<vmem>>[vector<16xi32>], vector<16xi32>, vector<16xi1>
        %get3A_387 = arith.index_cast %scan3A_344 : i32 to index
        %get3A_388 = arith.constant 48 : index
        %get3A_389 = tpu.vector_load %arg6[%get3A_387, %get3A_388] {strides = array<i32>} : memref<168x128xi32, #tpu.memory_space<vmem>>, vector<16xi32>,
        %shift_right_arithmetic3A_390 = arith.constant 16 : i32
        %shift_right_arithmetic3A_391 = vector.broadcast %shift_right_arithmetic3A_390 : i32 to vector<16xi32>
        %shift_right_arithmetic3A_392 = arith.shrsi %get3A_389, %shift_right_arithmetic3A_391 : vector<16xi32>
        %and3A_393 = arith.constant 65535 : i32
        %and3A_394 = vector.broadcast %and3A_393 : i32 to vector<16xi32>
        %and3A_395 = arith.andi %get3A_389, %and3A_394 : vector<16xi32>
        %eq3A_396 = arith.cmpi eq, %shift_right_arithmetic3A_392, %gather3A : vector<16xi32>
        %gt3A_397 = arith.constant 0 : i32
        %gt3A_398 = vector.broadcast %gt3A_397 : i32 to vector<16xi32>
        %gt3A_399 = arith.cmpi sgt, %get3A_389, %gt3A_398 : vector<16xi32>
        %and3A_400 = arith.andi %eq3A_396, %gt3A_399 : vector<16xi1>
        tpu.vector_store_idx %arg8[%and3A_395], %broadcast_in_dim3A_32 masked %and3A_400 {add = true} : memref<65536xi32, #tpu.memory_space<vmem>>[vector<16xi32>], vector<16xi32>, vector<16xi1>
        %get3A_401 = arith.index_cast %scan3A_344 : i32 to index
        %get3A_402 = arith.constant 64 : index
        %get3A_403 = tpu.vector_load %arg6[%get3A_401, %get3A_402] {strides = array<i32>} : memref<168x128xi32, #tpu.memory_space<vmem>>, vector<16xi32>,
        %shift_right_arithmetic3A_404 = arith.constant 16 : i32
        %shift_right_arithmetic3A_405 = vector.broadcast %shift_right_arithmetic3A_404 : i32 to vector<16xi32>
        %shift_right_arithmetic3A_406 = arith.shrsi %get3A_403, %shift_right_arithmetic3A_405 : vector<16xi32>
        %and3A_407 = arith.constant 65535 : i32
        %and3A_408 = vector.broadcast %and3A_407 : i32 to vector<16xi32>
        %and3A_409 = arith.andi %get3A_403, %and3A_408 : vector<16xi32>
        %eq3A_410 = arith.cmpi eq, %shift_right_arithmetic3A_406, %gather3A : vector<16xi32>
        %gt3A_411 = arith.constant 0 : i32
        %gt3A_412 = vector.broadcast %gt3A_411 : i32 to vector<16xi32>
        %gt3A_413 = arith.cmpi sgt, %get3A_403, %gt3A_412 : vector<16xi32>
        %and3A_414 = arith.andi %eq3A_410, %gt3A_413 : vector<16xi1>
        tpu.vector_store_idx %arg8[%and3A_409], %broadcast_in_dim3A_32 masked %and3A_414 {add = true} : memref<65536xi32, #tpu.memory_space<vmem>>[vector<16xi32>], vector<16xi32>, vector<16xi1>
        %get3A_415 = arith.index_cast %scan3A_344 : i32 to index
        %get3A_416 = arith.constant 80 : index
        %get3A_417 = tpu.vector_load %arg6[%get3A_415, %get3A_416] {strides = array<i32>} : memref<168x128xi32, #tpu.memory_space<vmem>>, vector<16xi32>,
        %shift_right_arithmetic3A_418 = arith.constant 16 : i32
        %shift_right_arithmetic3A_419 = vector.broadcast %shift_right_arithmetic3A_418 : i32 to vector<16xi32>
        %shift_right_arithmetic3A_420 = arith.shrsi %get3A_417, %shift_right_arithmetic3A_419 : vector<16xi32>
        %and3A_421 = arith.constant 65535 : i32
        %and3A_422 = vector.broadcast %and3A_421 : i32 to vector<16xi32>
        %and3A_423 = arith.andi %get3A_417, %and3A_422 : vector<16xi32>
        %eq3A_424 = arith.cmpi eq, %shift_right_arithmetic3A_420, %gather3A : vector<16xi32>
        %gt3A_425 = arith.constant 0 : i32
        %gt3A_426 = vector.broadcast %gt3A_425 : i32 to vector<16xi32>
        %gt3A_427 = arith.cmpi sgt, %get3A_417, %gt3A_426 : vector<16xi32>
        %and3A_428 = arith.andi %eq3A_424, %gt3A_427 : vector<16xi1>
        tpu.vector_store_idx %arg8[%and3A_423], %broadcast_in_dim3A_32 masked %and3A_428 {add = true} : memref<65536xi32, #tpu.memory_space<vmem>>[vector<16xi32>], vector<16xi32>, vector<16xi1>
        %get3A_429 = arith.index_cast %scan3A_344 : i32 to index
        %get3A_430 = arith.constant 96 : index
        %get3A_431 = tpu.vector_load %arg6[%get3A_429, %get3A_430] {strides = array<i32>} : memref<168x128xi32, #tpu.memory_space<vmem>>, vector<16xi32>,
        %shift_right_arithmetic3A_432 = arith.constant 16 : i32
        %shift_right_arithmetic3A_433 = vector.broadcast %shift_right_arithmetic3A_432 : i32 to vector<16xi32>
        %shift_right_arithmetic3A_434 = arith.shrsi %get3A_431, %shift_right_arithmetic3A_433 : vector<16xi32>
        %and3A_435 = arith.constant 65535 : i32
        %and3A_436 = vector.broadcast %and3A_435 : i32 to vector<16xi32>
        %and3A_437 = arith.andi %get3A_431, %and3A_436 : vector<16xi32>
        %eq3A_438 = arith.cmpi eq, %shift_right_arithmetic3A_434, %gather3A : vector<16xi32>
        %gt3A_439 = arith.constant 0 : i32
        %gt3A_440 = vector.broadcast %gt3A_439 : i32 to vector<16xi32>
        %gt3A_441 = arith.cmpi sgt, %get3A_431, %gt3A_440 : vector<16xi32>
        %and3A_442 = arith.andi %eq3A_438, %gt3A_441 : vector<16xi1>
        tpu.vector_store_idx %arg8[%and3A_437], %broadcast_in_dim3A_32 masked %and3A_442 {add = true} : memref<65536xi32, #tpu.memory_space<vmem>>[vector<16xi32>], vector<16xi32>, vector<16xi1>
        %get3A_443 = arith.index_cast %scan3A_344 : i32 to index
        %get3A_444 = arith.constant 112 : index
        %get3A_445 = tpu.vector_load %arg6[%get3A_443, %get3A_444] {strides = array<i32>} : memref<168x128xi32, #tpu.memory_space<vmem>>, vector<16xi32>,
        %shift_right_arithmetic3A_446 = arith.constant 16 : i32
        %shift_right_arithmetic3A_447 = vector.broadcast %shift_right_arithmetic3A_446 : i32 to vector<16xi32>
        %shift_right_arithmetic3A_448 = arith.shrsi %get3A_445, %shift_right_arithmetic3A_447 : vector<16xi32>
        %and3A_449 = arith.constant 65535 : i32
        %and3A_450 = vector.broadcast %and3A_449 : i32 to vector<16xi32>
        %and3A_451 = arith.andi %get3A_445, %and3A_450 : vector<16xi32>
        %eq3A_452 = arith.cmpi eq, %shift_right_arithmetic3A_448, %gather3A : vector<16xi32>
        %gt3A_453 = arith.constant 0 : i32
        %gt3A_454 = vector.broadcast %gt3A_453 : i32 to vector<16xi32>
        %gt3A_455 = arith.cmpi sgt, %get3A_445, %gt3A_454 : vector<16xi32>
        %and3A_456 = arith.andi %eq3A_452, %gt3A_455 : vector<16xi1>
        tpu.vector_store_idx %arg8[%and3A_451], %broadcast_in_dim3A_32 masked %and3A_456 {add = true} : memref<65536xi32, #tpu.memory_space<vmem>>[vector<16xi32>], vector<16xi32>, vector<16xi1>
        %scan3A_457 = arith.constant 3 : i32
        %scan3A_458 = arith.addi %scan3A_119, %scan3A_457 : i32
        %get3A_459 = arith.index_cast %scan3A_458 : i32 to index
        %get3A_460 = arith.constant 0 : index
        %get3A_461 = tpu.vector_load %arg6[%get3A_459, %get3A_460] {strides = array<i32>} : memref<168x128xi32, #tpu.memory_space<vmem>>, vector<16xi32>,
        %shift_right_arithmetic3A_462 = arith.constant 16 : i32
        %shift_right_arithmetic3A_463 = vector.broadcast %shift_right_arithmetic3A_462 : i32 to vector<16xi32>
        %shift_right_arithmetic3A_464 = arith.shrsi %get3A_461, %shift_right_arithmetic3A_463 : vector<16xi32>
        %and3A_465 = arith.constant 65535 : i32
        %and3A_466 = vector.broadcast %and3A_465 : i32 to vector<16xi32>
        %and3A_467 = arith.andi %get3A_461, %and3A_466 : vector<16xi32>
        %eq3A_468 = arith.cmpi eq, %shift_right_arithmetic3A_464, %gather3A : vector<16xi32>
        %gt3A_469 = arith.constant 0 : i32
        %gt3A_470 = vector.broadcast %gt3A_469 : i32 to vector<16xi32>
        %gt3A_471 = arith.cmpi sgt, %get3A_461, %gt3A_470 : vector<16xi32>
        %and3A_472 = arith.andi %eq3A_468, %gt3A_471 : vector<16xi1>
        tpu.vector_store_idx %arg8[%and3A_467], %broadcast_in_dim3A_32 masked %and3A_472 {add = true} : memref<65536xi32, #tpu.memory_space<vmem>>[vector<16xi32>], vector<16xi32>, vector<16xi1>
        %get3A_473 = arith.index_cast %scan3A_458 : i32 to index
        %get3A_474 = arith.constant 16 : index
        %get3A_475 = tpu.vector_load %arg6[%get3A_473, %get3A_474] {strides = array<i32>} : memref<168x128xi32, #tpu.memory_space<vmem>>, vector<16xi32>,
        %shift_right_arithmetic3A_476 = arith.constant 16 : i32
        %shift_right_arithmetic3A_477 = vector.broadcast %shift_right_arithmetic3A_476 : i32 to vector<16xi32>
        %shift_right_arithmetic3A_478 = arith.shrsi %get3A_475, %shift_right_arithmetic3A_477 : vector<16xi32>
        %and3A_479 = arith.constant 65535 : i32
        %and3A_480 = vector.broadcast %and3A_479 : i32 to vector<16xi32>
        %and3A_481 = arith.andi %get3A_475, %and3A_480 : vector<16xi32>
        %eq3A_482 = arith.cmpi eq, %shift_right_arithmetic3A_478, %gather3A : vector<16xi32>
        %gt3A_483 = arith.constant 0 : i32
        %gt3A_484 = vector.broadcast %gt3A_483 : i32 to vector<16xi32>
        %gt3A_485 = arith.cmpi sgt, %get3A_475, %gt3A_484 : vector<16xi32>
        %and3A_486 = arith.andi %eq3A_482, %gt3A_485 : vector<16xi1>
        tpu.vector_store_idx %arg8[%and3A_481], %broadcast_in_dim3A_32 masked %and3A_486 {add = true} : memref<65536xi32, #tpu.memory_space<vmem>>[vector<16xi32>], vector<16xi32>, vector<16xi1>
        %get3A_487 = arith.index_cast %scan3A_458 : i32 to index
        %get3A_488 = arith.constant 32 : index
        %get3A_489 = tpu.vector_load %arg6[%get3A_487, %get3A_488] {strides = array<i32>} : memref<168x128xi32, #tpu.memory_space<vmem>>, vector<16xi32>,
        %shift_right_arithmetic3A_490 = arith.constant 16 : i32
        %shift_right_arithmetic3A_491 = vector.broadcast %shift_right_arithmetic3A_490 : i32 to vector<16xi32>
        %shift_right_arithmetic3A_492 = arith.shrsi %get3A_489, %shift_right_arithmetic3A_491 : vector<16xi32>
        %and3A_493 = arith.constant 65535 : i32
        %and3A_494 = vector.broadcast %and3A_493 : i32 to vector<16xi32>
        %and3A_495 = arith.andi %get3A_489, %and3A_494 : vector<16xi32>
        %eq3A_496 = arith.cmpi eq, %shift_right_arithmetic3A_492, %gather3A : vector<16xi32>
        %gt3A_497 = arith.constant 0 : i32
        %gt3A_498 = vector.broadcast %gt3A_497 : i32 to vector<16xi32>
        %gt3A_499 = arith.cmpi sgt, %get3A_489, %gt3A_498 : vector<16xi32>
        %and3A_500 = arith.andi %eq3A_496, %gt3A_499 : vector<16xi1>
        tpu.vector_store_idx %arg8[%and3A_495], %broadcast_in_dim3A_32 masked %and3A_500 {add = true} : memref<65536xi32, #tpu.memory_space<vmem>>[vector<16xi32>], vector<16xi32>, vector<16xi1>
        %get3A_501 = arith.index_cast %scan3A_458 : i32 to index
        %get3A_502 = arith.constant 48 : index
        %get3A_503 = tpu.vector_load %arg6[%get3A_501, %get3A_502] {strides = array<i32>} : memref<168x128xi32, #tpu.memory_space<vmem>>, vector<16xi32>,
        %shift_right_arithmetic3A_504 = arith.constant 16 : i32
        %shift_right_arithmetic3A_505 = vector.broadcast %shift_right_arithmetic3A_504 : i32 to vector<16xi32>
        %shift_right_arithmetic3A_506 = arith.shrsi %get3A_503, %shift_right_arithmetic3A_505 : vector<16xi32>
        %and3A_507 = arith.constant 65535 : i32
        %and3A_508 = vector.broadcast %and3A_507 : i32 to vector<16xi32>
        %and3A_509 = arith.andi %get3A_503, %and3A_508 : vector<16xi32>
        %eq3A_510 = arith.cmpi eq, %shift_right_arithmetic3A_506, %gather3A : vector<16xi32>
        %gt3A_511 = arith.constant 0 : i32
        %gt3A_512 = vector.broadcast %gt3A_511 : i32 to vector<16xi32>
        %gt3A_513 = arith.cmpi sgt, %get3A_503, %gt3A_512 : vector<16xi32>
        %and3A_514 = arith.andi %eq3A_510, %gt3A_513 : vector<16xi1>
        tpu.vector_store_idx %arg8[%and3A_509], %broadcast_in_dim3A_32 masked %and3A_514 {add = true} : memref<65536xi32, #tpu.memory_space<vmem>>[vector<16xi32>], vector<16xi32>, vector<16xi1>
        %get3A_515 = arith.index_cast %scan3A_458 : i32 to index
        %get3A_516 = arith.constant 64 : index
        %get3A_517 = tpu.vector_load %arg6[%get3A_515, %get3A_516] {strides = array<i32>} : memref<168x128xi32, #tpu.memory_space<vmem>>, vector<16xi32>,
        %shift_right_arithmetic3A_518 = arith.constant 16 : i32
        %shift_right_arithmetic3A_519 = vector.broadcast %shift_right_arithmetic3A_518 : i32 to vector<16xi32>
        %shift_right_arithmetic3A_520 = arith.shrsi %get3A_517, %shift_right_arithmetic3A_519 : vector<16xi32>
        %and3A_521 = arith.constant 65535 : i32
        %and3A_522 = vector.broadcast %and3A_521 : i32 to vector<16xi32>
        %and3A_523 = arith.andi %get3A_517, %and3A_522 : vector<16xi32>
        %eq3A_524 = arith.cmpi eq, %shift_right_arithmetic3A_520, %gather3A : vector<16xi32>
        %gt3A_525 = arith.constant 0 : i32
        %gt3A_526 = vector.broadcast %gt3A_525 : i32 to vector<16xi32>
        %gt3A_527 = arith.cmpi sgt, %get3A_517, %gt3A_526 : vector<16xi32>
        %and3A_528 = arith.andi %eq3A_524, %gt3A_527 : vector<16xi1>
        tpu.vector_store_idx %arg8[%and3A_523], %broadcast_in_dim3A_32 masked %and3A_528 {add = true} : memref<65536xi32, #tpu.memory_space<vmem>>[vector<16xi32>], vector<16xi32>, vector<16xi1>
        %get3A_529 = arith.index_cast %scan3A_458 : i32 to index
        %get3A_530 = arith.constant 80 : index
        %get3A_531 = tpu.vector_load %arg6[%get3A_529, %get3A_530] {strides = array<i32>} : memref<168x128xi32, #tpu.memory_space<vmem>>, vector<16xi32>,
        %shift_right_arithmetic3A_532 = arith.constant 16 : i32
        %shift_right_arithmetic3A_533 = vector.broadcast %shift_right_arithmetic3A_532 : i32 to vector<16xi32>
        %shift_right_arithmetic3A_534 = arith.shrsi %get3A_531, %shift_right_arithmetic3A_533 : vector<16xi32>
        %and3A_535 = arith.constant 65535 : i32
        %and3A_536 = vector.broadcast %and3A_535 : i32 to vector<16xi32>
        %and3A_537 = arith.andi %get3A_531, %and3A_536 : vector<16xi32>
        %eq3A_538 = arith.cmpi eq, %shift_right_arithmetic3A_534, %gather3A : vector<16xi32>
        %gt3A_539 = arith.constant 0 : i32
        %gt3A_540 = vector.broadcast %gt3A_539 : i32 to vector<16xi32>
        %gt3A_541 = arith.cmpi sgt, %get3A_531, %gt3A_540 : vector<16xi32>
        %and3A_542 = arith.andi %eq3A_538, %gt3A_541 : vector<16xi1>
        tpu.vector_store_idx %arg8[%and3A_537], %broadcast_in_dim3A_32 masked %and3A_542 {add = true} : memref<65536xi32, #tpu.memory_space<vmem>>[vector<16xi32>], vector<16xi32>, vector<16xi1>
        %get3A_543 = arith.index_cast %scan3A_458 : i32 to index
        %get3A_544 = arith.constant 96 : index
        %get3A_545 = tpu.vector_load %arg6[%get3A_543, %get3A_544] {strides = array<i32>} : memref<168x128xi32, #tpu.memory_space<vmem>>, vector<16xi32>,
        %shift_right_arithmetic3A_546 = arith.constant 16 : i32
        %shift_right_arithmetic3A_547 = vector.broadcast %shift_right_arithmetic3A_546 : i32 to vector<16xi32>
        %shift_right_arithmetic3A_548 = arith.shrsi %get3A_545, %shift_right_arithmetic3A_547 : vector<16xi32>
        %and3A_549 = arith.constant 65535 : i32
        %and3A_550 = vector.broadcast %and3A_549 : i32 to vector<16xi32>
        %and3A_551 = arith.andi %get3A_545, %and3A_550 : vector<16xi32>
        %eq3A_552 = arith.cmpi eq, %shift_right_arithmetic3A_548, %gather3A : vector<16xi32>
        %gt3A_553 = arith.constant 0 : i32
        %gt3A_554 = vector.broadcast %gt3A_553 : i32 to vector<16xi32>
        %gt3A_555 = arith.cmpi sgt, %get3A_545, %gt3A_554 : vector<16xi32>
        %and3A_556 = arith.andi %eq3A_552, %gt3A_555 : vector<16xi1>
        tpu.vector_store_idx %arg8[%and3A_551], %broadcast_in_dim3A_32 masked %and3A_556 {add = true} : memref<65536xi32, #tpu.memory_space<vmem>>[vector<16xi32>], vector<16xi32>, vector<16xi1>
        %get3A_557 = arith.index_cast %scan3A_458 : i32 to index
        %get3A_558 = arith.constant 112 : index
        %get3A_559 = tpu.vector_load %arg6[%get3A_557, %get3A_558] {strides = array<i32>} : memref<168x128xi32, #tpu.memory_space<vmem>>, vector<16xi32>,
        %shift_right_arithmetic3A_560 = arith.constant 16 : i32
        %shift_right_arithmetic3A_561 = vector.broadcast %shift_right_arithmetic3A_560 : i32 to vector<16xi32>
        %shift_right_arithmetic3A_562 = arith.shrsi %get3A_559, %shift_right_arithmetic3A_561 : vector<16xi32>
        %and3A_563 = arith.constant 65535 : i32
        %and3A_564 = vector.broadcast %and3A_563 : i32 to vector<16xi32>
        %and3A_565 = arith.andi %get3A_559, %and3A_564 : vector<16xi32>
        %eq3A_566 = arith.cmpi eq, %shift_right_arithmetic3A_562, %gather3A : vector<16xi32>
        %gt3A_567 = arith.constant 0 : i32
        %gt3A_568 = vector.broadcast %gt3A_567 : i32 to vector<16xi32>
        %gt3A_569 = arith.cmpi sgt, %get3A_559, %gt3A_568 : vector<16xi32>
        %and3A_570 = arith.andi %eq3A_566, %gt3A_569 : vector<16xi1>
        tpu.vector_store_idx %arg8[%and3A_565], %broadcast_in_dim3A_32 masked %and3A_570 {add = true} : memref<65536xi32, #tpu.memory_space<vmem>>[vector<16xi32>], vector<16xi32>, vector<16xi1>
      }
      %scan3A_118 = arith.constant 168 : i32
    }
    %scan3A_52 = arith.constant 28 : i32
    %add3A_53 = arith.constant 0 : i32
    %add3A_54 = arith.addi %mul3A_34, %add3A_53 : i32
    %dma_wait3A = arith.constant 0 : i32
    %dma_wait3A_55 = tpu.memref_slice %arg2[%select_n3A, %add3A_54, %dma_wait3A] : memref<8x37632x128xi32, #tpu.memory_space<hbm>> -> memref<1x168x128xi32, #tpu.memory_space<hbm>>
    %dma_wait3A_56 = tpu.memref_squeeze %dma_wait3A_55 : memref<1x168x128xi32, #tpu.memory_space<hbm>> -> memref<168x128xi32, #tpu.memory_space<hbm>>
    %dma_wait3A_57 = arith.constant 0 : i32
    %dma_wait3A_58 = tpu.memref_slice %arg2[%select_n3A, %add3A_54, %dma_wait3A_57] : memref<8x37632x128xi32, #tpu.memory_space<hbm>> -> memref<1x168x128xi32, #tpu.memory_space<hbm>>
    %dma_wait3A_59 = tpu.memref_squeeze %dma_wait3A_58 : memref<1x168x128xi32, #tpu.memory_space<hbm>> -> memref<168x128xi32, #tpu.memory_space<hbm>>
    tpu.wait_dma2 semaphore(%arg9 : memref<!tpu.dma_semaphore, #tpu.memory_space<semaphore_mem>>) src(%dma_wait3A_59 : memref<168x128xi32, #tpu.memory_space<hbm>>) dst(%arg5 : memref<168x128xi32, #tpu.memory_space<vmem>>)
    "tpu.region"() ({
      %run_scoped3A = tpu.sem_alloc : memref<!tpu.dma_semaphore, #tpu.memory_space<semaphore_mem>>
      %dma_start3A_60 = arith.constant 0 : i32
      %dma_start3A_61 = tpu.memref_slice %arg4[%add3A, %dma_start3A_60] : memref<32x65536xi32, #tpu.memory_space<hbm>> -> memref<1x65536xi32, #tpu.memory_space<hbm>>
      %dma_start3A_62 = tpu.memref_squeeze %dma_start3A_61 : memref<1x65536xi32, #tpu.memory_space<hbm>> -> memref<65536xi32, #tpu.memory_space<hbm>>
      %dma_start3A_63 = arith.constant 0 : i32
      %dma_start3A_64 = tpu.memref_slice %arg4[%add3A, %dma_start3A_63] : memref<32x65536xi32, #tpu.memory_space<hbm>> -> memref<1x65536xi32, #tpu.memory_space<hbm>>
      %dma_start3A_65 = tpu.memref_squeeze %dma_start3A_64 : memref<1x65536xi32, #tpu.memory_space<hbm>> -> memref<65536xi32, #tpu.memory_space<hbm>>
      tpu.enqueue_dma source(%arg8 : memref<65536xi32, #tpu.memory_space<vmem>>) target(%dma_start3A_65 : memref<65536xi32, #tpu.memory_space<hbm>>) target_semaphore(%run_scoped3A : memref<!tpu.dma_semaphore, #tpu.memory_space<semaphore_mem>>)
      %dma_wait3A_66 = arith.constant 0 : i32
      %dma_wait3A_67 = tpu.memref_slice %arg4[%add3A, %dma_wait3A_66] : memref<32x65536xi32, #tpu.memory_space<hbm>> -> memref<1x65536xi32, #tpu.memory_space<hbm>>
      %dma_wait3A_68 = tpu.memref_squeeze %dma_wait3A_67 : memref<1x65536xi32, #tpu.memory_space<hbm>> -> memref<65536xi32, #tpu.memory_space<hbm>>
      %dma_wait3A_69 = arith.constant 0 : i32
      %dma_wait3A_70 = tpu.memref_slice %arg4[%add3A, %dma_wait3A_69] : memref<32x65536xi32, #tpu.memory_space<hbm>> -> memref<1x65536xi32, #tpu.memory_space<hbm>>
      %dma_wait3A_71 = tpu.memref_squeeze %dma_wait3A_70 : memref<1x65536xi32, #tpu.memory_space<hbm>> -> memref<65536xi32, #tpu.memory_space<hbm>>
      tpu.wait_dma2 semaphore(%run_scoped3A : memref<!tpu.dma_semaphore, #tpu.memory_space<semaphore_mem>>) src(%arg8 : memref<65536xi32, #tpu.memory_space<vmem>>) dst(%dma_wait3A_71 : memref<65536xi32, #tpu.memory_space<hbm>>)
      tpu.yield
    }) : () -> ()
    return
  }
}

module attributes {stable_mosaic.version = 14 : i64} {
  func.func @_stats_body(%arg0: i32, %arg1: i32, %arg2: memref<1x4704x128xf32, #tpu.memory_space<vmem>>, %arg3: memref<1x8x128xf32, #tpu.memory_space<vmem>>) attributes {dimension_semantics = [#tpu.dimension_semantics<arbitrary>, #tpu.dimension_semantics<arbitrary>], iteration_bounds = array<i64: 8, 8>, scalar_prefetch = 0 : i64, scratch_operands = 0 : i64, tpu.core_type = #tpu.core_type<tc>, window_params = [{transform_indices = @transform_0, window_bounds = array<i64: 1, 4704, 128>}, {transform_indices = @transform_1, window_bounds = array<i64: 1, 8, 128>}]} {
    %get3A = arith.constant 0 : index
    %get3A_0 = arith.constant 0 : index
    %get3A_1 = arith.constant 0 : index
    %get3A_2 = vector.load %arg2[%get3A, %get3A_0, %get3A_1] : memref<1x4704x128xf32, #tpu.memory_space<vmem>>, vector<1x4704x128xf32>
    %get3A_3 = vector.shape_cast %get3A_2 : vector<1x4704x128xf32> to vector<4704x128xf32>
    %reduce_sum3A = arith.constant dense<0.000000e+00> : vector<128xf32>
    %reduce_sum3A_4 = vector.multi_reduction <add>, %get3A_3, %reduce_sum3A [0] : vector<4704x128xf32> to vector<128xf32>
    %broadcast_in_dim3A = vector.shape_cast %reduce_sum3A_4 : vector<128xf32> to vector<1x128xf32>
    %mul3A = arith.mulf %get3A_3, %get3A_3 : vector<4704x128xf32>
    %reduce_sum3A_5 = arith.constant dense<0.000000e+00> : vector<128xf32>
    %reduce_sum3A_6 = vector.multi_reduction <add>, %mul3A, %reduce_sum3A_5 [0] : vector<4704x128xf32> to vector<128xf32>
    %broadcast_in_dim3A_7 = vector.shape_cast %reduce_sum3A_6 : vector<128xf32> to vector<1x128xf32>
    %broadcast_in_dim3A_8 = arith.constant 0.000000e+00 : f32
    %broadcast_in_dim3A_9 = vector.broadcast %broadcast_in_dim3A_8 : f32 to vector<6x128xf32>
    %concatenate3A = tpu.concatenate %broadcast_in_dim3A, %broadcast_in_dim3A_7, %broadcast_in_dim3A_9 in 0 : vector<1x128xf32>, vector<1x128xf32>, vector<6x128xf32> -> vector<8x128xf32>
    %eq3A = arith.constant 0 : i32
    %eq3A_10 = arith.cmpi eq, %arg1, %eq3A : i32
    %convert_element_type3A = arith.extui %eq3A_10 : i1 to i32
    %cond3A = arith.constant 0 : i32
    %cond3A_11 = arith.cmpi ne, %convert_element_type3A, %cond3A : i32
    scf.if %cond3A_11 {
      %swap3A = arith.constant 0 : index
      %swap3A_16 = arith.constant 0 : index
      %swap3A_17 = arith.constant 0 : index
      %swap3A_18 = vector.load %arg3[%swap3A, %swap3A_16, %swap3A_17] : memref<1x8x128xf32, #tpu.memory_space<vmem>>, vector<1x8x128xf32>
      %swap3A_19 = vector.shape_cast %swap3A_18 : vector<1x8x128xf32> to vector<8x128xf32>
      %swap3A_20 = vector.shape_cast %concatenate3A : vector<8x128xf32> to vector<1x8x128xf32>
      tpu.vector_store %arg3[%swap3A, %swap3A_16, %swap3A_17], %swap3A_20 {strides = array<i32>} : memref<1x8x128xf32, #tpu.memory_space<vmem>>, vector<1x8x128xf32>,
    } else {
    }
    %ne3A = arith.constant 0 : i32
    %ne3A_12 = arith.cmpi ne, %arg1, %ne3A : i32
    %convert_element_type3A_13 = arith.extui %ne3A_12 : i1 to i32
    %cond3A_14 = arith.constant 0 : i32
    %cond3A_15 = arith.cmpi ne, %convert_element_type3A_13, %cond3A_14 : i32
    scf.if %cond3A_15 {
      %get3A_16 = arith.constant 0 : index
      %get3A_17 = arith.constant 0 : index
      %get3A_18 = arith.constant 0 : index
      %get3A_19 = vector.load %arg3[%get3A_16, %get3A_17, %get3A_18] : memref<1x8x128xf32, #tpu.memory_space<vmem>>, vector<1x8x128xf32>
      %get3A_20 = vector.shape_cast %get3A_19 : vector<1x8x128xf32> to vector<8x128xf32>
      %add3A = arith.addf %get3A_20, %concatenate3A : vector<8x128xf32>
      %swap3A = arith.constant 0 : index
      %swap3A_21 = arith.constant 0 : index
      %swap3A_22 = arith.constant 0 : index
      %swap3A_23 = vector.load %arg3[%swap3A, %swap3A_21, %swap3A_22] : memref<1x8x128xf32, #tpu.memory_space<vmem>>, vector<1x8x128xf32>
      %swap3A_24 = vector.shape_cast %swap3A_23 : vector<1x8x128xf32> to vector<8x128xf32>
      %swap3A_25 = vector.shape_cast %add3A : vector<8x128xf32> to vector<1x8x128xf32>
      tpu.vector_store %arg3[%swap3A, %swap3A_21, %swap3A_22], %swap3A_25 {strides = array<i32>} : memref<1x8x128xf32, #tpu.memory_space<vmem>>, vector<1x8x128xf32>,
    } else {
    }
    return
  }
  func.func @transform_0(%arg0: i32, %arg1: i32) -> (i32, i32, i32) {
    %c0_i32 = arith.constant 0 : i32
    %c0_i32_0 = arith.constant 0 : i32
    return %arg0, %arg1, %c0_i32 : i32, i32, i32
  }
  func.func @transform_1(%arg0: i32, %arg1: i32) -> (i32, i32, i32) {
    %c0_i32 = arith.constant 0 : i32
    %c0_i32_0 = arith.constant 0 : i32
    %c0_i32_1 = arith.constant 0 : i32
    return %arg0, %c0_i32, %c0_i32_0 : i32, i32, i32
  }
}

module attributes {stable_mosaic.version = 14 : i64} {
  func.func @_acts_body(%arg0: i32, %arg1: i32, %arg2: memref<1x2352x128xf32, #tpu.memory_space<vmem>>, %arg3: memref<1x2352x128xf32, #tpu.memory_space<vmem>>, %arg4: memref<1x8x128xf32, #tpu.memory_space<vmem>>, %arg5: memref<1x2352x128xf32, #tpu.memory_space<vmem>>) attributes {dimension_semantics = [#tpu.dimension_semantics<arbitrary>, #tpu.dimension_semantics<arbitrary>], iteration_bounds = array<i64: 8, 16>, scalar_prefetch = 0 : i64, scratch_operands = 0 : i64, tpu.core_type = #tpu.core_type<tc>, window_params = [{transform_indices = @transform_0, window_bounds = array<i64: 1, 2352, 128>}, {transform_indices = @transform_1, window_bounds = array<i64: 1, 2352, 128>}, {transform_indices = @transform_2, window_bounds = array<i64: 1, 8, 128>}, {transform_indices = @transform_3, window_bounds = array<i64: 1, 2352, 128>}]} {
    %get3A = arith.constant 0 : index
    %get3A_0 = arith.constant 0 : index
    %get3A_1 = arith.constant 0 : index
    %get3A_2 = vector.load %arg4[%get3A, %get3A_0, %get3A_1] : memref<1x8x128xf32, #tpu.memory_space<vmem>>, vector<1x8x128xf32>
    %get3A_3 = vector.shape_cast %get3A_2 : vector<1x8x128xf32> to vector<8x128xf32>
    %slice3A = vector.extract_strided_slice %get3A_3 {offsets = [0, 0], sizes = [1, 128], strides = [1, 1]} : vector<8x128xf32> to vector<1x128xf32>
    %reduce_sum3A = vector.shape_cast %slice3A : vector<1x128xf32> to vector<1x1x128xf32>
    %reduce_sum3A_4 = arith.constant dense<0.000000e+00> : vector<1xf32>
    %reduce_sum3A_5 = vector.multi_reduction <add>, %reduce_sum3A, %reduce_sum3A_4 [1, 2] : vector<1x1x128xf32> to vector<1xf32>
    %reduce_sum3A_6 = vector.shape_cast %reduce_sum3A_5 : vector<1xf32> to vector<1x1x1xf32>
    %reduce_sum3A_7 = vector.extract %reduce_sum3A_6[0, 0, 0] : f32 from vector<1x1x1xf32>
    %slice3A_8 = vector.extract_strided_slice %get3A_3 {offsets = [1, 0], sizes = [1, 128], strides = [1, 1]} : vector<8x128xf32> to vector<1x128xf32>
    %reduce_sum3A_9 = vector.shape_cast %slice3A_8 : vector<1x128xf32> to vector<1x1x128xf32>
    %reduce_sum3A_10 = arith.constant dense<0.000000e+00> : vector<1xf32>
    %reduce_sum3A_11 = vector.multi_reduction <add>, %reduce_sum3A_9, %reduce_sum3A_10 [1, 2] : vector<1x1x128xf32> to vector<1xf32>
    %reduce_sum3A_12 = vector.shape_cast %reduce_sum3A_11 : vector<1xf32> to vector<1x1x1xf32>
    %reduce_sum3A_13 = vector.extract %reduce_sum3A_12[0, 0, 0] : f32 from vector<1x1x1xf32>
    %div3A = arith.constant 0x4A930000 : f32
    %div3A_14 = arith.divf %reduce_sum3A_7, %div3A : f32
    %mul3A = arith.mulf %reduce_sum3A_7, %div3A_14 : f32
    %sub3A = arith.subf %reduce_sum3A_13, %mul3A : f32
    %div3A_15 = arith.constant 0x4A92FFFE : f32
    %div3A_16 = arith.divf %sub3A, %div3A_15 : f32
    %sqrt3A = math.sqrt %div3A_16 : f32
    %mul3A_17 = arith.constant 99.9899978 : f32
    %mul3A_18 = arith.mulf %sqrt3A, %mul3A_17 : f32
    %get3A_19 = arith.constant 0 : index
    %get3A_20 = arith.constant 0 : index
    %get3A_21 = arith.constant 0 : index
    %get3A_22 = vector.load %arg2[%get3A_19, %get3A_20, %get3A_21] : memref<1x2352x128xf32, #tpu.memory_space<vmem>>, vector<1x2352x128xf32>
    %get3A_23 = vector.shape_cast %get3A_22 : vector<1x2352x128xf32> to vector<2352x128xf32>
    %get3A_24 = arith.constant 0 : index
    %get3A_25 = arith.constant 0 : index
    %get3A_26 = arith.constant 0 : index
    %get3A_27 = vector.load %arg3[%get3A_24, %get3A_25, %get3A_26] : memref<1x2352x128xf32, #tpu.memory_space<vmem>>, vector<1x2352x128xf32>
    %get3A_28 = vector.shape_cast %get3A_27 : vector<1x2352x128xf32> to vector<2352x128xf32>
    %mul3A_29 = vector.broadcast %mul3A_18 : f32 to vector<2352x128xf32>
    %mul3A_30 = arith.mulf %mul3A_29, %get3A_28 : vector<2352x128xf32>
    %add3A = arith.addf %get3A_23, %mul3A_30 : vector<2352x128xf32>
    %gt3A = arith.constant 0.000000e+00 : f32
    %gt3A_31 = vector.broadcast %gt3A : f32 to vector<2352x128xf32>
    %gt3A_32 = arith.cmpf ogt, %add3A, %gt3A_31 : vector<2352x128xf32>
    %jit3A = arith.constant 0.000000e+00 : f32
    %broadcast_in_dim3A = vector.broadcast %jit3A : f32 to vector<2352x128xf32>
    %select_n3A = arith.select %gt3A_32, %add3A, %broadcast_in_dim3A : vector<2352x128xi1>, vector<2352x128xf32>
    %swap3A = arith.constant 0 : index
    %swap3A_33 = arith.constant 0 : index
    %swap3A_34 = arith.constant 0 : index
    %swap3A_35 = vector.load %arg5[%swap3A, %swap3A_33, %swap3A_34] : memref<1x2352x128xf32, #tpu.memory_space<vmem>>, vector<1x2352x128xf32>
    %swap3A_36 = vector.shape_cast %swap3A_35 : vector<1x2352x128xf32> to vector<2352x128xf32>
    %swap3A_37 = vector.shape_cast %select_n3A : vector<2352x128xf32> to vector<1x2352x128xf32>
    tpu.vector_store %arg5[%swap3A, %swap3A_33, %swap3A_34], %swap3A_37 {strides = array<i32>} : memref<1x2352x128xf32, #tpu.memory_space<vmem>>, vector<1x2352x128xf32>,
    return
  }
  func.func @transform_0(%arg0: i32, %arg1: i32) -> (i32, i32, i32) {
    %c0_i32 = arith.constant 0 : i32
    %c0_i32_0 = arith.constant 0 : i32
    return %arg0, %arg1, %c0_i32 : i32, i32, i32
  }
  func.func @transform_1(%arg0: i32, %arg1: i32) -> (i32, i32, i32) {
    %c0_i32 = arith.constant 0 : i32
    %c0_i32_0 = arith.constant 0 : i32
    return %arg0, %arg1, %c0_i32 : i32, i32, i32
  }
  func.func @transform_2(%arg0: i32, %arg1: i32) -> (i32, i32, i32) {
    %c0_i32 = arith.constant 0 : i32
    %c0_i32_0 = arith.constant 0 : i32
    %c0_i32_1 = arith.constant 0 : i32
    return %arg0, %c0_i32, %c0_i32_0 : i32, i32, i32
  }
  func.func @transform_3(%arg0: i32, %arg1: i32) -> (i32, i32, i32) {
    %c0_i32 = arith.constant 0 : i32
    %c0_i32_0 = arith.constant 0 : i32
    return %arg0, %arg1, %c0_i32 : i32, i32, i32
  }
}

module attributes {stable_mosaic.version = 14 : i64} {
  func.func @_scan_body(%arg0: i32, %arg1: memref<1x4x256x128xi32, #tpu.memory_space<vmem>>, %arg2: memref<1x1x1xi32, #tpu.memory_space<smem>>, %arg3: memref<1x1x1xi32, #tpu.memory_space<smem>>, %arg4: memref<1x1x1xi32, #tpu.memory_space<smem>>, %arg5: memref<1x1x1xi32, #tpu.memory_space<smem>>, %arg6: memref<1x1x1xi32, #tpu.memory_space<smem>>) attributes {dimension_semantics = [#tpu.dimension_semantics<arbitrary>], iteration_bounds = array<i64: 8>, scalar_prefetch = 0 : i64, scratch_operands = 0 : i64, tpu.core_type = #tpu.core_type<tc>, window_params = [{transform_indices = @transform_0, window_bounds = array<i64: 1, 4, 256, 128>}, {transform_indices = @transform_1, window_bounds = array<i64: 1, 1, 1>}, {transform_indices = @transform_2, window_bounds = array<i64: 1, 1, 1>}, {transform_indices = @transform_3, window_bounds = array<i64: 1, 1, 1>}, {transform_indices = @transform_4, window_bounds = array<i64: 1, 1, 1>}, {transform_indices = @transform_5, window_bounds = array<i64: 1, 1, 1>}]} {
    %get3A = arith.constant 0 : index
    %get3A_0 = arith.constant 0 : index
    %get3A_1 = arith.constant 0 : index
    %get3A_2 = arith.constant 0 : index
    %get3A_3 = vector.load %arg1[%get3A, %get3A_0, %get3A_1, %get3A_2] : memref<1x4x256x128xi32, #tpu.memory_space<vmem>>, vector<1x4x256x128xi32>
    %get3A_4 = vector.shape_cast %get3A_3 : vector<1x4x256x128xi32> to vector<4x256x128xi32>
    %convert_element_type3A = arith.sitofp %get3A_4 : vector<4x256x128xi32> to vector<4x256x128xf32>
    %reduce_sum3A = arith.constant dense<0.000000e+00> : vector<256x128xf32>
    %reduce_sum3A_5 = vector.multi_reduction <add>, %convert_element_type3A, %reduce_sum3A [0] : vector<4x256x128xf32> to vector<256x128xf32>
    %get3A_6 = arith.constant 0 : index
    %get3A_7 = arith.constant 0 : index
    %get3A_8 = arith.constant 0 : index
    %get3A_9 = memref.load %arg3[%get3A_6, %get3A_7, %get3A_8] : memref<1x1x1xi32, #tpu.memory_space<smem>>
    %convert_element_type3A_10 = arith.sitofp %get3A_9 : i32 to f32
    %reduce_sum3A_11 = vector.shape_cast %reduce_sum3A_5 : vector<256x128xf32> to vector<1x256x128xf32>
    %reduce_sum3A_12 = arith.constant dense<0.000000e+00> : vector<1xf32>
    %reduce_sum3A_13 = vector.multi_reduction <add>, %reduce_sum3A_11, %reduce_sum3A_12 [1, 2] : vector<1x256x128xf32> to vector<1xf32>
    %reduce_sum3A_14 = vector.shape_cast %reduce_sum3A_13 : vector<1xf32> to vector<1x1x1xf32>
    %reduce_sum3A_15 = vector.extract %reduce_sum3A_14[0, 0, 0] : f32 from vector<1x1x1xf32>
    %sub3A = arith.subf %convert_element_type3A_10, %reduce_sum3A_15 : f32
    %iota3A = tpu.iota {dimensions = array<i32: 0>} : vector<256x128xi32>
    %iota3A_16 = tpu.iota {dimensions = array<i32: 1>} : vector<256x128xi32>
    %add3A = arith.addi %iota3A, %iota3A_16 : vector<256x128xi32>
    %eq3A = arith.constant 0 : i32
    %eq3A_17 = vector.broadcast %eq3A : i32 to vector<256x128xi32>
    %eq3A_18 = arith.cmpi eq, %add3A, %eq3A_17 : vector<256x128xi32>
    %jit3A = arith.constant 0.000000e+00 : f32
    %broadcast_in_dim3A = vector.broadcast %sub3A : f32 to vector<256x128xf32>
    %broadcast_in_dim3A_19 = vector.broadcast %jit3A : f32 to vector<256x128xf32>
    %select_n3A = arith.select %eq3A_18, %broadcast_in_dim3A, %broadcast_in_dim3A_19 : vector<256x128xi1>, vector<256x128xf32>
    %add3A_20 = arith.addf %reduce_sum3A_5, %select_n3A : vector<256x128xf32>
    %iota3A_21 = tpu.iota {dimensions = array<i32: 0>} : vector<128x128xi32>
    %iota3A_22 = tpu.iota {dimensions = array<i32: 1>} : vector<128x128xi32>
    %ge3A = arith.cmpi sge, %iota3A_21, %iota3A_22 : vector<128x128xi32>
    %convert_element_type3A_23 = arith.extui %ge3A : vector<128x128xi1> to vector<128x128xi32>
    %convert_element_type3A_24 = arith.sitofp %convert_element_type3A_23 : vector<128x128xi32> to vector<128x128xf32>
    %dot_general3A = arith.constant dense<0.000000e+00> : vector<256x128xf32>
    %dot_general3A_25 = tpu.matmul %add3A_20, %convert_element_type3A_24, %dot_general3A {dimension_numbers = #tpu.dot_dimension_numbers<[1], [0], [0], [1], [0, 0, 1, 1], [], []>, precision = #tpu.contract_precision<fp32>, transpose_lhs_hint = false} : vector<256x128xf32>, vector<128x128xf32>, vector<256x128xf32> -> vector<256x128xf32>
    %slice3A = vector.extract_strided_slice %dot_general3A_25 {offsets = [0, 0], sizes = [256, 1], strides = [1, 1]} : vector<256x128xf32> to vector<256x1xf32>
    %iota3A_26 = tpu.iota {dimensions = array<i32: 0>} : vector<256x256xi32>
    %iota3A_27 = tpu.iota {dimensions = array<i32: 1>} : vector<256x256xi32>
    %lt3A = arith.cmpi slt, %iota3A_26, %iota3A_27 : vector<256x256xi32>
    %convert_element_type3A_28 = arith.extui %lt3A : vector<256x256xi1> to vector<256x256xi32>
    %convert_element_type3A_29 = arith.sitofp %convert_element_type3A_28 : vector<256x256xi32> to vector<256x256xf32>
    %dot_general3A_30 = arith.constant dense<0.000000e+00> : vector<256x1xf32>
    %dot_general3A_31 = tpu.matmul %convert_element_type3A_29, %slice3A, %dot_general3A_30 {dimension_numbers = #tpu.dot_dimension_numbers<[1], [0], [0], [1], [0, 0, 1, 1], [], []>, precision = #tpu.contract_precision<fp32>, transpose_lhs_hint = false} : vector<256x256xf32>, vector<256x1xf32>, vector<256x1xf32> -> vector<256x1xf32>
    %sub3A_32 = arith.subf %dot_general3A_25, %add3A_20 : vector<256x128xf32>
    %add3A_33 = vector.broadcast %dot_general3A_31 : vector<256x1xf32> to vector<256x128xf32>
    %add3A_34 = arith.addf %sub3A_32, %add3A_33 : vector<256x128xf32>
    %get3A_35 = arith.constant 0 : index
    %get3A_36 = arith.constant 0 : index
    %get3A_37 = arith.constant 0 : index
    %get3A_38 = memref.load %arg2[%get3A_35, %get3A_36, %get3A_37] : memref<1x1x1xi32, #tpu.memory_space<smem>>
    %convert_element_type3A_39 = arith.sitofp %get3A_38 : i32 to f32
    %lt3A_40 = vector.broadcast %convert_element_type3A_39 : f32 to vector<256x128xf32>
    %lt3A_41 = arith.cmpf olt, %add3A_34, %lt3A_40 : vector<256x128xf32>
    %add3A_42 = arith.addf %add3A_34, %add3A_20 : vector<256x128xf32>
    %ge3A_43 = vector.broadcast %convert_element_type3A_39 : f32 to vector<256x128xf32>
    %ge3A_44 = arith.cmpf oge, %add3A_42, %ge3A_43 : vector<256x128xf32>
    %and3A = arith.andi %lt3A_41, %ge3A_44 : vector<256x128xi1>
    %iota3A_45 = tpu.iota {dimensions = array<i32: 0>} : vector<256x128xi32>
    %mul3A = arith.constant 128 : i32
    %mul3A_46 = vector.broadcast %mul3A : i32 to vector<256x128xi32>
    %mul3A_47 = arith.muli %iota3A_45, %mul3A_46 : vector<256x128xi32>
    %iota3A_48 = tpu.iota {dimensions = array<i32: 1>} : vector<256x128xi32>
    %add3A_49 = arith.addi %mul3A_47, %iota3A_48 : vector<256x128xi32>
    %convert_element_type3A_50 = arith.sitofp %add3A_49 : vector<256x128xi32> to vector<256x128xf32>
    %jit3A_51 = arith.constant 0.000000e+00 : f32
    %broadcast_in_dim3A_52 = vector.broadcast %jit3A_51 : f32 to vector<256x128xf32>
    %select_n3A_53 = arith.select %and3A, %convert_element_type3A_50, %broadcast_in_dim3A_52 : vector<256x128xi1>, vector<256x128xf32>
    %reduce_sum3A_54 = vector.shape_cast %select_n3A_53 : vector<256x128xf32> to vector<1x256x128xf32>
    %reduce_sum3A_55 = arith.constant dense<0.000000e+00> : vector<1xf32>
    %reduce_sum3A_56 = vector.multi_reduction <add>, %reduce_sum3A_54, %reduce_sum3A_55 [1, 2] : vector<1x256x128xf32> to vector<1xf32>
    %reduce_sum3A_57 = vector.shape_cast %reduce_sum3A_56 : vector<1xf32> to vector<1x1x1xf32>
    %reduce_sum3A_58 = vector.extract %reduce_sum3A_57[0, 0, 0] : f32 from vector<1x1x1xf32>
    %convert_element_type3A_59 = arith.fptosi %reduce_sum3A_58 : f32 to i32
    %swap3A = arith.constant 0 : index
    %swap3A_60 = arith.constant 0 : index
    %swap3A_61 = arith.constant 0 : index
    %swap3A_62 = memref.load %arg4[%swap3A, %swap3A_60, %swap3A_61] : memref<1x1x1xi32, #tpu.memory_space<smem>>
    memref.store %convert_element_type3A_59, %arg4[%swap3A, %swap3A_60, %swap3A_61] : memref<1x1x1xi32, #tpu.memory_space<smem>>
    %jit3A_63 = arith.constant 0.000000e+00 : f32
    %broadcast_in_dim3A_64 = vector.broadcast %jit3A_63 : f32 to vector<256x128xf32>
    %select_n3A_65 = arith.select %and3A, %add3A_34, %broadcast_in_dim3A_64 : vector<256x128xi1>, vector<256x128xf32>
    %reduce_sum3A_66 = vector.shape_cast %select_n3A_65 : vector<256x128xf32> to vector<1x256x128xf32>
    %reduce_sum3A_67 = arith.constant dense<0.000000e+00> : vector<1xf32>
    %reduce_sum3A_68 = vector.multi_reduction <add>, %reduce_sum3A_66, %reduce_sum3A_67 [1, 2] : vector<1x256x128xf32> to vector<1xf32>
    %reduce_sum3A_69 = vector.shape_cast %reduce_sum3A_68 : vector<1xf32> to vector<1x1x1xf32>
    %reduce_sum3A_70 = vector.extract %reduce_sum3A_69[0, 0, 0] : f32 from vector<1x1x1xf32>
    %convert_element_type3A_71 = arith.fptosi %reduce_sum3A_70 : f32 to i32
    %swap3A_72 = arith.constant 0 : index
    %swap3A_73 = arith.constant 0 : index
    %swap3A_74 = arith.constant 0 : index
    %swap3A_75 = memref.load %arg5[%swap3A_72, %swap3A_73, %swap3A_74] : memref<1x1x1xi32, #tpu.memory_space<smem>>
    memref.store %convert_element_type3A_71, %arg5[%swap3A_72, %swap3A_73, %swap3A_74] : memref<1x1x1xi32, #tpu.memory_space<smem>>
    %jit3A_76 = arith.constant 0.000000e+00 : f32
    %broadcast_in_dim3A_77 = vector.broadcast %jit3A_76 : f32 to vector<256x128xf32>
    %select_n3A_78 = arith.select %and3A, %add3A_20, %broadcast_in_dim3A_77 : vector<256x128xi1>, vector<256x128xf32>
    %reduce_sum3A_79 = vector.shape_cast %select_n3A_78 : vector<256x128xf32> to vector<1x256x128xf32>
    %reduce_sum3A_80 = arith.constant dense<0.000000e+00> : vector<1xf32>
    %reduce_sum3A_81 = vector.multi_reduction <add>, %reduce_sum3A_79, %reduce_sum3A_80 [1, 2] : vector<1x256x128xf32> to vector<1xf32>
    %reduce_sum3A_82 = vector.shape_cast %reduce_sum3A_81 : vector<1xf32> to vector<1x1x1xf32>
    %reduce_sum3A_83 = vector.extract %reduce_sum3A_82[0, 0, 0] : f32 from vector<1x1x1xf32>
    %convert_element_type3A_84 = arith.fptosi %reduce_sum3A_83 : f32 to i32
    %swap3A_85 = arith.constant 0 : index
    %swap3A_86 = arith.constant 0 : index
    %swap3A_87 = arith.constant 0 : index
    %swap3A_88 = memref.load %arg6[%swap3A_85, %swap3A_86, %swap3A_87] : memref<1x1x1xi32, #tpu.memory_space<smem>>
    memref.store %convert_element_type3A_84, %arg6[%swap3A_85, %swap3A_86, %swap3A_87] : memref<1x1x1xi32, #tpu.memory_space<smem>>
    return
  }
  func.func @transform_0(%arg0: i32) -> (i32, i32, i32, i32) {
    %c0_i32 = arith.constant 0 : i32
    %c0_i32_0 = arith.constant 0 : i32
    %c0_i32_1 = arith.constant 0 : i32
    %c0_i32_2 = arith.constant 0 : i32
    return %arg0, %c0_i32, %c0_i32_0, %c0_i32_1 : i32, i32, i32, i32
  }
  func.func @transform_1(%arg0: i32) -> (i32, i32, i32) {
    %c0_i32 = arith.constant 0 : i32
    %c0_i32_0 = arith.constant 0 : i32
    %c0_i32_1 = arith.constant 0 : i32
    return %arg0, %c0_i32, %c0_i32_0 : i32, i32, i32
  }
  func.func @transform_2(%arg0: i32) -> (i32, i32, i32) {
    %c0_i32 = arith.constant 0 : i32
    %c0_i32_0 = arith.constant 0 : i32
    %c0_i32_1 = arith.constant 0 : i32
    return %arg0, %c0_i32, %c0_i32_0 : i32, i32, i32
  }
  func.func @transform_3(%arg0: i32) -> (i32, i32, i32) {
    %c0_i32 = arith.constant 0 : i32
    %c0_i32_0 = arith.constant 0 : i32
    %c0_i32_1 = arith.constant 0 : i32
    return %arg0, %c0_i32, %c0_i32_0 : i32, i32, i32
  }
  func.func @transform_4(%arg0: i32) -> (i32, i32, i32) {
    %c0_i32 = arith.constant 0 : i32
    %c0_i32_0 = arith.constant 0 : i32
    %c0_i32_1 = arith.constant 0 : i32
    return %arg0, %c0_i32, %c0_i32_0 : i32, i32, i32
  }
  func.func @transform_5(%arg0: i32) -> (i32, i32, i32) {
    %c0_i32 = arith.constant 0 : i32
    %c0_i32_0 = arith.constant 0 : i32
    %c0_i32_1 = arith.constant 0 : i32
    return %arg0, %c0_i32, %c0_i32_0 : i32, i32, i32
  }
}

module attributes {stable_mosaic.version = 14 : i64} {
  func.func @_scan_body(%arg0: i32, %arg1: memref<1x4x512x128xi32, #tpu.memory_space<vmem>>, %arg2: memref<1x1x1xi32, #tpu.memory_space<smem>>, %arg3: memref<1x1x1xi32, #tpu.memory_space<smem>>, %arg4: memref<1x1x1xi32, #tpu.memory_space<smem>>, %arg5: memref<1x1x1xi32, #tpu.memory_space<smem>>, %arg6: memref<1x1x1xi32, #tpu.memory_space<smem>>) attributes {dimension_semantics = [#tpu.dimension_semantics<arbitrary>], iteration_bounds = array<i64: 8>, scalar_prefetch = 0 : i64, scratch_operands = 0 : i64, tpu.core_type = #tpu.core_type<tc>, window_params = [{transform_indices = @transform_0, window_bounds = array<i64: 1, 4, 512, 128>}, {transform_indices = @transform_1, window_bounds = array<i64: 1, 1, 1>}, {transform_indices = @transform_2, window_bounds = array<i64: 1, 1, 1>}, {transform_indices = @transform_3, window_bounds = array<i64: 1, 1, 1>}, {transform_indices = @transform_4, window_bounds = array<i64: 1, 1, 1>}, {transform_indices = @transform_5, window_bounds = array<i64: 1, 1, 1>}]} {
    %get3A = arith.constant 0 : index
    %get3A_0 = arith.constant 0 : index
    %get3A_1 = arith.constant 0 : index
    %get3A_2 = arith.constant 0 : index
    %get3A_3 = vector.load %arg1[%get3A, %get3A_0, %get3A_1, %get3A_2] : memref<1x4x512x128xi32, #tpu.memory_space<vmem>>, vector<1x4x512x128xi32>
    %get3A_4 = vector.shape_cast %get3A_3 : vector<1x4x512x128xi32> to vector<4x512x128xi32>
    %convert_element_type3A = arith.sitofp %get3A_4 : vector<4x512x128xi32> to vector<4x512x128xf32>
    %reduce_sum3A = arith.constant dense<0.000000e+00> : vector<512x128xf32>
    %reduce_sum3A_5 = vector.multi_reduction <add>, %convert_element_type3A, %reduce_sum3A [0] : vector<4x512x128xf32> to vector<512x128xf32>
    %get3A_6 = arith.constant 0 : index
    %get3A_7 = arith.constant 0 : index
    %get3A_8 = arith.constant 0 : index
    %get3A_9 = memref.load %arg3[%get3A_6, %get3A_7, %get3A_8] : memref<1x1x1xi32, #tpu.memory_space<smem>>
    %convert_element_type3A_10 = arith.sitofp %get3A_9 : i32 to f32
    %reduce_sum3A_11 = vector.shape_cast %reduce_sum3A_5 : vector<512x128xf32> to vector<1x512x128xf32>
    %reduce_sum3A_12 = arith.constant dense<0.000000e+00> : vector<1xf32>
    %reduce_sum3A_13 = vector.multi_reduction <add>, %reduce_sum3A_11, %reduce_sum3A_12 [1, 2] : vector<1x512x128xf32> to vector<1xf32>
    %reduce_sum3A_14 = vector.shape_cast %reduce_sum3A_13 : vector<1xf32> to vector<1x1x1xf32>
    %reduce_sum3A_15 = vector.extract %reduce_sum3A_14[0, 0, 0] : f32 from vector<1x1x1xf32>
    %sub3A = arith.subf %convert_element_type3A_10, %reduce_sum3A_15 : f32
    %iota3A = tpu.iota {dimensions = array<i32: 0>} : vector<512x128xi32>
    %iota3A_16 = tpu.iota {dimensions = array<i32: 1>} : vector<512x128xi32>
    %add3A = arith.addi %iota3A, %iota3A_16 : vector<512x128xi32>
    %eq3A = arith.constant 0 : i32
    %eq3A_17 = vector.broadcast %eq3A : i32 to vector<512x128xi32>
    %eq3A_18 = arith.cmpi eq, %add3A, %eq3A_17 : vector<512x128xi32>
    %jit3A = arith.constant 0.000000e+00 : f32
    %broadcast_in_dim3A = vector.broadcast %sub3A : f32 to vector<512x128xf32>
    %broadcast_in_dim3A_19 = vector.broadcast %jit3A : f32 to vector<512x128xf32>
    %select_n3A = arith.select %eq3A_18, %broadcast_in_dim3A, %broadcast_in_dim3A_19 : vector<512x128xi1>, vector<512x128xf32>
    %add3A_20 = arith.addf %reduce_sum3A_5, %select_n3A : vector<512x128xf32>
    %iota3A_21 = tpu.iota {dimensions = array<i32: 0>} : vector<128x128xi32>
    %iota3A_22 = tpu.iota {dimensions = array<i32: 1>} : vector<128x128xi32>
    %ge3A = arith.cmpi sge, %iota3A_21, %iota3A_22 : vector<128x128xi32>
    %convert_element_type3A_23 = arith.extui %ge3A : vector<128x128xi1> to vector<128x128xi32>
    %convert_element_type3A_24 = arith.sitofp %convert_element_type3A_23 : vector<128x128xi32> to vector<128x128xf32>
    %dot_general3A = arith.constant dense<0.000000e+00> : vector<512x128xf32>
    %dot_general3A_25 = tpu.matmul %add3A_20, %convert_element_type3A_24, %dot_general3A {dimension_numbers = #tpu.dot_dimension_numbers<[1], [0], [0], [1], [0, 0, 1, 1], [], []>, precision = #tpu.contract_precision<fp32>, transpose_lhs_hint = false} : vector<512x128xf32>, vector<128x128xf32>, vector<512x128xf32> -> vector<512x128xf32>
    %slice3A = vector.extract_strided_slice %dot_general3A_25 {offsets = [0, 0], sizes = [512, 1], strides = [1, 1]} : vector<512x128xf32> to vector<512x1xf32>
    %iota3A_26 = tpu.iota {dimensions = array<i32: 0>} : vector<512x512xi32>
    %iota3A_27 = tpu.iota {dimensions = array<i32: 1>} : vector<512x512xi32>
    %lt3A = arith.cmpi slt, %iota3A_26, %iota3A_27 : vector<512x512xi32>
    %convert_element_type3A_28 = arith.extui %lt3A : vector<512x512xi1> to vector<512x512xi32>
    %convert_element_type3A_29 = arith.sitofp %convert_element_type3A_28 : vector<512x512xi32> to vector<512x512xf32>
    %dot_general3A_30 = arith.constant dense<0.000000e+00> : vector<512x1xf32>
    %dot_general3A_31 = tpu.matmul %convert_element_type3A_29, %slice3A, %dot_general3A_30 {dimension_numbers = #tpu.dot_dimension_numbers<[1], [0], [0], [1], [0, 0, 1, 1], [], []>, precision = #tpu.contract_precision<fp32>, transpose_lhs_hint = false} : vector<512x512xf32>, vector<512x1xf32>, vector<512x1xf32> -> vector<512x1xf32>
    %sub3A_32 = arith.subf %dot_general3A_25, %add3A_20 : vector<512x128xf32>
    %add3A_33 = vector.broadcast %dot_general3A_31 : vector<512x1xf32> to vector<512x128xf32>
    %add3A_34 = arith.addf %sub3A_32, %add3A_33 : vector<512x128xf32>
    %get3A_35 = arith.constant 0 : index
    %get3A_36 = arith.constant 0 : index
    %get3A_37 = arith.constant 0 : index
    %get3A_38 = memref.load %arg2[%get3A_35, %get3A_36, %get3A_37] : memref<1x1x1xi32, #tpu.memory_space<smem>>
    %convert_element_type3A_39 = arith.sitofp %get3A_38 : i32 to f32
    %lt3A_40 = vector.broadcast %convert_element_type3A_39 : f32 to vector<512x128xf32>
    %lt3A_41 = arith.cmpf olt, %add3A_34, %lt3A_40 : vector<512x128xf32>
    %add3A_42 = arith.addf %add3A_34, %add3A_20 : vector<512x128xf32>
    %ge3A_43 = vector.broadcast %convert_element_type3A_39 : f32 to vector<512x128xf32>
    %ge3A_44 = arith.cmpf oge, %add3A_42, %ge3A_43 : vector<512x128xf32>
    %and3A = arith.andi %lt3A_41, %ge3A_44 : vector<512x128xi1>
    %iota3A_45 = tpu.iota {dimensions = array<i32: 0>} : vector<512x128xi32>
    %mul3A = arith.constant 128 : i32
    %mul3A_46 = vector.broadcast %mul3A : i32 to vector<512x128xi32>
    %mul3A_47 = arith.muli %iota3A_45, %mul3A_46 : vector<512x128xi32>
    %iota3A_48 = tpu.iota {dimensions = array<i32: 1>} : vector<512x128xi32>
    %add3A_49 = arith.addi %mul3A_47, %iota3A_48 : vector<512x128xi32>
    %convert_element_type3A_50 = arith.sitofp %add3A_49 : vector<512x128xi32> to vector<512x128xf32>
    %jit3A_51 = arith.constant 0.000000e+00 : f32
    %broadcast_in_dim3A_52 = vector.broadcast %jit3A_51 : f32 to vector<512x128xf32>
    %select_n3A_53 = arith.select %and3A, %convert_element_type3A_50, %broadcast_in_dim3A_52 : vector<512x128xi1>, vector<512x128xf32>
    %reduce_sum3A_54 = vector.shape_cast %select_n3A_53 : vector<512x128xf32> to vector<1x512x128xf32>
    %reduce_sum3A_55 = arith.constant dense<0.000000e+00> : vector<1xf32>
    %reduce_sum3A_56 = vector.multi_reduction <add>, %reduce_sum3A_54, %reduce_sum3A_55 [1, 2] : vector<1x512x128xf32> to vector<1xf32>
    %reduce_sum3A_57 = vector.shape_cast %reduce_sum3A_56 : vector<1xf32> to vector<1x1x1xf32>
    %reduce_sum3A_58 = vector.extract %reduce_sum3A_57[0, 0, 0] : f32 from vector<1x1x1xf32>
    %convert_element_type3A_59 = arith.fptosi %reduce_sum3A_58 : f32 to i32
    %swap3A = arith.constant 0 : index
    %swap3A_60 = arith.constant 0 : index
    %swap3A_61 = arith.constant 0 : index
    %swap3A_62 = memref.load %arg4[%swap3A, %swap3A_60, %swap3A_61] : memref<1x1x1xi32, #tpu.memory_space<smem>>
    memref.store %convert_element_type3A_59, %arg4[%swap3A, %swap3A_60, %swap3A_61] : memref<1x1x1xi32, #tpu.memory_space<smem>>
    %jit3A_63 = arith.constant 0.000000e+00 : f32
    %broadcast_in_dim3A_64 = vector.broadcast %jit3A_63 : f32 to vector<512x128xf32>
    %select_n3A_65 = arith.select %and3A, %add3A_34, %broadcast_in_dim3A_64 : vector<512x128xi1>, vector<512x128xf32>
    %reduce_sum3A_66 = vector.shape_cast %select_n3A_65 : vector<512x128xf32> to vector<1x512x128xf32>
    %reduce_sum3A_67 = arith.constant dense<0.000000e+00> : vector<1xf32>
    %reduce_sum3A_68 = vector.multi_reduction <add>, %reduce_sum3A_66, %reduce_sum3A_67 [1, 2] : vector<1x512x128xf32> to vector<1xf32>
    %reduce_sum3A_69 = vector.shape_cast %reduce_sum3A_68 : vector<1xf32> to vector<1x1x1xf32>
    %reduce_sum3A_70 = vector.extract %reduce_sum3A_69[0, 0, 0] : f32 from vector<1x1x1xf32>
    %convert_element_type3A_71 = arith.fptosi %reduce_sum3A_70 : f32 to i32
    %swap3A_72 = arith.constant 0 : index
    %swap3A_73 = arith.constant 0 : index
    %swap3A_74 = arith.constant 0 : index
    %swap3A_75 = memref.load %arg5[%swap3A_72, %swap3A_73, %swap3A_74] : memref<1x1x1xi32, #tpu.memory_space<smem>>
    memref.store %convert_element_type3A_71, %arg5[%swap3A_72, %swap3A_73, %swap3A_74] : memref<1x1x1xi32, #tpu.memory_space<smem>>
    %jit3A_76 = arith.constant 0.000000e+00 : f32
    %broadcast_in_dim3A_77 = vector.broadcast %jit3A_76 : f32 to vector<512x128xf32>
    %select_n3A_78 = arith.select %and3A, %add3A_20, %broadcast_in_dim3A_77 : vector<512x128xi1>, vector<512x128xf32>
    %reduce_sum3A_79 = vector.shape_cast %select_n3A_78 : vector<512x128xf32> to vector<1x512x128xf32>
    %reduce_sum3A_80 = arith.constant dense<0.000000e+00> : vector<1xf32>
    %reduce_sum3A_81 = vector.multi_reduction <add>, %reduce_sum3A_79, %reduce_sum3A_80 [1, 2] : vector<1x512x128xf32> to vector<1xf32>
    %reduce_sum3A_82 = vector.shape_cast %reduce_sum3A_81 : vector<1xf32> to vector<1x1x1xf32>
    %reduce_sum3A_83 = vector.extract %reduce_sum3A_82[0, 0, 0] : f32 from vector<1x1x1xf32>
    %convert_element_type3A_84 = arith.fptosi %reduce_sum3A_83 : f32 to i32
    %swap3A_85 = arith.constant 0 : index
    %swap3A_86 = arith.constant 0 : index
    %swap3A_87 = arith.constant 0 : index
    %swap3A_88 = memref.load %arg6[%swap3A_85, %swap3A_86, %swap3A_87] : memref<1x1x1xi32, #tpu.memory_space<smem>>
    memref.store %convert_element_type3A_84, %arg6[%swap3A_85, %swap3A_86, %swap3A_87] : memref<1x1x1xi32, #tpu.memory_space<smem>>
    return
  }
  func.func @transform_0(%arg0: i32) -> (i32, i32, i32, i32) {
    %c0_i32 = arith.constant 0 : i32
    %c0_i32_0 = arith.constant 0 : i32
    %c0_i32_1 = arith.constant 0 : i32
    %c0_i32_2 = arith.constant 0 : i32
    return %arg0, %c0_i32, %c0_i32_0, %c0_i32_1 : i32, i32, i32, i32
  }
  func.func @transform_1(%arg0: i32) -> (i32, i32, i32) {
    %c0_i32 = arith.constant 0 : i32
    %c0_i32_0 = arith.constant 0 : i32
    %c0_i32_1 = arith.constant 0 : i32
    return %arg0, %c0_i32, %c0_i32_0 : i32, i32, i32
  }
  func.func @transform_2(%arg0: i32) -> (i32, i32, i32) {
    %c0_i32 = arith.constant 0 : i32
    %c0_i32_0 = arith.constant 0 : i32
    %c0_i32_1 = arith.constant 0 : i32
    return %arg0, %c0_i32, %c0_i32_0 : i32, i32, i32
  }
  func.func @transform_3(%arg0: i32) -> (i32, i32, i32) {
    %c0_i32 = arith.constant 0 : i32
    %c0_i32_0 = arith.constant 0 : i32
    %c0_i32_1 = arith.constant 0 : i32
    return %arg0, %c0_i32, %c0_i32_0 : i32, i32, i32
  }
  func.func @transform_4(%arg0: i32) -> (i32, i32, i32) {
    %c0_i32 = arith.constant 0 : i32
    %c0_i32_0 = arith.constant 0 : i32
    %c0_i32_1 = arith.constant 0 : i32
    return %arg0, %c0_i32, %c0_i32_0 : i32, i32, i32
  }
  func.func @transform_5(%arg0: i32) -> (i32, i32, i32) {
    %c0_i32 = arith.constant 0 : i32
    %c0_i32_0 = arith.constant 0 : i32
    %c0_i32_1 = arith.constant 0 : i32
    return %arg0, %c0_i32, %c0_i32_0 : i32, i32, i32
  }
}

module attributes {stable_mosaic.version = 14 : i64} {
  func.func @_mask_body(%arg0: i32, %arg1: i32, %arg2: memref<1x2352x128xf32, #tpu.memory_space<vmem>>, %arg3: memref<1x1x1xf32, #tpu.memory_space<smem>>, %arg4: memref<1x2352x128xf32, #tpu.memory_space<vmem>>, %arg5: memref<1x2352x128xf32, #tpu.memory_space<vmem>>) attributes {dimension_semantics = [#tpu.dimension_semantics<arbitrary>, #tpu.dimension_semantics<arbitrary>], iteration_bounds = array<i64: 8, 16>, scalar_prefetch = 0 : i64, scratch_operands = 0 : i64, tpu.core_type = #tpu.core_type<tc>, window_params = [{transform_indices = @transform_0, window_bounds = array<i64: 1, 2352, 128>}, {transform_indices = @transform_1, window_bounds = array<i64: 1, 1, 1>}, {transform_indices = @transform_2, window_bounds = array<i64: 1, 2352, 128>}, {transform_indices = @transform_3, window_bounds = array<i64: 1, 2352, 128>}]} {
    %get3A = arith.constant 0 : index
    %get3A_0 = arith.constant 0 : index
    %get3A_1 = arith.constant 0 : index
    %get3A_2 = vector.load %arg2[%get3A, %get3A_0, %get3A_1] : memref<1x2352x128xf32, #tpu.memory_space<vmem>>, vector<1x2352x128xf32>
    %get3A_3 = vector.shape_cast %get3A_2 : vector<1x2352x128xf32> to vector<2352x128xf32>
    %get3A_4 = arith.constant 0 : index
    %get3A_5 = arith.constant 0 : index
    %get3A_6 = arith.constant 0 : index
    %get3A_7 = memref.load %arg3[%get3A_4, %get3A_5, %get3A_6] : memref<1x1x1xf32, #tpu.memory_space<smem>>
    %ge3A = vector.broadcast %get3A_7 : f32 to vector<2352x128xf32>
    %ge3A_8 = arith.cmpf oge, %get3A_3, %ge3A : vector<2352x128xf32>
    %jit3A = arith.constant 0.000000e+00 : f32
    %broadcast_in_dim3A = vector.broadcast %jit3A : f32 to vector<2352x128xf32>
    %select_n3A = arith.select %ge3A_8, %get3A_3, %broadcast_in_dim3A : vector<2352x128xi1>, vector<2352x128xf32>
    %swap3A = arith.constant 0 : index
    %swap3A_9 = arith.constant 0 : index
    %swap3A_10 = arith.constant 0 : index
    %swap3A_11 = vector.load %arg4[%swap3A, %swap3A_9, %swap3A_10] : memref<1x2352x128xf32, #tpu.memory_space<vmem>>, vector<1x2352x128xf32>
    %swap3A_12 = vector.shape_cast %swap3A_11 : vector<1x2352x128xf32> to vector<2352x128xf32>
    %swap3A_13 = vector.shape_cast %select_n3A : vector<2352x128xf32> to vector<1x2352x128xf32>
    tpu.vector_store %arg4[%swap3A, %swap3A_9, %swap3A_10], %swap3A_13 {strides = array<i32>} : memref<1x2352x128xf32, #tpu.memory_space<vmem>>, vector<1x2352x128xf32>,
    %convert_element_type3A = arith.extui %ge3A_8 : vector<2352x128xi1> to vector<2352x128xi32>
    %convert_element_type3A_14 = arith.sitofp %convert_element_type3A : vector<2352x128xi32> to vector<2352x128xf32>
    %swap3A_15 = arith.constant 0 : index
    %swap3A_16 = arith.constant 0 : index
    %swap3A_17 = arith.constant 0 : index
    %swap3A_18 = vector.load %arg5[%swap3A_15, %swap3A_16, %swap3A_17] : memref<1x2352x128xf32, #tpu.memory_space<vmem>>, vector<1x2352x128xf32>
    %swap3A_19 = vector.shape_cast %swap3A_18 : vector<1x2352x128xf32> to vector<2352x128xf32>
    %swap3A_20 = vector.shape_cast %convert_element_type3A_14 : vector<2352x128xf32> to vector<1x2352x128xf32>
    tpu.vector_store %arg5[%swap3A_15, %swap3A_16, %swap3A_17], %swap3A_20 {strides = array<i32>} : memref<1x2352x128xf32, #tpu.memory_space<vmem>>, vector<1x2352x128xf32>,
    return
  }
  func.func @transform_0(%arg0: i32, %arg1: i32) -> (i32, i32, i32) {
    %c0_i32 = arith.constant 0 : i32
    %c0_i32_0 = arith.constant 0 : i32
    return %arg0, %arg1, %c0_i32 : i32, i32, i32
  }
  func.func @transform_1(%arg0: i32, %arg1: i32) -> (i32, i32, i32) {
    %c0_i32 = arith.constant 0 : i32
    %c0_i32_0 = arith.constant 0 : i32
    %c0_i32_1 = arith.constant 0 : i32
    return %arg0, %c0_i32, %c0_i32_0 : i32, i32, i32
  }
  func.func @transform_2(%arg0: i32, %arg1: i32) -> (i32, i32, i32) {
    %c0_i32 = arith.constant 0 : i32
    %c0_i32_0 = arith.constant 0 : i32
    return %arg0, %arg1, %c0_i32 : i32, i32, i32
  }
  func.func @transform_3(%arg0: i32, %arg1: i32) -> (i32, i32, i32) {
    %c0_i32 = arith.constant 0 : i32
    %c0_i32_0 = arith.constant 0 : i32
    return %arg0, %arg1, %c0_i32 : i32, i32, i32
  }
}

</mosaic_0001>

<sc_bundles>
// kernel: kernel.12.cloned.1.call-start
scs
__scs_entry_jumppad:
0x0: {  	(pc) =	sbr.rel $0x88, $3  }
0x1: {  	(tag) =	ssettag $0x0;
	lr =	simm.s32 $0x1  }
0x2: {  	[smem:$0x3FA0] =	sst lr;
	_ =	strace $0xD0000000  }
0x3: {  	_ = 	snop  }
0x4: {  	_ = 	snop  }
0x5: {  	_ = 	snop  }
0x6: {  	_ = 	snop  }
0x7: {  	_ = 	snop  }
__scs_overlays_trampoline_lowered:
0x8: {  	[smem:$0x3FAF] =	sst s0  }
0x9: {  	[smem:$0x3FB0] =	sst s1  }
0xa: {  	[smem:$0x3FB1] =	sst s2  }
0xb: {  	[smem:$0x3FB2] =	sst s3  }
0xc: {  	[smem:$0x3FB3] =	sst s4  }
0xd: {  	[smem:$0x3FB4] =	sst s5  }
0xe: {  	[smem:$0x3FB5] =	sst s6  }
0xf: {  	[smem:$0x3FB6] =	sst s7  }
0x10: {  	[smem:$0x3FB7] =	sst s8  }
0x11: {  	[smem:$0x3FB8] =	sst s9;
	s0 =	simm.s32 @!p0 $0x0  }
0x12: {  	s1 =	sld [smem:$0x3F9E];
	s0 =	simm.s32 @p0 $0x1  }
0x13: {  	[smem:$0x3FB9] =	sst s0;
	s0 =	simm.s32 @!p1 $0x0  }
0x14: {  	s2 =	sld [smem:$0x3F9D];
	s0 =	simm.s32 @p1 $0x1  }
0x15: {  	[smem:$0x3FBA] =	sst s0;
	s0 =	simm.s32 @!p2 $0x0  }
0x16: {  	s3 =	sld [smem:$0x3FDB];
	s0 =	simm.s32 @p2 $0x1  }
0x17: {  	s4 =	simm.s32 $0x1BF5;
	[smem:$0x3FBC] =	sst s0  }
0x18: {  	s0 =	sld [smem:$0x3F9F];
	_ =	swait.ge [sflag:s4], $0x0  }
0x19: {  	s7 =	sld [smem:$0x3FA0]  }
0x1a: {  	s8 =	sadd.s32 $0xFFFFE003, lr  }
0x1b: {  	s9 =	sadd.s32 $0xFFFFFEF7, lr;
	s5 =	simm.s32 $0xFFFFFFFF;
	p2 =	slt.u32 s8, $0xFFFFF086  }
0x1c: {  	p1 =	slt.u32 s9, $0xF7A;
	s5 =	simm.s32 @!p2 $0x0  }
0x1d: {  	s5 =	simm.s32 @p1 $0x1;
	p0 =	seq.s32 s7, s2  }
0x1e: {  	s7 =	smul.u32 @!p0 $0xF7A, s2;
	p2 =	seq.s32 @!p0 s5, $0x0  }
0x1f: {  	s9 =	smul.u32 $0xF7A, s1;
	s8 =	simm.s32 @!p0 $0x1BF5;
	p2 =	por !p2, p0  }
0x20: {  	[sflag:s8] =	ssyncset.s32 @!p0 $0xFFFFF086;
	s6 =	sadd.s32 @!p0 s3, s7;
	s7 =	simm.s32 @!p0 $0x108  }
0x21: {  	s3 =	sadd.s32 s3, s9;
	s6 =	sadd.s32 @!p0 $0x88, s6;
	s7 =	simm.s32 @p2 $0x1082  }
0x22: {  	[simem:s7], [sflag:s8] =	dma.local @!p0 [hbm:s6], $0xF7A  }
0x23: {  	s9 =	sor.u32 $0xD0000000, s2;
	s6 =	simm.s32 $0x108;
	_ =	swait.ge @!p0 [sflag:s8], $0x0  }
0x24: {  	s3 =	sadd.s32 $0x88, s3;
	s6 =	simm.s32 @!p1 $0x1082;
	[sflag:s4] =	ssyncset.s32 $0xFFFFF086  }
0x25: {  	[simem:s6], [sflag:s4] =	dma.local [hbm:s3], $0xF7A  }
0x26: {  	[smem:$0x3FA0] =	sst s1;
	(tag) =	ssettag s2;
	_ =	strace s9  }
0x27: {  	s1 =	sld [smem:$0x3FB0]  }
0x28: {  	s2 =	sld [smem:$0x3FB1]  }
0x29: {  	s4 =	sld [smem:$0x3FB3]  }
0x2a: {  	p0 =	seq.s32 s5, $0x0;
	s5 =	sld [smem:$0x3FB4]  }
0x2b: {  	s6 =	sld [smem:$0x3FB5]  }
0x2c: {  	s7 =	sld [smem:$0x3FB6]  }
0x2d: {  	s3 =	simm.s32 $0x108;
	s8 =	sld [smem:$0x3FB7]  }
0x2e: {  	s3 =	simm.s32 @!p0 $0x1082;
	s9 =	sld [smem:$0x3FB8]  }
0x2f: {  	lr =	sadd.s32 s0, s3;
	s0 =	sld [smem:$0x3FAF]  }
0x30: {  	s3 =	sld [smem:$0x3FB2]  }
0x31: {  	[smem:$0x3FBB] =	sst s10  }
0x32: {  	s10 =	sld [smem:$0x3FB9];
	_ =	sdelay $0x3  }
0x33: {  	p0 =	seq.s32 s10, $0x1;
	s10 =	sld [smem:$0x3FBB];
	_ =	sdelay $0x3  }
0x34: {  	[smem:$0x3FBB] =	sst s10  }
0x35: {  	s10 =	sld [smem:$0x3FBA];
	_ =	sdelay $0x3  }
0x36: {  	p1 =	seq.s32 s10, $0x1;
	s10 =	sld [smem:$0x3FBB];
	_ =	sdelay $0x3  }
0x37: {  	[smem:$0x3FBB] =	sst s10  }
0x38: {  	s10 =	sld [smem:$0x3FBC]  }
0x39: {  	_ = 	snop;
	(pc) =	sbr.ind lr, $3  }
0x3a: {  	_ = 	snop  }
0x3b: {  	_ = 	snop  }
0x3c: {  	p2 =	seq.s32 s10, $0x1;
	s10 =	sld [smem:$0x3FBB]  }
0x3d: {  	_ =	shalt  }
0x3e: {  	_ =	shalt  }
0x3f: {  	_ =	shalt  }
0x40: {  	_ =	shalt  }
0x41: {  	_ =	shalt  }
0x42: {  	_ =	shalt  }
0x43: {  	_ =	shalt  }
0x44: {  	_ =	shalt  }
0x45: {  	_ =	shalt  }
0x46: {  	_ =	shalt  }
0x47: {  	_ =	shalt  }
0x48: {  	_ =	shalt  }
0x49: {  	_ =	shalt  }
0x4a: {  	_ =	shalt  }
0x4b: {  	_ =	shalt  }
0x4c: {  	_ =	shalt  }
0x4d: {  	_ =	shalt  }
0x4e: {  	_ =	shalt  }
0x4f: {  	_ =	shalt  }
0x50: {  	_ =	shalt  }
0x51: {  	_ =	shalt  }
0x52: {  	_ =	shalt  }
0x53: {  	_ =	shalt  }
0x54: {  	_ =	shalt  }
0x55: {  	_ =	shalt  }
0x56: {  	_ =	shalt  }
0x57: {  	_ =	shalt  }
0x58: {  	_ =	shalt  }
0x59: {  	_ =	shalt  }
0x5a: {  	_ =	shalt  }
0x5b: {  	_ =	shalt  }
0x5c: {  	_ =	shalt  }
0x5d: {  	_ =	shalt  }
0x5e: {  	_ =	shalt  }
0x5f: {  	_ =	shalt  }
0x60: {  	_ =	shalt  }
0x61: {  	_ =	shalt  }
0x62: {  	_ =	shalt  }
0x63: {  	_ =	shalt  }
0x64: {  	_ =	shalt  }
0x65: {  	_ =	shalt  }
0x66: {  	_ =	shalt  }
0x67: {  	_ =	shalt  }
0x68: {  	_ =	shalt  }
0x69: {  	_ =	shalt  }
0x6a: {  	_ =	shalt  }
0x6b: {  	_ =	shalt  }
0x6c: {  	_ =	shalt  }
0x6d: {  	_ =	shalt  }
0x6e: {  	_ =	shalt  }
0x6f: {  	_ =	shalt  }
0x70: {  	_ =	shalt  }
0x71: {  	_ =	shalt  }
0x72: {  	_ =	shalt  }
0x73: {  	_ =	shalt  }
0x74: {  	_ =	shalt  }
0x75: {  	_ =	shalt  }
0x76: {  	_ =	shalt  }
0x77: {  	_ =	shalt  }
0x78: {  	_ =	shalt  }
0x79: {  	_ =	shalt  }
0x7a: {  	_ =	shalt  }
0x7b: {  	_ =	shalt  }
0x7c: {  	_ =	shalt  }
0x7d: {  	_ =	shalt  }
0x7e: {  	_ =	shalt  }
0x7f: {  	_ =	shalt  }
0x80: {  	_ =	shalt  }
0x81: {  	_ =	shalt  }
0x82: {  	_ =	shalt  }
0x83: {  	_ =	shalt  }
0x84: {  	_ =	shalt  }
0x85: {  	_ =	shalt  }
0x86: {  	_ =	shalt  }
0x87: {  	_ =	shalt  }
.Lfunc_end0:
.L_simem_size_0:
called_computation.2_lowered:
.L_overlay_start_0:
0x88: {  	s2 =	sld [smem:$0x3FD9]  }
0x89: {  	s3 =	sld [smem:$0x3FFE];
	_ =	sdelay $0x1  }
0x8a: {  	s1 =	srdreg.scid  }
0x8b: {  	s0 =	sand.u32 $0x1, s1  }
0x8c: {  	s15 =	sshll.u32 s0, $0xA;
	s2 =	sadd.s32 s3, s2  }
0x8d: {  	s2 =	sadd.s32 s2, s15  }
0x8e: {  	[smem:$0x3FC7] =	sst s2  }
0x8f: {  	_ = 	snop  }
0x90: {  	s2 =	sld [smem:$0x3FD0];
	_ =	sdelay $0x2  }
0x91: {  	s16 =	simm.s32 $0xA;
	s4 =	simm.s32 $0x10  }
0x92: {  	[smem:s4], [sflag:s16] =	dma.local [hbm:s2], $0x1  }
0x93: {  	_ =	swait.eq [sflag:s16], $0x1  }
0x94: {  	s17 =	sld [smem:$0x10];
	[sflag:s16] =	ssyncset.done $0x0  }
0x95: {  	s18 =	sld [smem:$0x11];
	[sflag:s16] =	ssyncadd.s32 $0xFFFFFFFF  }
0x96: {  	s19 =	sld [smem:$0x13];
	(tm) =	ssettm $0x1  }
0x97: {  	s5 =	sld [smem:$0x3FFB];
	_ =	sdelay $0x3  }
0x98: {  	_ =	strace s5  }
0x99: {  	s5 =	sld [smem:$0x3FFC];
	_ =	sdelay $0x3  }
0x9a: {  	_ =	strace s5  }
0x9b: {  	s5 =	sld [smem:$0x3FFD];
	_ =	sdelay $0x3  }
0x9c: {  	_ =	strace s5  }
0x9d: {  	_ =	strace $0x8FFFFFFF  }
0x9e: {  	s20 =	sld [smem:$0x3FDB];
	_ =	sdelay $0x1  }
0x9f: {  	s6 =	simm.s32 $_scs_section_size  }
0xa0: {  	s7 =	simm.s32 $_size__tile_overlayer_lowered;
	s8 =	simm.s32 $_tile_overlayer_lowered  }
0xa1: {  	s23 =	simm.s32 $0x1BFF;
	s22 =	sshll.u32 s8, $0x1;
	s5 =	sadd.s32 s6, s20  }
0xa2: {  	s9 =	simm.s32 $0x0;
	s21 =	sshll.u32 s7, $0x1;
	s7 =	sadd.s32 s22, s5  }
0xa3: {  	[timem:s9], [sflag:s23] =	dma.local [hbm:s7], s21  }
0xa4: {  	_ =	swait.ge [sflag:s23], s21  }
0xa5: {  	s6 =	ssub.s32 $0x0, s21;
	[sflag:s23] =	ssyncset.done $0x0  }
0xa6: {  	[sflag:s23] =	ssyncadd.s32 s6;
	_ =	sdelay $0x1  }
0xa7: {  	s24 =	simm.s32 $0x1B8B  }
0xa8: {  	_ =	swait.ge [sflag:s24], $0x1  }
0xa9: {  	[sflag:s24] =	ssyncset.done $0x0  }
0xaa: {  	s25 =	simm.s32 $0x1B8E;
	[sflag:s24] =	ssyncadd.s32 $0xFFFFFFFF  }
0xab: {  	s26 =	simm.s32 $execute0_lowered;
	[smem:$0x3FD2] =	sst s25  }
0xac: {  	s6 =	sshll.u32 s26, $0x1;
	_ =	strace $0x80000049;
	[dreg:$0x1] =	wrdreg $0xFFFFFFFF  }
0xad: {  	s28 =	simm.s32 $_size_execute0_lowered;
	s5 =	sadd.s32 s5, s6;
	[dreg:$0x0] =	wrdreg $0x0  }
0xae: {  	s6 =	sshll.u32 s28, $0x1;
	[dreg:$0x2] =	wrdreg s5  }
0xaf: {  	[dreg:$0x3] =	wrdreg s6  }
0xb0: {  	[dreg:$0x4] =	wrdreg $0xC0  }
0xb1: {  	_ =	task [dreg:s9], $0x5FFFF  }
0xb2: {  	[dreg:$0x1] =	wrdreg $0xFFFFFFFF  }
0xb3: {  	[dreg:$0x0] =	wrdreg $0x60  }
0xb4: {  	[dreg:$0x2] =	wrdreg s18  }
0xb5: {  	[dreg:$0x3] =	wrdreg s17  }
0xb6: {  	[dreg:$0x4] =	wrdreg s19  }
0xb7: {  	[dreg:$0x5] =	wrdreg $0x9  }
0xb8: {  	_ =	task.clear_ibuf [dreg:s9], $0x6FFFF;
	_ =	strace $0x90000049  }
0xb9: {  	s29 =	simm.s32 $0x9;
	_ =	strace $0x8000004B  }
0xba: {  	_ =	swait.ge [sflag:s29], $0x1  }
0xbb: {  	[sflag:s29] =	ssyncadd.s32 $0xFFFFFFFF  }
0xbc: {  	_ =	strace $0x9000004B  }
0xbd: {  	_ =	sfence  }
0xbe: {  	s30 =	sld [smem:$0x0];
	_ =	sdelay $0x2  }
0xbf: {  	s31 =	sshll.u32 s1, $0xD;
	s1 =	sshrl.u32 s1, $0x2  }
0xc0: {  	s3 =	sand.u32 $0x4000, s31;
	s1 =	sadd.s32 s1, s30  }
0xc1: {  	s0 =	sor.u32 s3, s0;
	s1 =	sshll.u32 s1, $0x11  }
0xc2: {  	s0 =	sor.u32 s1, s0  }
0xc3: {  	s0 =	sadd.s32 $0x8F2B, s0  }
0xc4: {  	[sflag:s0] =	ssyncadd.remote.s32 $0x1  }
0xc5: {  	_ =	sfence.sel $0xFFFF  }
0xc6: {  	[dreg:$0x0] =	wrdreg $0xFFFFFFFF;
	(pc) =	sbr.abs _section_cstart, $3  }
0xc7: {  	[dreg:$0x1] =	wrdreg $0xFFFFFFFF  }
0xc8: {  	_ =	task.clear_ibuf [dreg:s9], $0x2FFFF;
	_ =	strace $0x9FFFFFFF  }
0xc9: {  	(tm) =	ssettm $0x7FFFFFFF  }
tec
execute0_lowered:
.L_overlay_start_1:
0x0: {  	(tag) =	ssettag $0x1  }
0x1: {  	s2 =	rddreg [dreg:$0x0]  }
0x2: {  	s3 =	rddreg [dreg:$0x1]  }
0x3: {  	s8 =	rddreg [dreg:$0x2];
	s4 =	srdreg.scid  }
0x4: {  	s1 =	stileid.u32;
	s0 =	rddreg [dreg:$0x3];
	s13 =	simm.s32 $0x1  }
0x5: {  	s14 =	simm.s32 $0x5400;
	s15 =	simm.s32 $0xA880;
	s16 =	simm.s32 $0x2  }
0x6: {  	s18 =	simm.s32 $0x400;
	s19 =	simm.s32 $0x0;
	s5 =	sand.u32 $0x1, s4  }
0x7: {  	s6 =	sshll.u32 s1, $0x1;
	s4 =	simm.s32 $0x0;
	s17 =	sshrl.u32 s1, $0x1  }
0x8: {  	s30 =	sshll.u32 s1, $0xE;
	s7 =	sor.u32 s5, s6;
	s28 =	ssub.s32 $0x2, s5  }
0x9: {  	s5 =	smul.u32 $0x498000, s17;
	[smem:$0x7FF] =	sst s4;
	v0 =	vmov s17;
	s17 =	simm.s32 $0x80  }
0xa: {  	s9 =	sand.u32 $0x3, s7;
	s10 =	sshrl.u32 s28, $0x1;
	_ =	strace $0x8000004A  }
0xb: {  	s12 =	sshll.u32 s7, $0x4;
	s11 =	smul.u32 $0x126000, s9;
	s10 =	ssub.s32 s28, s10  }
0xc: {  	s6 =	smul.u32 $0x24C0, s9;
	s31 =	sand.u32 $0x70, s12;
	s12 =	simm.s32 $0x3  }
0xd: {  	s10 =	smax.u32 s10, $0x1;
	s29 =	sadd.s32 s5, s11;
	s11 =	sand.u32 $0x30000, s30  }
0xe: {  	s9 =	sshrl.u32 s29, $0x3;
	s11 =	sadd.s32 s8, s11;
	s8 =	sadd.s32 $0xA8, s6  }
0xf: {  	v1 =	vimm.s32 $0x0;
	v2 =	vimm.s32 $0x1;
	s7 =	sadd.s32 s2, s9;
	s9 =	sadd.s32 s31, s11;
	s11 =	simm.s32 $0xA800  }
.LBB2_1:
0x10: {  	[tilespmem:s11], [sflag:$0x3] =	stream.linear.gather [hbm4b:s3+s4], $0x80, $0x38;
	[tilespmem:$0x1A880] =	vst v63  }
0x11: {  	_ =	swait.ge [sflag:s12], $0x80  }
0x12: {  	[sflag:s12] =	ssyncset.done $0x0  }
0x13: {  	s20 =	simm.s32 $0xA8C0;
	[sflag:s12] =	ssyncadd.s32 $0xFFFFFF80  }
0x14: {  	v3 =	vld.idx.msk [tilespmem:v0+s11+$0x0], $0xffff;
	[tilespmem:s20+$0xFFFFFFC0] =	vst v1  }
0x15: {  	[tilespmem:s20+$0x30] =	vst v1  }
0x16: {  	[tilespmem:s20+$0x20] =	vst v1  }
0x17: {  	[tilespmem:s20+$0x10] =	vst v1  }
0x18: {  	[tilespmem:s20+$0x0] =	vst v1  }
0x19: {  	[tilespmem:s20+$0xFFFFFFF0] =	vst v1  }
0x1a: {  	s21 =	simm.s32 $0x0;
	[tilespmem:s20+$0xFFFFFFE0] =	vst v1  }
.LBB2_2:
0x1b: {  	s21 =	sadd.s32 $0x8, s21;
	[tilespmem:s20+$0xFFFFFFD0] =	vst v1;
	s20 =	sadd.s32 $0x80, s20  }
0x1c: {  	[tilespmem:s20+$0xFFFFFFC0] =	vst v1;
	p0 =	slt.u32 s21, $0xFF8  }
0x1d: {  	[tilespmem:s20+$0x30] =	vst v1  }
.Ltmp0:
0x1e: {  	[tilespmem:s20+$0x20] =	vst v1;
	(pc) =	sbr.rel @p0 .LBB2_2-.Ltmp0, $4  }
0x1f: {  	[tilespmem:s20+$0x10] =	vst v1  }
0x20: {  	[tilespmem:s20+$0x0] =	vst v1  }
0x21: {  	[tilespmem:s20+$0xFFFFFFF0] =	vst v1  }
0x22: {  	[tilespmem:s20+$0xFFFFFFE0] =	vst v1  }
0x23: {  	[tilespmem:s20+$0xFFFFFFD0] =	vst v1;
	s20 =	simm.s32 $0x0  }
0x24: {  	[tilespmem:s20], [sflag:$0x1] =	stream.linear.gather [hbm4b:s7+s20], $0x5400, $0x38;
	[tilespmem:$0x1A880] =	vst v63  }
.LBB2_4:
0x25: {  	s21 =	smul.u32 $0x150, s20;
	_ =	sdelay $0x1  }
0x26: {  	s21 =	sadd.s32 s21, s8  }
0x27: {  	s21 =	sshll.u32 s21, $0x7  }
0x28: {  	_ =	swait.ge [sflag:s13], $0x5400;
	s21 =	sadd.s32 s5, s21  }
0x29: {  	[sflag:s13] =	ssyncset.done $0x0;
	s21 =	sshrl.u32 s21, $0x3  }
0x2a: {  	[sflag:s13] =	ssyncadd.s32 $0xFFFFAC00;
	s21 =	sadd.s32 s2, s21  }
0x2b: {  	[tilespmem:s14], [sflag:$0x2] =	stream.linear.gather [hbm4b:s21+s4], $0x5400, $0x38;
	[tilespmem:$0x1A880] =	vst v63  }
0x2c: {  	s22 =	simm.s32 $0x100;
	s21 =	simm.s32 $0xFFFFFFFC  }
.LBB2_5:
0x2d: {  	v4 =	vld [tilespmem:s22+$0xFFFFFF00];
	_ =	sdelay $0x4  }
0x2e: {  	v5 =	vshra.s32 v4, $0x10  }
0x2f: {  	vm1 =	vgt.s32 v4, $0x0;
	vm0 =	veq.s32 v5, v3  }
0x30: {  	vm0 =	vmand vm1, vm0  }
0x31: {  	v4 =	vand.u32 $0xFFFF, v4;
	_ =	sdelay $0x4  }
0x32: {  	[tilespmem:v4+s15+$0x0] =	vst.idx.add.s32.msk vm0, v2  }
0x33: {  	v4 =	vld [tilespmem:s22+$0xFFFFFF10];
	_ =	sdelay $0x4  }
0x34: {  	v5 =	vshra.s32 v4, $0x10  }
0x35: {  	vm15 =	vgt.s32 v4, $0x0;
	vm14 =	veq.s32 v5, v3  }
0x36: {  	vm0 =	vmand vm15, vm14  }
0x37: {  	v4 =	vand.u32 $0xFFFF, v4;
	_ =	sdelay $0x4  }
0x38: {  	[tilespmem:v4+s15+$0x0] =	vst.idx.add.s32.msk vm0, v2  }
0x39: {  	v4 =	vld [tilespmem:s22+$0xFFFFFF20];
	_ =	sdelay $0x4  }
0x3a: {  	v5 =	vshra.s32 v4, $0x10  }
0x3b: {  	vm5 =	vgt.s32 v4, $0x0;
	vm4 =	veq.s32 v5, v3  }
0x3c: {  	vm0 =	vmand vm5, vm4  }
0x3d: {  	v4 =	vand.u32 $0xFFFF, v4;
	_ =	sdelay $0x4  }
0x3e: {  	[tilespmem:v4+s15+$0x0] =	vst.idx.add.s32.msk vm0, v2  }
0x3f: {  	v4 =	vld [tilespmem:s22+$0xFFFFFF30];
	_ =	sdelay $0x4  }
0x40: {  	v5 =	vshra.s32 v4, $0x10  }
0x41: {  	vm7 =	vgt.s32 v4, $0x0;
	vm6 =	veq.s32 v5, v3  }
0x42: {  	vm0 =	vmand vm7, vm6  }
0x43: {  	v4 =	vand.u32 $0xFFFF, v4;
	_ =	sdelay $0x4  }
0x44: {  	[tilespmem:v4+s15+$0x0] =	vst.idx.add.s32.msk vm0, v2  }
0x45: {  	v4 =	vld [tilespmem:s22+$0xFFFFFF40];
	_ =	sdelay $0x4  }
0x46: {  	v5 =	vshra.s32 v4, $0x10  }
0x47: {  	vm9 =	vgt.s32 v4, $0x0;
	vm8 =	veq.s32 v5, v3  }
0x48: {  	vm0 =	vmand vm9, vm8  }
0x49: {  	v4 =	vand.u32 $0xFFFF, v4;
	_ =	sdelay $0x4  }
0x4a: {  	[tilespmem:v4+s15+$0x0] =	vst.idx.add.s32.msk vm0, v2  }
0x4b: {  	v4 =	vld [tilespmem:s22+$0xFFFFFF50];
	_ =	sdelay $0x4  }
0x4c: {  	v5 =	vshra.s32 v4, $0x10  }
0x4d: {  	vm11 =	vgt.s32 v4, $0x0;
	vm10 =	veq.s32 v5, v3  }
0x4e: {  	vm0 =	vmand vm11, vm10  }
0x4f: {  	v4 =	vand.u32 $0xFFFF, v4;
	_ =	sdelay $0x4  }
0x50: {  	[tilespmem:v4+s15+$0x0] =	vst.idx.add.s32.msk vm0, v2  }
0x51: {  	v4 =	vld [tilespmem:s22+$0xFFFFFF60];
	_ =	sdelay $0x4  }
0x52: {  	v5 =	vshra.s32 v4, $0x10  }
0x53: {  	vm13 =	vgt.s32 v4, $0x0;
	vm12 =	veq.s32 v5, v3  }
0x54: {  	vm0 =	vmand vm13, vm12  }
0x55: {  	v4 =	vand.u32 $0xFFFF, v4;
	_ =	sdelay $0x4  }
0x56: {  	[tilespmem:v4+s15+$0x0] =	vst.idx.add.s32.msk vm0, v2  }
0x57: {  	v4 =	vld [tilespmem:s22+$0xFFFFFF70];
	_ =	sdelay $0x4  }
0x58: {  	v5 =	vshra.s32 v4, $0x10  }
0x59: {  	vm15 =	vgt.s32 v4, $0x0;
	vm14 =	veq.s32 v5, v3  }
0x5a: {  	vm0 =	vmand vm15, vm14  }
0x5b: {  	v4 =	vand.u32 $0xFFFF, v4;
	_ =	sdelay $0x4  }
0x5c: {  	[tilespmem:v4+s15+$0x0] =	vst.idx.add.s32.msk vm0, v2  }
0x5d: {  	v4 =	vld [tilespmem:s22+$0xFFFFFF80];
	_ =	sdelay $0x4  }
0x5e: {  	v5 =	vshra.s32 v4, $0x10  }
0x5f: {  	vm5 =	vgt.s32 v4, $0x0;
	vm4 =	veq.s32 v5, v3  }
0x60: {  	vm0 =	vmand vm5, vm4  }
0x61: {  	v4 =	vand.u32 $0xFFFF, v4;
	_ =	sdelay $0x4  }
0x62: {  	[tilespmem:v4+s15+$0x0] =	vst.idx.add.s32.msk vm0, v2  }
0x63: {  	v4 =	vld [tilespmem:s22+$0xFFFFFF90];
	_ =	sdelay $0x4  }
0x64: {  	v5 =	vshra.s32 v4, $0x10  }
0x65: {  	vm7 =	vgt.s32 v4, $0x0;
	vm6 =	veq.s32 v5, v3  }
0x66: {  	vm0 =	vmand vm7, vm6  }
0x67: {  	v4 =	vand.u32 $0xFFFF, v4;
	_ =	sdelay $0x4  }
0x68: {  	[tilespmem:v4+s15+$0x0] =	vst.idx.add.s32.msk vm0, v2  }
0x69: {  	v4 =	vld [tilespmem:s22+$0xFFFFFFA0];
	_ =	sdelay $0x4  }
0x6a: {  	v5 =	vshra.s32 v4, $0x10  }
0x6b: {  	vm9 =	vgt.s32 v4, $0x0;
	vm8 =	veq.s32 v5, v3  }
0x6c: {  	vm0 =	vmand vm9, vm8  }
0x6d: {  	v4 =	vand.u32 $0xFFFF, v4;
	_ =	sdelay $0x4  }
0x6e: {  	[tilespmem:v4+s15+$0x0] =	vst.idx.add.s32.msk vm0, v2  }
0x6f: {  	v4 =	vld [tilespmem:s22+$0xFFFFFFB0];
	_ =	sdelay $0x4  }
0x70: {  	v5 =	vshra.s32 v4, $0x10  }
0x71: {  	vm11 =	vgt.s32 v4, $0x0;
	vm10 =	veq.s32 v5, v3  }
0x72: {  	vm0 =	vmand vm11, vm10  }
0x73: {  	v4 =	vand.u32 $0xFFFF, v4;
	_ =	sdelay $0x4  }
0x74: {  	[tilespmem:v4+s15+$0x0] =	vst.idx.add.s32.msk vm0, v2  }
0x75: {  	v4 =	vld [tilespmem:s22+$0xFFFFFFC0];
	_ =	sdelay $0x4  }
0x76: {  	v5 =	vshra.s32 v4, $0x10  }
0x77: {  	vm13 =	vgt.s32 v4, $0x0;
	vm12 =	veq.s32 v5, v3  }
0x78: {  	vm0 =	vmand vm13, vm12  }
0x79: {  	v4 =	vand.u32 $0xFFFF, v4;
	_ =	sdelay $0x4  }
0x7a: {  	[tilespmem:v4+s15+$0x0] =	vst.idx.add.s32.msk vm0, v2  }
0x7b: {  	v4 =	vld [tilespmem:s22+$0xFFFFFFD0];
	_ =	sdelay $0x4  }
0x7c: {  	v5 =	vshra.s32 v4, $0x10  }
0x7d: {  	vm15 =	vgt.s32 v4, $0x0;
	vm14 =	veq.s32 v5, v3  }
0x7e: {  	vm0 =	vmand vm15, vm14  }
0x7f: {  	v4 =	vand.u32 $0xFFFF, v4;
	_ =	sdelay $0x4  }
0x80: {  	[tilespmem:v4+s15+$0x0] =	vst.idx.add.s32.msk vm0, v2  }
0x81: {  	v4 =	vld [tilespmem:s22+$0xFFFFFFE0];
	_ =	sdelay $0x4  }
0x82: {  	v5 =	vshra.s32 v4, $0x10  }
0x83: {  	vm5 =	vgt.s32 v4, $0x0;
	vm4 =	veq.s32 v5, v3  }
0x84: {  	vm0 =	vmand vm5, vm4  }
0x85: {  	v4 =	vand.u32 $0xFFFF, v4;
	_ =	sdelay $0x4  }
0x86: {  	[tilespmem:v4+s15+$0x0] =	vst.idx.add.s32.msk vm0, v2  }
0x87: {  	v4 =	vld [tilespmem:s22+$0xFFFFFFF0];
	_ =	sdelay $0x4  }
0x88: {  	v5 =	vshra.s32 v4, $0x10  }
0x89: {  	vm7 =	vgt.s32 v4, $0x0;
	vm6 =	veq.s32 v5, v3  }
0x8a: {  	vm0 =	vmand vm7, vm6  }
0x8b: {  	v4 =	vand.u32 $0xFFFF, v4;
	_ =	sdelay $0x4  }
0x8c: {  	[tilespmem:v4+s15+$0x0] =	vst.idx.add.s32.msk vm0, v2  }
0x8d: {  	v4 =	vld [tilespmem:s22+$0x0];
	_ =	sdelay $0x4  }
0x8e: {  	v5 =	vshra.s32 v4, $0x10  }
0x8f: {  	vm9 =	vgt.s32 v4, $0x0;
	vm8 =	veq.s32 v5, v3  }
0x90: {  	vm0 =	vmand vm9, vm8  }
0x91: {  	v4 =	vand.u32 $0xFFFF, v4;
	_ =	sdelay $0x4  }
0x92: {  	[tilespmem:v4+s15+$0x0] =	vst.idx.add.s32.msk vm0, v2  }
0x93: {  	v4 =	vld [tilespmem:s22+$0x10];
	_ =	sdelay $0x4  }
0x94: {  	v5 =	vshra.s32 v4, $0x10  }
0x95: {  	vm11 =	vgt.s32 v4, $0x0;
	vm10 =	veq.s32 v5, v3  }
0x96: {  	vm0 =	vmand vm11, vm10  }
0x97: {  	v4 =	vand.u32 $0xFFFF, v4;
	_ =	sdelay $0x4  }
0x98: {  	[tilespmem:v4+s15+$0x0] =	vst.idx.add.s32.msk vm0, v2  }
0x99: {  	v4 =	vld [tilespmem:s22+$0x20];
	_ =	sdelay $0x4  }
0x9a: {  	v5 =	vshra.s32 v4, $0x10  }
0x9b: {  	vm13 =	vgt.s32 v4, $0x0;
	vm12 =	veq.s32 v5, v3  }
0x9c: {  	vm0 =	vmand vm13, vm12  }
0x9d: {  	v4 =	vand.u32 $0xFFFF, v4;
	_ =	sdelay $0x4  }
0x9e: {  	[tilespmem:v4+s15+$0x0] =	vst.idx.add.s32.msk vm0, v2  }
0x9f: {  	v4 =	vld [tilespmem:s22+$0x30];
	_ =	sdelay $0x4  }
0xa0: {  	v5 =	vshra.s32 v4, $0x10  }
0xa1: {  	vm15 =	vgt.s32 v4, $0x0;
	vm14 =	veq.s32 v5, v3  }
0xa2: {  	vm0 =	vmand vm15, vm14  }
0xa3: {  	v4 =	vand.u32 $0xFFFF, v4;
	_ =	sdelay $0x4  }
0xa4: {  	[tilespmem:v4+s15+$0x0] =	vst.idx.add.s32.msk vm0, v2  }
0xa5: {  	v4 =	vld [tilespmem:s22+$0x40];
	_ =	sdelay $0x4  }
0xa6: {  	v5 =	vshra.s32 v4, $0x10  }
0xa7: {  	vm5 =	vgt.s32 v4, $0x0;
	vm4 =	veq.s32 v5, v3  }
0xa8: {  	vm0 =	vmand vm5, vm4  }
0xa9: {  	v4 =	vand.u32 $0xFFFF, v4;
	_ =	sdelay $0x4  }
0xaa: {  	[tilespmem:v4+s15+$0x0] =	vst.idx.add.s32.msk vm0, v2  }
0xab: {  	v4 =	vld [tilespmem:s22+$0x50];
	_ =	sdelay $0x4  }
0xac: {  	v5 =	vshra.s32 v4, $0x10  }
0xad: {  	vm7 =	vgt.s32 v4, $0x0;
	vm6 =	veq.s32 v5, v3  }
0xae: {  	vm0 =	vmand vm7, vm6  }
0xaf: {  	v4 =	vand.u32 $0xFFFF, v4;
	_ =	sdelay $0x4  }
0xb0: {  	[tilespmem:v4+s15+$0x0] =	vst.idx.add.s32.msk vm0, v2  }
0xb1: {  	v4 =	vld [tilespmem:s22+$0x60];
	_ =	sdelay $0x4  }
0xb2: {  	v5 =	vshra.s32 v4, $0x10  }
0xb3: {  	vm9 =	vgt.s32 v4, $0x0;
	vm8 =	veq.s32 v5, v3  }
0xb4: {  	vm0 =	vmand vm9, vm8  }
0xb5: {  	v4 =	vand.u32 $0xFFFF, v4;
	_ =	sdelay $0x4  }
0xb6: {  	[tilespmem:v4+s15+$0x0] =	vst.idx.add.s32.msk vm0, v2  }
0xb7: {  	v4 =	vld [tilespmem:s22+$0x70];
	_ =	sdelay $0x4  }
0xb8: {  	v5 =	vshra.s32 v4, $0x10  }
0xb9: {  	vm11 =	vgt.s32 v4, $0x0;
	vm10 =	veq.s32 v5, v3  }
0xba: {  	vm0 =	vmand vm11, vm10  }
0xbb: {  	v4 =	vand.u32 $0xFFFF, v4;
	_ =	sdelay $0x4  }
0xbc: {  	[tilespmem:v4+s15+$0x0] =	vst.idx.add.s32.msk vm0, v2  }
0xbd: {  	v4 =	vld [tilespmem:s22+$0x80];
	_ =	sdelay $0x4  }
0xbe: {  	v5 =	vshra.s32 v4, $0x10  }
0xbf: {  	vm13 =	vgt.s32 v4, $0x0;
	vm12 =	veq.s32 v5, v3  }
0xc0: {  	vm0 =	vmand vm13, vm12  }
0xc1: {  	v4 =	vand.u32 $0xFFFF, v4;
	_ =	sdelay $0x4  }
0xc2: {  	[tilespmem:v4+s15+$0x0] =	vst.idx.add.s32.msk vm0, v2  }
0xc3: {  	v4 =	vld [tilespmem:s22+$0x90];
	_ =	sdelay $0x4  }
0xc4: {  	v5 =	vshra.s32 v4, $0x10  }
0xc5: {  	vm15 =	vgt.s32 v4, $0x0;
	vm14 =	veq.s32 v5, v3  }
0xc6: {  	vm0 =	vmand vm15, vm14  }
0xc7: {  	v4 =	vand.u32 $0xFFFF, v4;
	_ =	sdelay $0x4  }
0xc8: {  	[tilespmem:v4+s15+$0x0] =	vst.idx.add.s32.msk vm0, v2  }
0xc9: {  	v4 =	vld [tilespmem:s22+$0xA0];
	_ =	sdelay $0x4  }
0xca: {  	v5 =	vshra.s32 v4, $0x10  }
0xcb: {  	vm5 =	vgt.s32 v4, $0x0;
	vm4 =	veq.s32 v5, v3  }
0xcc: {  	vm0 =	vmand vm5, vm4  }
0xcd: {  	v4 =	vand.u32 $0xFFFF, v4;
	_ =	sdelay $0x4  }
0xce: {  	[tilespmem:v4+s15+$0x0] =	vst.idx.add.s32.msk vm0, v2  }
0xcf: {  	v4 =	vld [tilespmem:s22+$0xB0];
	_ =	sdelay $0x4  }
0xd0: {  	v5 =	vshra.s32 v4, $0x10  }
0xd1: {  	vm7 =	vgt.s32 v4, $0x0;
	vm6 =	veq.s32 v5, v3  }
0xd2: {  	vm0 =	vmand vm7, vm6  }
0xd3: {  	v4 =	vand.u32 $0xFFFF, v4;
	_ =	sdelay $0x4  }
0xd4: {  	[tilespmem:v4+s15+$0x0] =	vst.idx.add.s32.msk vm0, v2  }
0xd5: {  	v4 =	vld [tilespmem:s22+$0xC0];
	_ =	sdelay $0x4  }
0xd6: {  	v5 =	vshra.s32 v4, $0x10  }
0xd7: {  	vm9 =	vgt.s32 v4, $0x0;
	vm8 =	veq.s32 v5, v3  }
0xd8: {  	vm0 =	vmand vm9, vm8  }
0xd9: {  	v4 =	vand.u32 $0xFFFF, v4;
	_ =	sdelay $0x4  }
0xda: {  	[tilespmem:v4+s15+$0x0] =	vst.idx.add.s32.msk vm0, v2  }
0xdb: {  	v4 =	vld [tilespmem:s22+$0xD0];
	_ =	sdelay $0x4  }
0xdc: {  	v5 =	vshra.s32 v4, $0x10  }
0xdd: {  	vm11 =	vgt.s32 v4, $0x0;
	vm10 =	veq.s32 v5, v3  }
0xde: {  	vm0 =	vmand vm11, vm10  }
0xdf: {  	v4 =	vand.u32 $0xFFFF, v4;
	_ =	sdelay $0x4  }
0xe0: {  	[tilespmem:v4+s15+$0x0] =	vst.idx.add.s32.msk vm0, v2  }
0xe1: {  	v4 =	vld [tilespmem:s22+$0xE0];
	_ =	sdelay $0x4  }
0xe2: {  	v5 =	vshra.s32 v4, $0x10  }
0xe3: {  	vm13 =	vgt.s32 v4, $0x0;
	vm12 =	veq.s32 v5, v3  }
0xe4: {  	vm0 =	vmand vm13, vm12  }
0xe5: {  	v4 =	vand.u32 $0xFFFF, v4;
	_ =	sdelay $0x4  }
0xe6: {  	[tilespmem:v4+s15+$0x0] =	vst.idx.add.s32.msk vm0, v2  }
0xe7: {  	v4 =	vld [tilespmem:s22+$0xF0];
	_ =	sdelay $0x4  }
0xe8: {  	v5 =	vshra.s32 v4, $0x10  }
0xe9: {  	vm15 =	vgt.s32 v4, $0x0;
	vm14 =	veq.s32 v5, v3  }
0xea: {  	s21 =	sadd.s32 $0x4, s21;
	vm0 =	vmand vm15, vm14  }
0xeb: {  	p0 =	slt.u32 s21, $0xA4;
	v4 =	vand.u32 $0xFFFF, v4  }
.Ltmp1:
0xec: {  	_ = 	snop;
	(pc) =	sbr.rel @p0 .LBB2_5-.Ltmp1, $2  }
0xed: {  	_ =	sdelay $0x2  }
0xee: {  	s22 =	sadd.s32 $0x200, s22;
	[tilespmem:v4+s15+$0x0] =	vst.idx.add.s32.msk vm0, v2  }
0xef: {  	s21 =	sshll.u32 s20, $0x1  }
0xf0: {  	s21 =	sadd.s32 $0x2, s21  }
0xf1: {  	s22 =	smul.u32 $0xA8, s21  }
0xf2: {  	p0 =	seq.s32 s21, $0x38  }
0xf3: {  	s22 =	simm.s32 @p0 $0x0  }
0xf4: {  	s31 =	sadd.s32 s6, s22  }
0xf5: {  	s21 =	sshll.u32 s31, $0x7  }
0xf6: {  	_ =	swait.ge [sflag:s16], $0x5400;
	s21 =	sadd.s32 s5, s21  }
0xf7: {  	[sflag:s16] =	ssyncset.done $0x0;
	s21 =	sshrl.u32 s21, $0x3  }
0xf8: {  	[sflag:s16] =	ssyncadd.s32 $0xFFFFAC00;
	s21 =	sadd.s32 s2, s21  }
0xf9: {  	[tilespmem:s4], [sflag:$0x1] =	stream.linear.gather [hbm4b:s21+s4], $0x5400, $0x38;
	[tilespmem:$0x1A880] =	vst v63  }
0xfa: {  	s22 =	simm.s32 $0x5500;
	s21 =	simm.s32 $0xFFFFFFFC  }
.LBB2_7:
0xfb: {  	v4 =	vld [tilespmem:s22+$0xFFFFFF00];
	_ =	sdelay $0x4  }
0xfc: {  	v5 =	vshra.s32 v4, $0x10  }
0xfd: {  	vm1 =	vgt.s32 v4, $0x0;
	vm0 =	veq.s32 v5, v3  }
0xfe: {  	vm0 =	vmand vm1, vm0  }
0xff: {  	v4 =	vand.u32 $0xFFFF, v4;
	_ =	sdelay $0x4  }
0x100: {  	[tilespmem:v4+s15+$0x0] =	vst.idx.add.s32.msk vm0, v2  }
0x101: {  	v4 =	vld [tilespmem:s22+$0xFFFFFF10];
	_ =	sdelay $0x4  }
0x102: {  	v5 =	vshra.s32 v4, $0x10  }
0x103: {  	vm15 =	vgt.s32 v4, $0x0;
	vm14 =	veq.s32 v5, v3  }
0x104: {  	vm0 =	vmand vm15, vm14  }
0x105: {  	v4 =	vand.u32 $0xFFFF, v4;
	_ =	sdelay $0x4  }
0x106: {  	[tilespmem:v4+s15+$0x0] =	vst.idx.add.s32.msk vm0, v2  }
0x107: {  	v4 =	vld [tilespmem:s22+$0xFFFFFF20];
	_ =	sdelay $0x4  }
0x108: {  	v5 =	vshra.s32 v4, $0x10  }
0x109: {  	vm5 =	vgt.s32 v4, $0x0;
	vm4 =	veq.s32 v5, v3  }
0x10a: {  	vm0 =	vmand vm5, vm4  }
0x10b: {  	v4 =	vand.u32 $0xFFFF, v4;
	_ =	sdelay $0x4  }
0x10c: {  	[tilespmem:v4+s15+$0x0] =	vst.idx.add.s32.msk vm0, v2  }
0x10d: {  	v4 =	vld [tilespmem:s22+$0xFFFFFF30];
	_ =	sdelay $0x4  }
0x10e: {  	v5 =	vshra.s32 v4, $0x10  }
0x10f: {  	vm7 =	vgt.s32 v4, $0x0;
	vm6 =	veq.s32 v5, v3  }
0x110: {  	vm0 =	vmand vm7, vm6  }
0x111: {  	v4 =	vand.u32 $0xFFFF, v4;
	_ =	sdelay $0x4  }
0x112: {  	[tilespmem:v4+s15+$0x0] =	vst.idx.add.s32.msk vm0, v2  }
0x113: {  	v4 =	vld [tilespmem:s22+$0xFFFFFF40];
	_ =	sdelay $0x4  }
0x114: {  	v5 =	vshra.s32 v4, $0x10  }
0x115: {  	vm9 =	vgt.s32 v4, $0x0;
	vm8 =	veq.s32 v5, v3  }
0x116: {  	vm0 =	vmand vm9, vm8  }
0x117: {  	v4 =	vand.u32 $0xFFFF, v4;
	_ =	sdelay $0x4  }
0x118: {  	[tilespmem:v4+s15+$0x0] =	vst.idx.add.s32.msk vm0, v2  }
0x119: {  	v4 =	vld [tilespmem:s22+$0xFFFFFF50];
	_ =	sdelay $0x4  }
0x11a: {  	v5 =	vshra.s32 v4, $0x10  }
0x11b: {  	vm11 =	vgt.s32 v4, $0x0;
	vm10 =	veq.s32 v5, v3  }
0x11c: {  	vm0 =	vmand vm11, vm10  }
0x11d: {  	v4 =	vand.u32 $0xFFFF, v4;
	_ =	sdelay $0x4  }
0x11e: {  	[tilespmem:v4+s15+$0x0] =	vst.idx.add.s32.msk vm0, v2  }
0x11f: {  	v4 =	vld [tilespmem:s22+$0xFFFFFF60];
	_ =	sdelay $0x4  }
0x120: {  	v5 =	vshra.s32 v4, $0x10  }
0x121: {  	vm13 =	vgt.s32 v4, $0x0;
	vm12 =	veq.s32 v5, v3  }
0x122: {  	vm0 =	vmand vm13, vm12  }
0x123: {  	v4 =	vand.u32 $0xFFFF, v4;
	_ =	sdelay $0x4  }
0x124: {  	[tilespmem:v4+s15+$0x0] =	vst.idx.add.s32.msk vm0, v2  }
0x125: {  	v4 =	vld [tilespmem:s22+$0xFFFFFF70];
	_ =	sdelay $0x4  }
0x126: {  	v5 =	vshra.s32 v4, $0x10  }
0x127: {  	vm15 =	vgt.s32 v4, $0x0;
	vm14 =	veq.s32 v5, v3  }
0x128: {  	vm0 =	vmand vm15, vm14  }
0x129: {  	v4 =	vand.u32 $0xFFFF, v4;
	_ =	sdelay $0x4  }
0x12a: {  	[tilespmem:v4+s15+$0x0] =	vst.idx.add.s32.msk vm0, v2  }
0x12b: {  	v4 =	vld [tilespmem:s22+$0xFFFFFF80];
	_ =	sdelay $0x4  }
0x12c: {  	v5 =	vshra.s32 v4, $0x10  }
0x12d: {  	vm5 =	vgt.s32 v4, $0x0;
	vm4 =	veq.s32 v5, v3  }
0x12e: {  	vm0 =	vmand vm5, vm4  }
0x12f: {  	v4 =	vand.u32 $0xFFFF, v4;
	_ =	sdelay $0x4  }
0x130: {  	[tilespmem:v4+s15+$0x0] =	vst.idx.add.s32.msk vm0, v2  }
0x131: {  	v4 =	vld [tilespmem:s22+$0xFFFFFF90];
	_ =	sdelay $0x4  }
0x132: {  	v5 =	vshra.s32 v4, $0x10  }
0x133: {  	vm7 =	vgt.s32 v4, $0x0;
	vm6 =	veq.s32 v5, v3  }
0x134: {  	vm0 =	vmand vm7, vm6  }
0x135: {  	v4 =	vand.u32 $0xFFFF, v4;
	_ =	sdelay $0x4  }
0x136: {  	[tilespmem:v4+s15+$0x0] =	vst.idx.add.s32.msk vm0, v2  }
0x137: {  	v4 =	vld [tilespmem:s22+$0xFFFFFFA0];
	_ =	sdelay $0x4  }
0x138: {  	v5 =	vshra.s32 v4, $0x10  }
0x139: {  	vm9 =	vgt.s32 v4, $0x0;
	vm8 =	veq.s32 v5, v3  }
0x13a: {  	vm0 =	vmand vm9, vm8  }
0x13b: {  	v4 =	vand.u32 $0xFFFF, v4;
	_ =	sdelay $0x4  }
0x13c: {  	[tilespmem:v4+s15+$0x0] =	vst.idx.add.s32.msk vm0, v2  }
0x13d: {  	v4 =	vld [tilespmem:s22+$0xFFFFFFB0];
	_ =	sdelay $0x4  }
0x13e: {  	v5 =	vshra.s32 v4, $0x10  }
0x13f: {  	vm11 =	vgt.s32 v4, $0x0;
	vm10 =	veq.s32 v5, v3  }
0x140: {  	vm0 =	vmand vm11, vm10  }
0x141: {  	v4 =	vand.u32 $0xFFFF, v4;
	_ =	sdelay $0x4  }
0x142: {  	[tilespmem:v4+s15+$0x0] =	vst.idx.add.s32.msk vm0, v2  }
0x143: {  	v4 =	vld [tilespmem:s22+$0xFFFFFFC0];
	_ =	sdelay $0x4  }
0x144: {  	v5 =	vshra.s32 v4, $0x10  }
0x145: {  	vm13 =	vgt.s32 v4, $0x0;
	vm12 =	veq.s32 v5, v3  }
0x146: {  	vm0 =	vmand vm13, vm12  }
0x147: {  	v4 =	vand.u32 $0xFFFF, v4;
	_ =	sdelay $0x4  }
0x148: {  	[tilespmem:v4+s15+$0x0] =	vst.idx.add.s32.msk vm0, v2  }
0x149: {  	v4 =	vld [tilespmem:s22+$0xFFFFFFD0];
	_ =	sdelay $0x4  }
0x14a: {  	v5 =	vshra.s32 v4, $0x10  }
0x14b: {  	vm15 =	vgt.s32 v4, $0x0;
	vm14 =	veq.s32 v5, v3  }
0x14c: {  	vm0 =	vmand vm15, vm14  }
0x14d: {  	v4 =	vand.u32 $0xFFFF, v4;
	_ =	sdelay $0x4  }
0x14e: {  	[tilespmem:v4+s15+$0x0] =	vst.idx.add.s32.msk vm0, v2  }
0x14f: {  	v4 =	vld [tilespmem:s22+$0xFFFFFFE0];
	_ =	sdelay $0x4  }
0x150: {  	v5 =	vshra.s32 v4, $0x10  }
0x151: {  	vm5 =	vgt.s32 v4, $0x0;
	vm4 =	veq.s32 v5, v3  }
0x152: {  	vm0 =	vmand vm5, vm4  }
0x153: {  	v4 =	vand.u32 $0xFFFF, v4;
	_ =	sdelay $0x4  }
0x154: {  	[tilespmem:v4+s15+$0x0] =	vst.idx.add.s32.msk vm0, v2  }
0x155: {  	v4 =	vld [tilespmem:s22+$0xFFFFFFF0];
	_ =	sdelay $0x4  }
0x156: {  	v5 =	vshra.s32 v4, $0x10  }
0x157: {  	vm7 =	vgt.s32 v4, $0x0;
	vm6 =	veq.s32 v5, v3  }
0x158: {  	vm0 =	vmand vm7, vm6  }
0x159: {  	v4 =	vand.u32 $0xFFFF, v4;
	_ =	sdelay $0x4  }
0x15a: {  	[tilespmem:v4+s15+$0x0] =	vst.idx.add.s32.msk vm0, v2  }
0x15b: {  	v4 =	vld [tilespmem:s22+$0x0];
	_ =	sdelay $0x4  }
0x15c: {  	v5 =	vshra.s32 v4, $0x10  }
0x15d: {  	vm9 =	vgt.s32 v4, $0x0;
	vm8 =	veq.s32 v5, v3  }
0x15e: {  	vm0 =	vmand vm9, vm8  }
0x15f: {  	v4 =	vand.u32 $0xFFFF, v4;
	_ =	sdelay $0x4  }
0x160: {  	[tilespmem:v4+s15+$0x0] =	vst.idx.add.s32.msk vm0, v2  }
0x161: {  	v4 =	vld [tilespmem:s22+$0x10];
	_ =	sdelay $0x4  }
0x162: {  	v5 =	vshra.s32 v4, $0x10  }
0x163: {  	vm11 =	vgt.s32 v4, $0x0;
	vm10 =	veq.s32 v5, v3  }
0x164: {  	vm0 =	vmand vm11, vm10  }
0x165: {  	v4 =	vand.u32 $0xFFFF, v4;
	_ =	sdelay $0x4  }
0x166: {  	[tilespmem:v4+s15+$0x0] =	vst.idx.add.s32.msk vm0, v2  }
0x167: {  	v4 =	vld [tilespmem:s22+$0x20];
	_ =	sdelay $0x4  }
0x168: {  	v5 =	vshra.s32 v4, $0x10  }
0x169: {  	vm13 =	vgt.s32 v4, $0x0;
	vm12 =	veq.s32 v5, v3  }
0x16a: {  	vm0 =	vmand vm13, vm12  }
0x16b: {  	v4 =	vand.u32 $0xFFFF, v4;
	_ =	sdelay $0x4  }
0x16c: {  	[tilespmem:v4+s15+$0x0] =	vst.idx.add.s32.msk vm0, v2  }
0x16d: {  	v4 =	vld [tilespmem:s22+$0x30];
	_ =	sdelay $0x4  }
0x16e: {  	v5 =	vshra.s32 v4, $0x10  }
0x16f: {  	vm15 =	vgt.s32 v4, $0x0;
	vm14 =	veq.s32 v5, v3  }
0x170: {  	vm0 =	vmand vm15, vm14  }
0x171: {  	v4 =	vand.u32 $0xFFFF, v4;
	_ =	sdelay $0x4  }
0x172: {  	[tilespmem:v4+s15+$0x0] =	vst.idx.add.s32.msk vm0, v2  }
0x173: {  	v4 =	vld [tilespmem:s22+$0x40];
	_ =	sdelay $0x4  }
0x174: {  	v5 =	vshra.s32 v4, $0x10  }
0x175: {  	vm5 =	vgt.s32 v4, $0x0;
	vm4 =	veq.s32 v5, v3  }
0x176: {  	vm0 =	vmand vm5, vm4  }
0x177: {  	v4 =	vand.u32 $0xFFFF, v4;
	_ =	sdelay $0x4  }
0x178: {  	[tilespmem:v4+s15+$0x0] =	vst.idx.add.s32.msk vm0, v2  }
0x179: {  	v4 =	vld [tilespmem:s22+$0x50];
	_ =	sdelay $0x4  }
0x17a: {  	v5 =	vshra.s32 v4, $0x10  }
0x17b: {  	vm7 =	vgt.s32 v4, $0x0;
	vm6 =	veq.s32 v5, v3  }
0x17c: {  	vm0 =	vmand vm7, vm6  }
0x17d: {  	v4 =	vand.u32 $0xFFFF, v4;
	_ =	sdelay $0x4  }
0x17e: {  	[tilespmem:v4+s15+$0x0] =	vst.idx.add.s32.msk vm0, v2  }
0x17f: {  	v4 =	vld [tilespmem:s22+$0x60];
	_ =	sdelay $0x4  }
0x180: {  	v5 =	vshra.s32 v4, $0x10  }
0x181: {  	vm9 =	vgt.s32 v4, $0x0;
	vm8 =	veq.s32 v5, v3  }
0x182: {  	vm0 =	vmand vm9, vm8  }
0x183: {  	v4 =	vand.u32 $0xFFFF, v4;
	_ =	sdelay $0x4  }
0x184: {  	[tilespmem:v4+s15+$0x0] =	vst.idx.add.s32.msk vm0, v2  }
0x185: {  	v4 =	vld [tilespmem:s22+$0x70];
	_ =	sdelay $0x4  }
0x186: {  	v5 =	vshra.s32 v4, $0x10  }
0x187: {  	vm11 =	vgt.s32 v4, $0x0;
	vm10 =	veq.s32 v5, v3  }
0x188: {  	vm0 =	vmand vm11, vm10  }
0x189: {  	v4 =	vand.u32 $0xFFFF, v4;
	_ =	sdelay $0x4  }
0x18a: {  	[tilespmem:v4+s15+$0x0] =	vst.idx.add.s32.msk vm0, v2  }
0x18b: {  	v4 =	vld [tilespmem:s22+$0x80];
	_ =	sdelay $0x4  }
0x18c: {  	v5 =	vshra.s32 v4, $0x10  }
0x18d: {  	vm13 =	vgt.s32 v4, $0x0;
	vm12 =	veq.s32 v5, v3  }
0x18e: {  	vm0 =	vmand vm13, vm12  }
0x18f: {  	v4 =	vand.u32 $0xFFFF, v4;
	_ =	sdelay $0x4  }
0x190: {  	[tilespmem:v4+s15+$0x0] =	vst.idx.add.s32.msk vm0, v2  }
0x191: {  	v4 =	vld [tilespmem:s22+$0x90];
	_ =	sdelay $0x4  }
0x192: {  	v5 =	vshra.s32 v4, $0x10  }
0x193: {  	vm15 =	vgt.s32 v4, $0x0;
	vm14 =	veq.s32 v5, v3  }
0x194: {  	vm0 =	vmand vm15, vm14  }
0x195: {  	v4 =	vand.u32 $0xFFFF, v4;
	_ =	sdelay $0x4  }
0x196: {  	[tilespmem:v4+s15+$0x0] =	vst.idx.add.s32.msk vm0, v2  }
0x197: {  	v4 =	vld [tilespmem:s22+$0xA0];
	_ =	sdelay $0x4  }
0x198: {  	v5 =	vshra.s32 v4, $0x10  }
0x199: {  	vm5 =	vgt.s32 v4, $0x0;
	vm4 =	veq.s32 v5, v3  }
0x19a: {  	vm0 =	vmand vm5, vm4  }
0x19b: {  	v4 =	vand.u32 $0xFFFF, v4;
	_ =	sdelay $0x4  }
0x19c: {  	[tilespmem:v4+s15+$0x0] =	vst.idx.add.s32.msk vm0, v2  }
0x19d: {  	v4 =	vld [tilespmem:s22+$0xB0];
	_ =	sdelay $0x4  }
0x19e: {  	v5 =	vshra.s32 v4, $0x10  }
0x19f: {  	vm7 =	vgt.s32 v4, $0x0;
	vm6 =	veq.s32 v5, v3  }
0x1a0: {  	vm0 =	vmand vm7, vm6  }
0x1a1: {  	v4 =	vand.u32 $0xFFFF, v4;
	_ =	sdelay $0x4  }
0x1a2: {  	[tilespmem:v4+s15+$0x0] =	vst.idx.add.s32.msk vm0, v2  }
0x1a3: {  	v4 =	vld [tilespmem:s22+$0xC0];
	_ =	sdelay $0x4  }
0x1a4: {  	v5 =	vshra.s32 v4, $0x10  }
0x1a5: {  	vm9 =	vgt.s32 v4, $0x0;
	vm8 =	veq.s32 v5, v3  }
0x1a6: {  	vm0 =	vmand vm9, vm8  }
0x1a7: {  	v4 =	vand.u32 $0xFFFF, v4;
	_ =	sdelay $0x4  }
0x1a8: {  	[tilespmem:v4+s15+$0x0] =	vst.idx.add.s32.msk vm0, v2  }
0x1a9: {  	v4 =	vld [tilespmem:s22+$0xD0];
	_ =	sdelay $0x4  }
0x1aa: {  	v5 =	vshra.s32 v4, $0x10  }
0x1ab: {  	vm11 =	vgt.s32 v4, $0x0;
	vm10 =	veq.s32 v5, v3  }
0x1ac: {  	vm0 =	vmand vm11, vm10  }
0x1ad: {  	v4 =	vand.u32 $0xFFFF, v4;
	_ =	sdelay $0x4  }
0x1ae: {  	[tilespmem:v4+s15+$0x0] =	vst.idx.add.s32.msk vm0, v2  }
0x1af: {  	v4 =	vld [tilespmem:s22+$0xE0];
	_ =	sdelay $0x4  }
0x1b0: {  	v5 =	vshra.s32 v4, $0x10  }
0x1b1: {  	vm13 =	vgt.s32 v4, $0x0;
	vm12 =	veq.s32 v5, v3  }
0x1b2: {  	vm0 =	vmand vm13, vm12  }
0x1b3: {  	v4 =	vand.u32 $0xFFFF, v4;
	_ =	sdelay $0x4  }
0x1b4: {  	[tilespmem:v4+s15+$0x0] =	vst.idx.add.s32.msk vm0, v2  }
0x1b5: {  	v4 =	vld [tilespmem:s22+$0xF0];
	_ =	sdelay $0x4  }
0x1b6: {  	v5 =	vshra.s32 v4, $0x10  }
0x1b7: {  	vm15 =	vgt.s32 v4, $0x0;
	vm14 =	veq.s32 v5, v3  }
0x1b8: {  	s21 =	sadd.s32 $0x4, s21;
	vm0 =	vmand vm15, vm14  }
0x1b9: {  	p0 =	slt.u32 s21, $0xA4;
	v4 =	vand.u32 $0xFFFF, v4  }
.Ltmp2:
0x1ba: {  	_ = 	snop;
	(pc) =	sbr.rel @p0 .LBB2_7-.Ltmp2, $2  }
0x1bb: {  	_ =	sdelay $0x2  }
0x1bc: {  	s22 =	sadd.s32 $0x200, s22;
	[tilespmem:v4+s15+$0x0] =	vst.idx.add.s32.msk vm0, v2  }
0x1bd: {  	s20 =	sadd.s32 $0x1, s20  }
0x1be: {  	p0 =	sne.s32 s20, $0x1C  }
.Ltmp3:
0x1bf: {  	_ = 	snop;
	(pc) =	sbr.rel @p0 .LBB2_4-.Ltmp3, $1  }
0x1c0: {  	_ =	sdelay $0x3  }
0x1c1: {  	_ =	swait.ge [sflag:s13], $0x5400;
	s19 =	sadd.s32 $0x1, s19  }
0x1c2: {  	[sflag:s13] =	ssyncset.done $0x0;
	p0 =	sne.s32 s19, s10  }
.Ltmp4:
0x1c3: {  	[sflag:s13] =	ssyncadd.s32 $0xFFFFAC00;
	(pc) =	sbr.rel @p0 .LBB2_1-.Ltmp4, $4  }
0x1c4: {  	[hbm4b:s9+s17] =	stream.strided.scatter [tilespmem:s15], [sflag:$0x3], $0x10000, s18, s17, $0x38;
	[tilespmem:$0x1A880] =	vst v63  }
0x1c5: {  	_ =	swait.ge [sflag:s12], $0x10000  }
0x1c6: {  	[sflag:s12] =	ssyncset.done $0x0  }
0x1c7: {  	[sflag:s12] =	ssyncadd.s32 $0xFFFF0000  }
0x1c8: {  	_ =	sfence.sel $0x180000  }
0x1c9: {  	[bflag:$0x0] =	sbarrier.arrive $0xFFFF  }
0x1ca: {  	p0 =	sne.s32 s1, $0x0;
	_ =	strace $0x9000004A  }
0x1cb: {  	s0 =	sadd.s32 @!p0 $0x100000, s0;
	[bflag:$0x2] =	sbarrier.arrive $0xFFFF  }
0x1cc: {  	[sflag:s0] =	ssyncadd.tile.s32 @!p0 $0x1;
	_ =	shalt  }
.Lfunc_end2:
_tile_overlayer_lowered:
.L_overlay_start_2:
0x1cd: {  	(tag) =	ssettag $0x2  }
0x1ce: {  	s0 =	rddreg [dreg:$0x0];
	s2 =	stileid.u32  }
0x1cf: {  	s1 =	rddreg [dreg:$0x1];
	p0 =	sne.s32 s2, $0x0  }
0x1d0: {  	s3 =	rddreg [dreg:$0x2];
	[bflag:$0x3] =	sbarrier.arrive $0xFFFF;
	s2 =	simm.s32 @!p0 $0x1C03  }
0x1d1: {  	[timem:s3], [sflag:s2] =	dma.local @!p0 [hbm:s0], s1  }
0x1d2: {  	s0 =	simm.s32 @!p0 $0x3  }
0x1d3: {  	_ =	swait.ge @!p0 [sflag:s0], s1  }
0x1d4: {  	s1 =	ssub.s32 @!p0 $0x0, s1;
	[sflag:s0] =	ssyncset.done @!p0 $0x0  }
0x1d5: {  	[sflag:s0] =	ssyncadd.s32 @!p0 s1  }
0x1d6: {  	[bflag:$0x3] =	sbarrier.arrive $0xFFFF  }
0x1d7: {  	_ =	shalt  }

// kernel: kernel.9.cloned.1.call-start
scs
__scs_entry_jumppad:
0x0: {  	(pc) =	sbr.rel $0x88, $3  }
0x1: {  	(tag) =	ssettag $0x0;
	lr =	simm.s32 $0x1  }
0x2: {  	[smem:$0x3FA0] =	sst lr;
	_ =	strace $0xD0000000  }
0x3: {  	_ = 	snop  }
0x4: {  	_ = 	snop  }
0x5: {  	_ = 	snop  }
0x6: {  	_ = 	snop  }
0x7: {  	_ = 	snop  }
__scs_overlays_trampoline_lowered:
0x8: {  	[smem:$0x3FAF] =	sst s0  }
0x9: {  	[smem:$0x3FB0] =	sst s1  }
0xa: {  	[smem:$0x3FB1] =	sst s2  }
0xb: {  	[smem:$0x3FB2] =	sst s3  }
0xc: {  	[smem:$0x3FB3] =	sst s4  }
0xd: {  	[smem:$0x3FB4] =	sst s5  }
0xe: {  	[smem:$0x3FB5] =	sst s6  }
0xf: {  	[smem:$0x3FB6] =	sst s7  }
0x10: {  	[smem:$0x3FB7] =	sst s8  }
0x11: {  	[smem:$0x3FB8] =	sst s9;
	s0 =	simm.s32 @!p0 $0x0  }
0x12: {  	s1 =	sld [smem:$0x3F9E];
	s0 =	simm.s32 @p0 $0x1  }
0x13: {  	[smem:$0x3FB9] =	sst s0;
	s0 =	simm.s32 @!p1 $0x0  }
0x14: {  	s2 =	sld [smem:$0x3F9D];
	s0 =	simm.s32 @p1 $0x1  }
0x15: {  	[smem:$0x3FBA] =	sst s0;
	s0 =	simm.s32 @!p2 $0x0  }
0x16: {  	s3 =	sld [smem:$0x3FDB];
	s0 =	simm.s32 @p2 $0x1  }
0x17: {  	s4 =	simm.s32 $0x1BF5;
	[smem:$0x3FBC] =	sst s0  }
0x18: {  	s0 =	sld [smem:$0x3F9F];
	_ =	swait.ge [sflag:s4], $0x0  }
0x19: {  	s7 =	sld [smem:$0x3FA0]  }
0x1a: {  	s8 =	sadd.s32 $0xFFFFE003, lr  }
0x1b: {  	s9 =	sadd.s32 $0xFFFFFEF7, lr;
	s5 =	simm.s32 $0xFFFFFFFF;
	p2 =	slt.u32 s8, $0xFFFFF086  }
0x1c: {  	p1 =	slt.u32 s9, $0xF7A;
	s5 =	simm.s32 @!p2 $0x0  }
0x1d: {  	s5 =	simm.s32 @p1 $0x1;
	p0 =	seq.s32 s7, s2  }
0x1e: {  	s7 =	smul.u32 @!p0 $0xF7A, s2;
	p2 =	seq.s32 @!p0 s5, $0x0  }
0x1f: {  	s9 =	smul.u32 $0xF7A, s1;
	s8 =	simm.s32 @!p0 $0x1BF5;
	p2 =	por !p2, p0  }
0x20: {  	[sflag:s8] =	ssyncset.s32 @!p0 $0xFFFFF086;
	s6 =	sadd.s32 @!p0 s3, s7;
	s7 =	simm.s32 @!p0 $0x108  }
0x21: {  	s3 =	sadd.s32 s3, s9;
	s6 =	sadd.s32 @!p0 $0x88, s6;
	s7 =	simm.s32 @p2 $0x1082  }
0x22: {  	[simem:s7], [sflag:s8] =	dma.local @!p0 [hbm:s6], $0xF7A  }
0x23: {  	s9 =	sor.u32 $0xD0000000, s2;
	s6 =	simm.s32 $0x108;
	_ =	swait.ge @!p0 [sflag:s8], $0x0  }
0x24: {  	s3 =	sadd.s32 $0x88, s3;
	s6 =	simm.s32 @!p1 $0x1082;
	[sflag:s4] =	ssyncset.s32 $0xFFFFF086  }
0x25: {  	[simem:s6], [sflag:s4] =	dma.local [hbm:s3], $0xF7A  }
0x26: {  	[smem:$0x3FA0] =	sst s1;
	(tag) =	ssettag s2;
	_ =	strace s9  }
0x27: {  	s1 =	sld [smem:$0x3FB0]  }
0x28: {  	s2 =	sld [smem:$0x3FB1]  }
0x29: {  	s4 =	sld [smem:$0x3FB3]  }
0x2a: {  	p0 =	seq.s32 s5, $0x0;
	s5 =	sld [smem:$0x3FB4]  }
0x2b: {  	s6 =	sld [smem:$0x3FB5]  }
0x2c: {  	s7 =	sld [smem:$0x3FB6]  }
0x2d: {  	s3 =	simm.s32 $0x108;
	s8 =	sld [smem:$0x3FB7]  }
0x2e: {  	s3 =	simm.s32 @!p0 $0x1082;
	s9 =	sld [smem:$0x3FB8]  }
0x2f: {  	lr =	sadd.s32 s0, s3;
	s0 =	sld [smem:$0x3FAF]  }
0x30: {  	s3 =	sld [smem:$0x3FB2]  }
0x31: {  	[smem:$0x3FBB] =	sst s10  }
0x32: {  	s10 =	sld [smem:$0x3FB9];
	_ =	sdelay $0x3  }
0x33: {  	p0 =	seq.s32 s10, $0x1;
	s10 =	sld [smem:$0x3FBB];
	_ =	sdelay $0x3  }
0x34: {  	[smem:$0x3FBB] =	sst s10  }
0x35: {  	s10 =	sld [smem:$0x3FBA];
	_ =	sdelay $0x3  }
0x36: {  	p1 =	seq.s32 s10, $0x1;
	s10 =	sld [smem:$0x3FBB];
	_ =	sdelay $0x3  }
0x37: {  	[smem:$0x3FBB] =	sst s10  }
0x38: {  	s10 =	sld [smem:$0x3FBC]  }
0x39: {  	_ = 	snop;
	(pc) =	sbr.ind lr, $3  }
0x3a: {  	_ = 	snop  }
0x3b: {  	_ = 	snop  }
0x3c: {  	p2 =	seq.s32 s10, $0x1;
	s10 =	sld [smem:$0x3FBB]  }
0x3d: {  	_ =	shalt  }
0x3e: {  	_ =	shalt  }
0x3f: {  	_ =	shalt  }
0x40: {  	_ =	shalt  }
0x41: {  	_ =	shalt  }
0x42: {  	_ =	shalt  }
0x43: {  	_ =	shalt  }
0x44: {  	_ =	shalt  }
0x45: {  	_ =	shalt  }
0x46: {  	_ =	shalt  }
0x47: {  	_ =	shalt  }
0x48: {  	_ =	shalt  }
0x49: {  	_ =	shalt  }
0x4a: {  	_ =	shalt  }
0x4b: {  	_ =	shalt  }
0x4c: {  	_ =	shalt  }
0x4d: {  	_ =	shalt  }
0x4e: {  	_ =	shalt  }
0x4f: {  	_ =	shalt  }
0x50: {  	_ =	shalt  }
0x51: {  	_ =	shalt  }
0x52: {  	_ =	shalt  }
0x53: {  	_ =	shalt  }
0x54: {  	_ =	shalt  }
0x55: {  	_ =	shalt  }
0x56: {  	_ =	shalt  }
0x57: {  	_ =	shalt  }
0x58: {  	_ =	shalt  }
0x59: {  	_ =	shalt  }
0x5a: {  	_ =	shalt  }
0x5b: {  	_ =	shalt  }
0x5c: {  	_ =	shalt  }
0x5d: {  	_ =	shalt  }
0x5e: {  	_ =	shalt  }
0x5f: {  	_ =	shalt  }
0x60: {  	_ =	shalt  }
0x61: {  	_ =	shalt  }
0x62: {  	_ =	shalt  }
0x63: {  	_ =	shalt  }
0x64: {  	_ =	shalt  }
0x65: {  	_ =	shalt  }
0x66: {  	_ =	shalt  }
0x67: {  	_ =	shalt  }
0x68: {  	_ =	shalt  }
0x69: {  	_ =	shalt  }
0x6a: {  	_ =	shalt  }
0x6b: {  	_ =	shalt  }
0x6c: {  	_ =	shalt  }
0x6d: {  	_ =	shalt  }
0x6e: {  	_ =	shalt  }
0x6f: {  	_ =	shalt  }
0x70: {  	_ =	shalt  }
0x71: {  	_ =	shalt  }
0x72: {  	_ =	shalt  }
0x73: {  	_ =	shalt  }
0x74: {  	_ =	shalt  }
0x75: {  	_ =	shalt  }
0x76: {  	_ =	shalt  }
0x77: {  	_ =	shalt  }
0x78: {  	_ =	shalt  }
0x79: {  	_ =	shalt  }
0x7a: {  	_ =	shalt  }
0x7b: {  	_ =	shalt  }
0x7c: {  	_ =	shalt  }
0x7d: {  	_ =	shalt  }
0x7e: {  	_ =	shalt  }
0x7f: {  	_ =	shalt  }
0x80: {  	_ =	shalt  }
0x81: {  	_ =	shalt  }
0x82: {  	_ =	shalt  }
0x83: {  	_ =	shalt  }
0x84: {  	_ =	shalt  }
0x85: {  	_ =	shalt  }
0x86: {  	_ =	shalt  }
0x87: {  	_ =	shalt  }
.Lfunc_end0:
.L_simem_size_0:
called_computation.1_lowered:
.L_overlay_start_0:
0x88: {  	s2 =	sld [smem:$0x3FD9]  }
0x89: {  	s3 =	sld [smem:$0x3FFE];
	_ =	sdelay $0x1  }
0x8a: {  	s1 =	srdreg.scid  }
0x8b: {  	s0 =	sand.u32 $0x1, s1  }
0x8c: {  	s15 =	sshll.u32 s0, $0xA;
	s2 =	sadd.s32 s3, s2  }
0x8d: {  	s2 =	sadd.s32 s2, s15  }
0x8e: {  	[smem:$0x3FC7] =	sst s2  }
0x8f: {  	_ = 	snop  }
0x90: {  	s2 =	sld [smem:$0x3FD0];
	_ =	sdelay $0x2  }
0x91: {  	s16 =	simm.s32 $0xA;
	s4 =	simm.s32 $0x10  }
0x92: {  	[smem:s4], [sflag:s16] =	dma.local [hbm:s2], $0x1  }
0x93: {  	_ =	swait.eq [sflag:s16], $0x1  }
0x94: {  	[sflag:s16] =	ssyncset.done $0x0  }
0x95: {  	s17 =	sld [smem:$0x11];
	[sflag:s16] =	ssyncadd.s32 $0xFFFFFFFF  }
0x96: {  	s18 =	sld [smem:$0x13];
	(tm) =	ssettm $0x1  }
0x97: {  	s19 =	sld [smem:$0x3FFB];
	_ =	sdelay $0x3  }
0x98: {  	_ =	strace s19  }
0x99: {  	s4 =	sld [smem:$0x3FFC];
	_ =	sdelay $0x3  }
0x9a: {  	_ =	strace s4  }
0x9b: {  	s4 =	sld [smem:$0x3FFD];
	_ =	sdelay $0x3  }
0x9c: {  	_ =	strace s4  }
0x9d: {  	_ =	strace $0x8FFFFFFF  }
0x9e: {  	s20 =	sld [smem:$0x3FDB];
	_ =	sdelay $0x1  }
0x9f: {  	s5 =	simm.s32 $_scs_section_size  }
0xa0: {  	s6 =	simm.s32 $_size__tile_overlayer_lowered;
	s7 =	simm.s32 $_tile_overlayer_lowered  }
0xa1: {  	s23 =	simm.s32 $0x1BFF;
	s22 =	sshll.u32 s7, $0x1;
	s4 =	sadd.s32 s5, s20  }
0xa2: {  	s8 =	simm.s32 $0x0;
	s21 =	sshll.u32 s6, $0x1;
	s6 =	sadd.s32 s22, s4  }
0xa3: {  	[timem:s8], [sflag:s23] =	dma.local [hbm:s6], s21  }
0xa4: {  	_ =	swait.ge [sflag:s23], s21  }
0xa5: {  	s5 =	ssub.s32 $0x0, s21;
	[sflag:s23] =	ssyncset.done $0x0  }
0xa6: {  	[sflag:s23] =	ssyncadd.s32 s5;
	_ =	sdelay $0x1  }
0xa7: {  	s24 =	simm.s32 $0x1B8B  }
0xa8: {  	_ =	swait.ge [sflag:s24], $0x1  }
0xa9: {  	[sflag:s24] =	ssyncset.done $0x0  }
0xaa: {  	s25 =	simm.s32 $0x1B8E;
	[sflag:s24] =	ssyncadd.s32 $0xFFFFFFFF  }
0xab: {  	s26 =	simm.s32 $execute0_lowered;
	[smem:$0x3FD2] =	sst s25  }
0xac: {  	s5 =	sshll.u32 s26, $0x1;
	_ =	strace $0x80000046;
	[dreg:$0x1] =	wrdreg $0xFFFFFFFF  }
0xad: {  	s28 =	simm.s32 $_size_execute0_lowered;
	s4 =	sadd.s32 s4, s5;
	[dreg:$0x0] =	wrdreg $0x0  }
0xae: {  	s5 =	sshll.u32 s28, $0x1;
	[dreg:$0x2] =	wrdreg s4  }
0xaf: {  	[dreg:$0x3] =	wrdreg s5  }
0xb0: {  	[dreg:$0x4] =	wrdreg $0xC0  }
0xb1: {  	_ =	task [dreg:s8], $0x5FFFF  }
0xb2: {  	[dreg:$0x1] =	wrdreg $0xFFFFFFFF  }
0xb3: {  	[dreg:$0x0] =	wrdreg $0x60  }
0xb4: {  	[dreg:$0x2] =	wrdreg s17  }
0xb5: {  	[dreg:$0x3] =	wrdreg s18  }
0xb6: {  	[dreg:$0x4] =	wrdreg $0x9  }
0xb7: {  	_ =	task.clear_ibuf [dreg:s8], $0x5FFFF;
	_ =	strace $0x90000046  }
0xb8: {  	s29 =	simm.s32 $0x9;
	_ =	strace $0x80000048  }
0xb9: {  	_ =	swait.ge [sflag:s29], $0x1  }
0xba: {  	[sflag:s29] =	ssyncadd.s32 $0xFFFFFFFF  }
0xbb: {  	_ =	strace $0x90000048  }
0xbc: {  	_ =	sfence  }
0xbd: {  	s30 =	sld [smem:$0x0];
	_ =	sdelay $0x2  }
0xbe: {  	s31 =	sshll.u32 s1, $0xD;
	s1 =	sshrl.u32 s1, $0x2  }
0xbf: {  	s3 =	sand.u32 $0x4000, s31;
	s1 =	sadd.s32 s1, s30  }
0xc0: {  	s0 =	sor.u32 s3, s0;
	s1 =	sshll.u32 s1, $0x11  }
0xc1: {  	s0 =	sor.u32 s1, s0  }
0xc2: {  	s0 =	sadd.s32 $0x8F2B, s0  }
0xc3: {  	[sflag:s0] =	ssyncadd.remote.s32 $0x1  }
0xc4: {  	_ =	sfence.sel $0xFFFF  }
0xc5: {  	[dreg:$0x0] =	wrdreg $0xFFFFFFFF;
	(pc) =	sbr.abs _section_cstart, $3  }
0xc6: {  	[dreg:$0x1] =	wrdreg $0xFFFFFFFF  }
0xc7: {  	_ =	task.clear_ibuf [dreg:s8], $0x2FFFF;
	_ =	strace $0x9FFFFFFF  }
0xc8: {  	(tm) =	ssettm $0x7FFFFFFF  }
0xc9: {  	_ =	shalt  }
tec
execute0_lowered:
.L_overlay_start_1:
0x0: {  	(tag) =	ssettag $0x1  }
0x1: {  	s2 =	rddreg [dreg:$0x0]  }
0x2: {  	s7 =	rddreg [dreg:$0x1];
	s3 =	srdreg.scid  }
0x3: {  	s1 =	stileid.u32;
	s0 =	rddreg [dreg:$0x2];
	s12 =	simm.s32 $0xA800  }
0x4: {  	s13 =	simm.s32 $0x12800;
	s14 =	simm.s32 $0x2;
	s15 =	simm.s32 $0x80  }
0x5: {  	s16 =	simm.s32 $0x400;
	s17 =	simm.s32 $0x3;
	s18 =	simm.s32 $0x0  }
0x6: {  	s4 =	sand.u32 $0x1, s3;
	s5 =	sshll.u32 s1, $0x1;
	s3 =	simm.s32 $0x0  }
0x7: {  	s25 =	sshrl.u32 s1, $0x1;
	s29 =	sshll.u32 s1, $0xD;
	s6 =	sor.u32 s4, s5  }
0x8: {  	s8 =	ssub.s32 $0x2, s4;
	s4 =	smul.u32 $0x498000, s25;
	s9 =	sand.u32 $0x3, s6  }
0x9: {  	[smem:$0x7FF] =	sst s3;
	s26 =	sshrl.u32 s8, $0x1;
	s10 =	smul.u32 $0x126000, s9  }
0xa: {  	_ =	strace $0x80000047;
	s30 =	sshll.u32 s6, $0x4;
	s11 =	ssub.s32 s8, s26  }
0xb: {  	s5 =	smul.u32 $0x24C0, s9;
	s9 =	sand.u32 $0x18000, s29;
	s28 =	sadd.s32 s4, s10  }
0xc: {  	s31 =	sand.u32 $0x70, s30;
	s9 =	sadd.s32 s7, s9;
	s8 =	sshrl.u32 s28, $0x3  }
0xd: {  	s7 =	sadd.s32 $0xA8, s5;
	s10 =	simm.s32 $0x1;
	s6 =	sadd.s32 s2, s8  }
0xe: {  	v0 =	vimm.s32 $0x0;
	v1 =	vimm.s32 $0x1;
	s8 =	sadd.s32 s31, s9;
	s9 =	smax.u32 s11, $0x1;
	s11 =	simm.s32 $0x5400  }
.LBB2_1:
0xf: {  	s20 =	simm.s32 $0xA840  }
0x10: {  	s19 =	simm.s32 $0x12840;
	[tilespmem:s20+$0xFFFFFFC0] =	vst v0  }
0x11: {  	[tilespmem:s19+$0xFFFFFFC0] =	vst v0  }
0x12: {  	[tilespmem:s20+$0xFFFFFFD0] =	vst v0  }
0x13: {  	[tilespmem:s19+$0xFFFFFFD0] =	vst v0  }
0x14: {  	[tilespmem:s20+$0xFFFFFFE0] =	vst v0  }
0x15: {  	[tilespmem:s19+$0xFFFFFFE0] =	vst v0  }
0x16: {  	[tilespmem:s20+$0xFFFFFFF0] =	vst v0  }
0x17: {  	[tilespmem:s19+$0xFFFFFFF0] =	vst v0  }
0x18: {  	[tilespmem:s20+$0x0] =	vst v0  }
0x19: {  	[tilespmem:s19+$0x0] =	vst v0  }
0x1a: {  	[tilespmem:s20+$0x10] =	vst v0  }
0x1b: {  	[tilespmem:s19+$0x10] =	vst v0  }
0x1c: {  	[tilespmem:s20+$0x20] =	vst v0  }
0x1d: {  	[tilespmem:s19+$0x20] =	vst v0  }
0x1e: {  	[tilespmem:s20+$0x30] =	vst v0  }
0x1f: {  	s21 =	simm.s32 $0xA8C0;
	s20 =	simm.s32 $0x0;
	[tilespmem:s19+$0x30] =	vst v0  }
.LBB2_2:
0x20: {  	[tilespmem:s21+$0xFFFFFFC0] =	vst v0;
	s19 =	sadd.s32 $0x80, s19  }
0x21: {  	[tilespmem:s19+$0xFFFFFFC0] =	vst v0  }
0x22: {  	[tilespmem:s21+$0xFFFFFFD0] =	vst v0  }
0x23: {  	[tilespmem:s19+$0xFFFFFFD0] =	vst v0  }
0x24: {  	[tilespmem:s21+$0xFFFFFFE0] =	vst v0  }
0x25: {  	[tilespmem:s19+$0xFFFFFFE0] =	vst v0  }
0x26: {  	[tilespmem:s21+$0xFFFFFFF0] =	vst v0  }
0x27: {  	[tilespmem:s19+$0xFFFFFFF0] =	vst v0  }
0x28: {  	[tilespmem:s21+$0x0] =	vst v0  }
0x29: {  	s20 =	sadd.s32 $0x8, s20;
	[tilespmem:s19+$0x0] =	vst v0  }
0x2a: {  	p0 =	slt.u32 s20, $0x7F8;
	[tilespmem:s21+$0x10] =	vst v0  }
.Ltmp0:
0x2b: {  	[tilespmem:s19+$0x10] =	vst v0;
	(pc) =	sbr.rel @p0 .LBB2_2-.Ltmp0, $4  }
0x2c: {  	[tilespmem:s21+$0x20] =	vst v0  }
0x2d: {  	[tilespmem:s19+$0x20] =	vst v0  }
0x2e: {  	[tilespmem:s21+$0x30] =	vst v0  }
0x2f: {  	s21 =	sadd.s32 $0x80, s21;
	[tilespmem:s19+$0x30] =	vst v0  }
0x30: {  	s19 =	simm.s32 $0x0  }
0x31: {  	[tilespmem:s19], [sflag:$0x1] =	stream.linear.gather [hbm4b:s6+s19], $0x5400, $0x38;
	[tilespmem:$0x1A800] =	vst v63  }
.LBB2_4:
0x32: {  	s20 =	smul.u32 $0x150, s19;
	_ =	sdelay $0x1  }
0x33: {  	s20 =	sadd.s32 s20, s7  }
0x34: {  	s20 =	sshll.u32 s20, $0x7  }
0x35: {  	_ =	swait.ge [sflag:s10], $0x5400;
	s20 =	sadd.s32 s4, s20  }
0x36: {  	[sflag:s10] =	ssyncset.done $0x0;
	s20 =	sshrl.u32 s20, $0x3  }
0x37: {  	[sflag:s10] =	ssyncadd.s32 $0xFFFFAC00;
	s20 =	sadd.s32 s2, s20  }
0x38: {  	[tilespmem:s11], [sflag:$0x2] =	stream.linear.gather [hbm4b:s20+s3], $0x5400, $0x38;
	[tilespmem:$0x1A800] =	vst v63  }
0x39: {  	s21 =	simm.s32 $0x100;
	s20 =	simm.s32 $0xFFFFFFFC  }
.LBB2_5:
0x3a: {  	v2 =	vld [tilespmem:s21+$0xFFFFFF00];
	_ =	sdelay $0x4  }
0x3b: {  	vm0 =	vgt.s32 v2, $0x0  }
0x3c: {  	v2 =	vshra.s32 v2, $0x10;
	_ =	sdelay $0x4  }
0x3d: {  	[tilespmem:v2+s12+$0x0] =	vst.idx.add.s32.msk vm0, v1  }
0x3e: {  	v2 =	vld [tilespmem:s21+$0xFFFFFF10];
	_ =	sdelay $0x4  }
0x3f: {  	vm9 =	vgt.s32 v2, $0x0  }
0x40: {  	v2 =	vshra.s32 v2, $0x10;
	_ =	sdelay $0x4  }
0x41: {  	[tilespmem:v2+s13+$0x0] =	vst.idx.add.s32.msk vm9, v1  }
0x42: {  	v2 =	vld [tilespmem:s21+$0xFFFFFF20];
	_ =	sdelay $0x4  }
0x43: {  	vm10 =	vgt.s32 v2, $0x0  }
0x44: {  	v2 =	vshra.s32 v2, $0x10;
	_ =	sdelay $0x4  }
0x45: {  	[tilespmem:v2+s12+$0x0] =	vst.idx.add.s32.msk vm10, v1  }
0x46: {  	v2 =	vld [tilespmem:s21+$0xFFFFFF30];
	_ =	sdelay $0x4  }
0x47: {  	vm11 =	vgt.s32 v2, $0x0  }
0x48: {  	v2 =	vshra.s32 v2, $0x10;
	_ =	sdelay $0x4  }
0x49: {  	[tilespmem:v2+s13+$0x0] =	vst.idx.add.s32.msk vm11, v1  }
0x4a: {  	v2 =	vld [tilespmem:s21+$0xFFFFFF40];
	_ =	sdelay $0x4  }
0x4b: {  	vm12 =	vgt.s32 v2, $0x0  }
0x4c: {  	v2 =	vshra.s32 v2, $0x10;
	_ =	sdelay $0x4  }
0x4d: {  	[tilespmem:v2+s12+$0x0] =	vst.idx.add.s32.msk vm12, v1  }
0x4e: {  	v2 =	vld [tilespmem:s21+$0xFFFFFF50];
	_ =	sdelay $0x4  }
0x4f: {  	vm13 =	vgt.s32 v2, $0x0  }
0x50: {  	v2 =	vshra.s32 v2, $0x10;
	_ =	sdelay $0x4  }
0x51: {  	[tilespmem:v2+s13+$0x0] =	vst.idx.add.s32.msk vm13, v1  }
0x52: {  	v2 =	vld [tilespmem:s21+$0xFFFFFF60];
	_ =	sdelay $0x4  }
0x53: {  	vm14 =	vgt.s32 v2, $0x0  }
0x54: {  	v2 =	vshra.s32 v2, $0x10;
	_ =	sdelay $0x4  }
0x55: {  	[tilespmem:v2+s12+$0x0] =	vst.idx.add.s32.msk vm14, v1  }
0x56: {  	v2 =	vld [tilespmem:s21+$0xFFFFFF70];
	_ =	sdelay $0x4  }
0x57: {  	vm15 =	vgt.s32 v2, $0x0  }
0x58: {  	v2 =	vshra.s32 v2, $0x10;
	_ =	sdelay $0x4  }
0x59: {  	[tilespmem:v2+s13+$0x0] =	vst.idx.add.s32.msk vm15, v1  }
0x5a: {  	v2 =	vld [tilespmem:s21+$0xFFFFFF80];
	_ =	sdelay $0x4  }
0x5b: {  	vm4 =	vgt.s32 v2, $0x0  }
0x5c: {  	v2 =	vshra.s32 v2, $0x10;
	_ =	sdelay $0x4  }
0x5d: {  	[tilespmem:v2+s12+$0x0] =	vst.idx.add.s32.msk vm4, v1  }
0x5e: {  	v2 =	vld [tilespmem:s21+$0xFFFFFF90];
	_ =	sdelay $0x4  }
0x5f: {  	vm5 =	vgt.s32 v2, $0x0  }
0x60: {  	v2 =	vshra.s32 v2, $0x10;
	_ =	sdelay $0x4  }
0x61: {  	[tilespmem:v2+s13+$0x0] =	vst.idx.add.s32.msk vm5, v1  }
0x62: {  	v2 =	vld [tilespmem:s21+$0xFFFFFFA0];
	_ =	sdelay $0x4  }
0x63: {  	vm6 =	vgt.s32 v2, $0x0  }
0x64: {  	v2 =	vshra.s32 v2, $0x10;
	_ =	sdelay $0x4  }
0x65: {  	[tilespmem:v2+s12+$0x0] =	vst.idx.add.s32.msk vm6, v1  }
0x66: {  	v2 =	vld [tilespmem:s21+$0xFFFFFFB0];
	_ =	sdelay $0x4  }
0x67: {  	vm7 =	vgt.s32 v2, $0x0  }
0x68: {  	v2 =	vshra.s32 v2, $0x10;
	_ =	sdelay $0x4  }
0x69: {  	[tilespmem:v2+s13+$0x0] =	vst.idx.add.s32.msk vm7, v1  }
0x6a: {  	v2 =	vld [tilespmem:s21+$0xFFFFFFC0];
	_ =	sdelay $0x4  }
0x6b: {  	vm8 =	vgt.s32 v2, $0x0  }
0x6c: {  	v2 =	vshra.s32 v2, $0x10;
	_ =	sdelay $0x4  }
0x6d: {  	[tilespmem:v2+s12+$0x0] =	vst.idx.add.s32.msk vm8, v1  }
0x6e: {  	v2 =	vld [tilespmem:s21+$0xFFFFFFD0];
	_ =	sdelay $0x4  }
0x6f: {  	vm9 =	vgt.s32 v2, $0x0  }
0x70: {  	v2 =	vshra.s32 v2, $0x10;
	_ =	sdelay $0x4  }
0x71: {  	[tilespmem:v2+s13+$0x0] =	vst.idx.add.s32.msk vm9, v1  }
0x72: {  	v2 =	vld [tilespmem:s21+$0xFFFFFFE0];
	_ =	sdelay $0x4  }
0x73: {  	vm10 =	vgt.s32 v2, $0x0  }
0x74: {  	v2 =	vshra.s32 v2, $0x10;
	_ =	sdelay $0x4  }
0x75: {  	[tilespmem:v2+s12+$0x0] =	vst.idx.add.s32.msk vm10, v1  }
0x76: {  	v2 =	vld [tilespmem:s21+$0xFFFFFFF0];
	_ =	sdelay $0x4  }
0x77: {  	vm11 =	vgt.s32 v2, $0x0  }
0x78: {  	v2 =	vshra.s32 v2, $0x10;
	_ =	sdelay $0x4  }
0x79: {  	[tilespmem:v2+s13+$0x0] =	vst.idx.add.s32.msk vm11, v1  }
0x7a: {  	v2 =	vld [tilespmem:s21+$0x0];
	_ =	sdelay $0x4  }
0x7b: {  	vm12 =	vgt.s32 v2, $0x0  }
0x7c: {  	v2 =	vshra.s32 v2, $0x10;
	_ =	sdelay $0x4  }
0x7d: {  	[tilespmem:v2+s12+$0x0] =	vst.idx.add.s32.msk vm12, v1  }
0x7e: {  	v2 =	vld [tilespmem:s21+$0x10];
	_ =	sdelay $0x4  }
0x7f: {  	vm13 =	vgt.s32 v2, $0x0  }
0x80: {  	v2 =	vshra.s32 v2, $0x10;
	_ =	sdelay $0x4  }
0x81: {  	[tilespmem:v2+s13+$0x0] =	vst.idx.add.s32.msk vm13, v1  }
0x82: {  	v2 =	vld [tilespmem:s21+$0x20];
	_ =	sdelay $0x4  }
0x83: {  	vm14 =	vgt.s32 v2, $0x0  }
0x84: {  	v2 =	vshra.s32 v2, $0x10;
	_ =	sdelay $0x4  }
0x85: {  	[tilespmem:v2+s12+$0x0] =	vst.idx.add.s32.msk vm14, v1  }
0x86: {  	v2 =	vld [tilespmem:s21+$0x30];
	_ =	sdelay $0x4  }
0x87: {  	vm15 =	vgt.s32 v2, $0x0  }
0x88: {  	v2 =	vshra.s32 v2, $0x10;
	_ =	sdelay $0x4  }
0x89: {  	[tilespmem:v2+s13+$0x0] =	vst.idx.add.s32.msk vm15, v1  }
0x8a: {  	v2 =	vld [tilespmem:s21+$0x40];
	_ =	sdelay $0x4  }
0x8b: {  	vm4 =	vgt.s32 v2, $0x0  }
0x8c: {  	v2 =	vshra.s32 v2, $0x10;
	_ =	sdelay $0x4  }
0x8d: {  	[tilespmem:v2+s12+$0x0] =	vst.idx.add.s32.msk vm4, v1  }
0x8e: {  	v2 =	vld [tilespmem:s21+$0x50];
	_ =	sdelay $0x4  }
0x8f: {  	vm5 =	vgt.s32 v2, $0x0  }
0x90: {  	v2 =	vshra.s32 v2, $0x10;
	_ =	sdelay $0x4  }
0x91: {  	[tilespmem:v2+s13+$0x0] =	vst.idx.add.s32.msk vm5, v1  }
0x92: {  	v2 =	vld [tilespmem:s21+$0x60];
	_ =	sdelay $0x4  }
0x93: {  	vm6 =	vgt.s32 v2, $0x0  }
0x94: {  	v2 =	vshra.s32 v2, $0x10;
	_ =	sdelay $0x4  }
0x95: {  	[tilespmem:v2+s12+$0x0] =	vst.idx.add.s32.msk vm6, v1  }
0x96: {  	v2 =	vld [tilespmem:s21+$0x70];
	_ =	sdelay $0x4  }
0x97: {  	vm7 =	vgt.s32 v2, $0x0  }
0x98: {  	v2 =	vshra.s32 v2, $0x10;
	_ =	sdelay $0x4  }
0x99: {  	[tilespmem:v2+s13+$0x0] =	vst.idx.add.s32.msk vm7, v1  }
0x9a: {  	v2 =	vld [tilespmem:s21+$0x80];
	_ =	sdelay $0x4  }
0x9b: {  	vm8 =	vgt.s32 v2, $0x0  }
0x9c: {  	v2 =	vshra.s32 v2, $0x10;
	_ =	sdelay $0x4  }
0x9d: {  	[tilespmem:v2+s12+$0x0] =	vst.idx.add.s32.msk vm8, v1  }
0x9e: {  	v2 =	vld [tilespmem:s21+$0x90];
	_ =	sdelay $0x4  }
0x9f: {  	vm9 =	vgt.s32 v2, $0x0  }
0xa0: {  	v2 =	vshra.s32 v2, $0x10;
	_ =	sdelay $0x4  }
0xa1: {  	[tilespmem:v2+s13+$0x0] =	vst.idx.add.s32.msk vm9, v1  }
0xa2: {  	v2 =	vld [tilespmem:s21+$0xA0];
	_ =	sdelay $0x4  }
0xa3: {  	vm10 =	vgt.s32 v2, $0x0  }
0xa4: {  	v2 =	vshra.s32 v2, $0x10;
	_ =	sdelay $0x4  }
0xa5: {  	[tilespmem:v2+s12+$0x0] =	vst.idx.add.s32.msk vm10, v1  }
0xa6: {  	v2 =	vld [tilespmem:s21+$0xB0];
	_ =	sdelay $0x4  }
0xa7: {  	vm11 =	vgt.s32 v2, $0x0  }
0xa8: {  	v2 =	vshra.s32 v2, $0x10;
	_ =	sdelay $0x4  }
0xa9: {  	[tilespmem:v2+s13+$0x0] =	vst.idx.add.s32.msk vm11, v1  }
0xaa: {  	v2 =	vld [tilespmem:s21+$0xC0];
	_ =	sdelay $0x4  }
0xab: {  	vm12 =	vgt.s32 v2, $0x0  }
0xac: {  	v2 =	vshra.s32 v2, $0x10;
	_ =	sdelay $0x4  }
0xad: {  	[tilespmem:v2+s12+$0x0] =	vst.idx.add.s32.msk vm12, v1  }
0xae: {  	v2 =	vld [tilespmem:s21+$0xD0];
	_ =	sdelay $0x4  }
0xaf: {  	vm13 =	vgt.s32 v2, $0x0  }
0xb0: {  	v2 =	vshra.s32 v2, $0x10;
	_ =	sdelay $0x4  }
0xb1: {  	[tilespmem:v2+s13+$0x0] =	vst.idx.add.s32.msk vm13, v1  }
0xb2: {  	v2 =	vld [tilespmem:s21+$0xE0];
	_ =	sdelay $0x4  }
0xb3: {  	vm14 =	vgt.s32 v2, $0x0  }
0xb4: {  	v2 =	vshra.s32 v2, $0x10;
	_ =	sdelay $0x4  }
0xb5: {  	[tilespmem:v2+s12+$0x0] =	vst.idx.add.s32.msk vm14, v1  }
0xb6: {  	v2 =	vld [tilespmem:s21+$0xF0];
	_ =	sdelay $0x4  }
0xb7: {  	s20 =	sadd.s32 $0x4, s20;
	vm15 =	vgt.s32 v2, $0x0  }
0xb8: {  	p0 =	slt.u32 s20, $0xA4;
	v2 =	vshra.s32 v2, $0x10  }
.Ltmp1:
0xb9: {  	_ = 	snop;
	(pc) =	sbr.rel @p0 .LBB2_5-.Ltmp1, $2  }
0xba: {  	_ =	sdelay $0x2  }
0xbb: {  	s21 =	sadd.s32 $0x200, s21;
	[tilespmem:v2+s13+$0x0] =	vst.idx.add.s32.msk vm15, v1  }
0xbc: {  	s20 =	sshll.u32 s19, $0x1  }
0xbd: {  	s20 =	sadd.s32 $0x2, s20  }
0xbe: {  	s21 =	smul.u32 $0xA8, s20  }
0xbf: {  	p0 =	seq.s32 s20, $0x38  }
0xc0: {  	s21 =	simm.s32 @p0 $0x0  }
0xc1: {  	s31 =	sadd.s32 s5, s21  }
0xc2: {  	s20 =	sshll.u32 s31, $0x7  }
0xc3: {  	_ =	swait.ge [sflag:s14], $0x5400;
	s20 =	sadd.s32 s4, s20  }
0xc4: {  	[sflag:s14] =	ssyncset.done $0x0;
	s20 =	sshrl.u32 s20, $0x3  }
0xc5: {  	[sflag:s14] =	ssyncadd.s32 $0xFFFFAC00;
	s20 =	sadd.s32 s2, s20  }
0xc6: {  	[tilespmem:s3], [sflag:$0x1] =	stream.linear.gather [hbm4b:s20+s3], $0x5400, $0x38;
	[tilespmem:$0x1A800] =	vst v63  }
0xc7: {  	s21 =	simm.s32 $0x5500;
	s20 =	simm.s32 $0xFFFFFFFC  }
.LBB2_7:
0xc8: {  	v2 =	vld [tilespmem:s21+$0xFFFFFF00];
	_ =	sdelay $0x4  }
0xc9: {  	vm0 =	vgt.s32 v2, $0x0  }
0xca: {  	v2 =	vshra.s32 v2, $0x10;
	_ =	sdelay $0x4  }
0xcb: {  	[tilespmem:v2+s12+$0x0] =	vst.idx.add.s32.msk vm0, v1  }
0xcc: {  	v2 =	vld [tilespmem:s21+$0xFFFFFF10];
	_ =	sdelay $0x4  }
0xcd: {  	vm9 =	vgt.s32 v2, $0x0  }
0xce: {  	v2 =	vshra.s32 v2, $0x10;
	_ =	sdelay $0x4  }
0xcf: {  	[tilespmem:v2+s13+$0x0] =	vst.idx.add.s32.msk vm9, v1  }
0xd0: {  	v2 =	vld [tilespmem:s21+$0xFFFFFF20];
	_ =	sdelay $0x4  }
0xd1: {  	vm10 =	vgt.s32 v2, $0x0  }
0xd2: {  	v2 =	vshra.s32 v2, $0x10;
	_ =	sdelay $0x4  }
0xd3: {  	[tilespmem:v2+s12+$0x0] =	vst.idx.add.s32.msk vm10, v1  }
0xd4: {  	v2 =	vld [tilespmem:s21+$0xFFFFFF30];
	_ =	sdelay $0x4  }
0xd5: {  	vm11 =	vgt.s32 v2, $0x0  }
0xd6: {  	v2 =	vshra.s32 v2, $0x10;
	_ =	sdelay $0x4  }
0xd7: {  	[tilespmem:v2+s13+$0x0] =	vst.idx.add.s32.msk vm11, v1  }
0xd8: {  	v2 =	vld [tilespmem:s21+$0xFFFFFF40];
	_ =	sdelay $0x4  }
0xd9: {  	vm12 =	vgt.s32 v2, $0x0  }
0xda: {  	v2 =	vshra.s32 v2, $0x10;
	_ =	sdelay $0x4  }
0xdb: {  	[tilespmem:v2+s12+$0x0] =	vst.idx.add.s32.msk vm12, v1  }
0xdc: {  	v2 =	vld [tilespmem:s21+$0xFFFFFF50];
	_ =	sdelay $0x4  }
0xdd: {  	vm13 =	vgt.s32 v2, $0x0  }
0xde: {  	v2 =	vshra.s32 v2, $0x10;
	_ =	sdelay $0x4  }
0xdf: {  	[tilespmem:v2+s13+$0x0] =	vst.idx.add.s32.msk vm13, v1  }
0xe0: {  	v2 =	vld [tilespmem:s21+$0xFFFFFF60];
	_ =	sdelay $0x4  }
0xe1: {  	vm14 =	vgt.s32 v2, $0x0  }
0xe2: {  	v2 =	vshra.s32 v2, $0x10;
	_ =	sdelay $0x4  }
0xe3: {  	[tilespmem:v2+s12+$0x0] =	vst.idx.add.s32.msk vm14, v1  }
0xe4: {  	v2 =	vld [tilespmem:s21+$0xFFFFFF70];
	_ =	sdelay $0x4  }
0xe5: {  	vm15 =	vgt.s32 v2, $0x0  }
0xe6: {  	v2 =	vshra.s32 v2, $0x10;
	_ =	sdelay $0x4  }
0xe7: {  	[tilespmem:v2+s13+$0x0] =	vst.idx.add.s32.msk vm15, v1  }
0xe8: {  	v2 =	vld [tilespmem:s21+$0xFFFFFF80];
	_ =	sdelay $0x4  }
0xe9: {  	vm4 =	vgt.s32 v2, $0x0  }
0xea: {  	v2 =	vshra.s32 v2, $0x10;
	_ =	sdelay $0x4  }
0xeb: {  	[tilespmem:v2+s12+$0x0] =	vst.idx.add.s32.msk vm4, v1  }
0xec: {  	v2 =	vld [tilespmem:s21+$0xFFFFFF90];
	_ =	sdelay $0x4  }
0xed: {  	vm5 =	vgt.s32 v2, $0x0  }
0xee: {  	v2 =	vshra.s32 v2, $0x10;
	_ =	sdelay $0x4  }
0xef: {  	[tilespmem:v2+s13+$0x0] =	vst.idx.add.s32.msk vm5, v1  }
0xf0: {  	v2 =	vld [tilespmem:s21+$0xFFFFFFA0];
	_ =	sdelay $0x4  }
0xf1: {  	vm6 =	vgt.s32 v2, $0x0  }
0xf2: {  	v2 =	vshra.s32 v2, $0x10;
	_ =	sdelay $0x4  }
0xf3: {  	[tilespmem:v2+s12+$0x0] =	vst.idx.add.s32.msk vm6, v1  }
0xf4: {  	v2 =	vld [tilespmem:s21+$0xFFFFFFB0];
	_ =	sdelay $0x4  }
0xf5: {  	vm7 =	vgt.s32 v2, $0x0  }
0xf6: {  	v2 =	vshra.s32 v2, $0x10;
	_ =	sdelay $0x4  }
0xf7: {  	[tilespmem:v2+s13+$0x0] =	vst.idx.add.s32.msk vm7, v1  }
0xf8: {  	v2 =	vld [tilespmem:s21+$0xFFFFFFC0];
	_ =	sdelay $0x4  }
0xf9: {  	vm8 =	vgt.s32 v2, $0x0  }
0xfa: {  	v2 =	vshra.s32 v2, $0x10;
	_ =	sdelay $0x4  }
0xfb: {  	[tilespmem:v2+s12+$0x0] =	vst.idx.add.s32.msk vm8, v1  }
0xfc: {  	v2 =	vld [tilespmem:s21+$0xFFFFFFD0];
	_ =	sdelay $0x4  }
0xfd: {  	vm9 =	vgt.s32 v2, $0x0  }
0xfe: {  	v2 =	vshra.s32 v2, $0x10;
	_ =	sdelay $0x4  }
0xff: {  	[tilespmem:v2+s13+$0x0] =	vst.idx.add.s32.msk vm9, v1  }
0x100: {  	v2 =	vld [tilespmem:s21+$0xFFFFFFE0];
	_ =	sdelay $0x4  }
0x101: {  	vm10 =	vgt.s32 v2, $0x0  }
0x102: {  	v2 =	vshra.s32 v2, $0x10;
	_ =	sdelay $0x4  }
0x103: {  	[tilespmem:v2+s12+$0x0] =	vst.idx.add.s32.msk vm10, v1  }
0x104: {  	v2 =	vld [tilespmem:s21+$0xFFFFFFF0];
	_ =	sdelay $0x4  }
0x105: {  	vm11 =	vgt.s32 v2, $0x0  }
0x106: {  	v2 =	vshra.s32 v2, $0x10;
	_ =	sdelay $0x4  }
0x107: {  	[tilespmem:v2+s13+$0x0] =	vst.idx.add.s32.msk vm11, v1  }
0x108: {  	v2 =	vld [tilespmem:s21+$0x0];
	_ =	sdelay $0x4  }
0x109: {  	vm12 =	vgt.s32 v2, $0x0  }
0x10a: {  	v2 =	vshra.s32 v2, $0x10;
	_ =	sdelay $0x4  }
0x10b: {  	[tilespmem:v2+s12+$0x0] =	vst.idx.add.s32.msk vm12, v1  }
0x10c: {  	v2 =	vld [tilespmem:s21+$0x10];
	_ =	sdelay $0x4  }
0x10d: {  	vm13 =	vgt.s32 v2, $0x0  }
0x10e: {  	v2 =	vshra.s32 v2, $0x10;
	_ =	sdelay $0x4  }
0x10f: {  	[tilespmem:v2+s13+$0x0] =	vst.idx.add.s32.msk vm13, v1  }
0x110: {  	v2 =	vld [tilespmem:s21+$0x20];
	_ =	sdelay $0x4  }
0x111: {  	vm14 =	vgt.s32 v2, $0x0  }
0x112: {  	v2 =	vshra.s32 v2, $0x10;
	_ =	sdelay $0x4  }
0x113: {  	[tilespmem:v2+s12+$0x0] =	vst.idx.add.s32.msk vm14, v1  }
0x114: {  	v2 =	vld [tilespmem:s21+$0x30];
	_ =	sdelay $0x4  }
0x115: {  	vm15 =	vgt.s32 v2, $0x0  }
0x116: {  	v2 =	vshra.s32 v2, $0x10;
	_ =	sdelay $0x4  }
0x117: {  	[tilespmem:v2+s13+$0x0] =	vst.idx.add.s32.msk vm15, v1  }
0x118: {  	v2 =	vld [tilespmem:s21+$0x40];
	_ =	sdelay $0x4  }
0x119: {  	vm4 =	vgt.s32 v2, $0x0  }
0x11a: {  	v2 =	vshra.s32 v2, $0x10;
	_ =	sdelay $0x4  }
0x11b: {  	[tilespmem:v2+s12+$0x0] =	vst.idx.add.s32.msk vm4, v1  }
0x11c: {  	v2 =	vld [tilespmem:s21+$0x50];
	_ =	sdelay $0x4  }
0x11d: {  	vm5 =	vgt.s32 v2, $0x0  }
0x11e: {  	v2 =	vshra.s32 v2, $0x10;
	_ =	sdelay $0x4  }
0x11f: {  	[tilespmem:v2+s13+$0x0] =	vst.idx.add.s32.msk vm5, v1  }
0x120: {  	v2 =	vld [tilespmem:s21+$0x60];
	_ =	sdelay $0x4  }
0x121: {  	vm6 =	vgt.s32 v2, $0x0  }
0x122: {  	v2 =	vshra.s32 v2, $0x10;
	_ =	sdelay $0x4  }
0x123: {  	[tilespmem:v2+s12+$0x0] =	vst.idx.add.s32.msk vm6, v1  }
0x124: {  	v2 =	vld [tilespmem:s21+$0x70];
	_ =	sdelay $0x4  }
0x125: {  	vm7 =	vgt.s32 v2, $0x0  }
0x126: {  	v2 =	vshra.s32 v2, $0x10;
	_ =	sdelay $0x4  }
0x127: {  	[tilespmem:v2+s13+$0x0] =	vst.idx.add.s32.msk vm7, v1  }
0x128: {  	v2 =	vld [tilespmem:s21+$0x80];
	_ =	sdelay $0x4  }
0x129: {  	vm8 =	vgt.s32 v2, $0x0  }
0x12a: {  	v2 =	vshra.s32 v2, $0x10;
	_ =	sdelay $0x4  }
0x12b: {  	[tilespmem:v2+s12+$0x0] =	vst.idx.add.s32.msk vm8, v1  }
0x12c: {  	v2 =	vld [tilespmem:s21+$0x90];
	_ =	sdelay $0x4  }
0x12d: {  	vm9 =	vgt.s32 v2, $0x0  }
0x12e: {  	v2 =	vshra.s32 v2, $0x10;
	_ =	sdelay $0x4  }
0x12f: {  	[tilespmem:v2+s13+$0x0] =	vst.idx.add.s32.msk vm9, v1  }
0x130: {  	v2 =	vld [tilespmem:s21+$0xA0];
	_ =	sdelay $0x4  }
0x131: {  	vm10 =	vgt.s32 v2, $0x0  }
0x132: {  	v2 =	vshra.s32 v2, $0x10;
	_ =	sdelay $0x4  }
0x133: {  	[tilespmem:v2+s12+$0x0] =	vst.idx.add.s32.msk vm10, v1  }
0x134: {  	v2 =	vld [tilespmem:s21+$0xB0];
	_ =	sdelay $0x4  }
0x135: {  	vm11 =	vgt.s32 v2, $0x0  }
0x136: {  	v2 =	vshra.s32 v2, $0x10;
	_ =	sdelay $0x4  }
0x137: {  	[tilespmem:v2+s13+$0x0] =	vst.idx.add.s32.msk vm11, v1  }
0x138: {  	v2 =	vld [tilespmem:s21+$0xC0];
	_ =	sdelay $0x4  }
0x139: {  	vm12 =	vgt.s32 v2, $0x0  }
0x13a: {  	v2 =	vshra.s32 v2, $0x10;
	_ =	sdelay $0x4  }
0x13b: {  	[tilespmem:v2+s12+$0x0] =	vst.idx.add.s32.msk vm12, v1  }
0x13c: {  	v2 =	vld [tilespmem:s21+$0xD0];
	_ =	sdelay $0x4  }
0x13d: {  	vm13 =	vgt.s32 v2, $0x0  }
0x13e: {  	v2 =	vshra.s32 v2, $0x10;
	_ =	sdelay $0x4  }
0x13f: {  	[tilespmem:v2+s13+$0x0] =	vst.idx.add.s32.msk vm13, v1  }
0x140: {  	v2 =	vld [tilespmem:s21+$0xE0];
	_ =	sdelay $0x4  }
0x141: {  	vm14 =	vgt.s32 v2, $0x0  }
0x142: {  	v2 =	vshra.s32 v2, $0x10;
	_ =	sdelay $0x4  }
0x143: {  	[tilespmem:v2+s12+$0x0] =	vst.idx.add.s32.msk vm14, v1  }
0x144: {  	v2 =	vld [tilespmem:s21+$0xF0];
	_ =	sdelay $0x4  }
0x145: {  	s20 =	sadd.s32 $0x4, s20;
	vm15 =	vgt.s32 v2, $0x0  }
0x146: {  	p0 =	slt.u32 s20, $0xA4;
	v2 =	vshra.s32 v2, $0x10  }
.Ltmp2:
0x147: {  	_ = 	snop;
	(pc) =	sbr.rel @p0 .LBB2_7-.Ltmp2, $2  }
0x148: {  	_ =	sdelay $0x2  }
0x149: {  	s21 =	sadd.s32 $0x200, s21;
	[tilespmem:v2+s13+$0x0] =	vst.idx.add.s32.msk vm15, v1  }
0x14a: {  	s19 =	sadd.s32 $0x1, s19  }
0x14b: {  	p0 =	sne.s32 s19, $0x1C  }
.Ltmp3:
0x14c: {  	_ = 	snop;
	(pc) =	sbr.rel @p0 .LBB2_4-.Ltmp3, $1  }
0x14d: {  	_ =	sdelay $0x3  }
0x14e: {  	_ =	swait.ge [sflag:s10], $0x5400  }
0x14f: {  	[sflag:s10] =	ssyncset.done $0x0  }
0x150: {  	s19 =	simm.s32 $0xA840;
	[sflag:s10] =	ssyncadd.s32 $0xFFFFAC00  }
0x151: {  	s20 =	simm.s32 $0x12840;
	v2 =	vld [tilespmem:s19+$0xFFFFFFC0]  }
0x152: {  	v3 =	vld [tilespmem:s20+$0xFFFFFFC0];
	_ =	sdelay $0x4  }
0x153: {  	v2 =	vadd.s32 v2, v3  }
0x154: {  	[tilespmem:s19+$0xFFFFFFC0] =	vst v2;
	v2 =	vld [tilespmem:s19+$0xFFFFFFD0]  }
0x155: {  	v3 =	vld [tilespmem:s20+$0xFFFFFFD0];
	_ =	sdelay $0x4  }
0x156: {  	v2 =	vadd.s32 v2, v3  }
0x157: {  	[tilespmem:s19+$0xFFFFFFD0] =	vst v2;
	v2 =	vld [tilespmem:s19+$0xFFFFFFE0]  }
0x158: {  	v3 =	vld [tilespmem:s20+$0xFFFFFFE0];
	_ =	sdelay $0x4  }
0x159: {  	v2 =	vadd.s32 v2, v3  }
0x15a: {  	[tilespmem:s19+$0xFFFFFFE0] =	vst v2;
	v2 =	vld [tilespmem:s19+$0xFFFFFFF0]  }
0x15b: {  	v3 =	vld [tilespmem:s20+$0xFFFFFFF0];
	_ =	sdelay $0x4  }
0x15c: {  	v2 =	vadd.s32 v2, v3  }
0x15d: {  	[tilespmem:s19+$0xFFFFFFF0] =	vst v2;
	v2 =	vld [tilespmem:s19+$0x0]  }
0x15e: {  	v3 =	vld [tilespmem:s20+$0x0];
	_ =	sdelay $0x4  }
0x15f: {  	v2 =	vadd.s32 v2, v3  }
0x160: {  	[tilespmem:s19+$0x0] =	vst v2;
	v2 =	vld [tilespmem:s19+$0x10]  }
0x161: {  	v3 =	vld [tilespmem:s20+$0x10];
	_ =	sdelay $0x4  }
0x162: {  	v2 =	vadd.s32 v2, v3  }
0x163: {  	[tilespmem:s19+$0x10] =	vst v2;
	v2 =	vld [tilespmem:s19+$0x20]  }
0x164: {  	v3 =	vld [tilespmem:s20+$0x20];
	_ =	sdelay $0x4  }
0x165: {  	v2 =	vadd.s32 v2, v3  }
0x166: {  	[tilespmem:s19+$0x20] =	vst v2;
	v2 =	vld [tilespmem:s19+$0x30]  }
0x167: {  	v3 =	vld [tilespmem:s20+$0x30];
	_ =	sdelay $0x4  }
0x168: {  	s21 =	simm.s32 $0x0;
	s22 =	simm.s32 $0xA8C0;
	v2 =	vadd.s32 v2, v3  }
.LBB2_10:
0x169: {  	v3 =	vld [tilespmem:s22+$0xFFFFFFC0];
	[tilespmem:s19+$0x30] =	vst v2;
	s20 =	sadd.s32 $0x80, s20;
	s19 =	smov.u32 s22  }
0x16a: {  	s21 =	sadd.s32 $0x8, s21;
	v2 =	vld [tilespmem:s20+$0xFFFFFFC0]  }
0x16b: {  	p0 =	slt.u32 s21, $0x7F8;
	_ =	sdelay $0x3  }
0x16c: {  	v2 =	vadd.s32 v3, v2  }
0x16d: {  	[tilespmem:s22+$0xFFFFFFC0] =	vst v2;
	v2 =	vld [tilespmem:s22+$0xFFFFFFD0]  }
0x16e: {  	v3 =	vld [tilespmem:s20+$0xFFFFFFD0];
	_ =	sdelay $0x4  }
0x16f: {  	v2 =	vadd.s32 v2, v3  }
0x170: {  	[tilespmem:s22+$0xFFFFFFD0] =	vst v2;
	v2 =	vld [tilespmem:s22+$0xFFFFFFE0]  }
0x171: {  	v3 =	vld [tilespmem:s20+$0xFFFFFFE0];
	_ =	sdelay $0x4  }
0x172: {  	v2 =	vadd.s32 v2, v3  }
0x173: {  	[tilespmem:s22+$0xFFFFFFE0] =	vst v2;
	v2 =	vld [tilespmem:s22+$0xFFFFFFF0]  }
0x174: {  	v3 =	vld [tilespmem:s20+$0xFFFFFFF0];
	_ =	sdelay $0x4  }
0x175: {  	v2 =	vadd.s32 v2, v3  }
0x176: {  	[tilespmem:s22+$0xFFFFFFF0] =	vst v2;
	v2 =	vld [tilespmem:s22+$0x0]  }
0x177: {  	v3 =	vld [tilespmem:s20+$0x0];
	_ =	sdelay $0x4  }
0x178: {  	v2 =	vadd.s32 v2, v3  }
0x179: {  	[tilespmem:s22+$0x0] =	vst v2;
	v2 =	vld [tilespmem:s22+$0x10]  }
0x17a: {  	v3 =	vld [tilespmem:s20+$0x10];
	_ =	sdelay $0x4  }
0x17b: {  	v2 =	vadd.s32 v2, v3  }
0x17c: {  	[tilespmem:s22+$0x10] =	vst v2;
	v2 =	vld [tilespmem:s22+$0x20]  }
0x17d: {  	v3 =	vld [tilespmem:s20+$0x20];
	_ =	sdelay $0x4  }
0x17e: {  	v2 =	vadd.s32 v2, v3  }
0x17f: {  	[tilespmem:s22+$0x20] =	vst v2;
	v2 =	vld [tilespmem:s22+$0x30]  }
0x180: {  	v3 =	vld [tilespmem:s20+$0x30]  }
.Ltmp4:
0x181: {  	(pc) =	sbr.rel @p0 .LBB2_10-.Ltmp4, $2  }
0x182: {  	_ =	sdelay $0x2  }
0x183: {  	s22 =	sadd.s32 $0x80, s22;
	v2 =	vadd.s32 v2, v3  }
0x184: {  	s18 =	sadd.s32 $0x1, s18  }
0x185: {  	p0 =	sne.s32 s18, s9  }
.Ltmp5:
0x186: {  	[tilespmem:s19+$0x30] =	vst v2;
	(pc) =	sbr.rel @p0 .LBB2_1-.Ltmp5, $4  }
0x187: {  	[hbm4b:s8+s15] =	stream.strided.scatter [tilespmem:s12], [sflag:$0x3], $0x8000, s16, s15, $0x38;
	[tilespmem:$0x1A800] =	vst v63  }
0x188: {  	_ =	swait.ge [sflag:s17], $0x8000  }
0x189: {  	[sflag:s17] =	ssyncset.done $0x0  }
0x18a: {  	[sflag:s17] =	ssyncadd.s32 $0xFFFF8000  }
0x18b: {  	_ =	sfence.sel $0x180000  }
0x18c: {  	[bflag:$0x0] =	sbarrier.arrive $0xFFFF  }
0x18d: {  	p0 =	sne.s32 s1, $0x0;
	_ =	strace $0x90000047  }
0x18e: {  	s0 =	sadd.s32 @!p0 $0x100000, s0;
	[bflag:$0x2] =	sbarrier.arrive $0xFFFF  }
0x18f: {  	[sflag:s0] =	ssyncadd.tile.s32 @!p0 $0x1;
	_ =	shalt  }
.Lfunc_end2:
_tile_overlayer_lowered:
.L_overlay_start_2:
0x190: {  	(tag) =	ssettag $0x2  }
0x191: {  	s0 =	rddreg [dreg:$0x0];
	s2 =	stileid.u32  }
0x192: {  	s1 =	rddreg [dreg:$0x1];
	p0 =	sne.s32 s2, $0x0  }
0x193: {  	s3 =	rddreg [dreg:$0x2];
	[bflag:$0x3] =	sbarrier.arrive $0xFFFF;
	s2 =	simm.s32 @!p0 $0x1C03  }
0x194: {  	[timem:s3], [sflag:s2] =	dma.local @!p0 [hbm:s0], s1  }
0x195: {  	s0 =	simm.s32 @!p0 $0x3  }
0x196: {  	_ =	swait.ge @!p0 [sflag:s0], s1  }
0x197: {  	s1 =	ssub.s32 @!p0 $0x0, s1;
	[sflag:s0] =	ssyncset.done @!p0 $0x0  }
0x198: {  	[sflag:s0] =	ssyncadd.s32 @!p0 s1  }
0x199: {  	[bflag:$0x3] =	sbarrier.arrive $0xFFFF  }
0x19a: {  	_ =	shalt  }

// kernel: sparse-core-data-format-call.cloned.1.call-start
scs
called_computation_lowered:
.L_overlay_start_0:
0x0: {  	s2 =	sld [smem:$0x3FD9]  }
0x1: {  	s3 =	sld [smem:$0x3FFE];
	_ =	sdelay $0x1  }
0x2: {  	s1 =	srdreg.scid  }
0x3: {  	s0 =	sand.u32 $0x1, s1  }
0x4: {  	s15 =	sshll.u32 s0, $0xA;
	s2 =	sadd.s32 s3, s2  }
0x5: {  	s2 =	sadd.s32 s2, s15  }
0x6: {  	[smem:$0x3FC7] =	sst s2  }
0x7: {  	_ = 	snop  }
0x8: {  	s2 =	sld [smem:$0x3FD0];
	_ =	sdelay $0x2  }
0x9: {  	s16 =	simm.s32 $0xA;
	s4 =	simm.s32 $0x10  }
0xa: {  	[smem:s4], [sflag:s16] =	dma.local [hbm:s2], $0x1  }
0xb: {  	_ =	swait.eq [sflag:s16], $0x1  }
0xc: {  	[sflag:s16] =	ssyncset.done $0x0  }
0xd: {  	[sflag:s16] =	ssyncadd.s32 $0xFFFFFFFF  }
0xe: {  	s17 =	sld [smem:$0x11];
	(tm) =	ssettm $0x1  }
0xf: {  	s18 =	sld [smem:$0x3FFB];
	_ =	sdelay $0x3  }
0x10: {  	_ =	strace s18  }
0x11: {  	s3 =	sld [smem:$0x3FFC];
	_ =	sdelay $0x3  }
0x12: {  	_ =	strace s3  }
0x13: {  	s3 =	sld [smem:$0x3FFD];
	_ =	sdelay $0x3  }
0x14: {  	_ =	strace s3  }
0x15: {  	_ =	strace $0x8FFFFFFF  }
0x16: {  	s19 =	sld [smem:$0x3FDB];
	_ =	sdelay $0x1  }
0x17: {  	s20 =	simm.s32 $_scs_section_size  }
0x18: {  	s5 =	simm.s32 $_size__tile_overlayer_lowered;
	s6 =	simm.s32 $_tile_overlayer_lowered  }
0x19: {  	s23 =	simm.s32 $0x1BFF;
	s22 =	sshll.u32 s6, $0x1;
	s3 =	sadd.s32 s20, s19  }
0x1a: {  	s7 =	simm.s32 $0x0;
	s21 =	sshll.u32 s5, $0x1;
	s5 =	sadd.s32 s22, s3  }
0x1b: {  	[timem:s7], [sflag:s23] =	dma.local [hbm:s5], s21  }
0x1c: {  	_ =	swait.ge [sflag:s23], s21  }
0x1d: {  	s4 =	ssub.s32 $0x0, s21;
	[sflag:s23] =	ssyncset.done $0x0  }
0x1e: {  	[sflag:s23] =	ssyncadd.s32 s4;
	_ =	sdelay $0x1  }
0x1f: {  	s24 =	simm.s32 $0x1B8B  }
0x20: {  	_ =	swait.ge [sflag:s24], $0x1  }
0x21: {  	[sflag:s24] =	ssyncset.done $0x0  }
0x22: {  	s26 =	simm.s32 $0x1B8E;
	s25 =	sld [smem:$0x3FFE];
	[sflag:s24] =	ssyncadd.s32 $0xFFFFFFFF  }
0x23: {  	s27 =	simm.s32 $execute0_lowered;
	[smem:$0x3FD2] =	sst s26  }
0x24: {  	s5 =	sshll.u32 s27, $0x1;
	_ =	strace $0x8000004C;
	[dreg:$0x1] =	wrdreg $0xFFFFFFFF  }
0x25: {  	s28 =	simm.s32 $_size_execute0_lowered;
	s3 =	sadd.s32 s3, s5;
	[dreg:$0x0] =	wrdreg $0x0  }
0x26: {  	s5 =	sshll.u32 s28, $0x1;
	[dreg:$0x2] =	wrdreg s3  }
0x27: {  	[dreg:$0x3] =	wrdreg s5  }
0x28: {  	[dreg:$0x4] =	wrdreg $0xC0  }
0x29: {  	_ =	task [dreg:s7], $0x5FFFF  }
0x2a: {  	[dreg:$0x1] =	wrdreg $0xFFFFFFFF  }
0x2b: {  	[dreg:$0x0] =	wrdreg $0x60  }
0x2c: {  	[dreg:$0x2] =	wrdreg s25  }
0x2d: {  	[dreg:$0x3] =	wrdreg s17  }
0x2e: {  	[dreg:$0x4] =	wrdreg $0x9  }
0x2f: {  	_ =	task.clear_ibuf [dreg:s7], $0x5FFFF;
	_ =	strace $0x9000004C  }
0x30: {  	s29 =	simm.s32 $0x9;
	_ =	strace $0x8000004E  }
0x31: {  	_ =	swait.ge [sflag:s29], $0x1  }
0x32: {  	[sflag:s29] =	ssyncadd.s32 $0xFFFFFFFF  }
0x33: {  	_ =	strace $0x9000004E  }
0x34: {  	_ =	sfence  }
0x35: {  	s30 =	sld [smem:$0x0];
	_ =	sdelay $0x2  }
0x36: {  	s31 =	sshll.u32 s1, $0xD;
	s1 =	sshrl.u32 s1, $0x2  }
0x37: {  	s3 =	sand.u32 $0x4000, s31;
	s1 =	sadd.s32 s1, s30  }
0x38: {  	s0 =	sor.u32 s3, s0;
	s1 =	sshll.u32 s1, $0x11  }
0x39: {  	s0 =	sor.u32 s1, s0  }
0x3a: {  	s0 =	sadd.s32 $0x8F2B, s0  }
0x3b: {  	[sflag:s0] =	ssyncadd.remote.s32 $0x1  }
0x3c: {  	_ =	sfence.sel $0xFFFF  }
0x3d: {  	[dreg:$0x0] =	wrdreg $0xFFFFFFFF;
	(pc) =	sbr.abs _section_cstart, $3  }
0x3e: {  	[dreg:$0x1] =	wrdreg $0xFFFFFFFF  }
0x3f: {  	_ =	task.clear_ibuf [dreg:s7], $0x2FFFF;
	_ =	strace $0x9FFFFFFF  }
0x40: {  	(tm) =	ssettm $0x7FFFFFFF  }
0x41: {  	_ =	shalt  }
tec
execute0_lowered:
.L_overlay_start_1:
0x0: {  	(tag) =	ssettag $0x1  }
0x1: {  	s0 =	stileid.u32  }
0x2: {  	s1 =	srdreg.scid;
	s4 =	rddreg [dreg:$0x0]  }
0x3: {  	s7 =	simm.s32 $0x1;
	s8 =	simm.s32 $0x2;
	s15 =	simm.s32 $0x0  }
0x4: {  	s9 =	simm.s32 $0x80;
	s2 =	sshll.u32 s0, $0x4;
	s1 =	sshll.u32 s1, $0x8  }
0x5: {  	s10 =	simm.s32 $0x400;
	s11 =	simm.s32 $0x0;
	s1 =	sor.u32 s2, s1  }
0x6: {  	s16 =	simm.s32 $0x0;
	s14 =	simm.s32 $0x0;
	s3 =	sand.u32 $0x180, s1  }
0x7: {  	s4 =	sadd.s32 $0x2800, s4;
	s2 =	rddreg [dreg:$0x1];
	s6 =	ssub.s32 $0x9300, s3  }
.Ltmp0:
0x8: {  	s1 =	rddreg [dreg:$0x2];
	s5 =	sand.u32 $0x180, s6;
	(pc) =	sbr.rel .LBB1_1-.Ltmp0, $4  }
0x9: {  	_ =	strace $0x8000004D;
	s12 =	smov.u32 s3;
	p0 =	sne.s32 s5, $0x0  }
0xa: {  	s6 =	sshrl.u32 s6, $0x9;
	s5 =	simm.s32 $0x1;
	s7 =	simm.s32 @!p0 $0x0  }
0xb: {  	[sflag:s5] =	ssyncpa.u1 $0x0;
	s6 =	sadd.s32 s7, s6;
	s7 =	sand.u32 $0x7, s0  }
0xc: {  	[sflag:s8] =	ssyncpa.u1 $0x0;
	s8 =	sadd.s32 $0x1, s6;
	s13 =	smov.u32 s7  }
.LBB1_4:
0xd: {  	_ =	sdelay $0x3  }
0xe: {  	[tilespmem:v0+s18+$0xFFFFFFA0 ss:$0x1] =	vst.idx.msk $0xffff, v6  }
0xf: {  	v56 =	vld.idx.msk [tilespmem:v1+s19+$0x30 ss:$0x1], $0xffff;
	[tilespmem:v0+s18+$0xFFFFFFB0 ss:$0x1] =	vst.idx.msk $0xffff, v4  }
0x10: {  	v57 =	vld.idx.msk [tilespmem:v1+s19+$0xFFFFFFC0 ss:$0x1], $0xffff;
	[tilespmem:v0+s18+$0xFFFFFFC0 ss:$0x1] =	vst.idx.msk $0xffff, v2  }
0x11: {  	v58 =	vld.idx.msk [tilespmem:v1+s19+$0xFFFFFFD0 ss:$0x1], $0xffff;
	[tilespmem:v0+s18+$0xFFFFFFD0 ss:$0x1] =	vst.idx.msk $0xffff, v3  }
0x12: {  	v59 =	vld.idx.msk [tilespmem:v1+s19+$0xFFFFFFE0 ss:$0x1], $0xffff;
	[tilespmem:v0+s18+$0xFFFFFFE0 ss:$0x1] =	vst.idx.msk $0xffff, v5  }
0x13: {  	v60 =	vld.idx.msk [tilespmem:v1+s19+$0xFFFFFFF0 ss:$0x1], $0xffff;
	[tilespmem:v0+s18+$0xFFFFFFF0 ss:$0x1] =	vst.idx.msk $0xffff, v7  }
0x14: {  	v61 =	vld.idx.msk [tilespmem:v1+s19+$0x0 ss:$0x1], $0xffff;
	[tilespmem:v0+s19+$0x0 ss:$0x1] =	vst.idx.msk $0xffff, v56  }
0x15: {  	v62 =	vld.idx.msk [tilespmem:v1+s19+$0x10 ss:$0x1], $0xffff;
	[tilespmem:v0+s19+$0xFFFFFF90 ss:$0x1] =	vst.idx.msk $0xffff, v57  }
0x16: {  	v63 =	vld.idx.msk [tilespmem:v1+s19+$0x20 ss:$0x1], $0xffff;
	[tilespmem:v0+s19+$0xFFFFFFA0 ss:$0x1] =	vst.idx.msk $0xffff, v58  }
0x17: {  	[tilespmem:v0+s19+$0xFFFFFFB0 ss:$0x1] =	vst.idx.msk $0xffff, v59  }
0x18: {  	s16 =	sshll.u32 s16, $0x4;
	[tilespmem:v0+s19+$0xFFFFFFC0 ss:$0x1] =	vst.idx.msk $0xffff, v60  }
0x19: {  	s16 =	sand.u32 $0x70, s16;
	[tilespmem:v0+s19+$0xFFFFFFD0 ss:$0x1] =	vst.idx.msk $0xffff, v61  }
0x1a: {  	s15 =	sshll.u32 s15, $0x7;
	s16 =	sadd.s32 s2, s16;
	[tilespmem:v0+s19+$0xFFFFFFE0 ss:$0x1] =	vst.idx.msk $0xffff, v62  }
0x1b: {  	s15 =	sadd.s32 s15, s16;
	[tilespmem:v0+s19+$0xFFFFFFF0 ss:$0x1] =	vst.idx.msk $0xffff, v63  }
0x1c: {  	[hbm4b:s15+s9] =	stream.strided.scatter [tilespmem:s17], [sflag:$0x2], $0x4000, s10, s9, $0x38;
	[tilespmem:$0x10000] =	vst v63  }
.LBB1_5:
0x1d: {  	s17 =	sadd.s32 $0x200, s12  }
0x1e: {  	s15 =	sadd.s32 $0x8, s13;
	s19 =	smov.u32 s13;
	p1 =	sgt.s32 s17, $0x92FF  }
0x1f: {  	s19 =	smov.u32 @p1 s15  }
0x20: {  	s17 =	smov.u32 @p1 s3;
	p1 =	sgt.s32 s19, $0x7  }
0x21: {  	s19 =	smov.u32 @p1 s7;
	p1 =	sne.s32 s14, s8  }
.Ltmp1:
0x22: {  	p0 =	slt.u32 s14, $0x2;
	(pc) =	sbr.rel @!p1 .LBB1_6-.Ltmp1, $4  }
0x23: {  	s18 =	simm.s32 @!p0 $0x2  }
0x24: {  	s16 =	smov.u32 s13;
	s11 =	sadd.s32 $0x4000, s11;
	_ =	swait.ge @!p0 [sflag:s18], $0x4000  }
0x25: {  	s15 =	smov.u32 s12;
	[sflag:s18] =	ssyncset.done @!p0 $0x0;
	s12 =	smov.u32 s17  }
0x26: {  	s14 =	sadd.s32 $0x1, s14;
	[sflag:s18] =	ssyncadd.s32 @!p0 $0xFFFFC000;
	s13 =	smov.u32 s19  }
.LBB1_1:
0x27: {  	p0 =	sge.u32 s14, s6  }
0x28: {  	s17 =	sand.u32 @!p0 $0x1FFFFFF, s12  }
0x29: {  	s18 =	smulhi.u32 @!p0 $0x1BDD2B9, s17;
	_ =	sdelay $0x1  }
0x2a: {  	s18 =	sshrl.u32 @!p0 s18, $0x8  }
0x2b: {  	s18 =	smul.u32 @!p0 $0x9300, s18  }
0x2c: {  	s19 =	smul.u32 @!p0 $0x93000, s13  }
0x2d: {  	s31 =	sadd.s32 $0xFFFFFFFF, s14;
	s17 =	ssub.s32 @!p0 s17, s18;
	s18 =	sxor.u32 @!p0 $0xFFFFFFFF, s14  }
0x2e: {  	s19 =	sadd.s32 @!p0 s4, s19;
	s18 =	sshll.u32 @!p0 s18, $0xE;
	s17 =	sshll.u32 @!p0 s17, $0x4  }
0x2f: {  	s18 =	sand.u32 @!p0 $0x4000, s18;
	s17 =	sadd.s32 @!p0 s17, s19;
	s19 =	simm.s32 @!p0 $0x0  }
0x30: {  	[tilespmem:s18], [sflag:$0x1] =	stream.linear.gather @!p0 [hbm4b:s17+s19], $0x4000, $0x38;
	[tilespmem:$0x10000] =	vst v63  }
0x31: {  	p0 =	sge.u32 s31, s6  }
.Ltmp2:
0x32: {  	_ = 	snop;
	(pc) =	sbr.rel @p0 .LBB1_5-.Ltmp2, $1  }
0x33: {  	_ =	sdelay $0x3  }
0x34: {  	s17 =	sand.u32 $0x4000, s11  }
0x35: {  	s18 =	sor.u32 $0x40, s17  }
0x36: {  	v1 =	vmov s18;
	_ =	sdelay $0x1  }
0x37: {  	_ =	swait.ge [sflag:s5], $0x4000  }
0x38: {  	[sflag:s5] =	ssyncset.done $0x0  }
0x39: {  	[sflag:s5] =	ssyncadd.s32 $0xFFFFC000;
	s18 =	simm.s32 $0x0  }
0x3a: {  	s17 =	sor.u32 $0x8070, s17;
	v7 =	vld.idx.msk [tilespmem:v1+s18+$0x30 ss:$0x1], $0xffff  }
0x3b: {  	v0 =	vmov s17;
	v8 =	vld.idx.msk [tilespmem:v1+s18+$0xFFFFFFC0 ss:$0x1], $0xffff  }
0x3c: {  	v6 =	vld.idx.msk [tilespmem:v1+s18+$0xFFFFFFD0 ss:$0x1], $0xffff  }
0x3d: {  	v4 =	vld.idx.msk [tilespmem:v1+s18+$0xFFFFFFE0 ss:$0x1], $0xffff  }
0x3e: {  	v2 =	vld.idx.msk [tilespmem:v1+s18+$0xFFFFFFF0 ss:$0x1], $0xffff  }
0x3f: {  	s31 =	sshll.u32 s14, $0xE;
	v3 =	vld.idx.msk [tilespmem:v1+s18+$0x0 ss:$0x1], $0xffff  }
0x40: {  	s17 =	sand.u32 $0x4000, s31;
	v5 =	vld.idx.msk [tilespmem:v1+s18+$0x10 ss:$0x1], $0xffff;
	[tilespmem:v0+s18+$0x0 ss:$0x1] =	vst.idx.msk $0xffff, v7  }
0x41: {  	s19 =	simm.s32 $0x80;
	s20 =	simm.s32 $0x400;
	s17 =	sor.u32 $0x8000, s17;
	[tilespmem:v0+s18+$0xFFFFFF90 ss:$0x1] =	vst.idx.msk $0xffff, v8;
	v7 =	vld.idx.msk [tilespmem:v1+s18+$0x20 ss:$0x1], $0xffff  }
.LBB1_3:
0x42: {  	p0 =	sne.s32 s20, $0xFE00;
	v8 =	vld.idx.msk [tilespmem:v1+s19+$0x30 ss:$0x1], $0xffff;
	[tilespmem:v0+s18+$0xFFFFFFA0 ss:$0x1] =	vst.idx.msk $0xffff, v6  }
0x43: {  	v9 =	vld.idx.msk [tilespmem:v1+s19+$0xFFFFFFC0 ss:$0x1], $0xffff;
	[tilespmem:v0+s18+$0xFFFFFFB0 ss:$0x1] =	vst.idx.msk $0xffff, v4  }
0x44: {  	v6 =	vld.idx.msk [tilespmem:v1+s19+$0xFFFFFFD0 ss:$0x1], $0xffff;
	[tilespmem:v0+s18+$0xFFFFFFC0 ss:$0x1] =	vst.idx.msk $0xffff, v2  }
.Ltmp3:
0x45: {  	v4 =	vld.idx.msk [tilespmem:v1+s19+$0xFFFFFFE0 ss:$0x1], $0xffff;
	[tilespmem:v0+s18+$0xFFFFFFD0 ss:$0x1] =	vst.idx.msk $0xffff, v3;
	(pc) =	sbr.rel @p0 .LBB1_3-.Ltmp3, $4  }
0x46: {  	v2 =	vld.idx.msk [tilespmem:v1+s19+$0xFFFFFFF0 ss:$0x1], $0xffff;
	[tilespmem:v0+s18+$0xFFFFFFE0 ss:$0x1] =	vst.idx.msk $0xffff, v5  }
0x47: {  	v3 =	vld.idx.msk [tilespmem:v1+s19+$0x0 ss:$0x1], $0xffff;
	[tilespmem:v0+s18+$0xFFFFFFF0 ss:$0x1] =	vst.idx.msk $0xffff, v7;
	s18 =	smov.u32 s19  }
0x48: {  	v5 =	vld.idx.msk [tilespmem:v1+s18+$0x10 ss:$0x1], $0xffff;
	[tilespmem:v0+s18+$0x0 ss:$0x1] =	vst.idx.msk $0xffff, v8  }
0x49: {  	s19 =	sshra.s32 s20, $0x2;
	s20 =	sadd.s32 $0x200, s20;
	[tilespmem:v0+s18+$0xFFFFFF90 ss:$0x1] =	vst.idx.msk $0xffff, v9;
	v7 =	vld.idx.msk [tilespmem:v1+s18+$0x20 ss:$0x1], $0xffff  }
.Ltmp4:
0x4a: {  	_ = 	snop;
	(pc) =	sbr.rel .LBB1_4-.Ltmp4, $1  }
0x4b: {  	_ =	sdelay $0x3  }
.LBB1_6:
0x4c: {  	_ =	sfence.sel $0x180000  }
0x4d: {  	s2 =	simm.s32 $0x1;
	[bflag:$0x0] =	sbarrier.arrive $0xFFFF  }
0x4e: {  	s31 =	simm.s32 $0x2;
	[sflag:s2] =	ssyncpa.u1 $0x1  }
0x4f: {  	[sflag:s31] =	ssyncpa.u1 $0x1  }
0x50: {  	p0 =	sne.s32 s0, $0x0;
	_ =	strace $0x9000004D  }
0x51: {  	s0 =	sadd.s32 @!p0 $0x100000, s1;
	[bflag:$0x2] =	sbarrier.arrive $0xFFFF  }
0x52: {  	[sflag:s0] =	ssyncadd.tile.s32 @!p0 $0x1;
	_ =	shalt  }
.Lfunc_end1:
_tile_overlayer_lowered:
.L_overlay_start_2:
0x53: {  	(tag) =	ssettag $0x2  }
0x54: {  	s0 =	rddreg [dreg:$0x0];
	s2 =	stileid.u32  }
0x55: {  	s1 =	rddreg [dreg:$0x1];
	p0 =	sne.s32 s2, $0x0  }
0x56: {  	s3 =	rddreg [dreg:$0x2];
	[bflag:$0x3] =	sbarrier.arrive $0xFFFF;
	s2 =	simm.s32 @!p0 $0x1C01  }
0x57: {  	[timem:s3], [sflag:s2] =	dma.local @!p0 [hbm:s0], s1  }
0x58: {  	s0 =	simm.s32 @!p0 $0x1  }
0x59: {  	_ =	swait.ge @!p0 [sflag:s0], s1  }
0x5a: {  	s1 =	ssub.s32 @!p0 $0x0, s1;
	[sflag:s0] =	ssyncset.done @!p0 $0x0  }
0x5b: {  	[sflag:s0] =	ssyncadd.s32 @!p0 s1  }
0x5c: {  	[bflag:$0x3] =	sbarrier.arrive $0xFFFF  }
0x5d: {  	_ =	shalt  }

</sc_bundles>
